<compile_context>
chip_gen: v7x
topology: tpu7x:2x2x1
jax: 0.10.2.dev20260603
libtpu: 0.0.44.dev20260713+nightly
codegen_flags: <defaults>
</compile_context>

<pallas_src>
import functools
import math

import jax
import jax.numpy as jnp
import numpy as np
from jax import lax
from jax.experimental import pallas as pl
from jax.experimental.pallas import tpu as pltpu
from jax.experimental.pallas import tpu_sc as plsc

_SIZE = 32000
_PAD = 0
_SMOOTHING = 0.1
_CONF = 1.0 - _SMOOTHING
_N = 4096

_EPS = float(np.float32(_SMOOTHING / (_SIZE - 2)))
_K0 = (_SIZE - 2) * _EPS * math.log(_EPS) + _CONF * math.log(_CONF)

_NC, _NS, _L = 2, 16, 16
_NW = _NC * _NS
_BPW = _N // _NW


@functools.lru_cache(maxsize=None)
def _make_sc_gather():
    mesh = plsc.VectorSubcoreMesh(
        core_axis_name="c", subcore_axis_name="s", num_cores=_NC, num_subcores=_NS
    )

    @functools.partial(
        pl.kernel,
        out_type=jax.ShapeDtypeStruct((_N,), jnp.float32),
        mesh=mesh,
        compiler_params=pltpu.CompilerParams(
            use_tc_tiling_on_sc=True, needs_layout_passes=False
        ),
        scratch_types=[
            pltpu.VMEM((_BPW,), jnp.int32),
            pltpu.VMEM((_BPW // 2, 8, 128), jnp.float32),
            pltpu.VMEM((_BPW,), jnp.float32),
            pltpu.SemaphoreType.DMA,
        ],
    )
    def _sc_gather(x_hbm, tgt_hbm, g_hbm, tgt_v, win_v, g_v, sem):
        wid = lax.axis_index("s") * _NC + lax.axis_index("c")
        row0 = wid * _BPW
        pltpu.sync_copy(tgt_hbm.at[pl.ds(row0, _BPW)], tgt_v)

        half = _BPW // 2
        for p in range(2):
            for k in range(half // _L):
                tv = tgt_v[pl.ds(p * half + k * _L, _L)]
                c0v = (tv >> 7) << 7
                for j in range(_L):
                    r = p * half + k * _L + j
                    pltpu.async_copy(
                        x_hbm.at[pl.ds(row0 + (r // 8) * 8, 8),
                                 pl.ds(pl.multiple_of(c0v[j], 128), 128)],
                        win_v.at[k * _L + j],
                        sem,
                    )

            def _drain(j, _):
                pltpu.make_async_copy(
                    x_hbm.at[pl.ds(0, 8), pl.ds(0, 128)], win_v.at[0], sem
                ).wait()
                return 0

            lax.fori_loop(0, half, _drain, 0)

            for k in range(half // _L):
                rows = k * _L + lax.iota(jnp.int32, _L)
                subs = lax.iota(jnp.int32, _L) & 7
                tv = tgt_v[pl.ds(p * half + k * _L, _L)]
                lanes = tv & 127
                g_v[pl.ds(p * half + k * _L, _L)] = plsc.load_gather(
                    win_v, [rows, subs, lanes]
                )
        pltpu.sync_copy(g_v, g_hbm.at[pl.ds(row0, _BPW)])

    return _sc_gather


_BC = 640
_KC = _BC // 128
_NBLK = _SIZE // _BC


def _tc_body(x_ref, out_ref, acc_ref):
    j = pl.program_id(0)

    @pl.when(j == 0)
    def _init():
        acc_ref[...] = jnp.zeros_like(acc_ref)

    acc = acc_ref[...]
    for k in range(_KC):
        chunk = x_ref[:, k * 128:(k + 1) * 128]
        if k == 0:
            lane = lax.broadcasted_iota(jnp.int32, (_N, 128), 1)
            chunk = jnp.where((j == 0) & (lane == 0), 0.0, chunk)
        acc = acc + chunk
    acc_ref[...] = acc

    @pl.when(j == _NBLK - 1)
    def _finish():
        out_ref[...] = jnp.sum(acc_ref[...], axis=1, keepdims=True)


_tc_reduce = pl.pallas_call(
    _tc_body,
    grid=(_NBLK,),
    in_specs=[pl.BlockSpec((_N, _BC), lambda j: (0, j))],
    out_specs=pl.BlockSpec((_N, 1), lambda j: (0, 0)),
    out_shape=jax.ShapeDtypeStruct((_N, 1), jnp.float32),
    scratch_shapes=[pltpu.VMEM((_N, 128), jnp.float32)],
)


def _combine_body(tcs_ref, g_ref, t_ref, out_ref):
    rowsum = tcs_ref[...]
    g = g_ref[...]
    valid = t_ref[...] != _PAD
    li = _K0 - _EPS * (rowsum - g) - _CONF * g
    out_ref[0, 0] = jnp.sum(jnp.where(valid, li, 0.0))


_combine = pl.pallas_call(
    _combine_body,
    in_specs=[
        pl.BlockSpec((_N, 1), lambda: (0, 0)),
        pl.BlockSpec((_N, 1), lambda: (0, 0)),
        pl.BlockSpec((_N, 1), lambda: (0, 0)),
    ],
    out_specs=pl.BlockSpec((1, 1), lambda: (0, 0), memory_space=pltpu.SMEM),
    out_shape=jax.ShapeDtypeStruct((1, 1), jnp.float32),
)


def kernel(x, target):
    tcs = _tc_reduce(x)
    g = _make_sc_gather()(x, target)
    loss = _combine(tcs, g.reshape(_N, 1), target.reshape(_N, 1))
    return loss.reshape(())

# --- scband reference (transcript-rebuilt; emitter-appended) ---
"""Pipeline reference for scband-label-smoothing-8237747274068 (READ-ONLY COPY).

The authoritative reference and input builder live on the scoring server;
editing this copy changes nothing except your own understanding.
"""

import jax, jax.numpy as jnp
import numpy as np

SIZE = 32000
PADDING_IDX = 0
SMOOTHING = 0.1
CONFIDENCE = 1.0 - SMOOTHING
N_TOK = 4096


def setup_inputs(seed: int = 0) -> dict:
    key = jax.random.key(seed)
    k1, k2 = jax.random.split(key)
    x = jax.random.normal(k1, (N_TOK, SIZE), dtype=jnp.float32)
    target = jax.random.randint(k2, (N_TOK,), 0, SIZE, dtype=jnp.int32)
    return {"x": x, "target": target}


def reference(x, target):
    n = x.shape[0]
    size = x.shape[1]
    # true_dist = x.data.clone(); fill_(smoothing / (size - 2))
    true_dist = jnp.full((n, size), SMOOTHING / (size - 2), dtype=x.dtype)
    # scatter_(1, target.unsqueeze(1), confidence)
    true_dist = true_dist.at[jnp.arange(n), target].set(jnp.asarray(CONFIDENCE, dtype=x.dtype))
    # true_dist[:, padding_idx] = 0
    true_dist = true_dist.at[:, PADDING_IDX].set(0.0)
    # index_fill_(0, nonzero(target == padding_idx), 0.0)
    row_mask = (target == PADDING_IDX)
    true_dist = jnp.where(row_mask[:, None], jnp.zeros_like(true_dist), true_dist)
    # KLDivLoss(size_average=False): sum over all elements of t * (log(t) - x), with 0*log(0) = 0
    safe_t = jnp.where(true_dist > 0, true_dist, jnp.ones_like(true_dist))
    pointwise = jnp.where(true_dist > 0, true_dist * (jnp.log(safe_t) - x), jnp.zeros_like(true_dist))
    loss = jnp.sum(pointwise)
    return loss

if __name__ == "__main__":
    import jax
    _d = setup_inputs()
    print(jax.jit(kernel)(*tuple(_d.values())))

</pallas_src>

<mosaic_0001>
#map = affine_map<(d0, d1) -> (0, 0)>
#map1 = affine_map<(d0, d1) -> (0)>
module attributes {stable_mosaic.version = 14 : i64} {
  func.func @_sc_gather(%arg0: i32, %arg1: i32, %arg2: memref<4096x32000xf32, #tpu.memory_space<hbm>>, %arg3: memref<4096xi32, #tpu.memory_space<hbm>>, %arg4: memref<4096xf32, #tpu.memory_space<hbm>>, %arg5: memref<128xi32, #tpu.memory_space<vmem>>, %arg6: memref<64x8x128xf32, #tpu.memory_space<vmem>>, %arg7: memref<128xf32, #tpu.memory_space<vmem>>, %arg8: memref<!tpu.dma_semaphore, #tpu.memory_space<semaphore_mem>>) attributes {dimension_semantics = [#tpu.dimension_semantics<core_parallel>, #tpu.dimension_semantics<subcore_parallel>], iteration_bounds = array<i64: 2, 16>, scalar_prefetch = 0 : i64, scratch_operands = 4 : i64, tpu.core_type = #tpu.core_type<sc_vector_subcore>, window_params = [{transform_indices = #map}, {transform_indices = #map1}, {transform_indices = #map1}]} {
    %mul3A = arith.constant 2 : i32
    %mul3A_0 = arith.muli %arg1, %mul3A : i32
    %add3A = arith.addi %mul3A_0, %arg0 : i32
    %mul3A_1 = arith.constant 128 : i32
    %mul3A_2 = arith.muli %add3A, %mul3A_1 : i32
    "tpu.region"() ({
      %run_scoped3A = tpu.sem_alloc : memref<!tpu.dma_semaphore, #tpu.memory_space<semaphore_mem>>
      %dma_start3A_2245 = tpu.memref_slice %arg3[%mul3A_2] : memref<4096xi32, #tpu.memory_space<hbm>> -> memref<128xi32, #tpu.memory_space<hbm>>
      %dma_start3A_2246 = tpu.memref_slice %arg3[%mul3A_2] : memref<4096xi32, #tpu.memory_space<hbm>> -> memref<128xi32, #tpu.memory_space<hbm>>
      tpu.enqueue_dma source(%dma_start3A_2246 : memref<128xi32, #tpu.memory_space<hbm>>) target(%arg5 : memref<128xi32, #tpu.memory_space<vmem>>) target_semaphore(%run_scoped3A : memref<!tpu.dma_semaphore, #tpu.memory_space<semaphore_mem>>)
      %dma_wait3A = tpu.memref_slice %arg3[%mul3A_2] : memref<4096xi32, #tpu.memory_space<hbm>> -> memref<128xi32, #tpu.memory_space<hbm>>
      %dma_wait3A_2247 = tpu.memref_slice %arg3[%mul3A_2] : memref<4096xi32, #tpu.memory_space<hbm>> -> memref<128xi32, #tpu.memory_space<hbm>>
      tpu.wait_dma2 semaphore(%run_scoped3A : memref<!tpu.dma_semaphore, #tpu.memory_space<semaphore_mem>>) src(%dma_wait3A_2247 : memref<128xi32, #tpu.memory_space<hbm>>) dst(%arg5 : memref<128xi32, #tpu.memory_space<vmem>>)
      tpu.yield
    }) : () -> ()
    %get3A = arith.constant 0 : index
    %get3A_3 = tpu.vector_load %arg5[%get3A] {strides = array<i32>} : memref<128xi32, #tpu.memory_space<vmem>>, vector<16xi32>,
    %shift_right_arithmetic3A = arith.constant 7 : i32
    %shift_right_arithmetic3A_4 = vector.broadcast %shift_right_arithmetic3A : i32 to vector<16xi32>
    %shift_right_arithmetic3A_5 = arith.shrsi %get3A_3, %shift_right_arithmetic3A_4 : vector<16xi32>
    %shift_left3A = arith.constant 7 : i32
    %shift_left3A_6 = vector.broadcast %shift_left3A : i32 to vector<16xi32>
    %shift_left3A_7 = arith.shli %shift_right_arithmetic3A_5, %shift_left3A_6 : vector<16xi32>
    %add3A_8 = arith.constant 0 : i32
    %add3A_9 = arith.addi %mul3A_2, %add3A_8 : i32
    %slice3A = vector.extract_strided_slice %shift_left3A_7 {offsets = [0], sizes = [1], strides = [1]} : vector<16xi32> to vector<1xi32>
    %squeeze3A = vector.extract %slice3A[0] : i32 from vector<1xi32>
    %multiple_of3A = tpu.assume_multiple %squeeze3A, 128 : i32
    %dma_start3A = arith.constant 0 : i32
    %dma_start3A_10 = arith.constant 0 : i32
    %dma_start3A_11 = arith.constant 0 : i32
    %dma_start3A_12 = tpu.memref_slice %arg6[%dma_start3A, %dma_start3A_10, %dma_start3A_11] : memref<64x8x128xf32, #tpu.memory_space<vmem>> -> memref<1x8x128xf32, #tpu.memory_space<vmem>>
    %dma_start3A_13 = tpu.memref_squeeze %dma_start3A_12 : memref<1x8x128xf32, #tpu.memory_space<vmem>> -> memref<8x128xf32, #tpu.memory_space<vmem>>
    %dma_start3A_14 = tpu.memref_slice %arg2[%add3A_9, %multiple_of3A] : memref<4096x32000xf32, #tpu.memory_space<hbm>> -> memref<8x128xf32, #tpu.memory_space<hbm>>
    %dma_start3A_15 = arith.constant 0 : i32
    %dma_start3A_16 = arith.constant 0 : i32
    %dma_start3A_17 = tpu.memref_slice %arg6[%dma_start3A, %dma_start3A_15, %dma_start3A_16] : memref<64x8x128xf32, #tpu.memory_space<vmem>> -> memref<1x8x128xf32, #tpu.memory_space<vmem>>
    %dma_start3A_18 = tpu.memref_squeeze %dma_start3A_17 : memref<1x8x128xf32, #tpu.memory_space<vmem>> -> memref<8x128xf32, #tpu.memory_space<vmem>>
    %dma_start3A_19 = tpu.memref_slice %arg2[%add3A_9, %multiple_of3A] : memref<4096x32000xf32, #tpu.memory_space<hbm>> -> memref<8x128xf32, #tpu.memory_space<hbm>>
    tpu.enqueue_dma source(%dma_start3A_19 : memref<8x128xf32, #tpu.memory_space<hbm>>) target(%dma_start3A_18 : memref<8x128xf32, #tpu.memory_space<vmem>>) target_semaphore(%arg8 : memref<!tpu.dma_semaphore, #tpu.memory_space<semaphore_mem>>)
    %add3A_20 = arith.constant 0 : i32
    %add3A_21 = arith.addi %mul3A_2, %add3A_20 : i32
    %slice3A_22 = vector.extract_strided_slice %shift_left3A_7 {offsets = [1], sizes = [1], strides = [1]} : vector<16xi32> to vector<1xi32>
    %squeeze3A_23 = vector.extract %slice3A_22[0] : i32 from vector<1xi32>
    %multiple_of3A_24 = tpu.assume_multiple %squeeze3A_23, 128 : i32
    %dma_start3A_25 = arith.constant 1 : i32
    %dma_start3A_26 = arith.constant 0 : i32
    %dma_start3A_27 = arith.constant 0 : i32
    %dma_start3A_28 = tpu.memref_slice %arg6[%dma_start3A_25, %dma_start3A_26, %dma_start3A_27] : memref<64x8x128xf32, #tpu.memory_space<vmem>> -> memref<1x8x128xf32, #tpu.memory_space<vmem>>
    %dma_start3A_29 = tpu.memref_squeeze %dma_start3A_28 : memref<1x8x128xf32, #tpu.memory_space<vmem>> -> memref<8x128xf32, #tpu.memory_space<vmem>>
    %dma_start3A_30 = tpu.memref_slice %arg2[%add3A_21, %multiple_of3A_24] : memref<4096x32000xf32, #tpu.memory_space<hbm>> -> memref<8x128xf32, #tpu.memory_space<hbm>>
    %dma_start3A_31 = arith.constant 0 : i32
    %dma_start3A_32 = arith.constant 0 : i32
    %dma_start3A_33 = tpu.memref_slice %arg6[%dma_start3A_25, %dma_start3A_31, %dma_start3A_32] : memref<64x8x128xf32, #tpu.memory_space<vmem>> -> memref<1x8x128xf32, #tpu.memory_space<vmem>>
    %dma_start3A_34 = tpu.memref_squeeze %dma_start3A_33 : memref<1x8x128xf32, #tpu.memory_space<vmem>> -> memref<8x128xf32, #tpu.memory_space<vmem>>
    %dma_start3A_35 = tpu.memref_slice %arg2[%add3A_21, %multiple_of3A_24] : memref<4096x32000xf32, #tpu.memory_space<hbm>> -> memref<8x128xf32, #tpu.memory_space<hbm>>
    tpu.enqueue_dma source(%dma_start3A_35 : memref<8x128xf32, #tpu.memory_space<hbm>>) target(%dma_start3A_34 : memref<8x128xf32, #tpu.memory_space<vmem>>) target_semaphore(%arg8 : memref<!tpu.dma_semaphore, #tpu.memory_space<semaphore_mem>>)
    %add3A_36 = arith.constant 0 : i32
    %add3A_37 = arith.addi %mul3A_2, %add3A_36 : i32
    %slice3A_38 = vector.extract_strided_slice %shift_left3A_7 {offsets = [2], sizes = [1], strides = [1]} : vector<16xi32> to vector<1xi32>
    %squeeze3A_39 = vector.extract %slice3A_38[0] : i32 from vector<1xi32>
    %multiple_of3A_40 = tpu.assume_multiple %squeeze3A_39, 128 : i32
    %dma_start3A_41 = arith.constant 2 : i32
    %dma_start3A_42 = arith.constant 0 : i32
    %dma_start3A_43 = arith.constant 0 : i32
    %dma_start3A_44 = tpu.memref_slice %arg6[%dma_start3A_41, %dma_start3A_42, %dma_start3A_43] : memref<64x8x128xf32, #tpu.memory_space<vmem>> -> memref<1x8x128xf32, #tpu.memory_space<vmem>>
    %dma_start3A_45 = tpu.memref_squeeze %dma_start3A_44 : memref<1x8x128xf32, #tpu.memory_space<vmem>> -> memref<8x128xf32, #tpu.memory_space<vmem>>
    %dma_start3A_46 = tpu.memref_slice %arg2[%add3A_37, %multiple_of3A_40] : memref<4096x32000xf32, #tpu.memory_space<hbm>> -> memref<8x128xf32, #tpu.memory_space<hbm>>
    %dma_start3A_47 = arith.constant 0 : i32
    %dma_start3A_48 = arith.constant 0 : i32
    %dma_start3A_49 = tpu.memref_slice %arg6[%dma_start3A_41, %dma_start3A_47, %dma_start3A_48] : memref<64x8x128xf32, #tpu.memory_space<vmem>> -> memref<1x8x128xf32, #tpu.memory_space<vmem>>
    %dma_start3A_50 = tpu.memref_squeeze %dma_start3A_49 : memref<1x8x128xf32, #tpu.memory_space<vmem>> -> memref<8x128xf32, #tpu.memory_space<vmem>>
    %dma_start3A_51 = tpu.memref_slice %arg2[%add3A_37, %multiple_of3A_40] : memref<4096x32000xf32, #tpu.memory_space<hbm>> -> memref<8x128xf32, #tpu.memory_space<hbm>>
    tpu.enqueue_dma source(%dma_start3A_51 : memref<8x128xf32, #tpu.memory_space<hbm>>) target(%dma_start3A_50 : memref<8x128xf32, #tpu.memory_space<vmem>>) target_semaphore(%arg8 : memref<!tpu.dma_semaphore, #tpu.memory_space<semaphore_mem>>)
    %add3A_52 = arith.constant 0 : i32
    %add3A_53 = arith.addi %mul3A_2, %add3A_52 : i32
    %slice3A_54 = vector.extract_strided_slice %shift_left3A_7 {offsets = [3], sizes = [1], strides = [1]} : vector<16xi32> to vector<1xi32>
    %squeeze3A_55 = vector.extract %slice3A_54[0] : i32 from vector<1xi32>
    %multiple_of3A_56 = tpu.assume_multiple %squeeze3A_55, 128 : i32
    %dma_start3A_57 = arith.constant 3 : i32
    %dma_start3A_58 = arith.constant 0 : i32
    %dma_start3A_59 = arith.constant 0 : i32
    %dma_start3A_60 = tpu.memref_slice %arg6[%dma_start3A_57, %dma_start3A_58, %dma_start3A_59] : memref<64x8x128xf32, #tpu.memory_space<vmem>> -> memref<1x8x128xf32, #tpu.memory_space<vmem>>
    %dma_start3A_61 = tpu.memref_squeeze %dma_start3A_60 : memref<1x8x128xf32, #tpu.memory_space<vmem>> -> memref<8x128xf32, #tpu.memory_space<vmem>>
    %dma_start3A_62 = tpu.memref_slice %arg2[%add3A_53, %multiple_of3A_56] : memref<4096x32000xf32, #tpu.memory_space<hbm>> -> memref<8x128xf32, #tpu.memory_space<hbm>>
    %dma_start3A_63 = arith.constant 0 : i32
    %dma_start3A_64 = arith.constant 0 : i32
    %dma_start3A_65 = tpu.memref_slice %arg6[%dma_start3A_57, %dma_start3A_63, %dma_start3A_64] : memref<64x8x128xf32, #tpu.memory_space<vmem>> -> memref<1x8x128xf32, #tpu.memory_space<vmem>>
    %dma_start3A_66 = tpu.memref_squeeze %dma_start3A_65 : memref<1x8x128xf32, #tpu.memory_space<vmem>> -> memref<8x128xf32, #tpu.memory_space<vmem>>
    %dma_start3A_67 = tpu.memref_slice %arg2[%add3A_53, %multiple_of3A_56] : memref<4096x32000xf32, #tpu.memory_space<hbm>> -> memref<8x128xf32, #tpu.memory_space<hbm>>
    tpu.enqueue_dma source(%dma_start3A_67 : memref<8x128xf32, #tpu.memory_space<hbm>>) target(%dma_start3A_66 : memref<8x128xf32, #tpu.memory_space<vmem>>) target_semaphore(%arg8 : memref<!tpu.dma_semaphore, #tpu.memory_space<semaphore_mem>>)
    %add3A_68 = arith.constant 0 : i32
    %add3A_69 = arith.addi %mul3A_2, %add3A_68 : i32
    %slice3A_70 = vector.extract_strided_slice %shift_left3A_7 {offsets = [4], sizes = [1], strides = [1]} : vector<16xi32> to vector<1xi32>
    %squeeze3A_71 = vector.extract %slice3A_70[0] : i32 from vector<1xi32>
    %multiple_of3A_72 = tpu.assume_multiple %squeeze3A_71, 128 : i32
    %dma_start3A_73 = arith.constant 4 : i32
    %dma_start3A_74 = arith.constant 0 : i32
    %dma_start3A_75 = arith.constant 0 : i32
    %dma_start3A_76 = tpu.memref_slice %arg6[%dma_start3A_73, %dma_start3A_74, %dma_start3A_75] : memref<64x8x128xf32, #tpu.memory_space<vmem>> -> memref<1x8x128xf32, #tpu.memory_space<vmem>>
    %dma_start3A_77 = tpu.memref_squeeze %dma_start3A_76 : memref<1x8x128xf32, #tpu.memory_space<vmem>> -> memref<8x128xf32, #tpu.memory_space<vmem>>
    %dma_start3A_78 = tpu.memref_slice %arg2[%add3A_69, %multiple_of3A_72] : memref<4096x32000xf32, #tpu.memory_space<hbm>> -> memref<8x128xf32, #tpu.memory_space<hbm>>
    %dma_start3A_79 = arith.constant 0 : i32
    %dma_start3A_80 = arith.constant 0 : i32
    %dma_start3A_81 = tpu.memref_slice %arg6[%dma_start3A_73, %dma_start3A_79, %dma_start3A_80] : memref<64x8x128xf32, #tpu.memory_space<vmem>> -> memref<1x8x128xf32, #tpu.memory_space<vmem>>
    %dma_start3A_82 = tpu.memref_squeeze %dma_start3A_81 : memref<1x8x128xf32, #tpu.memory_space<vmem>> -> memref<8x128xf32, #tpu.memory_space<vmem>>
    %dma_start3A_83 = tpu.memref_slice %arg2[%add3A_69, %multiple_of3A_72] : memref<4096x32000xf32, #tpu.memory_space<hbm>> -> memref<8x128xf32, #tpu.memory_space<hbm>>
    tpu.enqueue_dma source(%dma_start3A_83 : memref<8x128xf32, #tpu.memory_space<hbm>>) target(%dma_start3A_82 : memref<8x128xf32, #tpu.memory_space<vmem>>) target_semaphore(%arg8 : memref<!tpu.dma_semaphore, #tpu.memory_space<semaphore_mem>>)
    %add3A_84 = arith.constant 0 : i32
    %add3A_85 = arith.addi %mul3A_2, %add3A_84 : i32
    %slice3A_86 = vector.extract_strided_slice %shift_left3A_7 {offsets = [5], sizes = [1], strides = [1]} : vector<16xi32> to vector<1xi32>
    %squeeze3A_87 = vector.extract %slice3A_86[0] : i32 from vector<1xi32>
    %multiple_of3A_88 = tpu.assume_multiple %squeeze3A_87, 128 : i32
    %dma_start3A_89 = arith.constant 5 : i32
    %dma_start3A_90 = arith.constant 0 : i32
    %dma_start3A_91 = arith.constant 0 : i32
    %dma_start3A_92 = tpu.memref_slice %arg6[%dma_start3A_89, %dma_start3A_90, %dma_start3A_91] : memref<64x8x128xf32, #tpu.memory_space<vmem>> -> memref<1x8x128xf32, #tpu.memory_space<vmem>>
    %dma_start3A_93 = tpu.memref_squeeze %dma_start3A_92 : memref<1x8x128xf32, #tpu.memory_space<vmem>> -> memref<8x128xf32, #tpu.memory_space<vmem>>
    %dma_start3A_94 = tpu.memref_slice %arg2[%add3A_85, %multiple_of3A_88] : memref<4096x32000xf32, #tpu.memory_space<hbm>> -> memref<8x128xf32, #tpu.memory_space<hbm>>
    %dma_start3A_95 = arith.constant 0 : i32
    %dma_start3A_96 = arith.constant 0 : i32
    %dma_start3A_97 = tpu.memref_slice %arg6[%dma_start3A_89, %dma_start3A_95, %dma_start3A_96] : memref<64x8x128xf32, #tpu.memory_space<vmem>> -> memref<1x8x128xf32, #tpu.memory_space<vmem>>
    %dma_start3A_98 = tpu.memref_squeeze %dma_start3A_97 : memref<1x8x128xf32, #tpu.memory_space<vmem>> -> memref<8x128xf32, #tpu.memory_space<vmem>>
    %dma_start3A_99 = tpu.memref_slice %arg2[%add3A_85, %multiple_of3A_88] : memref<4096x32000xf32, #tpu.memory_space<hbm>> -> memref<8x128xf32, #tpu.memory_space<hbm>>
    tpu.enqueue_dma source(%dma_start3A_99 : memref<8x128xf32, #tpu.memory_space<hbm>>) target(%dma_start3A_98 : memref<8x128xf32, #tpu.memory_space<vmem>>) target_semaphore(%arg8 : memref<!tpu.dma_semaphore, #tpu.memory_space<semaphore_mem>>)
    %add3A_100 = arith.constant 0 : i32
    %add3A_101 = arith.addi %mul3A_2, %add3A_100 : i32
    %slice3A_102 = vector.extract_strided_slice %shift_left3A_7 {offsets = [6], sizes = [1], strides = [1]} : vector<16xi32> to vector<1xi32>
    %squeeze3A_103 = vector.extract %slice3A_102[0] : i32 from vector<1xi32>
    %multiple_of3A_104 = tpu.assume_multiple %squeeze3A_103, 128 : i32
    %dma_start3A_105 = arith.constant 6 : i32
    %dma_start3A_106 = arith.constant 0 : i32
    %dma_start3A_107 = arith.constant 0 : i32
    %dma_start3A_108 = tpu.memref_slice %arg6[%dma_start3A_105, %dma_start3A_106, %dma_start3A_107] : memref<64x8x128xf32, #tpu.memory_space<vmem>> -> memref<1x8x128xf32, #tpu.memory_space<vmem>>
    %dma_start3A_109 = tpu.memref_squeeze %dma_start3A_108 : memref<1x8x128xf32, #tpu.memory_space<vmem>> -> memref<8x128xf32, #tpu.memory_space<vmem>>
    %dma_start3A_110 = tpu.memref_slice %arg2[%add3A_101, %multiple_of3A_104] : memref<4096x32000xf32, #tpu.memory_space<hbm>> -> memref<8x128xf32, #tpu.memory_space<hbm>>
    %dma_start3A_111 = arith.constant 0 : i32
    %dma_start3A_112 = arith.constant 0 : i32
    %dma_start3A_113 = tpu.memref_slice %arg6[%dma_start3A_105, %dma_start3A_111, %dma_start3A_112] : memref<64x8x128xf32, #tpu.memory_space<vmem>> -> memref<1x8x128xf32, #tpu.memory_space<vmem>>
    %dma_start3A_114 = tpu.memref_squeeze %dma_start3A_113 : memref<1x8x128xf32, #tpu.memory_space<vmem>> -> memref<8x128xf32, #tpu.memory_space<vmem>>
    %dma_start3A_115 = tpu.memref_slice %arg2[%add3A_101, %multiple_of3A_104] : memref<4096x32000xf32, #tpu.memory_space<hbm>> -> memref<8x128xf32, #tpu.memory_space<hbm>>
    tpu.enqueue_dma source(%dma_start3A_115 : memref<8x128xf32, #tpu.memory_space<hbm>>) target(%dma_start3A_114 : memref<8x128xf32, #tpu.memory_space<vmem>>) target_semaphore(%arg8 : memref<!tpu.dma_semaphore, #tpu.memory_space<semaphore_mem>>)
    %add3A_116 = arith.constant 0 : i32
    %add3A_117 = arith.addi %mul3A_2, %add3A_116 : i32
    %slice3A_118 = vector.extract_strided_slice %shift_left3A_7 {offsets = [7], sizes = [1], strides = [1]} : vector<16xi32> to vector<1xi32>
    %squeeze3A_119 = vector.extract %slice3A_118[0] : i32 from vector<1xi32>
    %multiple_of3A_120 = tpu.assume_multiple %squeeze3A_119, 128 : i32
    %dma_start3A_121 = arith.constant 7 : i32
    %dma_start3A_122 = arith.constant 0 : i32
    %dma_start3A_123 = arith.constant 0 : i32
    %dma_start3A_124 = tpu.memref_slice %arg6[%dma_start3A_121, %dma_start3A_122, %dma_start3A_123] : memref<64x8x128xf32, #tpu.memory_space<vmem>> -> memref<1x8x128xf32, #tpu.memory_space<vmem>>
    %dma_start3A_125 = tpu.memref_squeeze %dma_start3A_124 : memref<1x8x128xf32, #tpu.memory_space<vmem>> -> memref<8x128xf32, #tpu.memory_space<vmem>>
    %dma_start3A_126 = tpu.memref_slice %arg2[%add3A_117, %multiple_of3A_120] : memref<4096x32000xf32, #tpu.memory_space<hbm>> -> memref<8x128xf32, #tpu.memory_space<hbm>>
    %dma_start3A_127 = arith.constant 0 : i32
    %dma_start3A_128 = arith.constant 0 : i32
    %dma_start3A_129 = tpu.memref_slice %arg6[%dma_start3A_121, %dma_start3A_127, %dma_start3A_128] : memref<64x8x128xf32, #tpu.memory_space<vmem>> -> memref<1x8x128xf32, #tpu.memory_space<vmem>>
    %dma_start3A_130 = tpu.memref_squeeze %dma_start3A_129 : memref<1x8x128xf32, #tpu.memory_space<vmem>> -> memref<8x128xf32, #tpu.memory_space<vmem>>
    %dma_start3A_131 = tpu.memref_slice %arg2[%add3A_117, %multiple_of3A_120] : memref<4096x32000xf32, #tpu.memory_space<hbm>> -> memref<8x128xf32, #tpu.memory_space<hbm>>
    tpu.enqueue_dma source(%dma_start3A_131 : memref<8x128xf32, #tpu.memory_space<hbm>>) target(%dma_start3A_130 : memref<8x128xf32, #tpu.memory_space<vmem>>) target_semaphore(%arg8 : memref<!tpu.dma_semaphore, #tpu.memory_space<semaphore_mem>>)
    %add3A_132 = arith.constant 8 : i32
    %add3A_133 = arith.addi %mul3A_2, %add3A_132 : i32
    %slice3A_134 = vector.extract_strided_slice %shift_left3A_7 {offsets = [8], sizes = [1], strides = [1]} : vector<16xi32> to vector<1xi32>
    %squeeze3A_135 = vector.extract %slice3A_134[0] : i32 from vector<1xi32>
    %multiple_of3A_136 = tpu.assume_multiple %squeeze3A_135, 128 : i32
    %dma_start3A_137 = arith.constant 8 : i32
    %dma_start3A_138 = arith.constant 0 : i32
    %dma_start3A_139 = arith.constant 0 : i32
    %dma_start3A_140 = tpu.memref_slice %arg6[%dma_start3A_137, %dma_start3A_138, %dma_start3A_139] : memref<64x8x128xf32, #tpu.memory_space<vmem>> -> memref<1x8x128xf32, #tpu.memory_space<vmem>>
    %dma_start3A_141 = tpu.memref_squeeze %dma_start3A_140 : memref<1x8x128xf32, #tpu.memory_space<vmem>> -> memref<8x128xf32, #tpu.memory_space<vmem>>
    %dma_start3A_142 = tpu.memref_slice %arg2[%add3A_133, %multiple_of3A_136] : memref<4096x32000xf32, #tpu.memory_space<hbm>> -> memref<8x128xf32, #tpu.memory_space<hbm>>
    %dma_start3A_143 = arith.constant 0 : i32
    %dma_start3A_144 = arith.constant 0 : i32
    %dma_start3A_145 = tpu.memref_slice %arg6[%dma_start3A_137, %dma_start3A_143, %dma_start3A_144] : memref<64x8x128xf32, #tpu.memory_space<vmem>> -> memref<1x8x128xf32, #tpu.memory_space<vmem>>
    %dma_start3A_146 = tpu.memref_squeeze %dma_start3A_145 : memref<1x8x128xf32, #tpu.memory_space<vmem>> -> memref<8x128xf32, #tpu.memory_space<vmem>>
    %dma_start3A_147 = tpu.memref_slice %arg2[%add3A_133, %multiple_of3A_136] : memref<4096x32000xf32, #tpu.memory_space<hbm>> -> memref<8x128xf32, #tpu.memory_space<hbm>>
    tpu.enqueue_dma source(%dma_start3A_147 : memref<8x128xf32, #tpu.memory_space<hbm>>) target(%dma_start3A_146 : memref<8x128xf32, #tpu.memory_space<vmem>>) target_semaphore(%arg8 : memref<!tpu.dma_semaphore, #tpu.memory_space<semaphore_mem>>)
    %add3A_148 = arith.constant 8 : i32
    %add3A_149 = arith.addi %mul3A_2, %add3A_148 : i32
    %slice3A_150 = vector.extract_strided_slice %shift_left3A_7 {offsets = [9], sizes = [1], strides = [1]} : vector<16xi32> to vector<1xi32>
    %squeeze3A_151 = vector.extract %slice3A_150[0] : i32 from vector<1xi32>
    %multiple_of3A_152 = tpu.assume_multiple %squeeze3A_151, 128 : i32
    %dma_start3A_153 = arith.constant 9 : i32
    %dma_start3A_154 = arith.constant 0 : i32
    %dma_start3A_155 = arith.constant 0 : i32
    %dma_start3A_156 = tpu.memref_slice %arg6[%dma_start3A_153, %dma_start3A_154, %dma_start3A_155] : memref<64x8x128xf32, #tpu.memory_space<vmem>> -> memref<1x8x128xf32, #tpu.memory_space<vmem>>
    %dma_start3A_157 = tpu.memref_squeeze %dma_start3A_156 : memref<1x8x128xf32, #tpu.memory_space<vmem>> -> memref<8x128xf32, #tpu.memory_space<vmem>>
    %dma_start3A_158 = tpu.memref_slice %arg2[%add3A_149, %multiple_of3A_152] : memref<4096x32000xf32, #tpu.memory_space<hbm>> -> memref<8x128xf32, #tpu.memory_space<hbm>>
    %dma_start3A_159 = arith.constant 0 : i32
    %dma_start3A_160 = arith.constant 0 : i32
    %dma_start3A_161 = tpu.memref_slice %arg6[%dma_start3A_153, %dma_start3A_159, %dma_start3A_160] : memref<64x8x128xf32, #tpu.memory_space<vmem>> -> memref<1x8x128xf32, #tpu.memory_space<vmem>>
    %dma_start3A_162 = tpu.memref_squeeze %dma_start3A_161 : memref<1x8x128xf32, #tpu.memory_space<vmem>> -> memref<8x128xf32, #tpu.memory_space<vmem>>
    %dma_start3A_163 = tpu.memref_slice %arg2[%add3A_149, %multiple_of3A_152] : memref<4096x32000xf32, #tpu.memory_space<hbm>> -> memref<8x128xf32, #tpu.memory_space<hbm>>
    tpu.enqueue_dma source(%dma_start3A_163 : memref<8x128xf32, #tpu.memory_space<hbm>>) target(%dma_start3A_162 : memref<8x128xf32, #tpu.memory_space<vmem>>) target_semaphore(%arg8 : memref<!tpu.dma_semaphore, #tpu.memory_space<semaphore_mem>>)
    %add3A_164 = arith.constant 8 : i32
    %add3A_165 = arith.addi %mul3A_2, %add3A_164 : i32
    %slice3A_166 = vector.extract_strided_slice %shift_left3A_7 {offsets = [10], sizes = [1], strides = [1]} : vector<16xi32> to vector<1xi32>
    %squeeze3A_167 = vector.extract %slice3A_166[0] : i32 from vector<1xi32>
    %multiple_of3A_168 = tpu.assume_multiple %squeeze3A_167, 128 : i32
    %dma_start3A_169 = arith.constant 10 : i32
    %dma_start3A_170 = arith.constant 0 : i32
    %dma_start3A_171 = arith.constant 0 : i32
    %dma_start3A_172 = tpu.memref_slice %arg6[%dma_start3A_169, %dma_start3A_170, %dma_start3A_171] : memref<64x8x128xf32, #tpu.memory_space<vmem>> -> memref<1x8x128xf32, #tpu.memory_space<vmem>>
    %dma_start3A_173 = tpu.memref_squeeze %dma_start3A_172 : memref<1x8x128xf32, #tpu.memory_space<vmem>> -> memref<8x128xf32, #tpu.memory_space<vmem>>
    %dma_start3A_174 = tpu.memref_slice %arg2[%add3A_165, %multiple_of3A_168] : memref<4096x32000xf32, #tpu.memory_space<hbm>> -> memref<8x128xf32, #tpu.memory_space<hbm>>
    %dma_start3A_175 = arith.constant 0 : i32
    %dma_start3A_176 = arith.constant 0 : i32
    %dma_start3A_177 = tpu.memref_slice %arg6[%dma_start3A_169, %dma_start3A_175, %dma_start3A_176] : memref<64x8x128xf32, #tpu.memory_space<vmem>> -> memref<1x8x128xf32, #tpu.memory_space<vmem>>
    %dma_start3A_178 = tpu.memref_squeeze %dma_start3A_177 : memref<1x8x128xf32, #tpu.memory_space<vmem>> -> memref<8x128xf32, #tpu.memory_space<vmem>>
    %dma_start3A_179 = tpu.memref_slice %arg2[%add3A_165, %multiple_of3A_168] : memref<4096x32000xf32, #tpu.memory_space<hbm>> -> memref<8x128xf32, #tpu.memory_space<hbm>>
    tpu.enqueue_dma source(%dma_start3A_179 : memref<8x128xf32, #tpu.memory_space<hbm>>) target(%dma_start3A_178 : memref<8x128xf32, #tpu.memory_space<vmem>>) target_semaphore(%arg8 : memref<!tpu.dma_semaphore, #tpu.memory_space<semaphore_mem>>)
    %add3A_180 = arith.constant 8 : i32
    %add3A_181 = arith.addi %mul3A_2, %add3A_180 : i32
    %slice3A_182 = vector.extract_strided_slice %shift_left3A_7 {offsets = [11], sizes = [1], strides = [1]} : vector<16xi32> to vector<1xi32>
    %squeeze3A_183 = vector.extract %slice3A_182[0] : i32 from vector<1xi32>
    %multiple_of3A_184 = tpu.assume_multiple %squeeze3A_183, 128 : i32
    %dma_start3A_185 = arith.constant 11 : i32
    %dma_start3A_186 = arith.constant 0 : i32
    %dma_start3A_187 = arith.constant 0 : i32
    %dma_start3A_188 = tpu.memref_slice %arg6[%dma_start3A_185, %dma_start3A_186, %dma_start3A_187] : memref<64x8x128xf32, #tpu.memory_space<vmem>> -> memref<1x8x128xf32, #tpu.memory_space<vmem>>
    %dma_start3A_189 = tpu.memref_squeeze %dma_start3A_188 : memref<1x8x128xf32, #tpu.memory_space<vmem>> -> memref<8x128xf32, #tpu.memory_space<vmem>>
    %dma_start3A_190 = tpu.memref_slice %arg2[%add3A_181, %multiple_of3A_184] : memref<4096x32000xf32, #tpu.memory_space<hbm>> -> memref<8x128xf32, #tpu.memory_space<hbm>>
    %dma_start3A_191 = arith.constant 0 : i32
    %dma_start3A_192 = arith.constant 0 : i32
    %dma_start3A_193 = tpu.memref_slice %arg6[%dma_start3A_185, %dma_start3A_191, %dma_start3A_192] : memref<64x8x128xf32, #tpu.memory_space<vmem>> -> memref<1x8x128xf32, #tpu.memory_space<vmem>>
    %dma_start3A_194 = tpu.memref_squeeze %dma_start3A_193 : memref<1x8x128xf32, #tpu.memory_space<vmem>> -> memref<8x128xf32, #tpu.memory_space<vmem>>
    %dma_start3A_195 = tpu.memref_slice %arg2[%add3A_181, %multiple_of3A_184] : memref<4096x32000xf32, #tpu.memory_space<hbm>> -> memref<8x128xf32, #tpu.memory_space<hbm>>
    tpu.enqueue_dma source(%dma_start3A_195 : memref<8x128xf32, #tpu.memory_space<hbm>>) target(%dma_start3A_194 : memref<8x128xf32, #tpu.memory_space<vmem>>) target_semaphore(%arg8 : memref<!tpu.dma_semaphore, #tpu.memory_space<semaphore_mem>>)
    %add3A_196 = arith.constant 8 : i32
    %add3A_197 = arith.addi %mul3A_2, %add3A_196 : i32
    %slice3A_198 = vector.extract_strided_slice %shift_left3A_7 {offsets = [12], sizes = [1], strides = [1]} : vector<16xi32> to vector<1xi32>
    %squeeze3A_199 = vector.extract %slice3A_198[0] : i32 from vector<1xi32>
    %multiple_of3A_200 = tpu.assume_multiple %squeeze3A_199, 128 : i32
    %dma_start3A_201 = arith.constant 12 : i32
    %dma_start3A_202 = arith.constant 0 : i32
    %dma_start3A_203 = arith.constant 0 : i32
    %dma_start3A_204 = tpu.memref_slice %arg6[%dma_start3A_201, %dma_start3A_202, %dma_start3A_203] : memref<64x8x128xf32, #tpu.memory_space<vmem>> -> memref<1x8x128xf32, #tpu.memory_space<vmem>>
    %dma_start3A_205 = tpu.memref_squeeze %dma_start3A_204 : memref<1x8x128xf32, #tpu.memory_space<vmem>> -> memref<8x128xf32, #tpu.memory_space<vmem>>
    %dma_start3A_206 = tpu.memref_slice %arg2[%add3A_197, %multiple_of3A_200] : memref<4096x32000xf32, #tpu.memory_space<hbm>> -> memref<8x128xf32, #tpu.memory_space<hbm>>
    %dma_start3A_207 = arith.constant 0 : i32
    %dma_start3A_208 = arith.constant 0 : i32
    %dma_start3A_209 = tpu.memref_slice %arg6[%dma_start3A_201, %dma_start3A_207, %dma_start3A_208] : memref<64x8x128xf32, #tpu.memory_space<vmem>> -> memref<1x8x128xf32, #tpu.memory_space<vmem>>
    %dma_start3A_210 = tpu.memref_squeeze %dma_start3A_209 : memref<1x8x128xf32, #tpu.memory_space<vmem>> -> memref<8x128xf32, #tpu.memory_space<vmem>>
    %dma_start3A_211 = tpu.memref_slice %arg2[%add3A_197, %multiple_of3A_200] : memref<4096x32000xf32, #tpu.memory_space<hbm>> -> memref<8x128xf32, #tpu.memory_space<hbm>>
    tpu.enqueue_dma source(%dma_start3A_211 : memref<8x128xf32, #tpu.memory_space<hbm>>) target(%dma_start3A_210 : memref<8x128xf32, #tpu.memory_space<vmem>>) target_semaphore(%arg8 : memref<!tpu.dma_semaphore, #tpu.memory_space<semaphore_mem>>)
    %add3A_212 = arith.constant 8 : i32
    %add3A_213 = arith.addi %mul3A_2, %add3A_212 : i32
    %slice3A_214 = vector.extract_strided_slice %shift_left3A_7 {offsets = [13], sizes = [1], strides = [1]} : vector<16xi32> to vector<1xi32>
    %squeeze3A_215 = vector.extract %slice3A_214[0] : i32 from vector<1xi32>
    %multiple_of3A_216 = tpu.assume_multiple %squeeze3A_215, 128 : i32
    %dma_start3A_217 = arith.constant 13 : i32
    %dma_start3A_218 = arith.constant 0 : i32
    %dma_start3A_219 = arith.constant 0 : i32
    %dma_start3A_220 = tpu.memref_slice %arg6[%dma_start3A_217, %dma_start3A_218, %dma_start3A_219] : memref<64x8x128xf32, #tpu.memory_space<vmem>> -> memref<1x8x128xf32, #tpu.memory_space<vmem>>
    %dma_start3A_221 = tpu.memref_squeeze %dma_start3A_220 : memref<1x8x128xf32, #tpu.memory_space<vmem>> -> memref<8x128xf32, #tpu.memory_space<vmem>>
    %dma_start3A_222 = tpu.memref_slice %arg2[%add3A_213, %multiple_of3A_216] : memref<4096x32000xf32, #tpu.memory_space<hbm>> -> memref<8x128xf32, #tpu.memory_space<hbm>>
    %dma_start3A_223 = arith.constant 0 : i32
    %dma_start3A_224 = arith.constant 0 : i32
    %dma_start3A_225 = tpu.memref_slice %arg6[%dma_start3A_217, %dma_start3A_223, %dma_start3A_224] : memref<64x8x128xf32, #tpu.memory_space<vmem>> -> memref<1x8x128xf32, #tpu.memory_space<vmem>>
    %dma_start3A_226 = tpu.memref_squeeze %dma_start3A_225 : memref<1x8x128xf32, #tpu.memory_space<vmem>> -> memref<8x128xf32, #tpu.memory_space<vmem>>
    %dma_start3A_227 = tpu.memref_slice %arg2[%add3A_213, %multiple_of3A_216] : memref<4096x32000xf32, #tpu.memory_space<hbm>> -> memref<8x128xf32, #tpu.memory_space<hbm>>
    tpu.enqueue_dma source(%dma_start3A_227 : memref<8x128xf32, #tpu.memory_space<hbm>>) target(%dma_start3A_226 : memref<8x128xf32, #tpu.memory_space<vmem>>) target_semaphore(%arg8 : memref<!tpu.dma_semaphore, #tpu.memory_space<semaphore_mem>>)
    %add3A_228 = arith.constant 8 : i32
    %add3A_229 = arith.addi %mul3A_2, %add3A_228 : i32
    %slice3A_230 = vector.extract_strided_slice %shift_left3A_7 {offsets = [14], sizes = [1], strides = [1]} : vector<16xi32> to vector<1xi32>
    %squeeze3A_231 = vector.extract %slice3A_230[0] : i32 from vector<1xi32>
    %multiple_of3A_232 = tpu.assume_multiple %squeeze3A_231, 128 : i32
    %dma_start3A_233 = arith.constant 14 : i32
    %dma_start3A_234 = arith.constant 0 : i32
    %dma_start3A_235 = arith.constant 0 : i32
    %dma_start3A_236 = tpu.memref_slice %arg6[%dma_start3A_233, %dma_start3A_234, %dma_start3A_235] : memref<64x8x128xf32, #tpu.memory_space<vmem>> -> memref<1x8x128xf32, #tpu.memory_space<vmem>>
    %dma_start3A_237 = tpu.memref_squeeze %dma_start3A_236 : memref<1x8x128xf32, #tpu.memory_space<vmem>> -> memref<8x128xf32, #tpu.memory_space<vmem>>
    %dma_start3A_238 = tpu.memref_slice %arg2[%add3A_229, %multiple_of3A_232] : memref<4096x32000xf32, #tpu.memory_space<hbm>> -> memref<8x128xf32, #tpu.memory_space<hbm>>
    %dma_start3A_239 = arith.constant 0 : i32
    %dma_start3A_240 = arith.constant 0 : i32
    %dma_start3A_241 = tpu.memref_slice %arg6[%dma_start3A_233, %dma_start3A_239, %dma_start3A_240] : memref<64x8x128xf32, #tpu.memory_space<vmem>> -> memref<1x8x128xf32, #tpu.memory_space<vmem>>
    %dma_start3A_242 = tpu.memref_squeeze %dma_start3A_241 : memref<1x8x128xf32, #tpu.memory_space<vmem>> -> memref<8x128xf32, #tpu.memory_space<vmem>>
    %dma_start3A_243 = tpu.memref_slice %arg2[%add3A_229, %multiple_of3A_232] : memref<4096x32000xf32, #tpu.memory_space<hbm>> -> memref<8x128xf32, #tpu.memory_space<hbm>>
    tpu.enqueue_dma source(%dma_start3A_243 : memref<8x128xf32, #tpu.memory_space<hbm>>) target(%dma_start3A_242 : memref<8x128xf32, #tpu.memory_space<vmem>>) target_semaphore(%arg8 : memref<!tpu.dma_semaphore, #tpu.memory_space<semaphore_mem>>)
    %add3A_244 = arith.constant 8 : i32
    %add3A_245 = arith.addi %mul3A_2, %add3A_244 : i32
    %slice3A_246 = vector.extract_strided_slice %shift_left3A_7 {offsets = [15], sizes = [1], strides = [1]} : vector<16xi32> to vector<1xi32>
    %squeeze3A_247 = vector.extract %slice3A_246[0] : i32 from vector<1xi32>
    %multiple_of3A_248 = tpu.assume_multiple %squeeze3A_247, 128 : i32
    %dma_start3A_249 = arith.constant 15 : i32
    %dma_start3A_250 = arith.constant 0 : i32
    %dma_start3A_251 = arith.constant 0 : i32
    %dma_start3A_252 = tpu.memref_slice %arg6[%dma_start3A_249, %dma_start3A_250, %dma_start3A_251] : memref<64x8x128xf32, #tpu.memory_space<vmem>> -> memref<1x8x128xf32, #tpu.memory_space<vmem>>
    %dma_start3A_253 = tpu.memref_squeeze %dma_start3A_252 : memref<1x8x128xf32, #tpu.memory_space<vmem>> -> memref<8x128xf32, #tpu.memory_space<vmem>>
    %dma_start3A_254 = tpu.memref_slice %arg2[%add3A_245, %multiple_of3A_248] : memref<4096x32000xf32, #tpu.memory_space<hbm>> -> memref<8x128xf32, #tpu.memory_space<hbm>>
    %dma_start3A_255 = arith.constant 0 : i32
    %dma_start3A_256 = arith.constant 0 : i32
    %dma_start3A_257 = tpu.memref_slice %arg6[%dma_start3A_249, %dma_start3A_255, %dma_start3A_256] : memref<64x8x128xf32, #tpu.memory_space<vmem>> -> memref<1x8x128xf32, #tpu.memory_space<vmem>>
    %dma_start3A_258 = tpu.memref_squeeze %dma_start3A_257 : memref<1x8x128xf32, #tpu.memory_space<vmem>> -> memref<8x128xf32, #tpu.memory_space<vmem>>
    %dma_start3A_259 = tpu.memref_slice %arg2[%add3A_245, %multiple_of3A_248] : memref<4096x32000xf32, #tpu.memory_space<hbm>> -> memref<8x128xf32, #tpu.memory_space<hbm>>
    tpu.enqueue_dma source(%dma_start3A_259 : memref<8x128xf32, #tpu.memory_space<hbm>>) target(%dma_start3A_258 : memref<8x128xf32, #tpu.memory_space<vmem>>) target_semaphore(%arg8 : memref<!tpu.dma_semaphore, #tpu.memory_space<semaphore_mem>>)
    %get3A_260 = arith.constant 16 : index
    %get3A_261 = tpu.vector_load %arg5[%get3A_260] {strides = array<i32>} : memref<128xi32, #tpu.memory_space<vmem>>, vector<16xi32>,
    %shift_right_arithmetic3A_262 = arith.constant 7 : i32
    %shift_right_arithmetic3A_263 = vector.broadcast %shift_right_arithmetic3A_262 : i32 to vector<16xi32>
    %shift_right_arithmetic3A_264 = arith.shrsi %get3A_261, %shift_right_arithmetic3A_263 : vector<16xi32>
    %shift_left3A_265 = arith.constant 7 : i32
    %shift_left3A_266 = vector.broadcast %shift_left3A_265 : i32 to vector<16xi32>
    %shift_left3A_267 = arith.shli %shift_right_arithmetic3A_264, %shift_left3A_266 : vector<16xi32>
    %add3A_268 = arith.constant 16 : i32
    %add3A_269 = arith.addi %mul3A_2, %add3A_268 : i32
    %slice3A_270 = vector.extract_strided_slice %shift_left3A_267 {offsets = [0], sizes = [1], strides = [1]} : vector<16xi32> to vector<1xi32>
    %squeeze3A_271 = vector.extract %slice3A_270[0] : i32 from vector<1xi32>
    %multiple_of3A_272 = tpu.assume_multiple %squeeze3A_271, 128 : i32
    %dma_start3A_273 = arith.constant 16 : i32
    %dma_start3A_274 = arith.constant 0 : i32
    %dma_start3A_275 = arith.constant 0 : i32
    %dma_start3A_276 = tpu.memref_slice %arg6[%dma_start3A_273, %dma_start3A_274, %dma_start3A_275] : memref<64x8x128xf32, #tpu.memory_space<vmem>> -> memref<1x8x128xf32, #tpu.memory_space<vmem>>
    %dma_start3A_277 = tpu.memref_squeeze %dma_start3A_276 : memref<1x8x128xf32, #tpu.memory_space<vmem>> -> memref<8x128xf32, #tpu.memory_space<vmem>>
    %dma_start3A_278 = tpu.memref_slice %arg2[%add3A_269, %multiple_of3A_272] : memref<4096x32000xf32, #tpu.memory_space<hbm>> -> memref<8x128xf32, #tpu.memory_space<hbm>>
    %dma_start3A_279 = arith.constant 0 : i32
    %dma_start3A_280 = arith.constant 0 : i32
    %dma_start3A_281 = tpu.memref_slice %arg6[%dma_start3A_273, %dma_start3A_279, %dma_start3A_280] : memref<64x8x128xf32, #tpu.memory_space<vmem>> -> memref<1x8x128xf32, #tpu.memory_space<vmem>>
    %dma_start3A_282 = tpu.memref_squeeze %dma_start3A_281 : memref<1x8x128xf32, #tpu.memory_space<vmem>> -> memref<8x128xf32, #tpu.memory_space<vmem>>
    %dma_start3A_283 = tpu.memref_slice %arg2[%add3A_269, %multiple_of3A_272] : memref<4096x32000xf32, #tpu.memory_space<hbm>> -> memref<8x128xf32, #tpu.memory_space<hbm>>
    tpu.enqueue_dma source(%dma_start3A_283 : memref<8x128xf32, #tpu.memory_space<hbm>>) target(%dma_start3A_282 : memref<8x128xf32, #tpu.memory_space<vmem>>) target_semaphore(%arg8 : memref<!tpu.dma_semaphore, #tpu.memory_space<semaphore_mem>>)
    %add3A_284 = arith.constant 16 : i32
    %add3A_285 = arith.addi %mul3A_2, %add3A_284 : i32
    %slice3A_286 = vector.extract_strided_slice %shift_left3A_267 {offsets = [1], sizes = [1], strides = [1]} : vector<16xi32> to vector<1xi32>
    %squeeze3A_287 = vector.extract %slice3A_286[0] : i32 from vector<1xi32>
    %multiple_of3A_288 = tpu.assume_multiple %squeeze3A_287, 128 : i32
    %dma_start3A_289 = arith.constant 17 : i32
    %dma_start3A_290 = arith.constant 0 : i32
    %dma_start3A_291 = arith.constant 0 : i32
    %dma_start3A_292 = tpu.memref_slice %arg6[%dma_start3A_289, %dma_start3A_290, %dma_start3A_291] : memref<64x8x128xf32, #tpu.memory_space<vmem>> -> memref<1x8x128xf32, #tpu.memory_space<vmem>>
    %dma_start3A_293 = tpu.memref_squeeze %dma_start3A_292 : memref<1x8x128xf32, #tpu.memory_space<vmem>> -> memref<8x128xf32, #tpu.memory_space<vmem>>
    %dma_start3A_294 = tpu.memref_slice %arg2[%add3A_285, %multiple_of3A_288] : memref<4096x32000xf32, #tpu.memory_space<hbm>> -> memref<8x128xf32, #tpu.memory_space<hbm>>
    %dma_start3A_295 = arith.constant 0 : i32
    %dma_start3A_296 = arith.constant 0 : i32
    %dma_start3A_297 = tpu.memref_slice %arg6[%dma_start3A_289, %dma_start3A_295, %dma_start3A_296] : memref<64x8x128xf32, #tpu.memory_space<vmem>> -> memref<1x8x128xf32, #tpu.memory_space<vmem>>
    %dma_start3A_298 = tpu.memref_squeeze %dma_start3A_297 : memref<1x8x128xf32, #tpu.memory_space<vmem>> -> memref<8x128xf32, #tpu.memory_space<vmem>>
    %dma_start3A_299 = tpu.memref_slice %arg2[%add3A_285, %multiple_of3A_288] : memref<4096x32000xf32, #tpu.memory_space<hbm>> -> memref<8x128xf32, #tpu.memory_space<hbm>>
    tpu.enqueue_dma source(%dma_start3A_299 : memref<8x128xf32, #tpu.memory_space<hbm>>) target(%dma_start3A_298 : memref<8x128xf32, #tpu.memory_space<vmem>>) target_semaphore(%arg8 : memref<!tpu.dma_semaphore, #tpu.memory_space<semaphore_mem>>)
    %add3A_300 = arith.constant 16 : i32
    %add3A_301 = arith.addi %mul3A_2, %add3A_300 : i32
    %slice3A_302 = vector.extract_strided_slice %shift_left3A_267 {offsets = [2], sizes = [1], strides = [1]} : vector<16xi32> to vector<1xi32>
    %squeeze3A_303 = vector.extract %slice3A_302[0] : i32 from vector<1xi32>
    %multiple_of3A_304 = tpu.assume_multiple %squeeze3A_303, 128 : i32
    %dma_start3A_305 = arith.constant 18 : i32
    %dma_start3A_306 = arith.constant 0 : i32
    %dma_start3A_307 = arith.constant 0 : i32
    %dma_start3A_308 = tpu.memref_slice %arg6[%dma_start3A_305, %dma_start3A_306, %dma_start3A_307] : memref<64x8x128xf32, #tpu.memory_space<vmem>> -> memref<1x8x128xf32, #tpu.memory_space<vmem>>
    %dma_start3A_309 = tpu.memref_squeeze %dma_start3A_308 : memref<1x8x128xf32, #tpu.memory_space<vmem>> -> memref<8x128xf32, #tpu.memory_space<vmem>>
    %dma_start3A_310 = tpu.memref_slice %arg2[%add3A_301, %multiple_of3A_304] : memref<4096x32000xf32, #tpu.memory_space<hbm>> -> memref<8x128xf32, #tpu.memory_space<hbm>>
    %dma_start3A_311 = arith.constant 0 : i32
    %dma_start3A_312 = arith.constant 0 : i32
    %dma_start3A_313 = tpu.memref_slice %arg6[%dma_start3A_305, %dma_start3A_311, %dma_start3A_312] : memref<64x8x128xf32, #tpu.memory_space<vmem>> -> memref<1x8x128xf32, #tpu.memory_space<vmem>>
    %dma_start3A_314 = tpu.memref_squeeze %dma_start3A_313 : memref<1x8x128xf32, #tpu.memory_space<vmem>> -> memref<8x128xf32, #tpu.memory_space<vmem>>
    %dma_start3A_315 = tpu.memref_slice %arg2[%add3A_301, %multiple_of3A_304] : memref<4096x32000xf32, #tpu.memory_space<hbm>> -> memref<8x128xf32, #tpu.memory_space<hbm>>
    tpu.enqueue_dma source(%dma_start3A_315 : memref<8x128xf32, #tpu.memory_space<hbm>>) target(%dma_start3A_314 : memref<8x128xf32, #tpu.memory_space<vmem>>) target_semaphore(%arg8 : memref<!tpu.dma_semaphore, #tpu.memory_space<semaphore_mem>>)
    %add3A_316 = arith.constant 16 : i32
    %add3A_317 = arith.addi %mul3A_2, %add3A_316 : i32
    %slice3A_318 = vector.extract_strided_slice %shift_left3A_267 {offsets = [3], sizes = [1], strides = [1]} : vector<16xi32> to vector<1xi32>
    %squeeze3A_319 = vector.extract %slice3A_318[0] : i32 from vector<1xi32>
    %multiple_of3A_320 = tpu.assume_multiple %squeeze3A_319, 128 : i32
    %dma_start3A_321 = arith.constant 19 : i32
    %dma_start3A_322 = arith.constant 0 : i32
    %dma_start3A_323 = arith.constant 0 : i32
    %dma_start3A_324 = tpu.memref_slice %arg6[%dma_start3A_321, %dma_start3A_322, %dma_start3A_323] : memref<64x8x128xf32, #tpu.memory_space<vmem>> -> memref<1x8x128xf32, #tpu.memory_space<vmem>>
    %dma_start3A_325 = tpu.memref_squeeze %dma_start3A_324 : memref<1x8x128xf32, #tpu.memory_space<vmem>> -> memref<8x128xf32, #tpu.memory_space<vmem>>
    %dma_start3A_326 = tpu.memref_slice %arg2[%add3A_317, %multiple_of3A_320] : memref<4096x32000xf32, #tpu.memory_space<hbm>> -> memref<8x128xf32, #tpu.memory_space<hbm>>
    %dma_start3A_327 = arith.constant 0 : i32
    %dma_start3A_328 = arith.constant 0 : i32
    %dma_start3A_329 = tpu.memref_slice %arg6[%dma_start3A_321, %dma_start3A_327, %dma_start3A_328] : memref<64x8x128xf32, #tpu.memory_space<vmem>> -> memref<1x8x128xf32, #tpu.memory_space<vmem>>
    %dma_start3A_330 = tpu.memref_squeeze %dma_start3A_329 : memref<1x8x128xf32, #tpu.memory_space<vmem>> -> memref<8x128xf32, #tpu.memory_space<vmem>>
    %dma_start3A_331 = tpu.memref_slice %arg2[%add3A_317, %multiple_of3A_320] : memref<4096x32000xf32, #tpu.memory_space<hbm>> -> memref<8x128xf32, #tpu.memory_space<hbm>>
    tpu.enqueue_dma source(%dma_start3A_331 : memref<8x128xf32, #tpu.memory_space<hbm>>) target(%dma_start3A_330 : memref<8x128xf32, #tpu.memory_space<vmem>>) target_semaphore(%arg8 : memref<!tpu.dma_semaphore, #tpu.memory_space<semaphore_mem>>)
    %add3A_332 = arith.constant 16 : i32
    %add3A_333 = arith.addi %mul3A_2, %add3A_332 : i32
    %slice3A_334 = vector.extract_strided_slice %shift_left3A_267 {offsets = [4], sizes = [1], strides = [1]} : vector<16xi32> to vector<1xi32>
    %squeeze3A_335 = vector.extract %slice3A_334[0] : i32 from vector<1xi32>
    %multiple_of3A_336 = tpu.assume_multiple %squeeze3A_335, 128 : i32
    %dma_start3A_337 = arith.constant 20 : i32
    %dma_start3A_338 = arith.constant 0 : i32
    %dma_start3A_339 = arith.constant 0 : i32
    %dma_start3A_340 = tpu.memref_slice %arg6[%dma_start3A_337, %dma_start3A_338, %dma_start3A_339] : memref<64x8x128xf32, #tpu.memory_space<vmem>> -> memref<1x8x128xf32, #tpu.memory_space<vmem>>
    %dma_start3A_341 = tpu.memref_squeeze %dma_start3A_340 : memref<1x8x128xf32, #tpu.memory_space<vmem>> -> memref<8x128xf32, #tpu.memory_space<vmem>>
    %dma_start3A_342 = tpu.memref_slice %arg2[%add3A_333, %multiple_of3A_336] : memref<4096x32000xf32, #tpu.memory_space<hbm>> -> memref<8x128xf32, #tpu.memory_space<hbm>>
    %dma_start3A_343 = arith.constant 0 : i32
    %dma_start3A_344 = arith.constant 0 : i32
    %dma_start3A_345 = tpu.memref_slice %arg6[%dma_start3A_337, %dma_start3A_343, %dma_start3A_344] : memref<64x8x128xf32, #tpu.memory_space<vmem>> -> memref<1x8x128xf32, #tpu.memory_space<vmem>>
    %dma_start3A_346 = tpu.memref_squeeze %dma_start3A_345 : memref<1x8x128xf32, #tpu.memory_space<vmem>> -> memref<8x128xf32, #tpu.memory_space<vmem>>
    %dma_start3A_347 = tpu.memref_slice %arg2[%add3A_333, %multiple_of3A_336] : memref<4096x32000xf32, #tpu.memory_space<hbm>> -> memref<8x128xf32, #tpu.memory_space<hbm>>
    tpu.enqueue_dma source(%dma_start3A_347 : memref<8x128xf32, #tpu.memory_space<hbm>>) target(%dma_start3A_346 : memref<8x128xf32, #tpu.memory_space<vmem>>) target_semaphore(%arg8 : memref<!tpu.dma_semaphore, #tpu.memory_space<semaphore_mem>>)
    %add3A_348 = arith.constant 16 : i32
    %add3A_349 = arith.addi %mul3A_2, %add3A_348 : i32
    %slice3A_350 = vector.extract_strided_slice %shift_left3A_267 {offsets = [5], sizes = [1], strides = [1]} : vector<16xi32> to vector<1xi32>
    %squeeze3A_351 = vector.extract %slice3A_350[0] : i32 from vector<1xi32>
    %multiple_of3A_352 = tpu.assume_multiple %squeeze3A_351, 128 : i32
    %dma_start3A_353 = arith.constant 21 : i32
    %dma_start3A_354 = arith.constant 0 : i32
    %dma_start3A_355 = arith.constant 0 : i32
    %dma_start3A_356 = tpu.memref_slice %arg6[%dma_start3A_353, %dma_start3A_354, %dma_start3A_355] : memref<64x8x128xf32, #tpu.memory_space<vmem>> -> memref<1x8x128xf32, #tpu.memory_space<vmem>>
    %dma_start3A_357 = tpu.memref_squeeze %dma_start3A_356 : memref<1x8x128xf32, #tpu.memory_space<vmem>> -> memref<8x128xf32, #tpu.memory_space<vmem>>
    %dma_start3A_358 = tpu.memref_slice %arg2[%add3A_349, %multiple_of3A_352] : memref<4096x32000xf32, #tpu.memory_space<hbm>> -> memref<8x128xf32, #tpu.memory_space<hbm>>
    %dma_start3A_359 = arith.constant 0 : i32
    %dma_start3A_360 = arith.constant 0 : i32
    %dma_start3A_361 = tpu.memref_slice %arg6[%dma_start3A_353, %dma_start3A_359, %dma_start3A_360] : memref<64x8x128xf32, #tpu.memory_space<vmem>> -> memref<1x8x128xf32, #tpu.memory_space<vmem>>
    %dma_start3A_362 = tpu.memref_squeeze %dma_start3A_361 : memref<1x8x128xf32, #tpu.memory_space<vmem>> -> memref<8x128xf32, #tpu.memory_space<vmem>>
    %dma_start3A_363 = tpu.memref_slice %arg2[%add3A_349, %multiple_of3A_352] : memref<4096x32000xf32, #tpu.memory_space<hbm>> -> memref<8x128xf32, #tpu.memory_space<hbm>>
    tpu.enqueue_dma source(%dma_start3A_363 : memref<8x128xf32, #tpu.memory_space<hbm>>) target(%dma_start3A_362 : memref<8x128xf32, #tpu.memory_space<vmem>>) target_semaphore(%arg8 : memref<!tpu.dma_semaphore, #tpu.memory_space<semaphore_mem>>)
    %add3A_364 = arith.constant 16 : i32
    %add3A_365 = arith.addi %mul3A_2, %add3A_364 : i32
    %slice3A_366 = vector.extract_strided_slice %shift_left3A_267 {offsets = [6], sizes = [1], strides = [1]} : vector<16xi32> to vector<1xi32>
    %squeeze3A_367 = vector.extract %slice3A_366[0] : i32 from vector<1xi32>
    %multiple_of3A_368 = tpu.assume_multiple %squeeze3A_367, 128 : i32
    %dma_start3A_369 = arith.constant 22 : i32
    %dma_start3A_370 = arith.constant 0 : i32
    %dma_start3A_371 = arith.constant 0 : i32
    %dma_start3A_372 = tpu.memref_slice %arg6[%dma_start3A_369, %dma_start3A_370, %dma_start3A_371] : memref<64x8x128xf32, #tpu.memory_space<vmem>> -> memref<1x8x128xf32, #tpu.memory_space<vmem>>
    %dma_start3A_373 = tpu.memref_squeeze %dma_start3A_372 : memref<1x8x128xf32, #tpu.memory_space<vmem>> -> memref<8x128xf32, #tpu.memory_space<vmem>>
    %dma_start3A_374 = tpu.memref_slice %arg2[%add3A_365, %multiple_of3A_368] : memref<4096x32000xf32, #tpu.memory_space<hbm>> -> memref<8x128xf32, #tpu.memory_space<hbm>>
    %dma_start3A_375 = arith.constant 0 : i32
    %dma_start3A_376 = arith.constant 0 : i32
    %dma_start3A_377 = tpu.memref_slice %arg6[%dma_start3A_369, %dma_start3A_375, %dma_start3A_376] : memref<64x8x128xf32, #tpu.memory_space<vmem>> -> memref<1x8x128xf32, #tpu.memory_space<vmem>>
    %dma_start3A_378 = tpu.memref_squeeze %dma_start3A_377 : memref<1x8x128xf32, #tpu.memory_space<vmem>> -> memref<8x128xf32, #tpu.memory_space<vmem>>
    %dma_start3A_379 = tpu.memref_slice %arg2[%add3A_365, %multiple_of3A_368] : memref<4096x32000xf32, #tpu.memory_space<hbm>> -> memref<8x128xf32, #tpu.memory_space<hbm>>
    tpu.enqueue_dma source(%dma_start3A_379 : memref<8x128xf32, #tpu.memory_space<hbm>>) target(%dma_start3A_378 : memref<8x128xf32, #tpu.memory_space<vmem>>) target_semaphore(%arg8 : memref<!tpu.dma_semaphore, #tpu.memory_space<semaphore_mem>>)
    %add3A_380 = arith.constant 16 : i32
    %add3A_381 = arith.addi %mul3A_2, %add3A_380 : i32
    %slice3A_382 = vector.extract_strided_slice %shift_left3A_267 {offsets = [7], sizes = [1], strides = [1]} : vector<16xi32> to vector<1xi32>
    %squeeze3A_383 = vector.extract %slice3A_382[0] : i32 from vector<1xi32>
    %multiple_of3A_384 = tpu.assume_multiple %squeeze3A_383, 128 : i32
    %dma_start3A_385 = arith.constant 23 : i32
    %dma_start3A_386 = arith.constant 0 : i32
    %dma_start3A_387 = arith.constant 0 : i32
    %dma_start3A_388 = tpu.memref_slice %arg6[%dma_start3A_385, %dma_start3A_386, %dma_start3A_387] : memref<64x8x128xf32, #tpu.memory_space<vmem>> -> memref<1x8x128xf32, #tpu.memory_space<vmem>>
    %dma_start3A_389 = tpu.memref_squeeze %dma_start3A_388 : memref<1x8x128xf32, #tpu.memory_space<vmem>> -> memref<8x128xf32, #tpu.memory_space<vmem>>
    %dma_start3A_390 = tpu.memref_slice %arg2[%add3A_381, %multiple_of3A_384] : memref<4096x32000xf32, #tpu.memory_space<hbm>> -> memref<8x128xf32, #tpu.memory_space<hbm>>
    %dma_start3A_391 = arith.constant 0 : i32
    %dma_start3A_392 = arith.constant 0 : i32
    %dma_start3A_393 = tpu.memref_slice %arg6[%dma_start3A_385, %dma_start3A_391, %dma_start3A_392] : memref<64x8x128xf32, #tpu.memory_space<vmem>> -> memref<1x8x128xf32, #tpu.memory_space<vmem>>
    %dma_start3A_394 = tpu.memref_squeeze %dma_start3A_393 : memref<1x8x128xf32, #tpu.memory_space<vmem>> -> memref<8x128xf32, #tpu.memory_space<vmem>>
    %dma_start3A_395 = tpu.memref_slice %arg2[%add3A_381, %multiple_of3A_384] : memref<4096x32000xf32, #tpu.memory_space<hbm>> -> memref<8x128xf32, #tpu.memory_space<hbm>>
    tpu.enqueue_dma source(%dma_start3A_395 : memref<8x128xf32, #tpu.memory_space<hbm>>) target(%dma_start3A_394 : memref<8x128xf32, #tpu.memory_space<vmem>>) target_semaphore(%arg8 : memref<!tpu.dma_semaphore, #tpu.memory_space<semaphore_mem>>)
    %add3A_396 = arith.constant 24 : i32
    %add3A_397 = arith.addi %mul3A_2, %add3A_396 : i32
    %slice3A_398 = vector.extract_strided_slice %shift_left3A_267 {offsets = [8], sizes = [1], strides = [1]} : vector<16xi32> to vector<1xi32>
    %squeeze3A_399 = vector.extract %slice3A_398[0] : i32 from vector<1xi32>
    %multiple_of3A_400 = tpu.assume_multiple %squeeze3A_399, 128 : i32
    %dma_start3A_401 = arith.constant 24 : i32
    %dma_start3A_402 = arith.constant 0 : i32
    %dma_start3A_403 = arith.constant 0 : i32
    %dma_start3A_404 = tpu.memref_slice %arg6[%dma_start3A_401, %dma_start3A_402, %dma_start3A_403] : memref<64x8x128xf32, #tpu.memory_space<vmem>> -> memref<1x8x128xf32, #tpu.memory_space<vmem>>
    %dma_start3A_405 = tpu.memref_squeeze %dma_start3A_404 : memref<1x8x128xf32, #tpu.memory_space<vmem>> -> memref<8x128xf32, #tpu.memory_space<vmem>>
    %dma_start3A_406 = tpu.memref_slice %arg2[%add3A_397, %multiple_of3A_400] : memref<4096x32000xf32, #tpu.memory_space<hbm>> -> memref<8x128xf32, #tpu.memory_space<hbm>>
    %dma_start3A_407 = arith.constant 0 : i32
    %dma_start3A_408 = arith.constant 0 : i32
    %dma_start3A_409 = tpu.memref_slice %arg6[%dma_start3A_401, %dma_start3A_407, %dma_start3A_408] : memref<64x8x128xf32, #tpu.memory_space<vmem>> -> memref<1x8x128xf32, #tpu.memory_space<vmem>>
    %dma_start3A_410 = tpu.memref_squeeze %dma_start3A_409 : memref<1x8x128xf32, #tpu.memory_space<vmem>> -> memref<8x128xf32, #tpu.memory_space<vmem>>
    %dma_start3A_411 = tpu.memref_slice %arg2[%add3A_397, %multiple_of3A_400] : memref<4096x32000xf32, #tpu.memory_space<hbm>> -> memref<8x128xf32, #tpu.memory_space<hbm>>
    tpu.enqueue_dma source(%dma_start3A_411 : memref<8x128xf32, #tpu.memory_space<hbm>>) target(%dma_start3A_410 : memref<8x128xf32, #tpu.memory_space<vmem>>) target_semaphore(%arg8 : memref<!tpu.dma_semaphore, #tpu.memory_space<semaphore_mem>>)
    %add3A_412 = arith.constant 24 : i32
    %add3A_413 = arith.addi %mul3A_2, %add3A_412 : i32
    %slice3A_414 = vector.extract_strided_slice %shift_left3A_267 {offsets = [9], sizes = [1], strides = [1]} : vector<16xi32> to vector<1xi32>
    %squeeze3A_415 = vector.extract %slice3A_414[0] : i32 from vector<1xi32>
    %multiple_of3A_416 = tpu.assume_multiple %squeeze3A_415, 128 : i32
    %dma_start3A_417 = arith.constant 25 : i32
    %dma_start3A_418 = arith.constant 0 : i32
    %dma_start3A_419 = arith.constant 0 : i32
    %dma_start3A_420 = tpu.memref_slice %arg6[%dma_start3A_417, %dma_start3A_418, %dma_start3A_419] : memref<64x8x128xf32, #tpu.memory_space<vmem>> -> memref<1x8x128xf32, #tpu.memory_space<vmem>>
    %dma_start3A_421 = tpu.memref_squeeze %dma_start3A_420 : memref<1x8x128xf32, #tpu.memory_space<vmem>> -> memref<8x128xf32, #tpu.memory_space<vmem>>
    %dma_start3A_422 = tpu.memref_slice %arg2[%add3A_413, %multiple_of3A_416] : memref<4096x32000xf32, #tpu.memory_space<hbm>> -> memref<8x128xf32, #tpu.memory_space<hbm>>
    %dma_start3A_423 = arith.constant 0 : i32
    %dma_start3A_424 = arith.constant 0 : i32
    %dma_start3A_425 = tpu.memref_slice %arg6[%dma_start3A_417, %dma_start3A_423, %dma_start3A_424] : memref<64x8x128xf32, #tpu.memory_space<vmem>> -> memref<1x8x128xf32, #tpu.memory_space<vmem>>
    %dma_start3A_426 = tpu.memref_squeeze %dma_start3A_425 : memref<1x8x128xf32, #tpu.memory_space<vmem>> -> memref<8x128xf32, #tpu.memory_space<vmem>>
    %dma_start3A_427 = tpu.memref_slice %arg2[%add3A_413, %multiple_of3A_416] : memref<4096x32000xf32, #tpu.memory_space<hbm>> -> memref<8x128xf32, #tpu.memory_space<hbm>>
    tpu.enqueue_dma source(%dma_start3A_427 : memref<8x128xf32, #tpu.memory_space<hbm>>) target(%dma_start3A_426 : memref<8x128xf32, #tpu.memory_space<vmem>>) target_semaphore(%arg8 : memref<!tpu.dma_semaphore, #tpu.memory_space<semaphore_mem>>)
    %add3A_428 = arith.constant 24 : i32
    %add3A_429 = arith.addi %mul3A_2, %add3A_428 : i32
    %slice3A_430 = vector.extract_strided_slice %shift_left3A_267 {offsets = [10], sizes = [1], strides = [1]} : vector<16xi32> to vector<1xi32>
    %squeeze3A_431 = vector.extract %slice3A_430[0] : i32 from vector<1xi32>
    %multiple_of3A_432 = tpu.assume_multiple %squeeze3A_431, 128 : i32
    %dma_start3A_433 = arith.constant 26 : i32
    %dma_start3A_434 = arith.constant 0 : i32
    %dma_start3A_435 = arith.constant 0 : i32
    %dma_start3A_436 = tpu.memref_slice %arg6[%dma_start3A_433, %dma_start3A_434, %dma_start3A_435] : memref<64x8x128xf32, #tpu.memory_space<vmem>> -> memref<1x8x128xf32, #tpu.memory_space<vmem>>
    %dma_start3A_437 = tpu.memref_squeeze %dma_start3A_436 : memref<1x8x128xf32, #tpu.memory_space<vmem>> -> memref<8x128xf32, #tpu.memory_space<vmem>>
    %dma_start3A_438 = tpu.memref_slice %arg2[%add3A_429, %multiple_of3A_432] : memref<4096x32000xf32, #tpu.memory_space<hbm>> -> memref<8x128xf32, #tpu.memory_space<hbm>>
    %dma_start3A_439 = arith.constant 0 : i32
    %dma_start3A_440 = arith.constant 0 : i32
    %dma_start3A_441 = tpu.memref_slice %arg6[%dma_start3A_433, %dma_start3A_439, %dma_start3A_440] : memref<64x8x128xf32, #tpu.memory_space<vmem>> -> memref<1x8x128xf32, #tpu.memory_space<vmem>>
    %dma_start3A_442 = tpu.memref_squeeze %dma_start3A_441 : memref<1x8x128xf32, #tpu.memory_space<vmem>> -> memref<8x128xf32, #tpu.memory_space<vmem>>
    %dma_start3A_443 = tpu.memref_slice %arg2[%add3A_429, %multiple_of3A_432] : memref<4096x32000xf32, #tpu.memory_space<hbm>> -> memref<8x128xf32, #tpu.memory_space<hbm>>
    tpu.enqueue_dma source(%dma_start3A_443 : memref<8x128xf32, #tpu.memory_space<hbm>>) target(%dma_start3A_442 : memref<8x128xf32, #tpu.memory_space<vmem>>) target_semaphore(%arg8 : memref<!tpu.dma_semaphore, #tpu.memory_space<semaphore_mem>>)
    %add3A_444 = arith.constant 24 : i32
    %add3A_445 = arith.addi %mul3A_2, %add3A_444 : i32
    %slice3A_446 = vector.extract_strided_slice %shift_left3A_267 {offsets = [11], sizes = [1], strides = [1]} : vector<16xi32> to vector<1xi32>
    %squeeze3A_447 = vector.extract %slice3A_446[0] : i32 from vector<1xi32>
    %multiple_of3A_448 = tpu.assume_multiple %squeeze3A_447, 128 : i32
    %dma_start3A_449 = arith.constant 27 : i32
    %dma_start3A_450 = arith.constant 0 : i32
    %dma_start3A_451 = arith.constant 0 : i32
    %dma_start3A_452 = tpu.memref_slice %arg6[%dma_start3A_449, %dma_start3A_450, %dma_start3A_451] : memref<64x8x128xf32, #tpu.memory_space<vmem>> -> memref<1x8x128xf32, #tpu.memory_space<vmem>>
    %dma_start3A_453 = tpu.memref_squeeze %dma_start3A_452 : memref<1x8x128xf32, #tpu.memory_space<vmem>> -> memref<8x128xf32, #tpu.memory_space<vmem>>
    %dma_start3A_454 = tpu.memref_slice %arg2[%add3A_445, %multiple_of3A_448] : memref<4096x32000xf32, #tpu.memory_space<hbm>> -> memref<8x128xf32, #tpu.memory_space<hbm>>
    %dma_start3A_455 = arith.constant 0 : i32
    %dma_start3A_456 = arith.constant 0 : i32
    %dma_start3A_457 = tpu.memref_slice %arg6[%dma_start3A_449, %dma_start3A_455, %dma_start3A_456] : memref<64x8x128xf32, #tpu.memory_space<vmem>> -> memref<1x8x128xf32, #tpu.memory_space<vmem>>
    %dma_start3A_458 = tpu.memref_squeeze %dma_start3A_457 : memref<1x8x128xf32, #tpu.memory_space<vmem>> -> memref<8x128xf32, #tpu.memory_space<vmem>>
    %dma_start3A_459 = tpu.memref_slice %arg2[%add3A_445, %multiple_of3A_448] : memref<4096x32000xf32, #tpu.memory_space<hbm>> -> memref<8x128xf32, #tpu.memory_space<hbm>>
    tpu.enqueue_dma source(%dma_start3A_459 : memref<8x128xf32, #tpu.memory_space<hbm>>) target(%dma_start3A_458 : memref<8x128xf32, #tpu.memory_space<vmem>>) target_semaphore(%arg8 : memref<!tpu.dma_semaphore, #tpu.memory_space<semaphore_mem>>)
    %add3A_460 = arith.constant 24 : i32
    %add3A_461 = arith.addi %mul3A_2, %add3A_460 : i32
    %slice3A_462 = vector.extract_strided_slice %shift_left3A_267 {offsets = [12], sizes = [1], strides = [1]} : vector<16xi32> to vector<1xi32>
    %squeeze3A_463 = vector.extract %slice3A_462[0] : i32 from vector<1xi32>
    %multiple_of3A_464 = tpu.assume_multiple %squeeze3A_463, 128 : i32
    %dma_start3A_465 = arith.constant 28 : i32
    %dma_start3A_466 = arith.constant 0 : i32
    %dma_start3A_467 = arith.constant 0 : i32
    %dma_start3A_468 = tpu.memref_slice %arg6[%dma_start3A_465, %dma_start3A_466, %dma_start3A_467] : memref<64x8x128xf32, #tpu.memory_space<vmem>> -> memref<1x8x128xf32, #tpu.memory_space<vmem>>
    %dma_start3A_469 = tpu.memref_squeeze %dma_start3A_468 : memref<1x8x128xf32, #tpu.memory_space<vmem>> -> memref<8x128xf32, #tpu.memory_space<vmem>>
    %dma_start3A_470 = tpu.memref_slice %arg2[%add3A_461, %multiple_of3A_464] : memref<4096x32000xf32, #tpu.memory_space<hbm>> -> memref<8x128xf32, #tpu.memory_space<hbm>>
    %dma_start3A_471 = arith.constant 0 : i32
    %dma_start3A_472 = arith.constant 0 : i32
    %dma_start3A_473 = tpu.memref_slice %arg6[%dma_start3A_465, %dma_start3A_471, %dma_start3A_472] : memref<64x8x128xf32, #tpu.memory_space<vmem>> -> memref<1x8x128xf32, #tpu.memory_space<vmem>>
    %dma_start3A_474 = tpu.memref_squeeze %dma_start3A_473 : memref<1x8x128xf32, #tpu.memory_space<vmem>> -> memref<8x128xf32, #tpu.memory_space<vmem>>
    %dma_start3A_475 = tpu.memref_slice %arg2[%add3A_461, %multiple_of3A_464] : memref<4096x32000xf32, #tpu.memory_space<hbm>> -> memref<8x128xf32, #tpu.memory_space<hbm>>
    tpu.enqueue_dma source(%dma_start3A_475 : memref<8x128xf32, #tpu.memory_space<hbm>>) target(%dma_start3A_474 : memref<8x128xf32, #tpu.memory_space<vmem>>) target_semaphore(%arg8 : memref<!tpu.dma_semaphore, #tpu.memory_space<semaphore_mem>>)
    %add3A_476 = arith.constant 24 : i32
    %add3A_477 = arith.addi %mul3A_2, %add3A_476 : i32
    %slice3A_478 = vector.extract_strided_slice %shift_left3A_267 {offsets = [13], sizes = [1], strides = [1]} : vector<16xi32> to vector<1xi32>
    %squeeze3A_479 = vector.extract %slice3A_478[0] : i32 from vector<1xi32>
    %multiple_of3A_480 = tpu.assume_multiple %squeeze3A_479, 128 : i32
    %dma_start3A_481 = arith.constant 29 : i32
    %dma_start3A_482 = arith.constant 0 : i32
    %dma_start3A_483 = arith.constant 0 : i32
    %dma_start3A_484 = tpu.memref_slice %arg6[%dma_start3A_481, %dma_start3A_482, %dma_start3A_483] : memref<64x8x128xf32, #tpu.memory_space<vmem>> -> memref<1x8x128xf32, #tpu.memory_space<vmem>>
    %dma_start3A_485 = tpu.memref_squeeze %dma_start3A_484 : memref<1x8x128xf32, #tpu.memory_space<vmem>> -> memref<8x128xf32, #tpu.memory_space<vmem>>
    %dma_start3A_486 = tpu.memref_slice %arg2[%add3A_477, %multiple_of3A_480] : memref<4096x32000xf32, #tpu.memory_space<hbm>> -> memref<8x128xf32, #tpu.memory_space<hbm>>
    %dma_start3A_487 = arith.constant 0 : i32
    %dma_start3A_488 = arith.constant 0 : i32
    %dma_start3A_489 = tpu.memref_slice %arg6[%dma_start3A_481, %dma_start3A_487, %dma_start3A_488] : memref<64x8x128xf32, #tpu.memory_space<vmem>> -> memref<1x8x128xf32, #tpu.memory_space<vmem>>
    %dma_start3A_490 = tpu.memref_squeeze %dma_start3A_489 : memref<1x8x128xf32, #tpu.memory_space<vmem>> -> memref<8x128xf32, #tpu.memory_space<vmem>>
    %dma_start3A_491 = tpu.memref_slice %arg2[%add3A_477, %multiple_of3A_480] : memref<4096x32000xf32, #tpu.memory_space<hbm>> -> memref<8x128xf32, #tpu.memory_space<hbm>>
    tpu.enqueue_dma source(%dma_start3A_491 : memref<8x128xf32, #tpu.memory_space<hbm>>) target(%dma_start3A_490 : memref<8x128xf32, #tpu.memory_space<vmem>>) target_semaphore(%arg8 : memref<!tpu.dma_semaphore, #tpu.memory_space<semaphore_mem>>)
    %add3A_492 = arith.constant 24 : i32
    %add3A_493 = arith.addi %mul3A_2, %add3A_492 : i32
    %slice3A_494 = vector.extract_strided_slice %shift_left3A_267 {offsets = [14], sizes = [1], strides = [1]} : vector<16xi32> to vector<1xi32>
    %squeeze3A_495 = vector.extract %slice3A_494[0] : i32 from vector<1xi32>
    %multiple_of3A_496 = tpu.assume_multiple %squeeze3A_495, 128 : i32
    %dma_start3A_497 = arith.constant 30 : i32
    %dma_start3A_498 = arith.constant 0 : i32
    %dma_start3A_499 = arith.constant 0 : i32
    %dma_start3A_500 = tpu.memref_slice %arg6[%dma_start3A_497, %dma_start3A_498, %dma_start3A_499] : memref<64x8x128xf32, #tpu.memory_space<vmem>> -> memref<1x8x128xf32, #tpu.memory_space<vmem>>
    %dma_start3A_501 = tpu.memref_squeeze %dma_start3A_500 : memref<1x8x128xf32, #tpu.memory_space<vmem>> -> memref<8x128xf32, #tpu.memory_space<vmem>>
    %dma_start3A_502 = tpu.memref_slice %arg2[%add3A_493, %multiple_of3A_496] : memref<4096x32000xf32, #tpu.memory_space<hbm>> -> memref<8x128xf32, #tpu.memory_space<hbm>>
    %dma_start3A_503 = arith.constant 0 : i32
    %dma_start3A_504 = arith.constant 0 : i32
    %dma_start3A_505 = tpu.memref_slice %arg6[%dma_start3A_497, %dma_start3A_503, %dma_start3A_504] : memref<64x8x128xf32, #tpu.memory_space<vmem>> -> memref<1x8x128xf32, #tpu.memory_space<vmem>>
    %dma_start3A_506 = tpu.memref_squeeze %dma_start3A_505 : memref<1x8x128xf32, #tpu.memory_space<vmem>> -> memref<8x128xf32, #tpu.memory_space<vmem>>
    %dma_start3A_507 = tpu.memref_slice %arg2[%add3A_493, %multiple_of3A_496] : memref<4096x32000xf32, #tpu.memory_space<hbm>> -> memref<8x128xf32, #tpu.memory_space<hbm>>
    tpu.enqueue_dma source(%dma_start3A_507 : memref<8x128xf32, #tpu.memory_space<hbm>>) target(%dma_start3A_506 : memref<8x128xf32, #tpu.memory_space<vmem>>) target_semaphore(%arg8 : memref<!tpu.dma_semaphore, #tpu.memory_space<semaphore_mem>>)
    %add3A_508 = arith.constant 24 : i32
    %add3A_509 = arith.addi %mul3A_2, %add3A_508 : i32
    %slice3A_510 = vector.extract_strided_slice %shift_left3A_267 {offsets = [15], sizes = [1], strides = [1]} : vector<16xi32> to vector<1xi32>
    %squeeze3A_511 = vector.extract %slice3A_510[0] : i32 from vector<1xi32>
    %multiple_of3A_512 = tpu.assume_multiple %squeeze3A_511, 128 : i32
    %dma_start3A_513 = arith.constant 31 : i32
    %dma_start3A_514 = arith.constant 0 : i32
    %dma_start3A_515 = arith.constant 0 : i32
    %dma_start3A_516 = tpu.memref_slice %arg6[%dma_start3A_513, %dma_start3A_514, %dma_start3A_515] : memref<64x8x128xf32, #tpu.memory_space<vmem>> -> memref<1x8x128xf32, #tpu.memory_space<vmem>>
    %dma_start3A_517 = tpu.memref_squeeze %dma_start3A_516 : memref<1x8x128xf32, #tpu.memory_space<vmem>> -> memref<8x128xf32, #tpu.memory_space<vmem>>
    %dma_start3A_518 = tpu.memref_slice %arg2[%add3A_509, %multiple_of3A_512] : memref<4096x32000xf32, #tpu.memory_space<hbm>> -> memref<8x128xf32, #tpu.memory_space<hbm>>
    %dma_start3A_519 = arith.constant 0 : i32
    %dma_start3A_520 = arith.constant 0 : i32
    %dma_start3A_521 = tpu.memref_slice %arg6[%dma_start3A_513, %dma_start3A_519, %dma_start3A_520] : memref<64x8x128xf32, #tpu.memory_space<vmem>> -> memref<1x8x128xf32, #tpu.memory_space<vmem>>
    %dma_start3A_522 = tpu.memref_squeeze %dma_start3A_521 : memref<1x8x128xf32, #tpu.memory_space<vmem>> -> memref<8x128xf32, #tpu.memory_space<vmem>>
    %dma_start3A_523 = tpu.memref_slice %arg2[%add3A_509, %multiple_of3A_512] : memref<4096x32000xf32, #tpu.memory_space<hbm>> -> memref<8x128xf32, #tpu.memory_space<hbm>>
    tpu.enqueue_dma source(%dma_start3A_523 : memref<8x128xf32, #tpu.memory_space<hbm>>) target(%dma_start3A_522 : memref<8x128xf32, #tpu.memory_space<vmem>>) target_semaphore(%arg8 : memref<!tpu.dma_semaphore, #tpu.memory_space<semaphore_mem>>)
    %get3A_524 = arith.constant 32 : index
    %get3A_525 = tpu.vector_load %arg5[%get3A_524] {strides = array<i32>} : memref<128xi32, #tpu.memory_space<vmem>>, vector<16xi32>,
    %shift_right_arithmetic3A_526 = arith.constant 7 : i32
    %shift_right_arithmetic3A_527 = vector.broadcast %shift_right_arithmetic3A_526 : i32 to vector<16xi32>
    %shift_right_arithmetic3A_528 = arith.shrsi %get3A_525, %shift_right_arithmetic3A_527 : vector<16xi32>
    %shift_left3A_529 = arith.constant 7 : i32
    %shift_left3A_530 = vector.broadcast %shift_left3A_529 : i32 to vector<16xi32>
    %shift_left3A_531 = arith.shli %shift_right_arithmetic3A_528, %shift_left3A_530 : vector<16xi32>
    %add3A_532 = arith.constant 32 : i32
    %add3A_533 = arith.addi %mul3A_2, %add3A_532 : i32
    %slice3A_534 = vector.extract_strided_slice %shift_left3A_531 {offsets = [0], sizes = [1], strides = [1]} : vector<16xi32> to vector<1xi32>
    %squeeze3A_535 = vector.extract %slice3A_534[0] : i32 from vector<1xi32>
    %multiple_of3A_536 = tpu.assume_multiple %squeeze3A_535, 128 : i32
    %dma_start3A_537 = arith.constant 32 : i32
    %dma_start3A_538 = arith.constant 0 : i32
    %dma_start3A_539 = arith.constant 0 : i32
    %dma_start3A_540 = tpu.memref_slice %arg6[%dma_start3A_537, %dma_start3A_538, %dma_start3A_539] : memref<64x8x128xf32, #tpu.memory_space<vmem>> -> memref<1x8x128xf32, #tpu.memory_space<vmem>>
    %dma_start3A_541 = tpu.memref_squeeze %dma_start3A_540 : memref<1x8x128xf32, #tpu.memory_space<vmem>> -> memref<8x128xf32, #tpu.memory_space<vmem>>
    %dma_start3A_542 = tpu.memref_slice %arg2[%add3A_533, %multiple_of3A_536] : memref<4096x32000xf32, #tpu.memory_space<hbm>> -> memref<8x128xf32, #tpu.memory_space<hbm>>
    %dma_start3A_543 = arith.constant 0 : i32
    %dma_start3A_544 = arith.constant 0 : i32
    %dma_start3A_545 = tpu.memref_slice %arg6[%dma_start3A_537, %dma_start3A_543, %dma_start3A_544] : memref<64x8x128xf32, #tpu.memory_space<vmem>> -> memref<1x8x128xf32, #tpu.memory_space<vmem>>
    %dma_start3A_546 = tpu.memref_squeeze %dma_start3A_545 : memref<1x8x128xf32, #tpu.memory_space<vmem>> -> memref<8x128xf32, #tpu.memory_space<vmem>>
    %dma_start3A_547 = tpu.memref_slice %arg2[%add3A_533, %multiple_of3A_536] : memref<4096x32000xf32, #tpu.memory_space<hbm>> -> memref<8x128xf32, #tpu.memory_space<hbm>>
    tpu.enqueue_dma source(%dma_start3A_547 : memref<8x128xf32, #tpu.memory_space<hbm>>) target(%dma_start3A_546 : memref<8x128xf32, #tpu.memory_space<vmem>>) target_semaphore(%arg8 : memref<!tpu.dma_semaphore, #tpu.memory_space<semaphore_mem>>)
    %add3A_548 = arith.constant 32 : i32
    %add3A_549 = arith.addi %mul3A_2, %add3A_548 : i32
    %slice3A_550 = vector.extract_strided_slice %shift_left3A_531 {offsets = [1], sizes = [1], strides = [1]} : vector<16xi32> to vector<1xi32>
    %squeeze3A_551 = vector.extract %slice3A_550[0] : i32 from vector<1xi32>
    %multiple_of3A_552 = tpu.assume_multiple %squeeze3A_551, 128 : i32
    %dma_start3A_553 = arith.constant 33 : i32
    %dma_start3A_554 = arith.constant 0 : i32
    %dma_start3A_555 = arith.constant 0 : i32
    %dma_start3A_556 = tpu.memref_slice %arg6[%dma_start3A_553, %dma_start3A_554, %dma_start3A_555] : memref<64x8x128xf32, #tpu.memory_space<vmem>> -> memref<1x8x128xf32, #tpu.memory_space<vmem>>
    %dma_start3A_557 = tpu.memref_squeeze %dma_start3A_556 : memref<1x8x128xf32, #tpu.memory_space<vmem>> -> memref<8x128xf32, #tpu.memory_space<vmem>>
    %dma_start3A_558 = tpu.memref_slice %arg2[%add3A_549, %multiple_of3A_552] : memref<4096x32000xf32, #tpu.memory_space<hbm>> -> memref<8x128xf32, #tpu.memory_space<hbm>>
    %dma_start3A_559 = arith.constant 0 : i32
    %dma_start3A_560 = arith.constant 0 : i32
    %dma_start3A_561 = tpu.memref_slice %arg6[%dma_start3A_553, %dma_start3A_559, %dma_start3A_560] : memref<64x8x128xf32, #tpu.memory_space<vmem>> -> memref<1x8x128xf32, #tpu.memory_space<vmem>>
    %dma_start3A_562 = tpu.memref_squeeze %dma_start3A_561 : memref<1x8x128xf32, #tpu.memory_space<vmem>> -> memref<8x128xf32, #tpu.memory_space<vmem>>
    %dma_start3A_563 = tpu.memref_slice %arg2[%add3A_549, %multiple_of3A_552] : memref<4096x32000xf32, #tpu.memory_space<hbm>> -> memref<8x128xf32, #tpu.memory_space<hbm>>
    tpu.enqueue_dma source(%dma_start3A_563 : memref<8x128xf32, #tpu.memory_space<hbm>>) target(%dma_start3A_562 : memref<8x128xf32, #tpu.memory_space<vmem>>) target_semaphore(%arg8 : memref<!tpu.dma_semaphore, #tpu.memory_space<semaphore_mem>>)
    %add3A_564 = arith.constant 32 : i32
    %add3A_565 = arith.addi %mul3A_2, %add3A_564 : i32
    %slice3A_566 = vector.extract_strided_slice %shift_left3A_531 {offsets = [2], sizes = [1], strides = [1]} : vector<16xi32> to vector<1xi32>
    %squeeze3A_567 = vector.extract %slice3A_566[0] : i32 from vector<1xi32>
    %multiple_of3A_568 = tpu.assume_multiple %squeeze3A_567, 128 : i32
    %dma_start3A_569 = arith.constant 34 : i32
    %dma_start3A_570 = arith.constant 0 : i32
    %dma_start3A_571 = arith.constant 0 : i32
    %dma_start3A_572 = tpu.memref_slice %arg6[%dma_start3A_569, %dma_start3A_570, %dma_start3A_571] : memref<64x8x128xf32, #tpu.memory_space<vmem>> -> memref<1x8x128xf32, #tpu.memory_space<vmem>>
    %dma_start3A_573 = tpu.memref_squeeze %dma_start3A_572 : memref<1x8x128xf32, #tpu.memory_space<vmem>> -> memref<8x128xf32, #tpu.memory_space<vmem>>
    %dma_start3A_574 = tpu.memref_slice %arg2[%add3A_565, %multiple_of3A_568] : memref<4096x32000xf32, #tpu.memory_space<hbm>> -> memref<8x128xf32, #tpu.memory_space<hbm>>
    %dma_start3A_575 = arith.constant 0 : i32
    %dma_start3A_576 = arith.constant 0 : i32
    %dma_start3A_577 = tpu.memref_slice %arg6[%dma_start3A_569, %dma_start3A_575, %dma_start3A_576] : memref<64x8x128xf32, #tpu.memory_space<vmem>> -> memref<1x8x128xf32, #tpu.memory_space<vmem>>
    %dma_start3A_578 = tpu.memref_squeeze %dma_start3A_577 : memref<1x8x128xf32, #tpu.memory_space<vmem>> -> memref<8x128xf32, #tpu.memory_space<vmem>>
    %dma_start3A_579 = tpu.memref_slice %arg2[%add3A_565, %multiple_of3A_568] : memref<4096x32000xf32, #tpu.memory_space<hbm>> -> memref<8x128xf32, #tpu.memory_space<hbm>>
    tpu.enqueue_dma source(%dma_start3A_579 : memref<8x128xf32, #tpu.memory_space<hbm>>) target(%dma_start3A_578 : memref<8x128xf32, #tpu.memory_space<vmem>>) target_semaphore(%arg8 : memref<!tpu.dma_semaphore, #tpu.memory_space<semaphore_mem>>)
    %add3A_580 = arith.constant 32 : i32
    %add3A_581 = arith.addi %mul3A_2, %add3A_580 : i32
    %slice3A_582 = vector.extract_strided_slice %shift_left3A_531 {offsets = [3], sizes = [1], strides = [1]} : vector<16xi32> to vector<1xi32>
    %squeeze3A_583 = vector.extract %slice3A_582[0] : i32 from vector<1xi32>
    %multiple_of3A_584 = tpu.assume_multiple %squeeze3A_583, 128 : i32
    %dma_start3A_585 = arith.constant 35 : i32
    %dma_start3A_586 = arith.constant 0 : i32
    %dma_start3A_587 = arith.constant 0 : i32
    %dma_start3A_588 = tpu.memref_slice %arg6[%dma_start3A_585, %dma_start3A_586, %dma_start3A_587] : memref<64x8x128xf32, #tpu.memory_space<vmem>> -> memref<1x8x128xf32, #tpu.memory_space<vmem>>
    %dma_start3A_589 = tpu.memref_squeeze %dma_start3A_588 : memref<1x8x128xf32, #tpu.memory_space<vmem>> -> memref<8x128xf32, #tpu.memory_space<vmem>>
    %dma_start3A_590 = tpu.memref_slice %arg2[%add3A_581, %multiple_of3A_584] : memref<4096x32000xf32, #tpu.memory_space<hbm>> -> memref<8x128xf32, #tpu.memory_space<hbm>>
    %dma_start3A_591 = arith.constant 0 : i32
    %dma_start3A_592 = arith.constant 0 : i32
    %dma_start3A_593 = tpu.memref_slice %arg6[%dma_start3A_585, %dma_start3A_591, %dma_start3A_592] : memref<64x8x128xf32, #tpu.memory_space<vmem>> -> memref<1x8x128xf32, #tpu.memory_space<vmem>>
    %dma_start3A_594 = tpu.memref_squeeze %dma_start3A_593 : memref<1x8x128xf32, #tpu.memory_space<vmem>> -> memref<8x128xf32, #tpu.memory_space<vmem>>
    %dma_start3A_595 = tpu.memref_slice %arg2[%add3A_581, %multiple_of3A_584] : memref<4096x32000xf32, #tpu.memory_space<hbm>> -> memref<8x128xf32, #tpu.memory_space<hbm>>
    tpu.enqueue_dma source(%dma_start3A_595 : memref<8x128xf32, #tpu.memory_space<hbm>>) target(%dma_start3A_594 : memref<8x128xf32, #tpu.memory_space<vmem>>) target_semaphore(%arg8 : memref<!tpu.dma_semaphore, #tpu.memory_space<semaphore_mem>>)
    %add3A_596 = arith.constant 32 : i32
    %add3A_597 = arith.addi %mul3A_2, %add3A_596 : i32
    %slice3A_598 = vector.extract_strided_slice %shift_left3A_531 {offsets = [4], sizes = [1], strides = [1]} : vector<16xi32> to vector<1xi32>
    %squeeze3A_599 = vector.extract %slice3A_598[0] : i32 from vector<1xi32>
    %multiple_of3A_600 = tpu.assume_multiple %squeeze3A_599, 128 : i32
    %dma_start3A_601 = arith.constant 36 : i32
    %dma_start3A_602 = arith.constant 0 : i32
    %dma_start3A_603 = arith.constant 0 : i32
    %dma_start3A_604 = tpu.memref_slice %arg6[%dma_start3A_601, %dma_start3A_602, %dma_start3A_603] : memref<64x8x128xf32, #tpu.memory_space<vmem>> -> memref<1x8x128xf32, #tpu.memory_space<vmem>>
    %dma_start3A_605 = tpu.memref_squeeze %dma_start3A_604 : memref<1x8x128xf32, #tpu.memory_space<vmem>> -> memref<8x128xf32, #tpu.memory_space<vmem>>
    %dma_start3A_606 = tpu.memref_slice %arg2[%add3A_597, %multiple_of3A_600] : memref<4096x32000xf32, #tpu.memory_space<hbm>> -> memref<8x128xf32, #tpu.memory_space<hbm>>
    %dma_start3A_607 = arith.constant 0 : i32
    %dma_start3A_608 = arith.constant 0 : i32
    %dma_start3A_609 = tpu.memref_slice %arg6[%dma_start3A_601, %dma_start3A_607, %dma_start3A_608] : memref<64x8x128xf32, #tpu.memory_space<vmem>> -> memref<1x8x128xf32, #tpu.memory_space<vmem>>
    %dma_start3A_610 = tpu.memref_squeeze %dma_start3A_609 : memref<1x8x128xf32, #tpu.memory_space<vmem>> -> memref<8x128xf32, #tpu.memory_space<vmem>>
    %dma_start3A_611 = tpu.memref_slice %arg2[%add3A_597, %multiple_of3A_600] : memref<4096x32000xf32, #tpu.memory_space<hbm>> -> memref<8x128xf32, #tpu.memory_space<hbm>>
    tpu.enqueue_dma source(%dma_start3A_611 : memref<8x128xf32, #tpu.memory_space<hbm>>) target(%dma_start3A_610 : memref<8x128xf32, #tpu.memory_space<vmem>>) target_semaphore(%arg8 : memref<!tpu.dma_semaphore, #tpu.memory_space<semaphore_mem>>)
    %add3A_612 = arith.constant 32 : i32
    %add3A_613 = arith.addi %mul3A_2, %add3A_612 : i32
    %slice3A_614 = vector.extract_strided_slice %shift_left3A_531 {offsets = [5], sizes = [1], strides = [1]} : vector<16xi32> to vector<1xi32>
    %squeeze3A_615 = vector.extract %slice3A_614[0] : i32 from vector<1xi32>
    %multiple_of3A_616 = tpu.assume_multiple %squeeze3A_615, 128 : i32
    %dma_start3A_617 = arith.constant 37 : i32
    %dma_start3A_618 = arith.constant 0 : i32
    %dma_start3A_619 = arith.constant 0 : i32
    %dma_start3A_620 = tpu.memref_slice %arg6[%dma_start3A_617, %dma_start3A_618, %dma_start3A_619] : memref<64x8x128xf32, #tpu.memory_space<vmem>> -> memref<1x8x128xf32, #tpu.memory_space<vmem>>
    %dma_start3A_621 = tpu.memref_squeeze %dma_start3A_620 : memref<1x8x128xf32, #tpu.memory_space<vmem>> -> memref<8x128xf32, #tpu.memory_space<vmem>>
    %dma_start3A_622 = tpu.memref_slice %arg2[%add3A_613, %multiple_of3A_616] : memref<4096x32000xf32, #tpu.memory_space<hbm>> -> memref<8x128xf32, #tpu.memory_space<hbm>>
    %dma_start3A_623 = arith.constant 0 : i32
    %dma_start3A_624 = arith.constant 0 : i32
    %dma_start3A_625 = tpu.memref_slice %arg6[%dma_start3A_617, %dma_start3A_623, %dma_start3A_624] : memref<64x8x128xf32, #tpu.memory_space<vmem>> -> memref<1x8x128xf32, #tpu.memory_space<vmem>>
    %dma_start3A_626 = tpu.memref_squeeze %dma_start3A_625 : memref<1x8x128xf32, #tpu.memory_space<vmem>> -> memref<8x128xf32, #tpu.memory_space<vmem>>
    %dma_start3A_627 = tpu.memref_slice %arg2[%add3A_613, %multiple_of3A_616] : memref<4096x32000xf32, #tpu.memory_space<hbm>> -> memref<8x128xf32, #tpu.memory_space<hbm>>
    tpu.enqueue_dma source(%dma_start3A_627 : memref<8x128xf32, #tpu.memory_space<hbm>>) target(%dma_start3A_626 : memref<8x128xf32, #tpu.memory_space<vmem>>) target_semaphore(%arg8 : memref<!tpu.dma_semaphore, #tpu.memory_space<semaphore_mem>>)
    %add3A_628 = arith.constant 32 : i32
    %add3A_629 = arith.addi %mul3A_2, %add3A_628 : i32
    %slice3A_630 = vector.extract_strided_slice %shift_left3A_531 {offsets = [6], sizes = [1], strides = [1]} : vector<16xi32> to vector<1xi32>
    %squeeze3A_631 = vector.extract %slice3A_630[0] : i32 from vector<1xi32>
    %multiple_of3A_632 = tpu.assume_multiple %squeeze3A_631, 128 : i32
    %dma_start3A_633 = arith.constant 38 : i32
    %dma_start3A_634 = arith.constant 0 : i32
    %dma_start3A_635 = arith.constant 0 : i32
    %dma_start3A_636 = tpu.memref_slice %arg6[%dma_start3A_633, %dma_start3A_634, %dma_start3A_635] : memref<64x8x128xf32, #tpu.memory_space<vmem>> -> memref<1x8x128xf32, #tpu.memory_space<vmem>>
    %dma_start3A_637 = tpu.memref_squeeze %dma_start3A_636 : memref<1x8x128xf32, #tpu.memory_space<vmem>> -> memref<8x128xf32, #tpu.memory_space<vmem>>
    %dma_start3A_638 = tpu.memref_slice %arg2[%add3A_629, %multiple_of3A_632] : memref<4096x32000xf32, #tpu.memory_space<hbm>> -> memref<8x128xf32, #tpu.memory_space<hbm>>
    %dma_start3A_639 = arith.constant 0 : i32
    %dma_start3A_640 = arith.constant 0 : i32
    %dma_start3A_641 = tpu.memref_slice %arg6[%dma_start3A_633, %dma_start3A_639, %dma_start3A_640] : memref<64x8x128xf32, #tpu.memory_space<vmem>> -> memref<1x8x128xf32, #tpu.memory_space<vmem>>
    %dma_start3A_642 = tpu.memref_squeeze %dma_start3A_641 : memref<1x8x128xf32, #tpu.memory_space<vmem>> -> memref<8x128xf32, #tpu.memory_space<vmem>>
    %dma_start3A_643 = tpu.memref_slice %arg2[%add3A_629, %multiple_of3A_632] : memref<4096x32000xf32, #tpu.memory_space<hbm>> -> memref<8x128xf32, #tpu.memory_space<hbm>>
    tpu.enqueue_dma source(%dma_start3A_643 : memref<8x128xf32, #tpu.memory_space<hbm>>) target(%dma_start3A_642 : memref<8x128xf32, #tpu.memory_space<vmem>>) target_semaphore(%arg8 : memref<!tpu.dma_semaphore, #tpu.memory_space<semaphore_mem>>)
    %add3A_644 = arith.constant 32 : i32
    %add3A_645 = arith.addi %mul3A_2, %add3A_644 : i32
    %slice3A_646 = vector.extract_strided_slice %shift_left3A_531 {offsets = [7], sizes = [1], strides = [1]} : vector<16xi32> to vector<1xi32>
    %squeeze3A_647 = vector.extract %slice3A_646[0] : i32 from vector<1xi32>
    %multiple_of3A_648 = tpu.assume_multiple %squeeze3A_647, 128 : i32
    %dma_start3A_649 = arith.constant 39 : i32
    %dma_start3A_650 = arith.constant 0 : i32
    %dma_start3A_651 = arith.constant 0 : i32
    %dma_start3A_652 = tpu.memref_slice %arg6[%dma_start3A_649, %dma_start3A_650, %dma_start3A_651] : memref<64x8x128xf32, #tpu.memory_space<vmem>> -> memref<1x8x128xf32, #tpu.memory_space<vmem>>
    %dma_start3A_653 = tpu.memref_squeeze %dma_start3A_652 : memref<1x8x128xf32, #tpu.memory_space<vmem>> -> memref<8x128xf32, #tpu.memory_space<vmem>>
    %dma_start3A_654 = tpu.memref_slice %arg2[%add3A_645, %multiple_of3A_648] : memref<4096x32000xf32, #tpu.memory_space<hbm>> -> memref<8x128xf32, #tpu.memory_space<hbm>>
    %dma_start3A_655 = arith.constant 0 : i32
    %dma_start3A_656 = arith.constant 0 : i32
    %dma_start3A_657 = tpu.memref_slice %arg6[%dma_start3A_649, %dma_start3A_655, %dma_start3A_656] : memref<64x8x128xf32, #tpu.memory_space<vmem>> -> memref<1x8x128xf32, #tpu.memory_space<vmem>>
    %dma_start3A_658 = tpu.memref_squeeze %dma_start3A_657 : memref<1x8x128xf32, #tpu.memory_space<vmem>> -> memref<8x128xf32, #tpu.memory_space<vmem>>
    %dma_start3A_659 = tpu.memref_slice %arg2[%add3A_645, %multiple_of3A_648] : memref<4096x32000xf32, #tpu.memory_space<hbm>> -> memref<8x128xf32, #tpu.memory_space<hbm>>
    tpu.enqueue_dma source(%dma_start3A_659 : memref<8x128xf32, #tpu.memory_space<hbm>>) target(%dma_start3A_658 : memref<8x128xf32, #tpu.memory_space<vmem>>) target_semaphore(%arg8 : memref<!tpu.dma_semaphore, #tpu.memory_space<semaphore_mem>>)
    %add3A_660 = arith.constant 40 : i32
    %add3A_661 = arith.addi %mul3A_2, %add3A_660 : i32
    %slice3A_662 = vector.extract_strided_slice %shift_left3A_531 {offsets = [8], sizes = [1], strides = [1]} : vector<16xi32> to vector<1xi32>
    %squeeze3A_663 = vector.extract %slice3A_662[0] : i32 from vector<1xi32>
    %multiple_of3A_664 = tpu.assume_multiple %squeeze3A_663, 128 : i32
    %dma_start3A_665 = arith.constant 40 : i32
    %dma_start3A_666 = arith.constant 0 : i32
    %dma_start3A_667 = arith.constant 0 : i32
    %dma_start3A_668 = tpu.memref_slice %arg6[%dma_start3A_665, %dma_start3A_666, %dma_start3A_667] : memref<64x8x128xf32, #tpu.memory_space<vmem>> -> memref<1x8x128xf32, #tpu.memory_space<vmem>>
    %dma_start3A_669 = tpu.memref_squeeze %dma_start3A_668 : memref<1x8x128xf32, #tpu.memory_space<vmem>> -> memref<8x128xf32, #tpu.memory_space<vmem>>
    %dma_start3A_670 = tpu.memref_slice %arg2[%add3A_661, %multiple_of3A_664] : memref<4096x32000xf32, #tpu.memory_space<hbm>> -> memref<8x128xf32, #tpu.memory_space<hbm>>
    %dma_start3A_671 = arith.constant 0 : i32
    %dma_start3A_672 = arith.constant 0 : i32
    %dma_start3A_673 = tpu.memref_slice %arg6[%dma_start3A_665, %dma_start3A_671, %dma_start3A_672] : memref<64x8x128xf32, #tpu.memory_space<vmem>> -> memref<1x8x128xf32, #tpu.memory_space<vmem>>
    %dma_start3A_674 = tpu.memref_squeeze %dma_start3A_673 : memref<1x8x128xf32, #tpu.memory_space<vmem>> -> memref<8x128xf32, #tpu.memory_space<vmem>>
    %dma_start3A_675 = tpu.memref_slice %arg2[%add3A_661, %multiple_of3A_664] : memref<4096x32000xf32, #tpu.memory_space<hbm>> -> memref<8x128xf32, #tpu.memory_space<hbm>>
    tpu.enqueue_dma source(%dma_start3A_675 : memref<8x128xf32, #tpu.memory_space<hbm>>) target(%dma_start3A_674 : memref<8x128xf32, #tpu.memory_space<vmem>>) target_semaphore(%arg8 : memref<!tpu.dma_semaphore, #tpu.memory_space<semaphore_mem>>)
    %add3A_676 = arith.constant 40 : i32
    %add3A_677 = arith.addi %mul3A_2, %add3A_676 : i32
    %slice3A_678 = vector.extract_strided_slice %shift_left3A_531 {offsets = [9], sizes = [1], strides = [1]} : vector<16xi32> to vector<1xi32>
    %squeeze3A_679 = vector.extract %slice3A_678[0] : i32 from vector<1xi32>
    %multiple_of3A_680 = tpu.assume_multiple %squeeze3A_679, 128 : i32
    %dma_start3A_681 = arith.constant 41 : i32
    %dma_start3A_682 = arith.constant 0 : i32
    %dma_start3A_683 = arith.constant 0 : i32
    %dma_start3A_684 = tpu.memref_slice %arg6[%dma_start3A_681, %dma_start3A_682, %dma_start3A_683] : memref<64x8x128xf32, #tpu.memory_space<vmem>> -> memref<1x8x128xf32, #tpu.memory_space<vmem>>
    %dma_start3A_685 = tpu.memref_squeeze %dma_start3A_684 : memref<1x8x128xf32, #tpu.memory_space<vmem>> -> memref<8x128xf32, #tpu.memory_space<vmem>>
    %dma_start3A_686 = tpu.memref_slice %arg2[%add3A_677, %multiple_of3A_680] : memref<4096x32000xf32, #tpu.memory_space<hbm>> -> memref<8x128xf32, #tpu.memory_space<hbm>>
    %dma_start3A_687 = arith.constant 0 : i32
    %dma_start3A_688 = arith.constant 0 : i32
    %dma_start3A_689 = tpu.memref_slice %arg6[%dma_start3A_681, %dma_start3A_687, %dma_start3A_688] : memref<64x8x128xf32, #tpu.memory_space<vmem>> -> memref<1x8x128xf32, #tpu.memory_space<vmem>>
    %dma_start3A_690 = tpu.memref_squeeze %dma_start3A_689 : memref<1x8x128xf32, #tpu.memory_space<vmem>> -> memref<8x128xf32, #tpu.memory_space<vmem>>
    %dma_start3A_691 = tpu.memref_slice %arg2[%add3A_677, %multiple_of3A_680] : memref<4096x32000xf32, #tpu.memory_space<hbm>> -> memref<8x128xf32, #tpu.memory_space<hbm>>
    tpu.enqueue_dma source(%dma_start3A_691 : memref<8x128xf32, #tpu.memory_space<hbm>>) target(%dma_start3A_690 : memref<8x128xf32, #tpu.memory_space<vmem>>) target_semaphore(%arg8 : memref<!tpu.dma_semaphore, #tpu.memory_space<semaphore_mem>>)
    %add3A_692 = arith.constant 40 : i32
    %add3A_693 = arith.addi %mul3A_2, %add3A_692 : i32
    %slice3A_694 = vector.extract_strided_slice %shift_left3A_531 {offsets = [10], sizes = [1], strides = [1]} : vector<16xi32> to vector<1xi32>
    %squeeze3A_695 = vector.extract %slice3A_694[0] : i32 from vector<1xi32>
    %multiple_of3A_696 = tpu.assume_multiple %squeeze3A_695, 128 : i32
    %dma_start3A_697 = arith.constant 42 : i32
    %dma_start3A_698 = arith.constant 0 : i32
    %dma_start3A_699 = arith.constant 0 : i32
    %dma_start3A_700 = tpu.memref_slice %arg6[%dma_start3A_697, %dma_start3A_698, %dma_start3A_699] : memref<64x8x128xf32, #tpu.memory_space<vmem>> -> memref<1x8x128xf32, #tpu.memory_space<vmem>>
    %dma_start3A_701 = tpu.memref_squeeze %dma_start3A_700 : memref<1x8x128xf32, #tpu.memory_space<vmem>> -> memref<8x128xf32, #tpu.memory_space<vmem>>
    %dma_start3A_702 = tpu.memref_slice %arg2[%add3A_693, %multiple_of3A_696] : memref<4096x32000xf32, #tpu.memory_space<hbm>> -> memref<8x128xf32, #tpu.memory_space<hbm>>
    %dma_start3A_703 = arith.constant 0 : i32
    %dma_start3A_704 = arith.constant 0 : i32
    %dma_start3A_705 = tpu.memref_slice %arg6[%dma_start3A_697, %dma_start3A_703, %dma_start3A_704] : memref<64x8x128xf32, #tpu.memory_space<vmem>> -> memref<1x8x128xf32, #tpu.memory_space<vmem>>
    %dma_start3A_706 = tpu.memref_squeeze %dma_start3A_705 : memref<1x8x128xf32, #tpu.memory_space<vmem>> -> memref<8x128xf32, #tpu.memory_space<vmem>>
    %dma_start3A_707 = tpu.memref_slice %arg2[%add3A_693, %multiple_of3A_696] : memref<4096x32000xf32, #tpu.memory_space<hbm>> -> memref<8x128xf32, #tpu.memory_space<hbm>>
    tpu.enqueue_dma source(%dma_start3A_707 : memref<8x128xf32, #tpu.memory_space<hbm>>) target(%dma_start3A_706 : memref<8x128xf32, #tpu.memory_space<vmem>>) target_semaphore(%arg8 : memref<!tpu.dma_semaphore, #tpu.memory_space<semaphore_mem>>)
    %add3A_708 = arith.constant 40 : i32
    %add3A_709 = arith.addi %mul3A_2, %add3A_708 : i32
    %slice3A_710 = vector.extract_strided_slice %shift_left3A_531 {offsets = [11], sizes = [1], strides = [1]} : vector<16xi32> to vector<1xi32>
    %squeeze3A_711 = vector.extract %slice3A_710[0] : i32 from vector<1xi32>
    %multiple_of3A_712 = tpu.assume_multiple %squeeze3A_711, 128 : i32
    %dma_start3A_713 = arith.constant 43 : i32
    %dma_start3A_714 = arith.constant 0 : i32
    %dma_start3A_715 = arith.constant 0 : i32
    %dma_start3A_716 = tpu.memref_slice %arg6[%dma_start3A_713, %dma_start3A_714, %dma_start3A_715] : memref<64x8x128xf32, #tpu.memory_space<vmem>> -> memref<1x8x128xf32, #tpu.memory_space<vmem>>
    %dma_start3A_717 = tpu.memref_squeeze %dma_start3A_716 : memref<1x8x128xf32, #tpu.memory_space<vmem>> -> memref<8x128xf32, #tpu.memory_space<vmem>>
    %dma_start3A_718 = tpu.memref_slice %arg2[%add3A_709, %multiple_of3A_712] : memref<4096x32000xf32, #tpu.memory_space<hbm>> -> memref<8x128xf32, #tpu.memory_space<hbm>>
    %dma_start3A_719 = arith.constant 0 : i32
    %dma_start3A_720 = arith.constant 0 : i32
    %dma_start3A_721 = tpu.memref_slice %arg6[%dma_start3A_713, %dma_start3A_719, %dma_start3A_720] : memref<64x8x128xf32, #tpu.memory_space<vmem>> -> memref<1x8x128xf32, #tpu.memory_space<vmem>>
    %dma_start3A_722 = tpu.memref_squeeze %dma_start3A_721 : memref<1x8x128xf32, #tpu.memory_space<vmem>> -> memref<8x128xf32, #tpu.memory_space<vmem>>
    %dma_start3A_723 = tpu.memref_slice %arg2[%add3A_709, %multiple_of3A_712] : memref<4096x32000xf32, #tpu.memory_space<hbm>> -> memref<8x128xf32, #tpu.memory_space<hbm>>
    tpu.enqueue_dma source(%dma_start3A_723 : memref<8x128xf32, #tpu.memory_space<hbm>>) target(%dma_start3A_722 : memref<8x128xf32, #tpu.memory_space<vmem>>) target_semaphore(%arg8 : memref<!tpu.dma_semaphore, #tpu.memory_space<semaphore_mem>>)
    %add3A_724 = arith.constant 40 : i32
    %add3A_725 = arith.addi %mul3A_2, %add3A_724 : i32
    %slice3A_726 = vector.extract_strided_slice %shift_left3A_531 {offsets = [12], sizes = [1], strides = [1]} : vector<16xi32> to vector<1xi32>
    %squeeze3A_727 = vector.extract %slice3A_726[0] : i32 from vector<1xi32>
    %multiple_of3A_728 = tpu.assume_multiple %squeeze3A_727, 128 : i32
    %dma_start3A_729 = arith.constant 44 : i32
    %dma_start3A_730 = arith.constant 0 : i32
    %dma_start3A_731 = arith.constant 0 : i32
    %dma_start3A_732 = tpu.memref_slice %arg6[%dma_start3A_729, %dma_start3A_730, %dma_start3A_731] : memref<64x8x128xf32, #tpu.memory_space<vmem>> -> memref<1x8x128xf32, #tpu.memory_space<vmem>>
    %dma_start3A_733 = tpu.memref_squeeze %dma_start3A_732 : memref<1x8x128xf32, #tpu.memory_space<vmem>> -> memref<8x128xf32, #tpu.memory_space<vmem>>
    %dma_start3A_734 = tpu.memref_slice %arg2[%add3A_725, %multiple_of3A_728] : memref<4096x32000xf32, #tpu.memory_space<hbm>> -> memref<8x128xf32, #tpu.memory_space<hbm>>
    %dma_start3A_735 = arith.constant 0 : i32
    %dma_start3A_736 = arith.constant 0 : i32
    %dma_start3A_737 = tpu.memref_slice %arg6[%dma_start3A_729, %dma_start3A_735, %dma_start3A_736] : memref<64x8x128xf32, #tpu.memory_space<vmem>> -> memref<1x8x128xf32, #tpu.memory_space<vmem>>
    %dma_start3A_738 = tpu.memref_squeeze %dma_start3A_737 : memref<1x8x128xf32, #tpu.memory_space<vmem>> -> memref<8x128xf32, #tpu.memory_space<vmem>>
    %dma_start3A_739 = tpu.memref_slice %arg2[%add3A_725, %multiple_of3A_728] : memref<4096x32000xf32, #tpu.memory_space<hbm>> -> memref<8x128xf32, #tpu.memory_space<hbm>>
    tpu.enqueue_dma source(%dma_start3A_739 : memref<8x128xf32, #tpu.memory_space<hbm>>) target(%dma_start3A_738 : memref<8x128xf32, #tpu.memory_space<vmem>>) target_semaphore(%arg8 : memref<!tpu.dma_semaphore, #tpu.memory_space<semaphore_mem>>)
    %add3A_740 = arith.constant 40 : i32
    %add3A_741 = arith.addi %mul3A_2, %add3A_740 : i32
    %slice3A_742 = vector.extract_strided_slice %shift_left3A_531 {offsets = [13], sizes = [1], strides = [1]} : vector<16xi32> to vector<1xi32>
    %squeeze3A_743 = vector.extract %slice3A_742[0] : i32 from vector<1xi32>
    %multiple_of3A_744 = tpu.assume_multiple %squeeze3A_743, 128 : i32
    %dma_start3A_745 = arith.constant 45 : i32
    %dma_start3A_746 = arith.constant 0 : i32
    %dma_start3A_747 = arith.constant 0 : i32
    %dma_start3A_748 = tpu.memref_slice %arg6[%dma_start3A_745, %dma_start3A_746, %dma_start3A_747] : memref<64x8x128xf32, #tpu.memory_space<vmem>> -> memref<1x8x128xf32, #tpu.memory_space<vmem>>
    %dma_start3A_749 = tpu.memref_squeeze %dma_start3A_748 : memref<1x8x128xf32, #tpu.memory_space<vmem>> -> memref<8x128xf32, #tpu.memory_space<vmem>>
    %dma_start3A_750 = tpu.memref_slice %arg2[%add3A_741, %multiple_of3A_744] : memref<4096x32000xf32, #tpu.memory_space<hbm>> -> memref<8x128xf32, #tpu.memory_space<hbm>>
    %dma_start3A_751 = arith.constant 0 : i32
    %dma_start3A_752 = arith.constant 0 : i32
    %dma_start3A_753 = tpu.memref_slice %arg6[%dma_start3A_745, %dma_start3A_751, %dma_start3A_752] : memref<64x8x128xf32, #tpu.memory_space<vmem>> -> memref<1x8x128xf32, #tpu.memory_space<vmem>>
    %dma_start3A_754 = tpu.memref_squeeze %dma_start3A_753 : memref<1x8x128xf32, #tpu.memory_space<vmem>> -> memref<8x128xf32, #tpu.memory_space<vmem>>
    %dma_start3A_755 = tpu.memref_slice %arg2[%add3A_741, %multiple_of3A_744] : memref<4096x32000xf32, #tpu.memory_space<hbm>> -> memref<8x128xf32, #tpu.memory_space<hbm>>
    tpu.enqueue_dma source(%dma_start3A_755 : memref<8x128xf32, #tpu.memory_space<hbm>>) target(%dma_start3A_754 : memref<8x128xf32, #tpu.memory_space<vmem>>) target_semaphore(%arg8 : memref<!tpu.dma_semaphore, #tpu.memory_space<semaphore_mem>>)
    %add3A_756 = arith.constant 40 : i32
    %add3A_757 = arith.addi %mul3A_2, %add3A_756 : i32
    %slice3A_758 = vector.extract_strided_slice %shift_left3A_531 {offsets = [14], sizes = [1], strides = [1]} : vector<16xi32> to vector<1xi32>
    %squeeze3A_759 = vector.extract %slice3A_758[0] : i32 from vector<1xi32>
    %multiple_of3A_760 = tpu.assume_multiple %squeeze3A_759, 128 : i32
    %dma_start3A_761 = arith.constant 46 : i32
    %dma_start3A_762 = arith.constant 0 : i32
    %dma_start3A_763 = arith.constant 0 : i32
    %dma_start3A_764 = tpu.memref_slice %arg6[%dma_start3A_761, %dma_start3A_762, %dma_start3A_763] : memref<64x8x128xf32, #tpu.memory_space<vmem>> -> memref<1x8x128xf32, #tpu.memory_space<vmem>>
    %dma_start3A_765 = tpu.memref_squeeze %dma_start3A_764 : memref<1x8x128xf32, #tpu.memory_space<vmem>> -> memref<8x128xf32, #tpu.memory_space<vmem>>
    %dma_start3A_766 = tpu.memref_slice %arg2[%add3A_757, %multiple_of3A_760] : memref<4096x32000xf32, #tpu.memory_space<hbm>> -> memref<8x128xf32, #tpu.memory_space<hbm>>
    %dma_start3A_767 = arith.constant 0 : i32
    %dma_start3A_768 = arith.constant 0 : i32
    %dma_start3A_769 = tpu.memref_slice %arg6[%dma_start3A_761, %dma_start3A_767, %dma_start3A_768] : memref<64x8x128xf32, #tpu.memory_space<vmem>> -> memref<1x8x128xf32, #tpu.memory_space<vmem>>
    %dma_start3A_770 = tpu.memref_squeeze %dma_start3A_769 : memref<1x8x128xf32, #tpu.memory_space<vmem>> -> memref<8x128xf32, #tpu.memory_space<vmem>>
    %dma_start3A_771 = tpu.memref_slice %arg2[%add3A_757, %multiple_of3A_760] : memref<4096x32000xf32, #tpu.memory_space<hbm>> -> memref<8x128xf32, #tpu.memory_space<hbm>>
    tpu.enqueue_dma source(%dma_start3A_771 : memref<8x128xf32, #tpu.memory_space<hbm>>) target(%dma_start3A_770 : memref<8x128xf32, #tpu.memory_space<vmem>>) target_semaphore(%arg8 : memref<!tpu.dma_semaphore, #tpu.memory_space<semaphore_mem>>)
    %add3A_772 = arith.constant 40 : i32
    %add3A_773 = arith.addi %mul3A_2, %add3A_772 : i32
    %slice3A_774 = vector.extract_strided_slice %shift_left3A_531 {offsets = [15], sizes = [1], strides = [1]} : vector<16xi32> to vector<1xi32>
    %squeeze3A_775 = vector.extract %slice3A_774[0] : i32 from vector<1xi32>
    %multiple_of3A_776 = tpu.assume_multiple %squeeze3A_775, 128 : i32
    %dma_start3A_777 = arith.constant 47 : i32
    %dma_start3A_778 = arith.constant 0 : i32
    %dma_start3A_779 = arith.constant 0 : i32
    %dma_start3A_780 = tpu.memref_slice %arg6[%dma_start3A_777, %dma_start3A_778, %dma_start3A_779] : memref<64x8x128xf32, #tpu.memory_space<vmem>> -> memref<1x8x128xf32, #tpu.memory_space<vmem>>
    %dma_start3A_781 = tpu.memref_squeeze %dma_start3A_780 : memref<1x8x128xf32, #tpu.memory_space<vmem>> -> memref<8x128xf32, #tpu.memory_space<vmem>>
    %dma_start3A_782 = tpu.memref_slice %arg2[%add3A_773, %multiple_of3A_776] : memref<4096x32000xf32, #tpu.memory_space<hbm>> -> memref<8x128xf32, #tpu.memory_space<hbm>>
    %dma_start3A_783 = arith.constant 0 : i32
    %dma_start3A_784 = arith.constant 0 : i32
    %dma_start3A_785 = tpu.memref_slice %arg6[%dma_start3A_777, %dma_start3A_783, %dma_start3A_784] : memref<64x8x128xf32, #tpu.memory_space<vmem>> -> memref<1x8x128xf32, #tpu.memory_space<vmem>>
    %dma_start3A_786 = tpu.memref_squeeze %dma_start3A_785 : memref<1x8x128xf32, #tpu.memory_space<vmem>> -> memref<8x128xf32, #tpu.memory_space<vmem>>
    %dma_start3A_787 = tpu.memref_slice %arg2[%add3A_773, %multiple_of3A_776] : memref<4096x32000xf32, #tpu.memory_space<hbm>> -> memref<8x128xf32, #tpu.memory_space<hbm>>
    tpu.enqueue_dma source(%dma_start3A_787 : memref<8x128xf32, #tpu.memory_space<hbm>>) target(%dma_start3A_786 : memref<8x128xf32, #tpu.memory_space<vmem>>) target_semaphore(%arg8 : memref<!tpu.dma_semaphore, #tpu.memory_space<semaphore_mem>>)
    %get3A_788 = arith.constant 48 : index
    %get3A_789 = tpu.vector_load %arg5[%get3A_788] {strides = array<i32>} : memref<128xi32, #tpu.memory_space<vmem>>, vector<16xi32>,
    %shift_right_arithmetic3A_790 = arith.constant 7 : i32
    %shift_right_arithmetic3A_791 = vector.broadcast %shift_right_arithmetic3A_790 : i32 to vector<16xi32>
    %shift_right_arithmetic3A_792 = arith.shrsi %get3A_789, %shift_right_arithmetic3A_791 : vector<16xi32>
    %shift_left3A_793 = arith.constant 7 : i32
    %shift_left3A_794 = vector.broadcast %shift_left3A_793 : i32 to vector<16xi32>
    %shift_left3A_795 = arith.shli %shift_right_arithmetic3A_792, %shift_left3A_794 : vector<16xi32>
    %add3A_796 = arith.constant 48 : i32
    %add3A_797 = arith.addi %mul3A_2, %add3A_796 : i32
    %slice3A_798 = vector.extract_strided_slice %shift_left3A_795 {offsets = [0], sizes = [1], strides = [1]} : vector<16xi32> to vector<1xi32>
    %squeeze3A_799 = vector.extract %slice3A_798[0] : i32 from vector<1xi32>
    %multiple_of3A_800 = tpu.assume_multiple %squeeze3A_799, 128 : i32
    %dma_start3A_801 = arith.constant 48 : i32
    %dma_start3A_802 = arith.constant 0 : i32
    %dma_start3A_803 = arith.constant 0 : i32
    %dma_start3A_804 = tpu.memref_slice %arg6[%dma_start3A_801, %dma_start3A_802, %dma_start3A_803] : memref<64x8x128xf32, #tpu.memory_space<vmem>> -> memref<1x8x128xf32, #tpu.memory_space<vmem>>
    %dma_start3A_805 = tpu.memref_squeeze %dma_start3A_804 : memref<1x8x128xf32, #tpu.memory_space<vmem>> -> memref<8x128xf32, #tpu.memory_space<vmem>>
    %dma_start3A_806 = tpu.memref_slice %arg2[%add3A_797, %multiple_of3A_800] : memref<4096x32000xf32, #tpu.memory_space<hbm>> -> memref<8x128xf32, #tpu.memory_space<hbm>>
    %dma_start3A_807 = arith.constant 0 : i32
    %dma_start3A_808 = arith.constant 0 : i32
    %dma_start3A_809 = tpu.memref_slice %arg6[%dma_start3A_801, %dma_start3A_807, %dma_start3A_808] : memref<64x8x128xf32, #tpu.memory_space<vmem>> -> memref<1x8x128xf32, #tpu.memory_space<vmem>>
    %dma_start3A_810 = tpu.memref_squeeze %dma_start3A_809 : memref<1x8x128xf32, #tpu.memory_space<vmem>> -> memref<8x128xf32, #tpu.memory_space<vmem>>
    %dma_start3A_811 = tpu.memref_slice %arg2[%add3A_797, %multiple_of3A_800] : memref<4096x32000xf32, #tpu.memory_space<hbm>> -> memref<8x128xf32, #tpu.memory_space<hbm>>
    tpu.enqueue_dma source(%dma_start3A_811 : memref<8x128xf32, #tpu.memory_space<hbm>>) target(%dma_start3A_810 : memref<8x128xf32, #tpu.memory_space<vmem>>) target_semaphore(%arg8 : memref<!tpu.dma_semaphore, #tpu.memory_space<semaphore_mem>>)
    %add3A_812 = arith.constant 48 : i32
    %add3A_813 = arith.addi %mul3A_2, %add3A_812 : i32
    %slice3A_814 = vector.extract_strided_slice %shift_left3A_795 {offsets = [1], sizes = [1], strides = [1]} : vector<16xi32> to vector<1xi32>
    %squeeze3A_815 = vector.extract %slice3A_814[0] : i32 from vector<1xi32>
    %multiple_of3A_816 = tpu.assume_multiple %squeeze3A_815, 128 : i32
    %dma_start3A_817 = arith.constant 49 : i32
    %dma_start3A_818 = arith.constant 0 : i32
    %dma_start3A_819 = arith.constant 0 : i32
    %dma_start3A_820 = tpu.memref_slice %arg6[%dma_start3A_817, %dma_start3A_818, %dma_start3A_819] : memref<64x8x128xf32, #tpu.memory_space<vmem>> -> memref<1x8x128xf32, #tpu.memory_space<vmem>>
    %dma_start3A_821 = tpu.memref_squeeze %dma_start3A_820 : memref<1x8x128xf32, #tpu.memory_space<vmem>> -> memref<8x128xf32, #tpu.memory_space<vmem>>
    %dma_start3A_822 = tpu.memref_slice %arg2[%add3A_813, %multiple_of3A_816] : memref<4096x32000xf32, #tpu.memory_space<hbm>> -> memref<8x128xf32, #tpu.memory_space<hbm>>
    %dma_start3A_823 = arith.constant 0 : i32
    %dma_start3A_824 = arith.constant 0 : i32
    %dma_start3A_825 = tpu.memref_slice %arg6[%dma_start3A_817, %dma_start3A_823, %dma_start3A_824] : memref<64x8x128xf32, #tpu.memory_space<vmem>> -> memref<1x8x128xf32, #tpu.memory_space<vmem>>
    %dma_start3A_826 = tpu.memref_squeeze %dma_start3A_825 : memref<1x8x128xf32, #tpu.memory_space<vmem>> -> memref<8x128xf32, #tpu.memory_space<vmem>>
    %dma_start3A_827 = tpu.memref_slice %arg2[%add3A_813, %multiple_of3A_816] : memref<4096x32000xf32, #tpu.memory_space<hbm>> -> memref<8x128xf32, #tpu.memory_space<hbm>>
    tpu.enqueue_dma source(%dma_start3A_827 : memref<8x128xf32, #tpu.memory_space<hbm>>) target(%dma_start3A_826 : memref<8x128xf32, #tpu.memory_space<vmem>>) target_semaphore(%arg8 : memref<!tpu.dma_semaphore, #tpu.memory_space<semaphore_mem>>)
    %add3A_828 = arith.constant 48 : i32
    %add3A_829 = arith.addi %mul3A_2, %add3A_828 : i32
    %slice3A_830 = vector.extract_strided_slice %shift_left3A_795 {offsets = [2], sizes = [1], strides = [1]} : vector<16xi32> to vector<1xi32>
    %squeeze3A_831 = vector.extract %slice3A_830[0] : i32 from vector<1xi32>
    %multiple_of3A_832 = tpu.assume_multiple %squeeze3A_831, 128 : i32
    %dma_start3A_833 = arith.constant 50 : i32
    %dma_start3A_834 = arith.constant 0 : i32
    %dma_start3A_835 = arith.constant 0 : i32
    %dma_start3A_836 = tpu.memref_slice %arg6[%dma_start3A_833, %dma_start3A_834, %dma_start3A_835] : memref<64x8x128xf32, #tpu.memory_space<vmem>> -> memref<1x8x128xf32, #tpu.memory_space<vmem>>
    %dma_start3A_837 = tpu.memref_squeeze %dma_start3A_836 : memref<1x8x128xf32, #tpu.memory_space<vmem>> -> memref<8x128xf32, #tpu.memory_space<vmem>>
    %dma_start3A_838 = tpu.memref_slice %arg2[%add3A_829, %multiple_of3A_832] : memref<4096x32000xf32, #tpu.memory_space<hbm>> -> memref<8x128xf32, #tpu.memory_space<hbm>>
    %dma_start3A_839 = arith.constant 0 : i32
    %dma_start3A_840 = arith.constant 0 : i32
    %dma_start3A_841 = tpu.memref_slice %arg6[%dma_start3A_833, %dma_start3A_839, %dma_start3A_840] : memref<64x8x128xf32, #tpu.memory_space<vmem>> -> memref<1x8x128xf32, #tpu.memory_space<vmem>>
    %dma_start3A_842 = tpu.memref_squeeze %dma_start3A_841 : memref<1x8x128xf32, #tpu.memory_space<vmem>> -> memref<8x128xf32, #tpu.memory_space<vmem>>
    %dma_start3A_843 = tpu.memref_slice %arg2[%add3A_829, %multiple_of3A_832] : memref<4096x32000xf32, #tpu.memory_space<hbm>> -> memref<8x128xf32, #tpu.memory_space<hbm>>
    tpu.enqueue_dma source(%dma_start3A_843 : memref<8x128xf32, #tpu.memory_space<hbm>>) target(%dma_start3A_842 : memref<8x128xf32, #tpu.memory_space<vmem>>) target_semaphore(%arg8 : memref<!tpu.dma_semaphore, #tpu.memory_space<semaphore_mem>>)
    %add3A_844 = arith.constant 48 : i32
    %add3A_845 = arith.addi %mul3A_2, %add3A_844 : i32
    %slice3A_846 = vector.extract_strided_slice %shift_left3A_795 {offsets = [3], sizes = [1], strides = [1]} : vector<16xi32> to vector<1xi32>
    %squeeze3A_847 = vector.extract %slice3A_846[0] : i32 from vector<1xi32>
    %multiple_of3A_848 = tpu.assume_multiple %squeeze3A_847, 128 : i32
    %dma_start3A_849 = arith.constant 51 : i32
    %dma_start3A_850 = arith.constant 0 : i32
    %dma_start3A_851 = arith.constant 0 : i32
    %dma_start3A_852 = tpu.memref_slice %arg6[%dma_start3A_849, %dma_start3A_850, %dma_start3A_851] : memref<64x8x128xf32, #tpu.memory_space<vmem>> -> memref<1x8x128xf32, #tpu.memory_space<vmem>>
    %dma_start3A_853 = tpu.memref_squeeze %dma_start3A_852 : memref<1x8x128xf32, #tpu.memory_space<vmem>> -> memref<8x128xf32, #tpu.memory_space<vmem>>
    %dma_start3A_854 = tpu.memref_slice %arg2[%add3A_845, %multiple_of3A_848] : memref<4096x32000xf32, #tpu.memory_space<hbm>> -> memref<8x128xf32, #tpu.memory_space<hbm>>
    %dma_start3A_855 = arith.constant 0 : i32
    %dma_start3A_856 = arith.constant 0 : i32
    %dma_start3A_857 = tpu.memref_slice %arg6[%dma_start3A_849, %dma_start3A_855, %dma_start3A_856] : memref<64x8x128xf32, #tpu.memory_space<vmem>> -> memref<1x8x128xf32, #tpu.memory_space<vmem>>
    %dma_start3A_858 = tpu.memref_squeeze %dma_start3A_857 : memref<1x8x128xf32, #tpu.memory_space<vmem>> -> memref<8x128xf32, #tpu.memory_space<vmem>>
    %dma_start3A_859 = tpu.memref_slice %arg2[%add3A_845, %multiple_of3A_848] : memref<4096x32000xf32, #tpu.memory_space<hbm>> -> memref<8x128xf32, #tpu.memory_space<hbm>>
    tpu.enqueue_dma source(%dma_start3A_859 : memref<8x128xf32, #tpu.memory_space<hbm>>) target(%dma_start3A_858 : memref<8x128xf32, #tpu.memory_space<vmem>>) target_semaphore(%arg8 : memref<!tpu.dma_semaphore, #tpu.memory_space<semaphore_mem>>)
    %add3A_860 = arith.constant 48 : i32
    %add3A_861 = arith.addi %mul3A_2, %add3A_860 : i32
    %slice3A_862 = vector.extract_strided_slice %shift_left3A_795 {offsets = [4], sizes = [1], strides = [1]} : vector<16xi32> to vector<1xi32>
    %squeeze3A_863 = vector.extract %slice3A_862[0] : i32 from vector<1xi32>
    %multiple_of3A_864 = tpu.assume_multiple %squeeze3A_863, 128 : i32
    %dma_start3A_865 = arith.constant 52 : i32
    %dma_start3A_866 = arith.constant 0 : i32
    %dma_start3A_867 = arith.constant 0 : i32
    %dma_start3A_868 = tpu.memref_slice %arg6[%dma_start3A_865, %dma_start3A_866, %dma_start3A_867] : memref<64x8x128xf32, #tpu.memory_space<vmem>> -> memref<1x8x128xf32, #tpu.memory_space<vmem>>
    %dma_start3A_869 = tpu.memref_squeeze %dma_start3A_868 : memref<1x8x128xf32, #tpu.memory_space<vmem>> -> memref<8x128xf32, #tpu.memory_space<vmem>>
    %dma_start3A_870 = tpu.memref_slice %arg2[%add3A_861, %multiple_of3A_864] : memref<4096x32000xf32, #tpu.memory_space<hbm>> -> memref<8x128xf32, #tpu.memory_space<hbm>>
    %dma_start3A_871 = arith.constant 0 : i32
    %dma_start3A_872 = arith.constant 0 : i32
    %dma_start3A_873 = tpu.memref_slice %arg6[%dma_start3A_865, %dma_start3A_871, %dma_start3A_872] : memref<64x8x128xf32, #tpu.memory_space<vmem>> -> memref<1x8x128xf32, #tpu.memory_space<vmem>>
    %dma_start3A_874 = tpu.memref_squeeze %dma_start3A_873 : memref<1x8x128xf32, #tpu.memory_space<vmem>> -> memref<8x128xf32, #tpu.memory_space<vmem>>
    %dma_start3A_875 = tpu.memref_slice %arg2[%add3A_861, %multiple_of3A_864] : memref<4096x32000xf32, #tpu.memory_space<hbm>> -> memref<8x128xf32, #tpu.memory_space<hbm>>
    tpu.enqueue_dma source(%dma_start3A_875 : memref<8x128xf32, #tpu.memory_space<hbm>>) target(%dma_start3A_874 : memref<8x128xf32, #tpu.memory_space<vmem>>) target_semaphore(%arg8 : memref<!tpu.dma_semaphore, #tpu.memory_space<semaphore_mem>>)
    %add3A_876 = arith.constant 48 : i32
    %add3A_877 = arith.addi %mul3A_2, %add3A_876 : i32
    %slice3A_878 = vector.extract_strided_slice %shift_left3A_795 {offsets = [5], sizes = [1], strides = [1]} : vector<16xi32> to vector<1xi32>
    %squeeze3A_879 = vector.extract %slice3A_878[0] : i32 from vector<1xi32>
    %multiple_of3A_880 = tpu.assume_multiple %squeeze3A_879, 128 : i32
    %dma_start3A_881 = arith.constant 53 : i32
    %dma_start3A_882 = arith.constant 0 : i32
    %dma_start3A_883 = arith.constant 0 : i32
    %dma_start3A_884 = tpu.memref_slice %arg6[%dma_start3A_881, %dma_start3A_882, %dma_start3A_883] : memref<64x8x128xf32, #tpu.memory_space<vmem>> -> memref<1x8x128xf32, #tpu.memory_space<vmem>>
    %dma_start3A_885 = tpu.memref_squeeze %dma_start3A_884 : memref<1x8x128xf32, #tpu.memory_space<vmem>> -> memref<8x128xf32, #tpu.memory_space<vmem>>
    %dma_start3A_886 = tpu.memref_slice %arg2[%add3A_877, %multiple_of3A_880] : memref<4096x32000xf32, #tpu.memory_space<hbm>> -> memref<8x128xf32, #tpu.memory_space<hbm>>
    %dma_start3A_887 = arith.constant 0 : i32
    %dma_start3A_888 = arith.constant 0 : i32
    %dma_start3A_889 = tpu.memref_slice %arg6[%dma_start3A_881, %dma_start3A_887, %dma_start3A_888] : memref<64x8x128xf32, #tpu.memory_space<vmem>> -> memref<1x8x128xf32, #tpu.memory_space<vmem>>
    %dma_start3A_890 = tpu.memref_squeeze %dma_start3A_889 : memref<1x8x128xf32, #tpu.memory_space<vmem>> -> memref<8x128xf32, #tpu.memory_space<vmem>>
    %dma_start3A_891 = tpu.memref_slice %arg2[%add3A_877, %multiple_of3A_880] : memref<4096x32000xf32, #tpu.memory_space<hbm>> -> memref<8x128xf32, #tpu.memory_space<hbm>>
    tpu.enqueue_dma source(%dma_start3A_891 : memref<8x128xf32, #tpu.memory_space<hbm>>) target(%dma_start3A_890 : memref<8x128xf32, #tpu.memory_space<vmem>>) target_semaphore(%arg8 : memref<!tpu.dma_semaphore, #tpu.memory_space<semaphore_mem>>)
    %add3A_892 = arith.constant 48 : i32
    %add3A_893 = arith.addi %mul3A_2, %add3A_892 : i32
    %slice3A_894 = vector.extract_strided_slice %shift_left3A_795 {offsets = [6], sizes = [1], strides = [1]} : vector<16xi32> to vector<1xi32>
    %squeeze3A_895 = vector.extract %slice3A_894[0] : i32 from vector<1xi32>
    %multiple_of3A_896 = tpu.assume_multiple %squeeze3A_895, 128 : i32
    %dma_start3A_897 = arith.constant 54 : i32
    %dma_start3A_898 = arith.constant 0 : i32
    %dma_start3A_899 = arith.constant 0 : i32
    %dma_start3A_900 = tpu.memref_slice %arg6[%dma_start3A_897, %dma_start3A_898, %dma_start3A_899] : memref<64x8x128xf32, #tpu.memory_space<vmem>> -> memref<1x8x128xf32, #tpu.memory_space<vmem>>
    %dma_start3A_901 = tpu.memref_squeeze %dma_start3A_900 : memref<1x8x128xf32, #tpu.memory_space<vmem>> -> memref<8x128xf32, #tpu.memory_space<vmem>>
    %dma_start3A_902 = tpu.memref_slice %arg2[%add3A_893, %multiple_of3A_896] : memref<4096x32000xf32, #tpu.memory_space<hbm>> -> memref<8x128xf32, #tpu.memory_space<hbm>>
    %dma_start3A_903 = arith.constant 0 : i32
    %dma_start3A_904 = arith.constant 0 : i32
    %dma_start3A_905 = tpu.memref_slice %arg6[%dma_start3A_897, %dma_start3A_903, %dma_start3A_904] : memref<64x8x128xf32, #tpu.memory_space<vmem>> -> memref<1x8x128xf32, #tpu.memory_space<vmem>>
    %dma_start3A_906 = tpu.memref_squeeze %dma_start3A_905 : memref<1x8x128xf32, #tpu.memory_space<vmem>> -> memref<8x128xf32, #tpu.memory_space<vmem>>
    %dma_start3A_907 = tpu.memref_slice %arg2[%add3A_893, %multiple_of3A_896] : memref<4096x32000xf32, #tpu.memory_space<hbm>> -> memref<8x128xf32, #tpu.memory_space<hbm>>
    tpu.enqueue_dma source(%dma_start3A_907 : memref<8x128xf32, #tpu.memory_space<hbm>>) target(%dma_start3A_906 : memref<8x128xf32, #tpu.memory_space<vmem>>) target_semaphore(%arg8 : memref<!tpu.dma_semaphore, #tpu.memory_space<semaphore_mem>>)
    %add3A_908 = arith.constant 48 : i32
    %add3A_909 = arith.addi %mul3A_2, %add3A_908 : i32
    %slice3A_910 = vector.extract_strided_slice %shift_left3A_795 {offsets = [7], sizes = [1], strides = [1]} : vector<16xi32> to vector<1xi32>
    %squeeze3A_911 = vector.extract %slice3A_910[0] : i32 from vector<1xi32>
    %multiple_of3A_912 = tpu.assume_multiple %squeeze3A_911, 128 : i32
    %dma_start3A_913 = arith.constant 55 : i32
    %dma_start3A_914 = arith.constant 0 : i32
    %dma_start3A_915 = arith.constant 0 : i32
    %dma_start3A_916 = tpu.memref_slice %arg6[%dma_start3A_913, %dma_start3A_914, %dma_start3A_915] : memref<64x8x128xf32, #tpu.memory_space<vmem>> -> memref<1x8x128xf32, #tpu.memory_space<vmem>>
    %dma_start3A_917 = tpu.memref_squeeze %dma_start3A_916 : memref<1x8x128xf32, #tpu.memory_space<vmem>> -> memref<8x128xf32, #tpu.memory_space<vmem>>
    %dma_start3A_918 = tpu.memref_slice %arg2[%add3A_909, %multiple_of3A_912] : memref<4096x32000xf32, #tpu.memory_space<hbm>> -> memref<8x128xf32, #tpu.memory_space<hbm>>
    %dma_start3A_919 = arith.constant 0 : i32
    %dma_start3A_920 = arith.constant 0 : i32
    %dma_start3A_921 = tpu.memref_slice %arg6[%dma_start3A_913, %dma_start3A_919, %dma_start3A_920] : memref<64x8x128xf32, #tpu.memory_space<vmem>> -> memref<1x8x128xf32, #tpu.memory_space<vmem>>
    %dma_start3A_922 = tpu.memref_squeeze %dma_start3A_921 : memref<1x8x128xf32, #tpu.memory_space<vmem>> -> memref<8x128xf32, #tpu.memory_space<vmem>>
    %dma_start3A_923 = tpu.memref_slice %arg2[%add3A_909, %multiple_of3A_912] : memref<4096x32000xf32, #tpu.memory_space<hbm>> -> memref<8x128xf32, #tpu.memory_space<hbm>>
    tpu.enqueue_dma source(%dma_start3A_923 : memref<8x128xf32, #tpu.memory_space<hbm>>) target(%dma_start3A_922 : memref<8x128xf32, #tpu.memory_space<vmem>>) target_semaphore(%arg8 : memref<!tpu.dma_semaphore, #tpu.memory_space<semaphore_mem>>)
    %add3A_924 = arith.constant 56 : i32
    %add3A_925 = arith.addi %mul3A_2, %add3A_924 : i32
    %slice3A_926 = vector.extract_strided_slice %shift_left3A_795 {offsets = [8], sizes = [1], strides = [1]} : vector<16xi32> to vector<1xi32>
    %squeeze3A_927 = vector.extract %slice3A_926[0] : i32 from vector<1xi32>
    %multiple_of3A_928 = tpu.assume_multiple %squeeze3A_927, 128 : i32
    %dma_start3A_929 = arith.constant 56 : i32
    %dma_start3A_930 = arith.constant 0 : i32
    %dma_start3A_931 = arith.constant 0 : i32
    %dma_start3A_932 = tpu.memref_slice %arg6[%dma_start3A_929, %dma_start3A_930, %dma_start3A_931] : memref<64x8x128xf32, #tpu.memory_space<vmem>> -> memref<1x8x128xf32, #tpu.memory_space<vmem>>
    %dma_start3A_933 = tpu.memref_squeeze %dma_start3A_932 : memref<1x8x128xf32, #tpu.memory_space<vmem>> -> memref<8x128xf32, #tpu.memory_space<vmem>>
    %dma_start3A_934 = tpu.memref_slice %arg2[%add3A_925, %multiple_of3A_928] : memref<4096x32000xf32, #tpu.memory_space<hbm>> -> memref<8x128xf32, #tpu.memory_space<hbm>>
    %dma_start3A_935 = arith.constant 0 : i32
    %dma_start3A_936 = arith.constant 0 : i32
    %dma_start3A_937 = tpu.memref_slice %arg6[%dma_start3A_929, %dma_start3A_935, %dma_start3A_936] : memref<64x8x128xf32, #tpu.memory_space<vmem>> -> memref<1x8x128xf32, #tpu.memory_space<vmem>>
    %dma_start3A_938 = tpu.memref_squeeze %dma_start3A_937 : memref<1x8x128xf32, #tpu.memory_space<vmem>> -> memref<8x128xf32, #tpu.memory_space<vmem>>
    %dma_start3A_939 = tpu.memref_slice %arg2[%add3A_925, %multiple_of3A_928] : memref<4096x32000xf32, #tpu.memory_space<hbm>> -> memref<8x128xf32, #tpu.memory_space<hbm>>
    tpu.enqueue_dma source(%dma_start3A_939 : memref<8x128xf32, #tpu.memory_space<hbm>>) target(%dma_start3A_938 : memref<8x128xf32, #tpu.memory_space<vmem>>) target_semaphore(%arg8 : memref<!tpu.dma_semaphore, #tpu.memory_space<semaphore_mem>>)
    %add3A_940 = arith.constant 56 : i32
    %add3A_941 = arith.addi %mul3A_2, %add3A_940 : i32
    %slice3A_942 = vector.extract_strided_slice %shift_left3A_795 {offsets = [9], sizes = [1], strides = [1]} : vector<16xi32> to vector<1xi32>
    %squeeze3A_943 = vector.extract %slice3A_942[0] : i32 from vector<1xi32>
    %multiple_of3A_944 = tpu.assume_multiple %squeeze3A_943, 128 : i32
    %dma_start3A_945 = arith.constant 57 : i32
    %dma_start3A_946 = arith.constant 0 : i32
    %dma_start3A_947 = arith.constant 0 : i32
    %dma_start3A_948 = tpu.memref_slice %arg6[%dma_start3A_945, %dma_start3A_946, %dma_start3A_947] : memref<64x8x128xf32, #tpu.memory_space<vmem>> -> memref<1x8x128xf32, #tpu.memory_space<vmem>>
    %dma_start3A_949 = tpu.memref_squeeze %dma_start3A_948 : memref<1x8x128xf32, #tpu.memory_space<vmem>> -> memref<8x128xf32, #tpu.memory_space<vmem>>
    %dma_start3A_950 = tpu.memref_slice %arg2[%add3A_941, %multiple_of3A_944] : memref<4096x32000xf32, #tpu.memory_space<hbm>> -> memref<8x128xf32, #tpu.memory_space<hbm>>
    %dma_start3A_951 = arith.constant 0 : i32
    %dma_start3A_952 = arith.constant 0 : i32
    %dma_start3A_953 = tpu.memref_slice %arg6[%dma_start3A_945, %dma_start3A_951, %dma_start3A_952] : memref<64x8x128xf32, #tpu.memory_space<vmem>> -> memref<1x8x128xf32, #tpu.memory_space<vmem>>
    %dma_start3A_954 = tpu.memref_squeeze %dma_start3A_953 : memref<1x8x128xf32, #tpu.memory_space<vmem>> -> memref<8x128xf32, #tpu.memory_space<vmem>>
    %dma_start3A_955 = tpu.memref_slice %arg2[%add3A_941, %multiple_of3A_944] : memref<4096x32000xf32, #tpu.memory_space<hbm>> -> memref<8x128xf32, #tpu.memory_space<hbm>>
    tpu.enqueue_dma source(%dma_start3A_955 : memref<8x128xf32, #tpu.memory_space<hbm>>) target(%dma_start3A_954 : memref<8x128xf32, #tpu.memory_space<vmem>>) target_semaphore(%arg8 : memref<!tpu.dma_semaphore, #tpu.memory_space<semaphore_mem>>)
    %add3A_956 = arith.constant 56 : i32
    %add3A_957 = arith.addi %mul3A_2, %add3A_956 : i32
    %slice3A_958 = vector.extract_strided_slice %shift_left3A_795 {offsets = [10], sizes = [1], strides = [1]} : vector<16xi32> to vector<1xi32>
    %squeeze3A_959 = vector.extract %slice3A_958[0] : i32 from vector<1xi32>
    %multiple_of3A_960 = tpu.assume_multiple %squeeze3A_959, 128 : i32
    %dma_start3A_961 = arith.constant 58 : i32
    %dma_start3A_962 = arith.constant 0 : i32
    %dma_start3A_963 = arith.constant 0 : i32
    %dma_start3A_964 = tpu.memref_slice %arg6[%dma_start3A_961, %dma_start3A_962, %dma_start3A_963] : memref<64x8x128xf32, #tpu.memory_space<vmem>> -> memref<1x8x128xf32, #tpu.memory_space<vmem>>
    %dma_start3A_965 = tpu.memref_squeeze %dma_start3A_964 : memref<1x8x128xf32, #tpu.memory_space<vmem>> -> memref<8x128xf32, #tpu.memory_space<vmem>>
    %dma_start3A_966 = tpu.memref_slice %arg2[%add3A_957, %multiple_of3A_960] : memref<4096x32000xf32, #tpu.memory_space<hbm>> -> memref<8x128xf32, #tpu.memory_space<hbm>>
    %dma_start3A_967 = arith.constant 0 : i32
    %dma_start3A_968 = arith.constant 0 : i32
    %dma_start3A_969 = tpu.memref_slice %arg6[%dma_start3A_961, %dma_start3A_967, %dma_start3A_968] : memref<64x8x128xf32, #tpu.memory_space<vmem>> -> memref<1x8x128xf32, #tpu.memory_space<vmem>>
    %dma_start3A_970 = tpu.memref_squeeze %dma_start3A_969 : memref<1x8x128xf32, #tpu.memory_space<vmem>> -> memref<8x128xf32, #tpu.memory_space<vmem>>
    %dma_start3A_971 = tpu.memref_slice %arg2[%add3A_957, %multiple_of3A_960] : memref<4096x32000xf32, #tpu.memory_space<hbm>> -> memref<8x128xf32, #tpu.memory_space<hbm>>
    tpu.enqueue_dma source(%dma_start3A_971 : memref<8x128xf32, #tpu.memory_space<hbm>>) target(%dma_start3A_970 : memref<8x128xf32, #tpu.memory_space<vmem>>) target_semaphore(%arg8 : memref<!tpu.dma_semaphore, #tpu.memory_space<semaphore_mem>>)
    %add3A_972 = arith.constant 56 : i32
    %add3A_973 = arith.addi %mul3A_2, %add3A_972 : i32
    %slice3A_974 = vector.extract_strided_slice %shift_left3A_795 {offsets = [11], sizes = [1], strides = [1]} : vector<16xi32> to vector<1xi32>
    %squeeze3A_975 = vector.extract %slice3A_974[0] : i32 from vector<1xi32>
    %multiple_of3A_976 = tpu.assume_multiple %squeeze3A_975, 128 : i32
    %dma_start3A_977 = arith.constant 59 : i32
    %dma_start3A_978 = arith.constant 0 : i32
    %dma_start3A_979 = arith.constant 0 : i32
    %dma_start3A_980 = tpu.memref_slice %arg6[%dma_start3A_977, %dma_start3A_978, %dma_start3A_979] : memref<64x8x128xf32, #tpu.memory_space<vmem>> -> memref<1x8x128xf32, #tpu.memory_space<vmem>>
    %dma_start3A_981 = tpu.memref_squeeze %dma_start3A_980 : memref<1x8x128xf32, #tpu.memory_space<vmem>> -> memref<8x128xf32, #tpu.memory_space<vmem>>
    %dma_start3A_982 = tpu.memref_slice %arg2[%add3A_973, %multiple_of3A_976] : memref<4096x32000xf32, #tpu.memory_space<hbm>> -> memref<8x128xf32, #tpu.memory_space<hbm>>
    %dma_start3A_983 = arith.constant 0 : i32
    %dma_start3A_984 = arith.constant 0 : i32
    %dma_start3A_985 = tpu.memref_slice %arg6[%dma_start3A_977, %dma_start3A_983, %dma_start3A_984] : memref<64x8x128xf32, #tpu.memory_space<vmem>> -> memref<1x8x128xf32, #tpu.memory_space<vmem>>
    %dma_start3A_986 = tpu.memref_squeeze %dma_start3A_985 : memref<1x8x128xf32, #tpu.memory_space<vmem>> -> memref<8x128xf32, #tpu.memory_space<vmem>>
    %dma_start3A_987 = tpu.memref_slice %arg2[%add3A_973, %multiple_of3A_976] : memref<4096x32000xf32, #tpu.memory_space<hbm>> -> memref<8x128xf32, #tpu.memory_space<hbm>>
    tpu.enqueue_dma source(%dma_start3A_987 : memref<8x128xf32, #tpu.memory_space<hbm>>) target(%dma_start3A_986 : memref<8x128xf32, #tpu.memory_space<vmem>>) target_semaphore(%arg8 : memref<!tpu.dma_semaphore, #tpu.memory_space<semaphore_mem>>)
    %add3A_988 = arith.constant 56 : i32
    %add3A_989 = arith.addi %mul3A_2, %add3A_988 : i32
    %slice3A_990 = vector.extract_strided_slice %shift_left3A_795 {offsets = [12], sizes = [1], strides = [1]} : vector<16xi32> to vector<1xi32>
    %squeeze3A_991 = vector.extract %slice3A_990[0] : i32 from vector<1xi32>
    %multiple_of3A_992 = tpu.assume_multiple %squeeze3A_991, 128 : i32
    %dma_start3A_993 = arith.constant 60 : i32
    %dma_start3A_994 = arith.constant 0 : i32
    %dma_start3A_995 = arith.constant 0 : i32
    %dma_start3A_996 = tpu.memref_slice %arg6[%dma_start3A_993, %dma_start3A_994, %dma_start3A_995] : memref<64x8x128xf32, #tpu.memory_space<vmem>> -> memref<1x8x128xf32, #tpu.memory_space<vmem>>
    %dma_start3A_997 = tpu.memref_squeeze %dma_start3A_996 : memref<1x8x128xf32, #tpu.memory_space<vmem>> -> memref<8x128xf32, #tpu.memory_space<vmem>>
    %dma_start3A_998 = tpu.memref_slice %arg2[%add3A_989, %multiple_of3A_992] : memref<4096x32000xf32, #tpu.memory_space<hbm>> -> memref<8x128xf32, #tpu.memory_space<hbm>>
    %dma_start3A_999 = arith.constant 0 : i32
    %dma_start3A_1000 = arith.constant 0 : i32
    %dma_start3A_1001 = tpu.memref_slice %arg6[%dma_start3A_993, %dma_start3A_999, %dma_start3A_1000] : memref<64x8x128xf32, #tpu.memory_space<vmem>> -> memref<1x8x128xf32, #tpu.memory_space<vmem>>
    %dma_start3A_1002 = tpu.memref_squeeze %dma_start3A_1001 : memref<1x8x128xf32, #tpu.memory_space<vmem>> -> memref<8x128xf32, #tpu.memory_space<vmem>>
    %dma_start3A_1003 = tpu.memref_slice %arg2[%add3A_989, %multiple_of3A_992] : memref<4096x32000xf32, #tpu.memory_space<hbm>> -> memref<8x128xf32, #tpu.memory_space<hbm>>
    tpu.enqueue_dma source(%dma_start3A_1003 : memref<8x128xf32, #tpu.memory_space<hbm>>) target(%dma_start3A_1002 : memref<8x128xf32, #tpu.memory_space<vmem>>) target_semaphore(%arg8 : memref<!tpu.dma_semaphore, #tpu.memory_space<semaphore_mem>>)
    %add3A_1004 = arith.constant 56 : i32
    %add3A_1005 = arith.addi %mul3A_2, %add3A_1004 : i32
    %slice3A_1006 = vector.extract_strided_slice %shift_left3A_795 {offsets = [13], sizes = [1], strides = [1]} : vector<16xi32> to vector<1xi32>
    %squeeze3A_1007 = vector.extract %slice3A_1006[0] : i32 from vector<1xi32>
    %multiple_of3A_1008 = tpu.assume_multiple %squeeze3A_1007, 128 : i32
    %dma_start3A_1009 = arith.constant 61 : i32
    %dma_start3A_1010 = arith.constant 0 : i32
    %dma_start3A_1011 = arith.constant 0 : i32
    %dma_start3A_1012 = tpu.memref_slice %arg6[%dma_start3A_1009, %dma_start3A_1010, %dma_start3A_1011] : memref<64x8x128xf32, #tpu.memory_space<vmem>> -> memref<1x8x128xf32, #tpu.memory_space<vmem>>
    %dma_start3A_1013 = tpu.memref_squeeze %dma_start3A_1012 : memref<1x8x128xf32, #tpu.memory_space<vmem>> -> memref<8x128xf32, #tpu.memory_space<vmem>>
    %dma_start3A_1014 = tpu.memref_slice %arg2[%add3A_1005, %multiple_of3A_1008] : memref<4096x32000xf32, #tpu.memory_space<hbm>> -> memref<8x128xf32, #tpu.memory_space<hbm>>
    %dma_start3A_1015 = arith.constant 0 : i32
    %dma_start3A_1016 = arith.constant 0 : i32
    %dma_start3A_1017 = tpu.memref_slice %arg6[%dma_start3A_1009, %dma_start3A_1015, %dma_start3A_1016] : memref<64x8x128xf32, #tpu.memory_space<vmem>> -> memref<1x8x128xf32, #tpu.memory_space<vmem>>
    %dma_start3A_1018 = tpu.memref_squeeze %dma_start3A_1017 : memref<1x8x128xf32, #tpu.memory_space<vmem>> -> memref<8x128xf32, #tpu.memory_space<vmem>>
    %dma_start3A_1019 = tpu.memref_slice %arg2[%add3A_1005, %multiple_of3A_1008] : memref<4096x32000xf32, #tpu.memory_space<hbm>> -> memref<8x128xf32, #tpu.memory_space<hbm>>
    tpu.enqueue_dma source(%dma_start3A_1019 : memref<8x128xf32, #tpu.memory_space<hbm>>) target(%dma_start3A_1018 : memref<8x128xf32, #tpu.memory_space<vmem>>) target_semaphore(%arg8 : memref<!tpu.dma_semaphore, #tpu.memory_space<semaphore_mem>>)
    %add3A_1020 = arith.constant 56 : i32
    %add3A_1021 = arith.addi %mul3A_2, %add3A_1020 : i32
    %slice3A_1022 = vector.extract_strided_slice %shift_left3A_795 {offsets = [14], sizes = [1], strides = [1]} : vector<16xi32> to vector<1xi32>
    %squeeze3A_1023 = vector.extract %slice3A_1022[0] : i32 from vector<1xi32>
    %multiple_of3A_1024 = tpu.assume_multiple %squeeze3A_1023, 128 : i32
    %dma_start3A_1025 = arith.constant 62 : i32
    %dma_start3A_1026 = arith.constant 0 : i32
    %dma_start3A_1027 = arith.constant 0 : i32
    %dma_start3A_1028 = tpu.memref_slice %arg6[%dma_start3A_1025, %dma_start3A_1026, %dma_start3A_1027] : memref<64x8x128xf32, #tpu.memory_space<vmem>> -> memref<1x8x128xf32, #tpu.memory_space<vmem>>
    %dma_start3A_1029 = tpu.memref_squeeze %dma_start3A_1028 : memref<1x8x128xf32, #tpu.memory_space<vmem>> -> memref<8x128xf32, #tpu.memory_space<vmem>>
    %dma_start3A_1030 = tpu.memref_slice %arg2[%add3A_1021, %multiple_of3A_1024] : memref<4096x32000xf32, #tpu.memory_space<hbm>> -> memref<8x128xf32, #tpu.memory_space<hbm>>
    %dma_start3A_1031 = arith.constant 0 : i32
    %dma_start3A_1032 = arith.constant 0 : i32
    %dma_start3A_1033 = tpu.memref_slice %arg6[%dma_start3A_1025, %dma_start3A_1031, %dma_start3A_1032] : memref<64x8x128xf32, #tpu.memory_space<vmem>> -> memref<1x8x128xf32, #tpu.memory_space<vmem>>
    %dma_start3A_1034 = tpu.memref_squeeze %dma_start3A_1033 : memref<1x8x128xf32, #tpu.memory_space<vmem>> -> memref<8x128xf32, #tpu.memory_space<vmem>>
    %dma_start3A_1035 = tpu.memref_slice %arg2[%add3A_1021, %multiple_of3A_1024] : memref<4096x32000xf32, #tpu.memory_space<hbm>> -> memref<8x128xf32, #tpu.memory_space<hbm>>
    tpu.enqueue_dma source(%dma_start3A_1035 : memref<8x128xf32, #tpu.memory_space<hbm>>) target(%dma_start3A_1034 : memref<8x128xf32, #tpu.memory_space<vmem>>) target_semaphore(%arg8 : memref<!tpu.dma_semaphore, #tpu.memory_space<semaphore_mem>>)
    %add3A_1036 = arith.constant 56 : i32
    %add3A_1037 = arith.addi %mul3A_2, %add3A_1036 : i32
    %slice3A_1038 = vector.extract_strided_slice %shift_left3A_795 {offsets = [15], sizes = [1], strides = [1]} : vector<16xi32> to vector<1xi32>
    %squeeze3A_1039 = vector.extract %slice3A_1038[0] : i32 from vector<1xi32>
    %multiple_of3A_1040 = tpu.assume_multiple %squeeze3A_1039, 128 : i32
    %dma_start3A_1041 = arith.constant 63 : i32
    %dma_start3A_1042 = arith.constant 0 : i32
    %dma_start3A_1043 = arith.constant 0 : i32
    %dma_start3A_1044 = tpu.memref_slice %arg6[%dma_start3A_1041, %dma_start3A_1042, %dma_start3A_1043] : memref<64x8x128xf32, #tpu.memory_space<vmem>> -> memref<1x8x128xf32, #tpu.memory_space<vmem>>
    %dma_start3A_1045 = tpu.memref_squeeze %dma_start3A_1044 : memref<1x8x128xf32, #tpu.memory_space<vmem>> -> memref<8x128xf32, #tpu.memory_space<vmem>>
    %dma_start3A_1046 = tpu.memref_slice %arg2[%add3A_1037, %multiple_of3A_1040] : memref<4096x32000xf32, #tpu.memory_space<hbm>> -> memref<8x128xf32, #tpu.memory_space<hbm>>
    %dma_start3A_1047 = arith.constant 0 : i32
    %dma_start3A_1048 = arith.constant 0 : i32
    %dma_start3A_1049 = tpu.memref_slice %arg6[%dma_start3A_1041, %dma_start3A_1047, %dma_start3A_1048] : memref<64x8x128xf32, #tpu.memory_space<vmem>> -> memref<1x8x128xf32, #tpu.memory_space<vmem>>
    %dma_start3A_1050 = tpu.memref_squeeze %dma_start3A_1049 : memref<1x8x128xf32, #tpu.memory_space<vmem>> -> memref<8x128xf32, #tpu.memory_space<vmem>>
    %dma_start3A_1051 = tpu.memref_slice %arg2[%add3A_1037, %multiple_of3A_1040] : memref<4096x32000xf32, #tpu.memory_space<hbm>> -> memref<8x128xf32, #tpu.memory_space<hbm>>
    tpu.enqueue_dma source(%dma_start3A_1051 : memref<8x128xf32, #tpu.memory_space<hbm>>) target(%dma_start3A_1050 : memref<8x128xf32, #tpu.memory_space<vmem>>) target_semaphore(%arg8 : memref<!tpu.dma_semaphore, #tpu.memory_space<semaphore_mem>>)
    %scan3A = arith.constant 0 : i32
    %scan3A_1052 = arith.constant 0 : i32
    %scan3A_1053 = arith.constant 64 : i32
    %scan3A_1054 = arith.addi %scan3A_1052, %scan3A_1053 : i32
    %scan3A_1055 = arith.constant 1 : i32
    %scan3A_1056 = scf.for %scan3A_2245 = %scan3A_1052 to %scan3A_1054 step %scan3A_1055 iter_args(%scan3A_2246 = %scan3A) -> (i32)  : i32 {
      %dma_wait3A = arith.constant 0 : i32
      %dma_wait3A_2247 = arith.constant 0 : i32
      %dma_wait3A_2248 = arith.constant 0 : i32
      %dma_wait3A_2249 = tpu.memref_slice %arg6[%dma_wait3A, %dma_wait3A_2247, %dma_wait3A_2248] : memref<64x8x128xf32, #tpu.memory_space<vmem>> -> memref<1x8x128xf32, #tpu.memory_space<vmem>>
      %dma_wait3A_2250 = tpu.memref_squeeze %dma_wait3A_2249 : memref<1x8x128xf32, #tpu.memory_space<vmem>> -> memref<8x128xf32, #tpu.memory_space<vmem>>
      %dma_wait3A_2251 = arith.constant 0 : i32
      %dma_wait3A_2252 = arith.constant 0 : i32
      %dma_wait3A_2253 = tpu.memref_slice %arg2[%dma_wait3A_2251, %dma_wait3A_2252] : memref<4096x32000xf32, #tpu.memory_space<hbm>> -> memref<8x128xf32, #tpu.memory_space<hbm>>
      %dma_wait3A_2254 = arith.constant 0 : i32
      %dma_wait3A_2255 = arith.constant 0 : i32
      %dma_wait3A_2256 = tpu.memref_slice %arg6[%dma_wait3A, %dma_wait3A_2254, %dma_wait3A_2255] : memref<64x8x128xf32, #tpu.memory_space<vmem>> -> memref<1x8x128xf32, #tpu.memory_space<vmem>>
      %dma_wait3A_2257 = tpu.memref_squeeze %dma_wait3A_2256 : memref<1x8x128xf32, #tpu.memory_space<vmem>> -> memref<8x128xf32, #tpu.memory_space<vmem>>
      %dma_wait3A_2258 = arith.constant 0 : i32
      %dma_wait3A_2259 = arith.constant 0 : i32
      %dma_wait3A_2260 = tpu.memref_slice %arg2[%dma_wait3A_2258, %dma_wait3A_2259] : memref<4096x32000xf32, #tpu.memory_space<hbm>> -> memref<8x128xf32, #tpu.memory_space<hbm>>
      tpu.wait_dma2 semaphore(%arg8 : memref<!tpu.dma_semaphore, #tpu.memory_space<semaphore_mem>>) src(%dma_wait3A_2260 : memref<8x128xf32, #tpu.memory_space<hbm>>) dst(%dma_wait3A_2257 : memref<8x128xf32, #tpu.memory_space<vmem>>)
      %scan3A_2261 = arith.constant 0 : i32
      scf.yield %scan3A_2261 : i32
    }
    %scan3A_1057 = arith.constant 64 : i32
    %iota3A = tpu.iota {dimensions = array<i32: 0>} : vector<16xi32>
    %add3A_1058 = arith.constant 0 : i32
    %add3A_1059 = vector.broadcast %add3A_1058 : i32 to vector<16xi32>
    %add3A_1060 = arith.addi %add3A_1059, %iota3A : vector<16xi32>
    %iota3A_1061 = tpu.iota {dimensions = array<i32: 0>} : vector<16xi32>
    %and3A = arith.constant 7 : i32
    %and3A_1062 = vector.broadcast %and3A : i32 to vector<16xi32>
    %and3A_1063 = arith.andi %iota3A_1061, %and3A_1062 : vector<16xi32>
    %get3A_1064 = arith.constant 0 : index
    %get3A_1065 = tpu.vector_load %arg5[%get3A_1064] {strides = array<i32>} : memref<128xi32, #tpu.memory_space<vmem>>, vector<16xi32>,
    %and3A_1066 = arith.constant 127 : i32
    %and3A_1067 = vector.broadcast %and3A_1066 : i32 to vector<16xi32>
    %and3A_1068 = arith.andi %get3A_1065, %and3A_1067 : vector<16xi32>
    %gather3A = tpu.vector_load_idx %arg6[%add3A_1060, %and3A_1063, %and3A_1068] : memref<64x8x128xf32, #tpu.memory_space<vmem>>[vector<16xi32>, vector<16xi32>, vector<16xi32>], vector<16xf32>,
    %swap3A = arith.constant 0 : index
    %swap3A_1069 = tpu.vector_load %arg7[%swap3A] {strides = array<i32>} : memref<128xf32, #tpu.memory_space<vmem>>, vector<16xf32>,
    tpu.vector_store %arg7[%swap3A], %gather3A {strides = array<i32>} : memref<128xf32, #tpu.memory_space<vmem>>, vector<16xf32>,
    %iota3A_1070 = tpu.iota {dimensions = array<i32: 0>} : vector<16xi32>
    %add3A_1071 = arith.constant 16 : i32
    %add3A_1072 = vector.broadcast %add3A_1071 : i32 to vector<16xi32>
    %add3A_1073 = arith.addi %add3A_1072, %iota3A_1070 : vector<16xi32>
    %iota3A_1074 = tpu.iota {dimensions = array<i32: 0>} : vector<16xi32>
    %and3A_1075 = arith.constant 7 : i32
    %and3A_1076 = vector.broadcast %and3A_1075 : i32 to vector<16xi32>
    %and3A_1077 = arith.andi %iota3A_1074, %and3A_1076 : vector<16xi32>
    %get3A_1078 = arith.constant 16 : index
    %get3A_1079 = tpu.vector_load %arg5[%get3A_1078] {strides = array<i32>} : memref<128xi32, #tpu.memory_space<vmem>>, vector<16xi32>,
    %and3A_1080 = arith.constant 127 : i32
    %and3A_1081 = vector.broadcast %and3A_1080 : i32 to vector<16xi32>
    %and3A_1082 = arith.andi %get3A_1079, %and3A_1081 : vector<16xi32>
    %gather3A_1083 = tpu.vector_load_idx %arg6[%add3A_1073, %and3A_1077, %and3A_1082] : memref<64x8x128xf32, #tpu.memory_space<vmem>>[vector<16xi32>, vector<16xi32>, vector<16xi32>], vector<16xf32>,
    %swap3A_1084 = arith.constant 16 : index
    %swap3A_1085 = tpu.vector_load %arg7[%swap3A_1084] {strides = array<i32>} : memref<128xf32, #tpu.memory_space<vmem>>, vector<16xf32>,
    tpu.vector_store %arg7[%swap3A_1084], %gather3A_1083 {strides = array<i32>} : memref<128xf32, #tpu.memory_space<vmem>>, vector<16xf32>,
    %iota3A_1086 = tpu.iota {dimensions = array<i32: 0>} : vector<16xi32>
    %add3A_1087 = arith.constant 32 : i32
    %add3A_1088 = vector.broadcast %add3A_1087 : i32 to vector<16xi32>
    %add3A_1089 = arith.addi %add3A_1088, %iota3A_1086 : vector<16xi32>
    %iota3A_1090 = tpu.iota {dimensions = array<i32: 0>} : vector<16xi32>
    %and3A_1091 = arith.constant 7 : i32
    %and3A_1092 = vector.broadcast %and3A_1091 : i32 to vector<16xi32>
    %and3A_1093 = arith.andi %iota3A_1090, %and3A_1092 : vector<16xi32>
    %get3A_1094 = arith.constant 32 : index
    %get3A_1095 = tpu.vector_load %arg5[%get3A_1094] {strides = array<i32>} : memref<128xi32, #tpu.memory_space<vmem>>, vector<16xi32>,
    %and3A_1096 = arith.constant 127 : i32
    %and3A_1097 = vector.broadcast %and3A_1096 : i32 to vector<16xi32>
    %and3A_1098 = arith.andi %get3A_1095, %and3A_1097 : vector<16xi32>
    %gather3A_1099 = tpu.vector_load_idx %arg6[%add3A_1089, %and3A_1093, %and3A_1098] : memref<64x8x128xf32, #tpu.memory_space<vmem>>[vector<16xi32>, vector<16xi32>, vector<16xi32>], vector<16xf32>,
    %swap3A_1100 = arith.constant 32 : index
    %swap3A_1101 = tpu.vector_load %arg7[%swap3A_1100] {strides = array<i32>} : memref<128xf32, #tpu.memory_space<vmem>>, vector<16xf32>,
    tpu.vector_store %arg7[%swap3A_1100], %gather3A_1099 {strides = array<i32>} : memref<128xf32, #tpu.memory_space<vmem>>, vector<16xf32>,
    %iota3A_1102 = tpu.iota {dimensions = array<i32: 0>} : vector<16xi32>
    %add3A_1103 = arith.constant 48 : i32
    %add3A_1104 = vector.broadcast %add3A_1103 : i32 to vector<16xi32>
    %add3A_1105 = arith.addi %add3A_1104, %iota3A_1102 : vector<16xi32>
    %iota3A_1106 = tpu.iota {dimensions = array<i32: 0>} : vector<16xi32>
    %and3A_1107 = arith.constant 7 : i32
    %and3A_1108 = vector.broadcast %and3A_1107 : i32 to vector<16xi32>
    %and3A_1109 = arith.andi %iota3A_1106, %and3A_1108 : vector<16xi32>
    %get3A_1110 = arith.constant 48 : index
    %get3A_1111 = tpu.vector_load %arg5[%get3A_1110] {strides = array<i32>} : memref<128xi32, #tpu.memory_space<vmem>>, vector<16xi32>,
    %and3A_1112 = arith.constant 127 : i32
    %and3A_1113 = vector.broadcast %and3A_1112 : i32 to vector<16xi32>
    %and3A_1114 = arith.andi %get3A_1111, %and3A_1113 : vector<16xi32>
    %gather3A_1115 = tpu.vector_load_idx %arg6[%add3A_1105, %and3A_1109, %and3A_1114] : memref<64x8x128xf32, #tpu.memory_space<vmem>>[vector<16xi32>, vector<16xi32>, vector<16xi32>], vector<16xf32>,
    %swap3A_1116 = arith.constant 48 : index
    %swap3A_1117 = tpu.vector_load %arg7[%swap3A_1116] {strides = array<i32>} : memref<128xf32, #tpu.memory_space<vmem>>, vector<16xf32>,
    tpu.vector_store %arg7[%swap3A_1116], %gather3A_1115 {strides = array<i32>} : memref<128xf32, #tpu.memory_space<vmem>>, vector<16xf32>,
    %get3A_1118 = arith.constant 64 : index
    %get3A_1119 = tpu.vector_load %arg5[%get3A_1118] {strides = array<i32>} : memref<128xi32, #tpu.memory_space<vmem>>, vector<16xi32>,
    %shift_right_arithmetic3A_1120 = arith.constant 7 : i32
    %shift_right_arithmetic3A_1121 = vector.broadcast %shift_right_arithmetic3A_1120 : i32 to vector<16xi32>
    %shift_right_arithmetic3A_1122 = arith.shrsi %get3A_1119, %shift_right_arithmetic3A_1121 : vector<16xi32>
    %shift_left3A_1123 = arith.constant 7 : i32
    %shift_left3A_1124 = vector.broadcast %shift_left3A_1123 : i32 to vector<16xi32>
    %shift_left3A_1125 = arith.shli %shift_right_arithmetic3A_1122, %shift_left3A_1124 : vector<16xi32>
    %add3A_1126 = arith.constant 64 : i32
    %add3A_1127 = arith.addi %mul3A_2, %add3A_1126 : i32
    %slice3A_1128 = vector.extract_strided_slice %shift_left3A_1125 {offsets = [0], sizes = [1], strides = [1]} : vector<16xi32> to vector<1xi32>
    %squeeze3A_1129 = vector.extract %slice3A_1128[0] : i32 from vector<1xi32>
    %multiple_of3A_1130 = tpu.assume_multiple %squeeze3A_1129, 128 : i32
    %dma_start3A_1131 = arith.constant 0 : i32
    %dma_start3A_1132 = arith.constant 0 : i32
    %dma_start3A_1133 = arith.constant 0 : i32
    %dma_start3A_1134 = tpu.memref_slice %arg6[%dma_start3A_1131, %dma_start3A_1132, %dma_start3A_1133] : memref<64x8x128xf32, #tpu.memory_space<vmem>> -> memref<1x8x128xf32, #tpu.memory_space<vmem>>
    %dma_start3A_1135 = tpu.memref_squeeze %dma_start3A_1134 : memref<1x8x128xf32, #tpu.memory_space<vmem>> -> memref<8x128xf32, #tpu.memory_space<vmem>>
    %dma_start3A_1136 = tpu.memref_slice %arg2[%add3A_1127, %multiple_of3A_1130] : memref<4096x32000xf32, #tpu.memory_space<hbm>> -> memref<8x128xf32, #tpu.memory_space<hbm>>
    %dma_start3A_1137 = arith.constant 0 : i32
    %dma_start3A_1138 = arith.constant 0 : i32
    %dma_start3A_1139 = tpu.memref_slice %arg6[%dma_start3A_1131, %dma_start3A_1137, %dma_start3A_1138] : memref<64x8x128xf32, #tpu.memory_space<vmem>> -> memref<1x8x128xf32, #tpu.memory_space<vmem>>
    %dma_start3A_1140 = tpu.memref_squeeze %dma_start3A_1139 : memref<1x8x128xf32, #tpu.memory_space<vmem>> -> memref<8x128xf32, #tpu.memory_space<vmem>>
    %dma_start3A_1141 = tpu.memref_slice %arg2[%add3A_1127, %multiple_of3A_1130] : memref<4096x32000xf32, #tpu.memory_space<hbm>> -> memref<8x128xf32, #tpu.memory_space<hbm>>
    tpu.enqueue_dma source(%dma_start3A_1141 : memref<8x128xf32, #tpu.memory_space<hbm>>) target(%dma_start3A_1140 : memref<8x128xf32, #tpu.memory_space<vmem>>) target_semaphore(%arg8 : memref<!tpu.dma_semaphore, #tpu.memory_space<semaphore_mem>>)
    %add3A_1142 = arith.constant 64 : i32
    %add3A_1143 = arith.addi %mul3A_2, %add3A_1142 : i32
    %slice3A_1144 = vector.extract_strided_slice %shift_left3A_1125 {offsets = [1], sizes = [1], strides = [1]} : vector<16xi32> to vector<1xi32>
    %squeeze3A_1145 = vector.extract %slice3A_1144[0] : i32 from vector<1xi32>
    %multiple_of3A_1146 = tpu.assume_multiple %squeeze3A_1145, 128 : i32
    %dma_start3A_1147 = arith.constant 1 : i32
    %dma_start3A_1148 = arith.constant 0 : i32
    %dma_start3A_1149 = arith.constant 0 : i32
    %dma_start3A_1150 = tpu.memref_slice %arg6[%dma_start3A_1147, %dma_start3A_1148, %dma_start3A_1149] : memref<64x8x128xf32, #tpu.memory_space<vmem>> -> memref<1x8x128xf32, #tpu.memory_space<vmem>>
    %dma_start3A_1151 = tpu.memref_squeeze %dma_start3A_1150 : memref<1x8x128xf32, #tpu.memory_space<vmem>> -> memref<8x128xf32, #tpu.memory_space<vmem>>
    %dma_start3A_1152 = tpu.memref_slice %arg2[%add3A_1143, %multiple_of3A_1146] : memref<4096x32000xf32, #tpu.memory_space<hbm>> -> memref<8x128xf32, #tpu.memory_space<hbm>>
    %dma_start3A_1153 = arith.constant 0 : i32
    %dma_start3A_1154 = arith.constant 0 : i32
    %dma_start3A_1155 = tpu.memref_slice %arg6[%dma_start3A_1147, %dma_start3A_1153, %dma_start3A_1154] : memref<64x8x128xf32, #tpu.memory_space<vmem>> -> memref<1x8x128xf32, #tpu.memory_space<vmem>>
    %dma_start3A_1156 = tpu.memref_squeeze %dma_start3A_1155 : memref<1x8x128xf32, #tpu.memory_space<vmem>> -> memref<8x128xf32, #tpu.memory_space<vmem>>
    %dma_start3A_1157 = tpu.memref_slice %arg2[%add3A_1143, %multiple_of3A_1146] : memref<4096x32000xf32, #tpu.memory_space<hbm>> -> memref<8x128xf32, #tpu.memory_space<hbm>>
    tpu.enqueue_dma source(%dma_start3A_1157 : memref<8x128xf32, #tpu.memory_space<hbm>>) target(%dma_start3A_1156 : memref<8x128xf32, #tpu.memory_space<vmem>>) target_semaphore(%arg8 : memref<!tpu.dma_semaphore, #tpu.memory_space<semaphore_mem>>)
    %add3A_1158 = arith.constant 64 : i32
    %add3A_1159 = arith.addi %mul3A_2, %add3A_1158 : i32
    %slice3A_1160 = vector.extract_strided_slice %shift_left3A_1125 {offsets = [2], sizes = [1], strides = [1]} : vector<16xi32> to vector<1xi32>
    %squeeze3A_1161 = vector.extract %slice3A_1160[0] : i32 from vector<1xi32>
    %multiple_of3A_1162 = tpu.assume_multiple %squeeze3A_1161, 128 : i32
    %dma_start3A_1163 = arith.constant 2 : i32
    %dma_start3A_1164 = arith.constant 0 : i32
    %dma_start3A_1165 = arith.constant 0 : i32
    %dma_start3A_1166 = tpu.memref_slice %arg6[%dma_start3A_1163, %dma_start3A_1164, %dma_start3A_1165] : memref<64x8x128xf32, #tpu.memory_space<vmem>> -> memref<1x8x128xf32, #tpu.memory_space<vmem>>
    %dma_start3A_1167 = tpu.memref_squeeze %dma_start3A_1166 : memref<1x8x128xf32, #tpu.memory_space<vmem>> -> memref<8x128xf32, #tpu.memory_space<vmem>>
    %dma_start3A_1168 = tpu.memref_slice %arg2[%add3A_1159, %multiple_of3A_1162] : memref<4096x32000xf32, #tpu.memory_space<hbm>> -> memref<8x128xf32, #tpu.memory_space<hbm>>
    %dma_start3A_1169 = arith.constant 0 : i32
    %dma_start3A_1170 = arith.constant 0 : i32
    %dma_start3A_1171 = tpu.memref_slice %arg6[%dma_start3A_1163, %dma_start3A_1169, %dma_start3A_1170] : memref<64x8x128xf32, #tpu.memory_space<vmem>> -> memref<1x8x128xf32, #tpu.memory_space<vmem>>
    %dma_start3A_1172 = tpu.memref_squeeze %dma_start3A_1171 : memref<1x8x128xf32, #tpu.memory_space<vmem>> -> memref<8x128xf32, #tpu.memory_space<vmem>>
    %dma_start3A_1173 = tpu.memref_slice %arg2[%add3A_1159, %multiple_of3A_1162] : memref<4096x32000xf32, #tpu.memory_space<hbm>> -> memref<8x128xf32, #tpu.memory_space<hbm>>
    tpu.enqueue_dma source(%dma_start3A_1173 : memref<8x128xf32, #tpu.memory_space<hbm>>) target(%dma_start3A_1172 : memref<8x128xf32, #tpu.memory_space<vmem>>) target_semaphore(%arg8 : memref<!tpu.dma_semaphore, #tpu.memory_space<semaphore_mem>>)
    %add3A_1174 = arith.constant 64 : i32
    %add3A_1175 = arith.addi %mul3A_2, %add3A_1174 : i32
    %slice3A_1176 = vector.extract_strided_slice %shift_left3A_1125 {offsets = [3], sizes = [1], strides = [1]} : vector<16xi32> to vector<1xi32>
    %squeeze3A_1177 = vector.extract %slice3A_1176[0] : i32 from vector<1xi32>
    %multiple_of3A_1178 = tpu.assume_multiple %squeeze3A_1177, 128 : i32
    %dma_start3A_1179 = arith.constant 3 : i32
    %dma_start3A_1180 = arith.constant 0 : i32
    %dma_start3A_1181 = arith.constant 0 : i32
    %dma_start3A_1182 = tpu.memref_slice %arg6[%dma_start3A_1179, %dma_start3A_1180, %dma_start3A_1181] : memref<64x8x128xf32, #tpu.memory_space<vmem>> -> memref<1x8x128xf32, #tpu.memory_space<vmem>>
    %dma_start3A_1183 = tpu.memref_squeeze %dma_start3A_1182 : memref<1x8x128xf32, #tpu.memory_space<vmem>> -> memref<8x128xf32, #tpu.memory_space<vmem>>
    %dma_start3A_1184 = tpu.memref_slice %arg2[%add3A_1175, %multiple_of3A_1178] : memref<4096x32000xf32, #tpu.memory_space<hbm>> -> memref<8x128xf32, #tpu.memory_space<hbm>>
    %dma_start3A_1185 = arith.constant 0 : i32
    %dma_start3A_1186 = arith.constant 0 : i32
    %dma_start3A_1187 = tpu.memref_slice %arg6[%dma_start3A_1179, %dma_start3A_1185, %dma_start3A_1186] : memref<64x8x128xf32, #tpu.memory_space<vmem>> -> memref<1x8x128xf32, #tpu.memory_space<vmem>>
    %dma_start3A_1188 = tpu.memref_squeeze %dma_start3A_1187 : memref<1x8x128xf32, #tpu.memory_space<vmem>> -> memref<8x128xf32, #tpu.memory_space<vmem>>
    %dma_start3A_1189 = tpu.memref_slice %arg2[%add3A_1175, %multiple_of3A_1178] : memref<4096x32000xf32, #tpu.memory_space<hbm>> -> memref<8x128xf32, #tpu.memory_space<hbm>>
    tpu.enqueue_dma source(%dma_start3A_1189 : memref<8x128xf32, #tpu.memory_space<hbm>>) target(%dma_start3A_1188 : memref<8x128xf32, #tpu.memory_space<vmem>>) target_semaphore(%arg8 : memref<!tpu.dma_semaphore, #tpu.memory_space<semaphore_mem>>)
    %add3A_1190 = arith.constant 64 : i32
    %add3A_1191 = arith.addi %mul3A_2, %add3A_1190 : i32
    %slice3A_1192 = vector.extract_strided_slice %shift_left3A_1125 {offsets = [4], sizes = [1], strides = [1]} : vector<16xi32> to vector<1xi32>
    %squeeze3A_1193 = vector.extract %slice3A_1192[0] : i32 from vector<1xi32>
    %multiple_of3A_1194 = tpu.assume_multiple %squeeze3A_1193, 128 : i32
    %dma_start3A_1195 = arith.constant 4 : i32
    %dma_start3A_1196 = arith.constant 0 : i32
    %dma_start3A_1197 = arith.constant 0 : i32
    %dma_start3A_1198 = tpu.memref_slice %arg6[%dma_start3A_1195, %dma_start3A_1196, %dma_start3A_1197] : memref<64x8x128xf32, #tpu.memory_space<vmem>> -> memref<1x8x128xf32, #tpu.memory_space<vmem>>
    %dma_start3A_1199 = tpu.memref_squeeze %dma_start3A_1198 : memref<1x8x128xf32, #tpu.memory_space<vmem>> -> memref<8x128xf32, #tpu.memory_space<vmem>>
    %dma_start3A_1200 = tpu.memref_slice %arg2[%add3A_1191, %multiple_of3A_1194] : memref<4096x32000xf32, #tpu.memory_space<hbm>> -> memref<8x128xf32, #tpu.memory_space<hbm>>
    %dma_start3A_1201 = arith.constant 0 : i32
    %dma_start3A_1202 = arith.constant 0 : i32
    %dma_start3A_1203 = tpu.memref_slice %arg6[%dma_start3A_1195, %dma_start3A_1201, %dma_start3A_1202] : memref<64x8x128xf32, #tpu.memory_space<vmem>> -> memref<1x8x128xf32, #tpu.memory_space<vmem>>
    %dma_start3A_1204 = tpu.memref_squeeze %dma_start3A_1203 : memref<1x8x128xf32, #tpu.memory_space<vmem>> -> memref<8x128xf32, #tpu.memory_space<vmem>>
    %dma_start3A_1205 = tpu.memref_slice %arg2[%add3A_1191, %multiple_of3A_1194] : memref<4096x32000xf32, #tpu.memory_space<hbm>> -> memref<8x128xf32, #tpu.memory_space<hbm>>
    tpu.enqueue_dma source(%dma_start3A_1205 : memref<8x128xf32, #tpu.memory_space<hbm>>) target(%dma_start3A_1204 : memref<8x128xf32, #tpu.memory_space<vmem>>) target_semaphore(%arg8 : memref<!tpu.dma_semaphore, #tpu.memory_space<semaphore_mem>>)
    %add3A_1206 = arith.constant 64 : i32
    %add3A_1207 = arith.addi %mul3A_2, %add3A_1206 : i32
    %slice3A_1208 = vector.extract_strided_slice %shift_left3A_1125 {offsets = [5], sizes = [1], strides = [1]} : vector<16xi32> to vector<1xi32>
    %squeeze3A_1209 = vector.extract %slice3A_1208[0] : i32 from vector<1xi32>
    %multiple_of3A_1210 = tpu.assume_multiple %squeeze3A_1209, 128 : i32
    %dma_start3A_1211 = arith.constant 5 : i32
    %dma_start3A_1212 = arith.constant 0 : i32
    %dma_start3A_1213 = arith.constant 0 : i32
    %dma_start3A_1214 = tpu.memref_slice %arg6[%dma_start3A_1211, %dma_start3A_1212, %dma_start3A_1213] : memref<64x8x128xf32, #tpu.memory_space<vmem>> -> memref<1x8x128xf32, #tpu.memory_space<vmem>>
    %dma_start3A_1215 = tpu.memref_squeeze %dma_start3A_1214 : memref<1x8x128xf32, #tpu.memory_space<vmem>> -> memref<8x128xf32, #tpu.memory_space<vmem>>
    %dma_start3A_1216 = tpu.memref_slice %arg2[%add3A_1207, %multiple_of3A_1210] : memref<4096x32000xf32, #tpu.memory_space<hbm>> -> memref<8x128xf32, #tpu.memory_space<hbm>>
    %dma_start3A_1217 = arith.constant 0 : i32
    %dma_start3A_1218 = arith.constant 0 : i32
    %dma_start3A_1219 = tpu.memref_slice %arg6[%dma_start3A_1211, %dma_start3A_1217, %dma_start3A_1218] : memref<64x8x128xf32, #tpu.memory_space<vmem>> -> memref<1x8x128xf32, #tpu.memory_space<vmem>>
    %dma_start3A_1220 = tpu.memref_squeeze %dma_start3A_1219 : memref<1x8x128xf32, #tpu.memory_space<vmem>> -> memref<8x128xf32, #tpu.memory_space<vmem>>
    %dma_start3A_1221 = tpu.memref_slice %arg2[%add3A_1207, %multiple_of3A_1210] : memref<4096x32000xf32, #tpu.memory_space<hbm>> -> memref<8x128xf32, #tpu.memory_space<hbm>>
    tpu.enqueue_dma source(%dma_start3A_1221 : memref<8x128xf32, #tpu.memory_space<hbm>>) target(%dma_start3A_1220 : memref<8x128xf32, #tpu.memory_space<vmem>>) target_semaphore(%arg8 : memref<!tpu.dma_semaphore, #tpu.memory_space<semaphore_mem>>)
    %add3A_1222 = arith.constant 64 : i32
    %add3A_1223 = arith.addi %mul3A_2, %add3A_1222 : i32
    %slice3A_1224 = vector.extract_strided_slice %shift_left3A_1125 {offsets = [6], sizes = [1], strides = [1]} : vector<16xi32> to vector<1xi32>
    %squeeze3A_1225 = vector.extract %slice3A_1224[0] : i32 from vector<1xi32>
    %multiple_of3A_1226 = tpu.assume_multiple %squeeze3A_1225, 128 : i32
    %dma_start3A_1227 = arith.constant 6 : i32
    %dma_start3A_1228 = arith.constant 0 : i32
    %dma_start3A_1229 = arith.constant 0 : i32
    %dma_start3A_1230 = tpu.memref_slice %arg6[%dma_start3A_1227, %dma_start3A_1228, %dma_start3A_1229] : memref<64x8x128xf32, #tpu.memory_space<vmem>> -> memref<1x8x128xf32, #tpu.memory_space<vmem>>
    %dma_start3A_1231 = tpu.memref_squeeze %dma_start3A_1230 : memref<1x8x128xf32, #tpu.memory_space<vmem>> -> memref<8x128xf32, #tpu.memory_space<vmem>>
    %dma_start3A_1232 = tpu.memref_slice %arg2[%add3A_1223, %multiple_of3A_1226] : memref<4096x32000xf32, #tpu.memory_space<hbm>> -> memref<8x128xf32, #tpu.memory_space<hbm>>
    %dma_start3A_1233 = arith.constant 0 : i32
    %dma_start3A_1234 = arith.constant 0 : i32
    %dma_start3A_1235 = tpu.memref_slice %arg6[%dma_start3A_1227, %dma_start3A_1233, %dma_start3A_1234] : memref<64x8x128xf32, #tpu.memory_space<vmem>> -> memref<1x8x128xf32, #tpu.memory_space<vmem>>
    %dma_start3A_1236 = tpu.memref_squeeze %dma_start3A_1235 : memref<1x8x128xf32, #tpu.memory_space<vmem>> -> memref<8x128xf32, #tpu.memory_space<vmem>>
    %dma_start3A_1237 = tpu.memref_slice %arg2[%add3A_1223, %multiple_of3A_1226] : memref<4096x32000xf32, #tpu.memory_space<hbm>> -> memref<8x128xf32, #tpu.memory_space<hbm>>
    tpu.enqueue_dma source(%dma_start3A_1237 : memref<8x128xf32, #tpu.memory_space<hbm>>) target(%dma_start3A_1236 : memref<8x128xf32, #tpu.memory_space<vmem>>) target_semaphore(%arg8 : memref<!tpu.dma_semaphore, #tpu.memory_space<semaphore_mem>>)
    %add3A_1238 = arith.constant 64 : i32
    %add3A_1239 = arith.addi %mul3A_2, %add3A_1238 : i32
    %slice3A_1240 = vector.extract_strided_slice %shift_left3A_1125 {offsets = [7], sizes = [1], strides = [1]} : vector<16xi32> to vector<1xi32>
    %squeeze3A_1241 = vector.extract %slice3A_1240[0] : i32 from vector<1xi32>
    %multiple_of3A_1242 = tpu.assume_multiple %squeeze3A_1241, 128 : i32
    %dma_start3A_1243 = arith.constant 7 : i32
    %dma_start3A_1244 = arith.constant 0 : i32
    %dma_start3A_1245 = arith.constant 0 : i32
    %dma_start3A_1246 = tpu.memref_slice %arg6[%dma_start3A_1243, %dma_start3A_1244, %dma_start3A_1245] : memref<64x8x128xf32, #tpu.memory_space<vmem>> -> memref<1x8x128xf32, #tpu.memory_space<vmem>>
    %dma_start3A_1247 = tpu.memref_squeeze %dma_start3A_1246 : memref<1x8x128xf32, #tpu.memory_space<vmem>> -> memref<8x128xf32, #tpu.memory_space<vmem>>
    %dma_start3A_1248 = tpu.memref_slice %arg2[%add3A_1239, %multiple_of3A_1242] : memref<4096x32000xf32, #tpu.memory_space<hbm>> -> memref<8x128xf32, #tpu.memory_space<hbm>>
    %dma_start3A_1249 = arith.constant 0 : i32
    %dma_start3A_1250 = arith.constant 0 : i32
    %dma_start3A_1251 = tpu.memref_slice %arg6[%dma_start3A_1243, %dma_start3A_1249, %dma_start3A_1250] : memref<64x8x128xf32, #tpu.memory_space<vmem>> -> memref<1x8x128xf32, #tpu.memory_space<vmem>>
    %dma_start3A_1252 = tpu.memref_squeeze %dma_start3A_1251 : memref<1x8x128xf32, #tpu.memory_space<vmem>> -> memref<8x128xf32, #tpu.memory_space<vmem>>
    %dma_start3A_1253 = tpu.memref_slice %arg2[%add3A_1239, %multiple_of3A_1242] : memref<4096x32000xf32, #tpu.memory_space<hbm>> -> memref<8x128xf32, #tpu.memory_space<hbm>>
    tpu.enqueue_dma source(%dma_start3A_1253 : memref<8x128xf32, #tpu.memory_space<hbm>>) target(%dma_start3A_1252 : memref<8x128xf32, #tpu.memory_space<vmem>>) target_semaphore(%arg8 : memref<!tpu.dma_semaphore, #tpu.memory_space<semaphore_mem>>)
    %add3A_1254 = arith.constant 72 : i32
    %add3A_1255 = arith.addi %mul3A_2, %add3A_1254 : i32
    %slice3A_1256 = vector.extract_strided_slice %shift_left3A_1125 {offsets = [8], sizes = [1], strides = [1]} : vector<16xi32> to vector<1xi32>
    %squeeze3A_1257 = vector.extract %slice3A_1256[0] : i32 from vector<1xi32>
    %multiple_of3A_1258 = tpu.assume_multiple %squeeze3A_1257, 128 : i32
    %dma_start3A_1259 = arith.constant 8 : i32
    %dma_start3A_1260 = arith.constant 0 : i32
    %dma_start3A_1261 = arith.constant 0 : i32
    %dma_start3A_1262 = tpu.memref_slice %arg6[%dma_start3A_1259, %dma_start3A_1260, %dma_start3A_1261] : memref<64x8x128xf32, #tpu.memory_space<vmem>> -> memref<1x8x128xf32, #tpu.memory_space<vmem>>
    %dma_start3A_1263 = tpu.memref_squeeze %dma_start3A_1262 : memref<1x8x128xf32, #tpu.memory_space<vmem>> -> memref<8x128xf32, #tpu.memory_space<vmem>>
    %dma_start3A_1264 = tpu.memref_slice %arg2[%add3A_1255, %multiple_of3A_1258] : memref<4096x32000xf32, #tpu.memory_space<hbm>> -> memref<8x128xf32, #tpu.memory_space<hbm>>
    %dma_start3A_1265 = arith.constant 0 : i32
    %dma_start3A_1266 = arith.constant 0 : i32
    %dma_start3A_1267 = tpu.memref_slice %arg6[%dma_start3A_1259, %dma_start3A_1265, %dma_start3A_1266] : memref<64x8x128xf32, #tpu.memory_space<vmem>> -> memref<1x8x128xf32, #tpu.memory_space<vmem>>
    %dma_start3A_1268 = tpu.memref_squeeze %dma_start3A_1267 : memref<1x8x128xf32, #tpu.memory_space<vmem>> -> memref<8x128xf32, #tpu.memory_space<vmem>>
    %dma_start3A_1269 = tpu.memref_slice %arg2[%add3A_1255, %multiple_of3A_1258] : memref<4096x32000xf32, #tpu.memory_space<hbm>> -> memref<8x128xf32, #tpu.memory_space<hbm>>
    tpu.enqueue_dma source(%dma_start3A_1269 : memref<8x128xf32, #tpu.memory_space<hbm>>) target(%dma_start3A_1268 : memref<8x128xf32, #tpu.memory_space<vmem>>) target_semaphore(%arg8 : memref<!tpu.dma_semaphore, #tpu.memory_space<semaphore_mem>>)
    %add3A_1270 = arith.constant 72 : i32
    %add3A_1271 = arith.addi %mul3A_2, %add3A_1270 : i32
    %slice3A_1272 = vector.extract_strided_slice %shift_left3A_1125 {offsets = [9], sizes = [1], strides = [1]} : vector<16xi32> to vector<1xi32>
    %squeeze3A_1273 = vector.extract %slice3A_1272[0] : i32 from vector<1xi32>
    %multiple_of3A_1274 = tpu.assume_multiple %squeeze3A_1273, 128 : i32
    %dma_start3A_1275 = arith.constant 9 : i32
    %dma_start3A_1276 = arith.constant 0 : i32
    %dma_start3A_1277 = arith.constant 0 : i32
    %dma_start3A_1278 = tpu.memref_slice %arg6[%dma_start3A_1275, %dma_start3A_1276, %dma_start3A_1277] : memref<64x8x128xf32, #tpu.memory_space<vmem>> -> memref<1x8x128xf32, #tpu.memory_space<vmem>>
    %dma_start3A_1279 = tpu.memref_squeeze %dma_start3A_1278 : memref<1x8x128xf32, #tpu.memory_space<vmem>> -> memref<8x128xf32, #tpu.memory_space<vmem>>
    %dma_start3A_1280 = tpu.memref_slice %arg2[%add3A_1271, %multiple_of3A_1274] : memref<4096x32000xf32, #tpu.memory_space<hbm>> -> memref<8x128xf32, #tpu.memory_space<hbm>>
    %dma_start3A_1281 = arith.constant 0 : i32
    %dma_start3A_1282 = arith.constant 0 : i32
    %dma_start3A_1283 = tpu.memref_slice %arg6[%dma_start3A_1275, %dma_start3A_1281, %dma_start3A_1282] : memref<64x8x128xf32, #tpu.memory_space<vmem>> -> memref<1x8x128xf32, #tpu.memory_space<vmem>>
    %dma_start3A_1284 = tpu.memref_squeeze %dma_start3A_1283 : memref<1x8x128xf32, #tpu.memory_space<vmem>> -> memref<8x128xf32, #tpu.memory_space<vmem>>
    %dma_start3A_1285 = tpu.memref_slice %arg2[%add3A_1271, %multiple_of3A_1274] : memref<4096x32000xf32, #tpu.memory_space<hbm>> -> memref<8x128xf32, #tpu.memory_space<hbm>>
    tpu.enqueue_dma source(%dma_start3A_1285 : memref<8x128xf32, #tpu.memory_space<hbm>>) target(%dma_start3A_1284 : memref<8x128xf32, #tpu.memory_space<vmem>>) target_semaphore(%arg8 : memref<!tpu.dma_semaphore, #tpu.memory_space<semaphore_mem>>)
    %add3A_1286 = arith.constant 72 : i32
    %add3A_1287 = arith.addi %mul3A_2, %add3A_1286 : i32
    %slice3A_1288 = vector.extract_strided_slice %shift_left3A_1125 {offsets = [10], sizes = [1], strides = [1]} : vector<16xi32> to vector<1xi32>
    %squeeze3A_1289 = vector.extract %slice3A_1288[0] : i32 from vector<1xi32>
    %multiple_of3A_1290 = tpu.assume_multiple %squeeze3A_1289, 128 : i32
    %dma_start3A_1291 = arith.constant 10 : i32
    %dma_start3A_1292 = arith.constant 0 : i32
    %dma_start3A_1293 = arith.constant 0 : i32
    %dma_start3A_1294 = tpu.memref_slice %arg6[%dma_start3A_1291, %dma_start3A_1292, %dma_start3A_1293] : memref<64x8x128xf32, #tpu.memory_space<vmem>> -> memref<1x8x128xf32, #tpu.memory_space<vmem>>
    %dma_start3A_1295 = tpu.memref_squeeze %dma_start3A_1294 : memref<1x8x128xf32, #tpu.memory_space<vmem>> -> memref<8x128xf32, #tpu.memory_space<vmem>>
    %dma_start3A_1296 = tpu.memref_slice %arg2[%add3A_1287, %multiple_of3A_1290] : memref<4096x32000xf32, #tpu.memory_space<hbm>> -> memref<8x128xf32, #tpu.memory_space<hbm>>
    %dma_start3A_1297 = arith.constant 0 : i32
    %dma_start3A_1298 = arith.constant 0 : i32
    %dma_start3A_1299 = tpu.memref_slice %arg6[%dma_start3A_1291, %dma_start3A_1297, %dma_start3A_1298] : memref<64x8x128xf32, #tpu.memory_space<vmem>> -> memref<1x8x128xf32, #tpu.memory_space<vmem>>
    %dma_start3A_1300 = tpu.memref_squeeze %dma_start3A_1299 : memref<1x8x128xf32, #tpu.memory_space<vmem>> -> memref<8x128xf32, #tpu.memory_space<vmem>>
    %dma_start3A_1301 = tpu.memref_slice %arg2[%add3A_1287, %multiple_of3A_1290] : memref<4096x32000xf32, #tpu.memory_space<hbm>> -> memref<8x128xf32, #tpu.memory_space<hbm>>
    tpu.enqueue_dma source(%dma_start3A_1301 : memref<8x128xf32, #tpu.memory_space<hbm>>) target(%dma_start3A_1300 : memref<8x128xf32, #tpu.memory_space<vmem>>) target_semaphore(%arg8 : memref<!tpu.dma_semaphore, #tpu.memory_space<semaphore_mem>>)
    %add3A_1302 = arith.constant 72 : i32
    %add3A_1303 = arith.addi %mul3A_2, %add3A_1302 : i32
    %slice3A_1304 = vector.extract_strided_slice %shift_left3A_1125 {offsets = [11], sizes = [1], strides = [1]} : vector<16xi32> to vector<1xi32>
    %squeeze3A_1305 = vector.extract %slice3A_1304[0] : i32 from vector<1xi32>
    %multiple_of3A_1306 = tpu.assume_multiple %squeeze3A_1305, 128 : i32
    %dma_start3A_1307 = arith.constant 11 : i32
    %dma_start3A_1308 = arith.constant 0 : i32
    %dma_start3A_1309 = arith.constant 0 : i32
    %dma_start3A_1310 = tpu.memref_slice %arg6[%dma_start3A_1307, %dma_start3A_1308, %dma_start3A_1309] : memref<64x8x128xf32, #tpu.memory_space<vmem>> -> memref<1x8x128xf32, #tpu.memory_space<vmem>>
    %dma_start3A_1311 = tpu.memref_squeeze %dma_start3A_1310 : memref<1x8x128xf32, #tpu.memory_space<vmem>> -> memref<8x128xf32, #tpu.memory_space<vmem>>
    %dma_start3A_1312 = tpu.memref_slice %arg2[%add3A_1303, %multiple_of3A_1306] : memref<4096x32000xf32, #tpu.memory_space<hbm>> -> memref<8x128xf32, #tpu.memory_space<hbm>>
    %dma_start3A_1313 = arith.constant 0 : i32
    %dma_start3A_1314 = arith.constant 0 : i32
    %dma_start3A_1315 = tpu.memref_slice %arg6[%dma_start3A_1307, %dma_start3A_1313, %dma_start3A_1314] : memref<64x8x128xf32, #tpu.memory_space<vmem>> -> memref<1x8x128xf32, #tpu.memory_space<vmem>>
    %dma_start3A_1316 = tpu.memref_squeeze %dma_start3A_1315 : memref<1x8x128xf32, #tpu.memory_space<vmem>> -> memref<8x128xf32, #tpu.memory_space<vmem>>
    %dma_start3A_1317 = tpu.memref_slice %arg2[%add3A_1303, %multiple_of3A_1306] : memref<4096x32000xf32, #tpu.memory_space<hbm>> -> memref<8x128xf32, #tpu.memory_space<hbm>>
    tpu.enqueue_dma source(%dma_start3A_1317 : memref<8x128xf32, #tpu.memory_space<hbm>>) target(%dma_start3A_1316 : memref<8x128xf32, #tpu.memory_space<vmem>>) target_semaphore(%arg8 : memref<!tpu.dma_semaphore, #tpu.memory_space<semaphore_mem>>)
    %add3A_1318 = arith.constant 72 : i32
    %add3A_1319 = arith.addi %mul3A_2, %add3A_1318 : i32
    %slice3A_1320 = vector.extract_strided_slice %shift_left3A_1125 {offsets = [12], sizes = [1], strides = [1]} : vector<16xi32> to vector<1xi32>
    %squeeze3A_1321 = vector.extract %slice3A_1320[0] : i32 from vector<1xi32>
    %multiple_of3A_1322 = tpu.assume_multiple %squeeze3A_1321, 128 : i32
    %dma_start3A_1323 = arith.constant 12 : i32
    %dma_start3A_1324 = arith.constant 0 : i32
    %dma_start3A_1325 = arith.constant 0 : i32
    %dma_start3A_1326 = tpu.memref_slice %arg6[%dma_start3A_1323, %dma_start3A_1324, %dma_start3A_1325] : memref<64x8x128xf32, #tpu.memory_space<vmem>> -> memref<1x8x128xf32, #tpu.memory_space<vmem>>
    %dma_start3A_1327 = tpu.memref_squeeze %dma_start3A_1326 : memref<1x8x128xf32, #tpu.memory_space<vmem>> -> memref<8x128xf32, #tpu.memory_space<vmem>>
    %dma_start3A_1328 = tpu.memref_slice %arg2[%add3A_1319, %multiple_of3A_1322] : memref<4096x32000xf32, #tpu.memory_space<hbm>> -> memref<8x128xf32, #tpu.memory_space<hbm>>
    %dma_start3A_1329 = arith.constant 0 : i32
    %dma_start3A_1330 = arith.constant 0 : i32
    %dma_start3A_1331 = tpu.memref_slice %arg6[%dma_start3A_1323, %dma_start3A_1329, %dma_start3A_1330] : memref<64x8x128xf32, #tpu.memory_space<vmem>> -> memref<1x8x128xf32, #tpu.memory_space<vmem>>
    %dma_start3A_1332 = tpu.memref_squeeze %dma_start3A_1331 : memref<1x8x128xf32, #tpu.memory_space<vmem>> -> memref<8x128xf32, #tpu.memory_space<vmem>>
    %dma_start3A_1333 = tpu.memref_slice %arg2[%add3A_1319, %multiple_of3A_1322] : memref<4096x32000xf32, #tpu.memory_space<hbm>> -> memref<8x128xf32, #tpu.memory_space<hbm>>
    tpu.enqueue_dma source(%dma_start3A_1333 : memref<8x128xf32, #tpu.memory_space<hbm>>) target(%dma_start3A_1332 : memref<8x128xf32, #tpu.memory_space<vmem>>) target_semaphore(%arg8 : memref<!tpu.dma_semaphore, #tpu.memory_space<semaphore_mem>>)
    %add3A_1334 = arith.constant 72 : i32
    %add3A_1335 = arith.addi %mul3A_2, %add3A_1334 : i32
    %slice3A_1336 = vector.extract_strided_slice %shift_left3A_1125 {offsets = [13], sizes = [1], strides = [1]} : vector<16xi32> to vector<1xi32>
    %squeeze3A_1337 = vector.extract %slice3A_1336[0] : i32 from vector<1xi32>
    %multiple_of3A_1338 = tpu.assume_multiple %squeeze3A_1337, 128 : i32
    %dma_start3A_1339 = arith.constant 13 : i32
    %dma_start3A_1340 = arith.constant 0 : i32
    %dma_start3A_1341 = arith.constant 0 : i32
    %dma_start3A_1342 = tpu.memref_slice %arg6[%dma_start3A_1339, %dma_start3A_1340, %dma_start3A_1341] : memref<64x8x128xf32, #tpu.memory_space<vmem>> -> memref<1x8x128xf32, #tpu.memory_space<vmem>>
    %dma_start3A_1343 = tpu.memref_squeeze %dma_start3A_1342 : memref<1x8x128xf32, #tpu.memory_space<vmem>> -> memref<8x128xf32, #tpu.memory_space<vmem>>
    %dma_start3A_1344 = tpu.memref_slice %arg2[%add3A_1335, %multiple_of3A_1338] : memref<4096x32000xf32, #tpu.memory_space<hbm>> -> memref<8x128xf32, #tpu.memory_space<hbm>>
    %dma_start3A_1345 = arith.constant 0 : i32
    %dma_start3A_1346 = arith.constant 0 : i32
    %dma_start3A_1347 = tpu.memref_slice %arg6[%dma_start3A_1339, %dma_start3A_1345, %dma_start3A_1346] : memref<64x8x128xf32, #tpu.memory_space<vmem>> -> memref<1x8x128xf32, #tpu.memory_space<vmem>>
    %dma_start3A_1348 = tpu.memref_squeeze %dma_start3A_1347 : memref<1x8x128xf32, #tpu.memory_space<vmem>> -> memref<8x128xf32, #tpu.memory_space<vmem>>
    %dma_start3A_1349 = tpu.memref_slice %arg2[%add3A_1335, %multiple_of3A_1338] : memref<4096x32000xf32, #tpu.memory_space<hbm>> -> memref<8x128xf32, #tpu.memory_space<hbm>>
    tpu.enqueue_dma source(%dma_start3A_1349 : memref<8x128xf32, #tpu.memory_space<hbm>>) target(%dma_start3A_1348 : memref<8x128xf32, #tpu.memory_space<vmem>>) target_semaphore(%arg8 : memref<!tpu.dma_semaphore, #tpu.memory_space<semaphore_mem>>)
    %add3A_1350 = arith.constant 72 : i32
    %add3A_1351 = arith.addi %mul3A_2, %add3A_1350 : i32
    %slice3A_1352 = vector.extract_strided_slice %shift_left3A_1125 {offsets = [14], sizes = [1], strides = [1]} : vector<16xi32> to vector<1xi32>
    %squeeze3A_1353 = vector.extract %slice3A_1352[0] : i32 from vector<1xi32>
    %multiple_of3A_1354 = tpu.assume_multiple %squeeze3A_1353, 128 : i32
    %dma_start3A_1355 = arith.constant 14 : i32
    %dma_start3A_1356 = arith.constant 0 : i32
    %dma_start3A_1357 = arith.constant 0 : i32
    %dma_start3A_1358 = tpu.memref_slice %arg6[%dma_start3A_1355, %dma_start3A_1356, %dma_start3A_1357] : memref<64x8x128xf32, #tpu.memory_space<vmem>> -> memref<1x8x128xf32, #tpu.memory_space<vmem>>
    %dma_start3A_1359 = tpu.memref_squeeze %dma_start3A_1358 : memref<1x8x128xf32, #tpu.memory_space<vmem>> -> memref<8x128xf32, #tpu.memory_space<vmem>>
    %dma_start3A_1360 = tpu.memref_slice %arg2[%add3A_1351, %multiple_of3A_1354] : memref<4096x32000xf32, #tpu.memory_space<hbm>> -> memref<8x128xf32, #tpu.memory_space<hbm>>
    %dma_start3A_1361 = arith.constant 0 : i32
    %dma_start3A_1362 = arith.constant 0 : i32
    %dma_start3A_1363 = tpu.memref_slice %arg6[%dma_start3A_1355, %dma_start3A_1361, %dma_start3A_1362] : memref<64x8x128xf32, #tpu.memory_space<vmem>> -> memref<1x8x128xf32, #tpu.memory_space<vmem>>
    %dma_start3A_1364 = tpu.memref_squeeze %dma_start3A_1363 : memref<1x8x128xf32, #tpu.memory_space<vmem>> -> memref<8x128xf32, #tpu.memory_space<vmem>>
    %dma_start3A_1365 = tpu.memref_slice %arg2[%add3A_1351, %multiple_of3A_1354] : memref<4096x32000xf32, #tpu.memory_space<hbm>> -> memref<8x128xf32, #tpu.memory_space<hbm>>
    tpu.enqueue_dma source(%dma_start3A_1365 : memref<8x128xf32, #tpu.memory_space<hbm>>) target(%dma_start3A_1364 : memref<8x128xf32, #tpu.memory_space<vmem>>) target_semaphore(%arg8 : memref<!tpu.dma_semaphore, #tpu.memory_space<semaphore_mem>>)
    %add3A_1366 = arith.constant 72 : i32
    %add3A_1367 = arith.addi %mul3A_2, %add3A_1366 : i32
    %slice3A_1368 = vector.extract_strided_slice %shift_left3A_1125 {offsets = [15], sizes = [1], strides = [1]} : vector<16xi32> to vector<1xi32>
    %squeeze3A_1369 = vector.extract %slice3A_1368[0] : i32 from vector<1xi32>
    %multiple_of3A_1370 = tpu.assume_multiple %squeeze3A_1369, 128 : i32
    %dma_start3A_1371 = arith.constant 15 : i32
    %dma_start3A_1372 = arith.constant 0 : i32
    %dma_start3A_1373 = arith.constant 0 : i32
    %dma_start3A_1374 = tpu.memref_slice %arg6[%dma_start3A_1371, %dma_start3A_1372, %dma_start3A_1373] : memref<64x8x128xf32, #tpu.memory_space<vmem>> -> memref<1x8x128xf32, #tpu.memory_space<vmem>>
    %dma_start3A_1375 = tpu.memref_squeeze %dma_start3A_1374 : memref<1x8x128xf32, #tpu.memory_space<vmem>> -> memref<8x128xf32, #tpu.memory_space<vmem>>
    %dma_start3A_1376 = tpu.memref_slice %arg2[%add3A_1367, %multiple_of3A_1370] : memref<4096x32000xf32, #tpu.memory_space<hbm>> -> memref<8x128xf32, #tpu.memory_space<hbm>>
    %dma_start3A_1377 = arith.constant 0 : i32
    %dma_start3A_1378 = arith.constant 0 : i32
    %dma_start3A_1379 = tpu.memref_slice %arg6[%dma_start3A_1371, %dma_start3A_1377, %dma_start3A_1378] : memref<64x8x128xf32, #tpu.memory_space<vmem>> -> memref<1x8x128xf32, #tpu.memory_space<vmem>>
    %dma_start3A_1380 = tpu.memref_squeeze %dma_start3A_1379 : memref<1x8x128xf32, #tpu.memory_space<vmem>> -> memref<8x128xf32, #tpu.memory_space<vmem>>
    %dma_start3A_1381 = tpu.memref_slice %arg2[%add3A_1367, %multiple_of3A_1370] : memref<4096x32000xf32, #tpu.memory_space<hbm>> -> memref<8x128xf32, #tpu.memory_space<hbm>>
    tpu.enqueue_dma source(%dma_start3A_1381 : memref<8x128xf32, #tpu.memory_space<hbm>>) target(%dma_start3A_1380 : memref<8x128xf32, #tpu.memory_space<vmem>>) target_semaphore(%arg8 : memref<!tpu.dma_semaphore, #tpu.memory_space<semaphore_mem>>)
    %get3A_1382 = arith.constant 80 : index
    %get3A_1383 = tpu.vector_load %arg5[%get3A_1382] {strides = array<i32>} : memref<128xi32, #tpu.memory_space<vmem>>, vector<16xi32>,
    %shift_right_arithmetic3A_1384 = arith.constant 7 : i32
    %shift_right_arithmetic3A_1385 = vector.broadcast %shift_right_arithmetic3A_1384 : i32 to vector<16xi32>
    %shift_right_arithmetic3A_1386 = arith.shrsi %get3A_1383, %shift_right_arithmetic3A_1385 : vector<16xi32>
    %shift_left3A_1387 = arith.constant 7 : i32
    %shift_left3A_1388 = vector.broadcast %shift_left3A_1387 : i32 to vector<16xi32>
    %shift_left3A_1389 = arith.shli %shift_right_arithmetic3A_1386, %shift_left3A_1388 : vector<16xi32>
    %add3A_1390 = arith.constant 80 : i32
    %add3A_1391 = arith.addi %mul3A_2, %add3A_1390 : i32
    %slice3A_1392 = vector.extract_strided_slice %shift_left3A_1389 {offsets = [0], sizes = [1], strides = [1]} : vector<16xi32> to vector<1xi32>
    %squeeze3A_1393 = vector.extract %slice3A_1392[0] : i32 from vector<1xi32>
    %multiple_of3A_1394 = tpu.assume_multiple %squeeze3A_1393, 128 : i32
    %dma_start3A_1395 = arith.constant 16 : i32
    %dma_start3A_1396 = arith.constant 0 : i32
    %dma_start3A_1397 = arith.constant 0 : i32
    %dma_start3A_1398 = tpu.memref_slice %arg6[%dma_start3A_1395, %dma_start3A_1396, %dma_start3A_1397] : memref<64x8x128xf32, #tpu.memory_space<vmem>> -> memref<1x8x128xf32, #tpu.memory_space<vmem>>
    %dma_start3A_1399 = tpu.memref_squeeze %dma_start3A_1398 : memref<1x8x128xf32, #tpu.memory_space<vmem>> -> memref<8x128xf32, #tpu.memory_space<vmem>>
    %dma_start3A_1400 = tpu.memref_slice %arg2[%add3A_1391, %multiple_of3A_1394] : memref<4096x32000xf32, #tpu.memory_space<hbm>> -> memref<8x128xf32, #tpu.memory_space<hbm>>
    %dma_start3A_1401 = arith.constant 0 : i32
    %dma_start3A_1402 = arith.constant 0 : i32
    %dma_start3A_1403 = tpu.memref_slice %arg6[%dma_start3A_1395, %dma_start3A_1401, %dma_start3A_1402] : memref<64x8x128xf32, #tpu.memory_space<vmem>> -> memref<1x8x128xf32, #tpu.memory_space<vmem>>
    %dma_start3A_1404 = tpu.memref_squeeze %dma_start3A_1403 : memref<1x8x128xf32, #tpu.memory_space<vmem>> -> memref<8x128xf32, #tpu.memory_space<vmem>>
    %dma_start3A_1405 = tpu.memref_slice %arg2[%add3A_1391, %multiple_of3A_1394] : memref<4096x32000xf32, #tpu.memory_space<hbm>> -> memref<8x128xf32, #tpu.memory_space<hbm>>
    tpu.enqueue_dma source(%dma_start3A_1405 : memref<8x128xf32, #tpu.memory_space<hbm>>) target(%dma_start3A_1404 : memref<8x128xf32, #tpu.memory_space<vmem>>) target_semaphore(%arg8 : memref<!tpu.dma_semaphore, #tpu.memory_space<semaphore_mem>>)
    %add3A_1406 = arith.constant 80 : i32
    %add3A_1407 = arith.addi %mul3A_2, %add3A_1406 : i32
    %slice3A_1408 = vector.extract_strided_slice %shift_left3A_1389 {offsets = [1], sizes = [1], strides = [1]} : vector<16xi32> to vector<1xi32>
    %squeeze3A_1409 = vector.extract %slice3A_1408[0] : i32 from vector<1xi32>
    %multiple_of3A_1410 = tpu.assume_multiple %squeeze3A_1409, 128 : i32
    %dma_start3A_1411 = arith.constant 17 : i32
    %dma_start3A_1412 = arith.constant 0 : i32
    %dma_start3A_1413 = arith.constant 0 : i32
    %dma_start3A_1414 = tpu.memref_slice %arg6[%dma_start3A_1411, %dma_start3A_1412, %dma_start3A_1413] : memref<64x8x128xf32, #tpu.memory_space<vmem>> -> memref<1x8x128xf32, #tpu.memory_space<vmem>>
    %dma_start3A_1415 = tpu.memref_squeeze %dma_start3A_1414 : memref<1x8x128xf32, #tpu.memory_space<vmem>> -> memref<8x128xf32, #tpu.memory_space<vmem>>
    %dma_start3A_1416 = tpu.memref_slice %arg2[%add3A_1407, %multiple_of3A_1410] : memref<4096x32000xf32, #tpu.memory_space<hbm>> -> memref<8x128xf32, #tpu.memory_space<hbm>>
    %dma_start3A_1417 = arith.constant 0 : i32
    %dma_start3A_1418 = arith.constant 0 : i32
    %dma_start3A_1419 = tpu.memref_slice %arg6[%dma_start3A_1411, %dma_start3A_1417, %dma_start3A_1418] : memref<64x8x128xf32, #tpu.memory_space<vmem>> -> memref<1x8x128xf32, #tpu.memory_space<vmem>>
    %dma_start3A_1420 = tpu.memref_squeeze %dma_start3A_1419 : memref<1x8x128xf32, #tpu.memory_space<vmem>> -> memref<8x128xf32, #tpu.memory_space<vmem>>
    %dma_start3A_1421 = tpu.memref_slice %arg2[%add3A_1407, %multiple_of3A_1410] : memref<4096x32000xf32, #tpu.memory_space<hbm>> -> memref<8x128xf32, #tpu.memory_space<hbm>>
    tpu.enqueue_dma source(%dma_start3A_1421 : memref<8x128xf32, #tpu.memory_space<hbm>>) target(%dma_start3A_1420 : memref<8x128xf32, #tpu.memory_space<vmem>>) target_semaphore(%arg8 : memref<!tpu.dma_semaphore, #tpu.memory_space<semaphore_mem>>)
    %add3A_1422 = arith.constant 80 : i32
    %add3A_1423 = arith.addi %mul3A_2, %add3A_1422 : i32
    %slice3A_1424 = vector.extract_strided_slice %shift_left3A_1389 {offsets = [2], sizes = [1], strides = [1]} : vector<16xi32> to vector<1xi32>
    %squeeze3A_1425 = vector.extract %slice3A_1424[0] : i32 from vector<1xi32>
    %multiple_of3A_1426 = tpu.assume_multiple %squeeze3A_1425, 128 : i32
    %dma_start3A_1427 = arith.constant 18 : i32
    %dma_start3A_1428 = arith.constant 0 : i32
    %dma_start3A_1429 = arith.constant 0 : i32
    %dma_start3A_1430 = tpu.memref_slice %arg6[%dma_start3A_1427, %dma_start3A_1428, %dma_start3A_1429] : memref<64x8x128xf32, #tpu.memory_space<vmem>> -> memref<1x8x128xf32, #tpu.memory_space<vmem>>
    %dma_start3A_1431 = tpu.memref_squeeze %dma_start3A_1430 : memref<1x8x128xf32, #tpu.memory_space<vmem>> -> memref<8x128xf32, #tpu.memory_space<vmem>>
    %dma_start3A_1432 = tpu.memref_slice %arg2[%add3A_1423, %multiple_of3A_1426] : memref<4096x32000xf32, #tpu.memory_space<hbm>> -> memref<8x128xf32, #tpu.memory_space<hbm>>
    %dma_start3A_1433 = arith.constant 0 : i32
    %dma_start3A_1434 = arith.constant 0 : i32
    %dma_start3A_1435 = tpu.memref_slice %arg6[%dma_start3A_1427, %dma_start3A_1433, %dma_start3A_1434] : memref<64x8x128xf32, #tpu.memory_space<vmem>> -> memref<1x8x128xf32, #tpu.memory_space<vmem>>
    %dma_start3A_1436 = tpu.memref_squeeze %dma_start3A_1435 : memref<1x8x128xf32, #tpu.memory_space<vmem>> -> memref<8x128xf32, #tpu.memory_space<vmem>>
    %dma_start3A_1437 = tpu.memref_slice %arg2[%add3A_1423, %multiple_of3A_1426] : memref<4096x32000xf32, #tpu.memory_space<hbm>> -> memref<8x128xf32, #tpu.memory_space<hbm>>
    tpu.enqueue_dma source(%dma_start3A_1437 : memref<8x128xf32, #tpu.memory_space<hbm>>) target(%dma_start3A_1436 : memref<8x128xf32, #tpu.memory_space<vmem>>) target_semaphore(%arg8 : memref<!tpu.dma_semaphore, #tpu.memory_space<semaphore_mem>>)
    %add3A_1438 = arith.constant 80 : i32
    %add3A_1439 = arith.addi %mul3A_2, %add3A_1438 : i32
    %slice3A_1440 = vector.extract_strided_slice %shift_left3A_1389 {offsets = [3], sizes = [1], strides = [1]} : vector<16xi32> to vector<1xi32>
    %squeeze3A_1441 = vector.extract %slice3A_1440[0] : i32 from vector<1xi32>
    %multiple_of3A_1442 = tpu.assume_multiple %squeeze3A_1441, 128 : i32
    %dma_start3A_1443 = arith.constant 19 : i32
    %dma_start3A_1444 = arith.constant 0 : i32
    %dma_start3A_1445 = arith.constant 0 : i32
    %dma_start3A_1446 = tpu.memref_slice %arg6[%dma_start3A_1443, %dma_start3A_1444, %dma_start3A_1445] : memref<64x8x128xf32, #tpu.memory_space<vmem>> -> memref<1x8x128xf32, #tpu.memory_space<vmem>>
    %dma_start3A_1447 = tpu.memref_squeeze %dma_start3A_1446 : memref<1x8x128xf32, #tpu.memory_space<vmem>> -> memref<8x128xf32, #tpu.memory_space<vmem>>
    %dma_start3A_1448 = tpu.memref_slice %arg2[%add3A_1439, %multiple_of3A_1442] : memref<4096x32000xf32, #tpu.memory_space<hbm>> -> memref<8x128xf32, #tpu.memory_space<hbm>>
    %dma_start3A_1449 = arith.constant 0 : i32
    %dma_start3A_1450 = arith.constant 0 : i32
    %dma_start3A_1451 = tpu.memref_slice %arg6[%dma_start3A_1443, %dma_start3A_1449, %dma_start3A_1450] : memref<64x8x128xf32, #tpu.memory_space<vmem>> -> memref<1x8x128xf32, #tpu.memory_space<vmem>>
    %dma_start3A_1452 = tpu.memref_squeeze %dma_start3A_1451 : memref<1x8x128xf32, #tpu.memory_space<vmem>> -> memref<8x128xf32, #tpu.memory_space<vmem>>
    %dma_start3A_1453 = tpu.memref_slice %arg2[%add3A_1439, %multiple_of3A_1442] : memref<4096x32000xf32, #tpu.memory_space<hbm>> -> memref<8x128xf32, #tpu.memory_space<hbm>>
    tpu.enqueue_dma source(%dma_start3A_1453 : memref<8x128xf32, #tpu.memory_space<hbm>>) target(%dma_start3A_1452 : memref<8x128xf32, #tpu.memory_space<vmem>>) target_semaphore(%arg8 : memref<!tpu.dma_semaphore, #tpu.memory_space<semaphore_mem>>)
    %add3A_1454 = arith.constant 80 : i32
    %add3A_1455 = arith.addi %mul3A_2, %add3A_1454 : i32
    %slice3A_1456 = vector.extract_strided_slice %shift_left3A_1389 {offsets = [4], sizes = [1], strides = [1]} : vector<16xi32> to vector<1xi32>
    %squeeze3A_1457 = vector.extract %slice3A_1456[0] : i32 from vector<1xi32>
    %multiple_of3A_1458 = tpu.assume_multiple %squeeze3A_1457, 128 : i32
    %dma_start3A_1459 = arith.constant 20 : i32
    %dma_start3A_1460 = arith.constant 0 : i32
    %dma_start3A_1461 = arith.constant 0 : i32
    %dma_start3A_1462 = tpu.memref_slice %arg6[%dma_start3A_1459, %dma_start3A_1460, %dma_start3A_1461] : memref<64x8x128xf32, #tpu.memory_space<vmem>> -> memref<1x8x128xf32, #tpu.memory_space<vmem>>
    %dma_start3A_1463 = tpu.memref_squeeze %dma_start3A_1462 : memref<1x8x128xf32, #tpu.memory_space<vmem>> -> memref<8x128xf32, #tpu.memory_space<vmem>>
    %dma_start3A_1464 = tpu.memref_slice %arg2[%add3A_1455, %multiple_of3A_1458] : memref<4096x32000xf32, #tpu.memory_space<hbm>> -> memref<8x128xf32, #tpu.memory_space<hbm>>
    %dma_start3A_1465 = arith.constant 0 : i32
    %dma_start3A_1466 = arith.constant 0 : i32
    %dma_start3A_1467 = tpu.memref_slice %arg6[%dma_start3A_1459, %dma_start3A_1465, %dma_start3A_1466] : memref<64x8x128xf32, #tpu.memory_space<vmem>> -> memref<1x8x128xf32, #tpu.memory_space<vmem>>
    %dma_start3A_1468 = tpu.memref_squeeze %dma_start3A_1467 : memref<1x8x128xf32, #tpu.memory_space<vmem>> -> memref<8x128xf32, #tpu.memory_space<vmem>>
    %dma_start3A_1469 = tpu.memref_slice %arg2[%add3A_1455, %multiple_of3A_1458] : memref<4096x32000xf32, #tpu.memory_space<hbm>> -> memref<8x128xf32, #tpu.memory_space<hbm>>
    tpu.enqueue_dma source(%dma_start3A_1469 : memref<8x128xf32, #tpu.memory_space<hbm>>) target(%dma_start3A_1468 : memref<8x128xf32, #tpu.memory_space<vmem>>) target_semaphore(%arg8 : memref<!tpu.dma_semaphore, #tpu.memory_space<semaphore_mem>>)
    %add3A_1470 = arith.constant 80 : i32
    %add3A_1471 = arith.addi %mul3A_2, %add3A_1470 : i32
    %slice3A_1472 = vector.extract_strided_slice %shift_left3A_1389 {offsets = [5], sizes = [1], strides = [1]} : vector<16xi32> to vector<1xi32>
    %squeeze3A_1473 = vector.extract %slice3A_1472[0] : i32 from vector<1xi32>
    %multiple_of3A_1474 = tpu.assume_multiple %squeeze3A_1473, 128 : i32
    %dma_start3A_1475 = arith.constant 21 : i32
    %dma_start3A_1476 = arith.constant 0 : i32
    %dma_start3A_1477 = arith.constant 0 : i32
    %dma_start3A_1478 = tpu.memref_slice %arg6[%dma_start3A_1475, %dma_start3A_1476, %dma_start3A_1477] : memref<64x8x128xf32, #tpu.memory_space<vmem>> -> memref<1x8x128xf32, #tpu.memory_space<vmem>>
    %dma_start3A_1479 = tpu.memref_squeeze %dma_start3A_1478 : memref<1x8x128xf32, #tpu.memory_space<vmem>> -> memref<8x128xf32, #tpu.memory_space<vmem>>
    %dma_start3A_1480 = tpu.memref_slice %arg2[%add3A_1471, %multiple_of3A_1474] : memref<4096x32000xf32, #tpu.memory_space<hbm>> -> memref<8x128xf32, #tpu.memory_space<hbm>>
    %dma_start3A_1481 = arith.constant 0 : i32
    %dma_start3A_1482 = arith.constant 0 : i32
    %dma_start3A_1483 = tpu.memref_slice %arg6[%dma_start3A_1475, %dma_start3A_1481, %dma_start3A_1482] : memref<64x8x128xf32, #tpu.memory_space<vmem>> -> memref<1x8x128xf32, #tpu.memory_space<vmem>>
    %dma_start3A_1484 = tpu.memref_squeeze %dma_start3A_1483 : memref<1x8x128xf32, #tpu.memory_space<vmem>> -> memref<8x128xf32, #tpu.memory_space<vmem>>
    %dma_start3A_1485 = tpu.memref_slice %arg2[%add3A_1471, %multiple_of3A_1474] : memref<4096x32000xf32, #tpu.memory_space<hbm>> -> memref<8x128xf32, #tpu.memory_space<hbm>>
    tpu.enqueue_dma source(%dma_start3A_1485 : memref<8x128xf32, #tpu.memory_space<hbm>>) target(%dma_start3A_1484 : memref<8x128xf32, #tpu.memory_space<vmem>>) target_semaphore(%arg8 : memref<!tpu.dma_semaphore, #tpu.memory_space<semaphore_mem>>)
    %add3A_1486 = arith.constant 80 : i32
    %add3A_1487 = arith.addi %mul3A_2, %add3A_1486 : i32
    %slice3A_1488 = vector.extract_strided_slice %shift_left3A_1389 {offsets = [6], sizes = [1], strides = [1]} : vector<16xi32> to vector<1xi32>
    %squeeze3A_1489 = vector.extract %slice3A_1488[0] : i32 from vector<1xi32>
    %multiple_of3A_1490 = tpu.assume_multiple %squeeze3A_1489, 128 : i32
    %dma_start3A_1491 = arith.constant 22 : i32
    %dma_start3A_1492 = arith.constant 0 : i32
    %dma_start3A_1493 = arith.constant 0 : i32
    %dma_start3A_1494 = tpu.memref_slice %arg6[%dma_start3A_1491, %dma_start3A_1492, %dma_start3A_1493] : memref<64x8x128xf32, #tpu.memory_space<vmem>> -> memref<1x8x128xf32, #tpu.memory_space<vmem>>
    %dma_start3A_1495 = tpu.memref_squeeze %dma_start3A_1494 : memref<1x8x128xf32, #tpu.memory_space<vmem>> -> memref<8x128xf32, #tpu.memory_space<vmem>>
    %dma_start3A_1496 = tpu.memref_slice %arg2[%add3A_1487, %multiple_of3A_1490] : memref<4096x32000xf32, #tpu.memory_space<hbm>> -> memref<8x128xf32, #tpu.memory_space<hbm>>
    %dma_start3A_1497 = arith.constant 0 : i32
    %dma_start3A_1498 = arith.constant 0 : i32
    %dma_start3A_1499 = tpu.memref_slice %arg6[%dma_start3A_1491, %dma_start3A_1497, %dma_start3A_1498] : memref<64x8x128xf32, #tpu.memory_space<vmem>> -> memref<1x8x128xf32, #tpu.memory_space<vmem>>
    %dma_start3A_1500 = tpu.memref_squeeze %dma_start3A_1499 : memref<1x8x128xf32, #tpu.memory_space<vmem>> -> memref<8x128xf32, #tpu.memory_space<vmem>>
    %dma_start3A_1501 = tpu.memref_slice %arg2[%add3A_1487, %multiple_of3A_1490] : memref<4096x32000xf32, #tpu.memory_space<hbm>> -> memref<8x128xf32, #tpu.memory_space<hbm>>
    tpu.enqueue_dma source(%dma_start3A_1501 : memref<8x128xf32, #tpu.memory_space<hbm>>) target(%dma_start3A_1500 : memref<8x128xf32, #tpu.memory_space<vmem>>) target_semaphore(%arg8 : memref<!tpu.dma_semaphore, #tpu.memory_space<semaphore_mem>>)
    %add3A_1502 = arith.constant 80 : i32
    %add3A_1503 = arith.addi %mul3A_2, %add3A_1502 : i32
    %slice3A_1504 = vector.extract_strided_slice %shift_left3A_1389 {offsets = [7], sizes = [1], strides = [1]} : vector<16xi32> to vector<1xi32>
    %squeeze3A_1505 = vector.extract %slice3A_1504[0] : i32 from vector<1xi32>
    %multiple_of3A_1506 = tpu.assume_multiple %squeeze3A_1505, 128 : i32
    %dma_start3A_1507 = arith.constant 23 : i32
    %dma_start3A_1508 = arith.constant 0 : i32
    %dma_start3A_1509 = arith.constant 0 : i32
    %dma_start3A_1510 = tpu.memref_slice %arg6[%dma_start3A_1507, %dma_start3A_1508, %dma_start3A_1509] : memref<64x8x128xf32, #tpu.memory_space<vmem>> -> memref<1x8x128xf32, #tpu.memory_space<vmem>>
    %dma_start3A_1511 = tpu.memref_squeeze %dma_start3A_1510 : memref<1x8x128xf32, #tpu.memory_space<vmem>> -> memref<8x128xf32, #tpu.memory_space<vmem>>
    %dma_start3A_1512 = tpu.memref_slice %arg2[%add3A_1503, %multiple_of3A_1506] : memref<4096x32000xf32, #tpu.memory_space<hbm>> -> memref<8x128xf32, #tpu.memory_space<hbm>>
    %dma_start3A_1513 = arith.constant 0 : i32
    %dma_start3A_1514 = arith.constant 0 : i32
    %dma_start3A_1515 = tpu.memref_slice %arg6[%dma_start3A_1507, %dma_start3A_1513, %dma_start3A_1514] : memref<64x8x128xf32, #tpu.memory_space<vmem>> -> memref<1x8x128xf32, #tpu.memory_space<vmem>>
    %dma_start3A_1516 = tpu.memref_squeeze %dma_start3A_1515 : memref<1x8x128xf32, #tpu.memory_space<vmem>> -> memref<8x128xf32, #tpu.memory_space<vmem>>
    %dma_start3A_1517 = tpu.memref_slice %arg2[%add3A_1503, %multiple_of3A_1506] : memref<4096x32000xf32, #tpu.memory_space<hbm>> -> memref<8x128xf32, #tpu.memory_space<hbm>>
    tpu.enqueue_dma source(%dma_start3A_1517 : memref<8x128xf32, #tpu.memory_space<hbm>>) target(%dma_start3A_1516 : memref<8x128xf32, #tpu.memory_space<vmem>>) target_semaphore(%arg8 : memref<!tpu.dma_semaphore, #tpu.memory_space<semaphore_mem>>)
    %add3A_1518 = arith.constant 88 : i32
    %add3A_1519 = arith.addi %mul3A_2, %add3A_1518 : i32
    %slice3A_1520 = vector.extract_strided_slice %shift_left3A_1389 {offsets = [8], sizes = [1], strides = [1]} : vector<16xi32> to vector<1xi32>
    %squeeze3A_1521 = vector.extract %slice3A_1520[0] : i32 from vector<1xi32>
    %multiple_of3A_1522 = tpu.assume_multiple %squeeze3A_1521, 128 : i32
    %dma_start3A_1523 = arith.constant 24 : i32
    %dma_start3A_1524 = arith.constant 0 : i32
    %dma_start3A_1525 = arith.constant 0 : i32
    %dma_start3A_1526 = tpu.memref_slice %arg6[%dma_start3A_1523, %dma_start3A_1524, %dma_start3A_1525] : memref<64x8x128xf32, #tpu.memory_space<vmem>> -> memref<1x8x128xf32, #tpu.memory_space<vmem>>
    %dma_start3A_1527 = tpu.memref_squeeze %dma_start3A_1526 : memref<1x8x128xf32, #tpu.memory_space<vmem>> -> memref<8x128xf32, #tpu.memory_space<vmem>>
    %dma_start3A_1528 = tpu.memref_slice %arg2[%add3A_1519, %multiple_of3A_1522] : memref<4096x32000xf32, #tpu.memory_space<hbm>> -> memref<8x128xf32, #tpu.memory_space<hbm>>
    %dma_start3A_1529 = arith.constant 0 : i32
    %dma_start3A_1530 = arith.constant 0 : i32
    %dma_start3A_1531 = tpu.memref_slice %arg6[%dma_start3A_1523, %dma_start3A_1529, %dma_start3A_1530] : memref<64x8x128xf32, #tpu.memory_space<vmem>> -> memref<1x8x128xf32, #tpu.memory_space<vmem>>
    %dma_start3A_1532 = tpu.memref_squeeze %dma_start3A_1531 : memref<1x8x128xf32, #tpu.memory_space<vmem>> -> memref<8x128xf32, #tpu.memory_space<vmem>>
    %dma_start3A_1533 = tpu.memref_slice %arg2[%add3A_1519, %multiple_of3A_1522] : memref<4096x32000xf32, #tpu.memory_space<hbm>> -> memref<8x128xf32, #tpu.memory_space<hbm>>
    tpu.enqueue_dma source(%dma_start3A_1533 : memref<8x128xf32, #tpu.memory_space<hbm>>) target(%dma_start3A_1532 : memref<8x128xf32, #tpu.memory_space<vmem>>) target_semaphore(%arg8 : memref<!tpu.dma_semaphore, #tpu.memory_space<semaphore_mem>>)
    %add3A_1534 = arith.constant 88 : i32
    %add3A_1535 = arith.addi %mul3A_2, %add3A_1534 : i32
    %slice3A_1536 = vector.extract_strided_slice %shift_left3A_1389 {offsets = [9], sizes = [1], strides = [1]} : vector<16xi32> to vector<1xi32>
    %squeeze3A_1537 = vector.extract %slice3A_1536[0] : i32 from vector<1xi32>
    %multiple_of3A_1538 = tpu.assume_multiple %squeeze3A_1537, 128 : i32
    %dma_start3A_1539 = arith.constant 25 : i32
    %dma_start3A_1540 = arith.constant 0 : i32
    %dma_start3A_1541 = arith.constant 0 : i32
    %dma_start3A_1542 = tpu.memref_slice %arg6[%dma_start3A_1539, %dma_start3A_1540, %dma_start3A_1541] : memref<64x8x128xf32, #tpu.memory_space<vmem>> -> memref<1x8x128xf32, #tpu.memory_space<vmem>>
    %dma_start3A_1543 = tpu.memref_squeeze %dma_start3A_1542 : memref<1x8x128xf32, #tpu.memory_space<vmem>> -> memref<8x128xf32, #tpu.memory_space<vmem>>
    %dma_start3A_1544 = tpu.memref_slice %arg2[%add3A_1535, %multiple_of3A_1538] : memref<4096x32000xf32, #tpu.memory_space<hbm>> -> memref<8x128xf32, #tpu.memory_space<hbm>>
    %dma_start3A_1545 = arith.constant 0 : i32
    %dma_start3A_1546 = arith.constant 0 : i32
    %dma_start3A_1547 = tpu.memref_slice %arg6[%dma_start3A_1539, %dma_start3A_1545, %dma_start3A_1546] : memref<64x8x128xf32, #tpu.memory_space<vmem>> -> memref<1x8x128xf32, #tpu.memory_space<vmem>>
    %dma_start3A_1548 = tpu.memref_squeeze %dma_start3A_1547 : memref<1x8x128xf32, #tpu.memory_space<vmem>> -> memref<8x128xf32, #tpu.memory_space<vmem>>
    %dma_start3A_1549 = tpu.memref_slice %arg2[%add3A_1535, %multiple_of3A_1538] : memref<4096x32000xf32, #tpu.memory_space<hbm>> -> memref<8x128xf32, #tpu.memory_space<hbm>>
    tpu.enqueue_dma source(%dma_start3A_1549 : memref<8x128xf32, #tpu.memory_space<hbm>>) target(%dma_start3A_1548 : memref<8x128xf32, #tpu.memory_space<vmem>>) target_semaphore(%arg8 : memref<!tpu.dma_semaphore, #tpu.memory_space<semaphore_mem>>)
    %add3A_1550 = arith.constant 88 : i32
    %add3A_1551 = arith.addi %mul3A_2, %add3A_1550 : i32
    %slice3A_1552 = vector.extract_strided_slice %shift_left3A_1389 {offsets = [10], sizes = [1], strides = [1]} : vector<16xi32> to vector<1xi32>
    %squeeze3A_1553 = vector.extract %slice3A_1552[0] : i32 from vector<1xi32>
    %multiple_of3A_1554 = tpu.assume_multiple %squeeze3A_1553, 128 : i32
    %dma_start3A_1555 = arith.constant 26 : i32
    %dma_start3A_1556 = arith.constant 0 : i32
    %dma_start3A_1557 = arith.constant 0 : i32
    %dma_start3A_1558 = tpu.memref_slice %arg6[%dma_start3A_1555, %dma_start3A_1556, %dma_start3A_1557] : memref<64x8x128xf32, #tpu.memory_space<vmem>> -> memref<1x8x128xf32, #tpu.memory_space<vmem>>
    %dma_start3A_1559 = tpu.memref_squeeze %dma_start3A_1558 : memref<1x8x128xf32, #tpu.memory_space<vmem>> -> memref<8x128xf32, #tpu.memory_space<vmem>>
    %dma_start3A_1560 = tpu.memref_slice %arg2[%add3A_1551, %multiple_of3A_1554] : memref<4096x32000xf32, #tpu.memory_space<hbm>> -> memref<8x128xf32, #tpu.memory_space<hbm>>
    %dma_start3A_1561 = arith.constant 0 : i32
    %dma_start3A_1562 = arith.constant 0 : i32
    %dma_start3A_1563 = tpu.memref_slice %arg6[%dma_start3A_1555, %dma_start3A_1561, %dma_start3A_1562] : memref<64x8x128xf32, #tpu.memory_space<vmem>> -> memref<1x8x128xf32, #tpu.memory_space<vmem>>
    %dma_start3A_1564 = tpu.memref_squeeze %dma_start3A_1563 : memref<1x8x128xf32, #tpu.memory_space<vmem>> -> memref<8x128xf32, #tpu.memory_space<vmem>>
    %dma_start3A_1565 = tpu.memref_slice %arg2[%add3A_1551, %multiple_of3A_1554] : memref<4096x32000xf32, #tpu.memory_space<hbm>> -> memref<8x128xf32, #tpu.memory_space<hbm>>
    tpu.enqueue_dma source(%dma_start3A_1565 : memref<8x128xf32, #tpu.memory_space<hbm>>) target(%dma_start3A_1564 : memref<8x128xf32, #tpu.memory_space<vmem>>) target_semaphore(%arg8 : memref<!tpu.dma_semaphore, #tpu.memory_space<semaphore_mem>>)
    %add3A_1566 = arith.constant 88 : i32
    %add3A_1567 = arith.addi %mul3A_2, %add3A_1566 : i32
    %slice3A_1568 = vector.extract_strided_slice %shift_left3A_1389 {offsets = [11], sizes = [1], strides = [1]} : vector<16xi32> to vector<1xi32>
    %squeeze3A_1569 = vector.extract %slice3A_1568[0] : i32 from vector<1xi32>
    %multiple_of3A_1570 = tpu.assume_multiple %squeeze3A_1569, 128 : i32
    %dma_start3A_1571 = arith.constant 27 : i32
    %dma_start3A_1572 = arith.constant 0 : i32
    %dma_start3A_1573 = arith.constant 0 : i32
    %dma_start3A_1574 = tpu.memref_slice %arg6[%dma_start3A_1571, %dma_start3A_1572, %dma_start3A_1573] : memref<64x8x128xf32, #tpu.memory_space<vmem>> -> memref<1x8x128xf32, #tpu.memory_space<vmem>>
    %dma_start3A_1575 = tpu.memref_squeeze %dma_start3A_1574 : memref<1x8x128xf32, #tpu.memory_space<vmem>> -> memref<8x128xf32, #tpu.memory_space<vmem>>
    %dma_start3A_1576 = tpu.memref_slice %arg2[%add3A_1567, %multiple_of3A_1570] : memref<4096x32000xf32, #tpu.memory_space<hbm>> -> memref<8x128xf32, #tpu.memory_space<hbm>>
    %dma_start3A_1577 = arith.constant 0 : i32
    %dma_start3A_1578 = arith.constant 0 : i32
    %dma_start3A_1579 = tpu.memref_slice %arg6[%dma_start3A_1571, %dma_start3A_1577, %dma_start3A_1578] : memref<64x8x128xf32, #tpu.memory_space<vmem>> -> memref<1x8x128xf32, #tpu.memory_space<vmem>>
    %dma_start3A_1580 = tpu.memref_squeeze %dma_start3A_1579 : memref<1x8x128xf32, #tpu.memory_space<vmem>> -> memref<8x128xf32, #tpu.memory_space<vmem>>
    %dma_start3A_1581 = tpu.memref_slice %arg2[%add3A_1567, %multiple_of3A_1570] : memref<4096x32000xf32, #tpu.memory_space<hbm>> -> memref<8x128xf32, #tpu.memory_space<hbm>>
    tpu.enqueue_dma source(%dma_start3A_1581 : memref<8x128xf32, #tpu.memory_space<hbm>>) target(%dma_start3A_1580 : memref<8x128xf32, #tpu.memory_space<vmem>>) target_semaphore(%arg8 : memref<!tpu.dma_semaphore, #tpu.memory_space<semaphore_mem>>)
    %add3A_1582 = arith.constant 88 : i32
    %add3A_1583 = arith.addi %mul3A_2, %add3A_1582 : i32
    %slice3A_1584 = vector.extract_strided_slice %shift_left3A_1389 {offsets = [12], sizes = [1], strides = [1]} : vector<16xi32> to vector<1xi32>
    %squeeze3A_1585 = vector.extract %slice3A_1584[0] : i32 from vector<1xi32>
    %multiple_of3A_1586 = tpu.assume_multiple %squeeze3A_1585, 128 : i32
    %dma_start3A_1587 = arith.constant 28 : i32
    %dma_start3A_1588 = arith.constant 0 : i32
    %dma_start3A_1589 = arith.constant 0 : i32
    %dma_start3A_1590 = tpu.memref_slice %arg6[%dma_start3A_1587, %dma_start3A_1588, %dma_start3A_1589] : memref<64x8x128xf32, #tpu.memory_space<vmem>> -> memref<1x8x128xf32, #tpu.memory_space<vmem>>
    %dma_start3A_1591 = tpu.memref_squeeze %dma_start3A_1590 : memref<1x8x128xf32, #tpu.memory_space<vmem>> -> memref<8x128xf32, #tpu.memory_space<vmem>>
    %dma_start3A_1592 = tpu.memref_slice %arg2[%add3A_1583, %multiple_of3A_1586] : memref<4096x32000xf32, #tpu.memory_space<hbm>> -> memref<8x128xf32, #tpu.memory_space<hbm>>
    %dma_start3A_1593 = arith.constant 0 : i32
    %dma_start3A_1594 = arith.constant 0 : i32
    %dma_start3A_1595 = tpu.memref_slice %arg6[%dma_start3A_1587, %dma_start3A_1593, %dma_start3A_1594] : memref<64x8x128xf32, #tpu.memory_space<vmem>> -> memref<1x8x128xf32, #tpu.memory_space<vmem>>
    %dma_start3A_1596 = tpu.memref_squeeze %dma_start3A_1595 : memref<1x8x128xf32, #tpu.memory_space<vmem>> -> memref<8x128xf32, #tpu.memory_space<vmem>>
    %dma_start3A_1597 = tpu.memref_slice %arg2[%add3A_1583, %multiple_of3A_1586] : memref<4096x32000xf32, #tpu.memory_space<hbm>> -> memref<8x128xf32, #tpu.memory_space<hbm>>
    tpu.enqueue_dma source(%dma_start3A_1597 : memref<8x128xf32, #tpu.memory_space<hbm>>) target(%dma_start3A_1596 : memref<8x128xf32, #tpu.memory_space<vmem>>) target_semaphore(%arg8 : memref<!tpu.dma_semaphore, #tpu.memory_space<semaphore_mem>>)
    %add3A_1598 = arith.constant 88 : i32
    %add3A_1599 = arith.addi %mul3A_2, %add3A_1598 : i32
    %slice3A_1600 = vector.extract_strided_slice %shift_left3A_1389 {offsets = [13], sizes = [1], strides = [1]} : vector<16xi32> to vector<1xi32>
    %squeeze3A_1601 = vector.extract %slice3A_1600[0] : i32 from vector<1xi32>
    %multiple_of3A_1602 = tpu.assume_multiple %squeeze3A_1601, 128 : i32
    %dma_start3A_1603 = arith.constant 29 : i32
    %dma_start3A_1604 = arith.constant 0 : i32
    %dma_start3A_1605 = arith.constant 0 : i32
    %dma_start3A_1606 = tpu.memref_slice %arg6[%dma_start3A_1603, %dma_start3A_1604, %dma_start3A_1605] : memref<64x8x128xf32, #tpu.memory_space<vmem>> -> memref<1x8x128xf32, #tpu.memory_space<vmem>>
    %dma_start3A_1607 = tpu.memref_squeeze %dma_start3A_1606 : memref<1x8x128xf32, #tpu.memory_space<vmem>> -> memref<8x128xf32, #tpu.memory_space<vmem>>
    %dma_start3A_1608 = tpu.memref_slice %arg2[%add3A_1599, %multiple_of3A_1602] : memref<4096x32000xf32, #tpu.memory_space<hbm>> -> memref<8x128xf32, #tpu.memory_space<hbm>>
    %dma_start3A_1609 = arith.constant 0 : i32
    %dma_start3A_1610 = arith.constant 0 : i32
    %dma_start3A_1611 = tpu.memref_slice %arg6[%dma_start3A_1603, %dma_start3A_1609, %dma_start3A_1610] : memref<64x8x128xf32, #tpu.memory_space<vmem>> -> memref<1x8x128xf32, #tpu.memory_space<vmem>>
    %dma_start3A_1612 = tpu.memref_squeeze %dma_start3A_1611 : memref<1x8x128xf32, #tpu.memory_space<vmem>> -> memref<8x128xf32, #tpu.memory_space<vmem>>
    %dma_start3A_1613 = tpu.memref_slice %arg2[%add3A_1599, %multiple_of3A_1602] : memref<4096x32000xf32, #tpu.memory_space<hbm>> -> memref<8x128xf32, #tpu.memory_space<hbm>>
    tpu.enqueue_dma source(%dma_start3A_1613 : memref<8x128xf32, #tpu.memory_space<hbm>>) target(%dma_start3A_1612 : memref<8x128xf32, #tpu.memory_space<vmem>>) target_semaphore(%arg8 : memref<!tpu.dma_semaphore, #tpu.memory_space<semaphore_mem>>)
    %add3A_1614 = arith.constant 88 : i32
    %add3A_1615 = arith.addi %mul3A_2, %add3A_1614 : i32
    %slice3A_1616 = vector.extract_strided_slice %shift_left3A_1389 {offsets = [14], sizes = [1], strides = [1]} : vector<16xi32> to vector<1xi32>
    %squeeze3A_1617 = vector.extract %slice3A_1616[0] : i32 from vector<1xi32>
    %multiple_of3A_1618 = tpu.assume_multiple %squeeze3A_1617, 128 : i32
    %dma_start3A_1619 = arith.constant 30 : i32
    %dma_start3A_1620 = arith.constant 0 : i32
    %dma_start3A_1621 = arith.constant 0 : i32
    %dma_start3A_1622 = tpu.memref_slice %arg6[%dma_start3A_1619, %dma_start3A_1620, %dma_start3A_1621] : memref<64x8x128xf32, #tpu.memory_space<vmem>> -> memref<1x8x128xf32, #tpu.memory_space<vmem>>
    %dma_start3A_1623 = tpu.memref_squeeze %dma_start3A_1622 : memref<1x8x128xf32, #tpu.memory_space<vmem>> -> memref<8x128xf32, #tpu.memory_space<vmem>>
    %dma_start3A_1624 = tpu.memref_slice %arg2[%add3A_1615, %multiple_of3A_1618] : memref<4096x32000xf32, #tpu.memory_space<hbm>> -> memref<8x128xf32, #tpu.memory_space<hbm>>
    %dma_start3A_1625 = arith.constant 0 : i32
    %dma_start3A_1626 = arith.constant 0 : i32
    %dma_start3A_1627 = tpu.memref_slice %arg6[%dma_start3A_1619, %dma_start3A_1625, %dma_start3A_1626] : memref<64x8x128xf32, #tpu.memory_space<vmem>> -> memref<1x8x128xf32, #tpu.memory_space<vmem>>
    %dma_start3A_1628 = tpu.memref_squeeze %dma_start3A_1627 : memref<1x8x128xf32, #tpu.memory_space<vmem>> -> memref<8x128xf32, #tpu.memory_space<vmem>>
    %dma_start3A_1629 = tpu.memref_slice %arg2[%add3A_1615, %multiple_of3A_1618] : memref<4096x32000xf32, #tpu.memory_space<hbm>> -> memref<8x128xf32, #tpu.memory_space<hbm>>
    tpu.enqueue_dma source(%dma_start3A_1629 : memref<8x128xf32, #tpu.memory_space<hbm>>) target(%dma_start3A_1628 : memref<8x128xf32, #tpu.memory_space<vmem>>) target_semaphore(%arg8 : memref<!tpu.dma_semaphore, #tpu.memory_space<semaphore_mem>>)
    %add3A_1630 = arith.constant 88 : i32
    %add3A_1631 = arith.addi %mul3A_2, %add3A_1630 : i32
    %slice3A_1632 = vector.extract_strided_slice %shift_left3A_1389 {offsets = [15], sizes = [1], strides = [1]} : vector<16xi32> to vector<1xi32>
    %squeeze3A_1633 = vector.extract %slice3A_1632[0] : i32 from vector<1xi32>
    %multiple_of3A_1634 = tpu.assume_multiple %squeeze3A_1633, 128 : i32
    %dma_start3A_1635 = arith.constant 31 : i32
    %dma_start3A_1636 = arith.constant 0 : i32
    %dma_start3A_1637 = arith.constant 0 : i32
    %dma_start3A_1638 = tpu.memref_slice %arg6[%dma_start3A_1635, %dma_start3A_1636, %dma_start3A_1637] : memref<64x8x128xf32, #tpu.memory_space<vmem>> -> memref<1x8x128xf32, #tpu.memory_space<vmem>>
    %dma_start3A_1639 = tpu.memref_squeeze %dma_start3A_1638 : memref<1x8x128xf32, #tpu.memory_space<vmem>> -> memref<8x128xf32, #tpu.memory_space<vmem>>
    %dma_start3A_1640 = tpu.memref_slice %arg2[%add3A_1631, %multiple_of3A_1634] : memref<4096x32000xf32, #tpu.memory_space<hbm>> -> memref<8x128xf32, #tpu.memory_space<hbm>>
    %dma_start3A_1641 = arith.constant 0 : i32
    %dma_start3A_1642 = arith.constant 0 : i32
    %dma_start3A_1643 = tpu.memref_slice %arg6[%dma_start3A_1635, %dma_start3A_1641, %dma_start3A_1642] : memref<64x8x128xf32, #tpu.memory_space<vmem>> -> memref<1x8x128xf32, #tpu.memory_space<vmem>>
    %dma_start3A_1644 = tpu.memref_squeeze %dma_start3A_1643 : memref<1x8x128xf32, #tpu.memory_space<vmem>> -> memref<8x128xf32, #tpu.memory_space<vmem>>
    %dma_start3A_1645 = tpu.memref_slice %arg2[%add3A_1631, %multiple_of3A_1634] : memref<4096x32000xf32, #tpu.memory_space<hbm>> -> memref<8x128xf32, #tpu.memory_space<hbm>>
    tpu.enqueue_dma source(%dma_start3A_1645 : memref<8x128xf32, #tpu.memory_space<hbm>>) target(%dma_start3A_1644 : memref<8x128xf32, #tpu.memory_space<vmem>>) target_semaphore(%arg8 : memref<!tpu.dma_semaphore, #tpu.memory_space<semaphore_mem>>)
    %get3A_1646 = arith.constant 96 : index
    %get3A_1647 = tpu.vector_load %arg5[%get3A_1646] {strides = array<i32>} : memref<128xi32, #tpu.memory_space<vmem>>, vector<16xi32>,
    %shift_right_arithmetic3A_1648 = arith.constant 7 : i32
    %shift_right_arithmetic3A_1649 = vector.broadcast %shift_right_arithmetic3A_1648 : i32 to vector<16xi32>
    %shift_right_arithmetic3A_1650 = arith.shrsi %get3A_1647, %shift_right_arithmetic3A_1649 : vector<16xi32>
    %shift_left3A_1651 = arith.constant 7 : i32
    %shift_left3A_1652 = vector.broadcast %shift_left3A_1651 : i32 to vector<16xi32>
    %shift_left3A_1653 = arith.shli %shift_right_arithmetic3A_1650, %shift_left3A_1652 : vector<16xi32>
    %add3A_1654 = arith.constant 96 : i32
    %add3A_1655 = arith.addi %mul3A_2, %add3A_1654 : i32
    %slice3A_1656 = vector.extract_strided_slice %shift_left3A_1653 {offsets = [0], sizes = [1], strides = [1]} : vector<16xi32> to vector<1xi32>
    %squeeze3A_1657 = vector.extract %slice3A_1656[0] : i32 from vector<1xi32>
    %multiple_of3A_1658 = tpu.assume_multiple %squeeze3A_1657, 128 : i32
    %dma_start3A_1659 = arith.constant 32 : i32
    %dma_start3A_1660 = arith.constant 0 : i32
    %dma_start3A_1661 = arith.constant 0 : i32
    %dma_start3A_1662 = tpu.memref_slice %arg6[%dma_start3A_1659, %dma_start3A_1660, %dma_start3A_1661] : memref<64x8x128xf32, #tpu.memory_space<vmem>> -> memref<1x8x128xf32, #tpu.memory_space<vmem>>
    %dma_start3A_1663 = tpu.memref_squeeze %dma_start3A_1662 : memref<1x8x128xf32, #tpu.memory_space<vmem>> -> memref<8x128xf32, #tpu.memory_space<vmem>>
    %dma_start3A_1664 = tpu.memref_slice %arg2[%add3A_1655, %multiple_of3A_1658] : memref<4096x32000xf32, #tpu.memory_space<hbm>> -> memref<8x128xf32, #tpu.memory_space<hbm>>
    %dma_start3A_1665 = arith.constant 0 : i32
    %dma_start3A_1666 = arith.constant 0 : i32
    %dma_start3A_1667 = tpu.memref_slice %arg6[%dma_start3A_1659, %dma_start3A_1665, %dma_start3A_1666] : memref<64x8x128xf32, #tpu.memory_space<vmem>> -> memref<1x8x128xf32, #tpu.memory_space<vmem>>
    %dma_start3A_1668 = tpu.memref_squeeze %dma_start3A_1667 : memref<1x8x128xf32, #tpu.memory_space<vmem>> -> memref<8x128xf32, #tpu.memory_space<vmem>>
    %dma_start3A_1669 = tpu.memref_slice %arg2[%add3A_1655, %multiple_of3A_1658] : memref<4096x32000xf32, #tpu.memory_space<hbm>> -> memref<8x128xf32, #tpu.memory_space<hbm>>
    tpu.enqueue_dma source(%dma_start3A_1669 : memref<8x128xf32, #tpu.memory_space<hbm>>) target(%dma_start3A_1668 : memref<8x128xf32, #tpu.memory_space<vmem>>) target_semaphore(%arg8 : memref<!tpu.dma_semaphore, #tpu.memory_space<semaphore_mem>>)
    %add3A_1670 = arith.constant 96 : i32
    %add3A_1671 = arith.addi %mul3A_2, %add3A_1670 : i32
    %slice3A_1672 = vector.extract_strided_slice %shift_left3A_1653 {offsets = [1], sizes = [1], strides = [1]} : vector<16xi32> to vector<1xi32>
    %squeeze3A_1673 = vector.extract %slice3A_1672[0] : i32 from vector<1xi32>
    %multiple_of3A_1674 = tpu.assume_multiple %squeeze3A_1673, 128 : i32
    %dma_start3A_1675 = arith.constant 33 : i32
    %dma_start3A_1676 = arith.constant 0 : i32
    %dma_start3A_1677 = arith.constant 0 : i32
    %dma_start3A_1678 = tpu.memref_slice %arg6[%dma_start3A_1675, %dma_start3A_1676, %dma_start3A_1677] : memref<64x8x128xf32, #tpu.memory_space<vmem>> -> memref<1x8x128xf32, #tpu.memory_space<vmem>>
    %dma_start3A_1679 = tpu.memref_squeeze %dma_start3A_1678 : memref<1x8x128xf32, #tpu.memory_space<vmem>> -> memref<8x128xf32, #tpu.memory_space<vmem>>
    %dma_start3A_1680 = tpu.memref_slice %arg2[%add3A_1671, %multiple_of3A_1674] : memref<4096x32000xf32, #tpu.memory_space<hbm>> -> memref<8x128xf32, #tpu.memory_space<hbm>>
    %dma_start3A_1681 = arith.constant 0 : i32
    %dma_start3A_1682 = arith.constant 0 : i32
    %dma_start3A_1683 = tpu.memref_slice %arg6[%dma_start3A_1675, %dma_start3A_1681, %dma_start3A_1682] : memref<64x8x128xf32, #tpu.memory_space<vmem>> -> memref<1x8x128xf32, #tpu.memory_space<vmem>>
    %dma_start3A_1684 = tpu.memref_squeeze %dma_start3A_1683 : memref<1x8x128xf32, #tpu.memory_space<vmem>> -> memref<8x128xf32, #tpu.memory_space<vmem>>
    %dma_start3A_1685 = tpu.memref_slice %arg2[%add3A_1671, %multiple_of3A_1674] : memref<4096x32000xf32, #tpu.memory_space<hbm>> -> memref<8x128xf32, #tpu.memory_space<hbm>>
    tpu.enqueue_dma source(%dma_start3A_1685 : memref<8x128xf32, #tpu.memory_space<hbm>>) target(%dma_start3A_1684 : memref<8x128xf32, #tpu.memory_space<vmem>>) target_semaphore(%arg8 : memref<!tpu.dma_semaphore, #tpu.memory_space<semaphore_mem>>)
    %add3A_1686 = arith.constant 96 : i32
    %add3A_1687 = arith.addi %mul3A_2, %add3A_1686 : i32
    %slice3A_1688 = vector.extract_strided_slice %shift_left3A_1653 {offsets = [2], sizes = [1], strides = [1]} : vector<16xi32> to vector<1xi32>
    %squeeze3A_1689 = vector.extract %slice3A_1688[0] : i32 from vector<1xi32>
    %multiple_of3A_1690 = tpu.assume_multiple %squeeze3A_1689, 128 : i32
    %dma_start3A_1691 = arith.constant 34 : i32
    %dma_start3A_1692 = arith.constant 0 : i32
    %dma_start3A_1693 = arith.constant 0 : i32
    %dma_start3A_1694 = tpu.memref_slice %arg6[%dma_start3A_1691, %dma_start3A_1692, %dma_start3A_1693] : memref<64x8x128xf32, #tpu.memory_space<vmem>> -> memref<1x8x128xf32, #tpu.memory_space<vmem>>
    %dma_start3A_1695 = tpu.memref_squeeze %dma_start3A_1694 : memref<1x8x128xf32, #tpu.memory_space<vmem>> -> memref<8x128xf32, #tpu.memory_space<vmem>>
    %dma_start3A_1696 = tpu.memref_slice %arg2[%add3A_1687, %multiple_of3A_1690] : memref<4096x32000xf32, #tpu.memory_space<hbm>> -> memref<8x128xf32, #tpu.memory_space<hbm>>
    %dma_start3A_1697 = arith.constant 0 : i32
    %dma_start3A_1698 = arith.constant 0 : i32
    %dma_start3A_1699 = tpu.memref_slice %arg6[%dma_start3A_1691, %dma_start3A_1697, %dma_start3A_1698] : memref<64x8x128xf32, #tpu.memory_space<vmem>> -> memref<1x8x128xf32, #tpu.memory_space<vmem>>
    %dma_start3A_1700 = tpu.memref_squeeze %dma_start3A_1699 : memref<1x8x128xf32, #tpu.memory_space<vmem>> -> memref<8x128xf32, #tpu.memory_space<vmem>>
    %dma_start3A_1701 = tpu.memref_slice %arg2[%add3A_1687, %multiple_of3A_1690] : memref<4096x32000xf32, #tpu.memory_space<hbm>> -> memref<8x128xf32, #tpu.memory_space<hbm>>
    tpu.enqueue_dma source(%dma_start3A_1701 : memref<8x128xf32, #tpu.memory_space<hbm>>) target(%dma_start3A_1700 : memref<8x128xf32, #tpu.memory_space<vmem>>) target_semaphore(%arg8 : memref<!tpu.dma_semaphore, #tpu.memory_space<semaphore_mem>>)
    %add3A_1702 = arith.constant 96 : i32
    %add3A_1703 = arith.addi %mul3A_2, %add3A_1702 : i32
    %slice3A_1704 = vector.extract_strided_slice %shift_left3A_1653 {offsets = [3], sizes = [1], strides = [1]} : vector<16xi32> to vector<1xi32>
    %squeeze3A_1705 = vector.extract %slice3A_1704[0] : i32 from vector<1xi32>
    %multiple_of3A_1706 = tpu.assume_multiple %squeeze3A_1705, 128 : i32
    %dma_start3A_1707 = arith.constant 35 : i32
    %dma_start3A_1708 = arith.constant 0 : i32
    %dma_start3A_1709 = arith.constant 0 : i32
    %dma_start3A_1710 = tpu.memref_slice %arg6[%dma_start3A_1707, %dma_start3A_1708, %dma_start3A_1709] : memref<64x8x128xf32, #tpu.memory_space<vmem>> -> memref<1x8x128xf32, #tpu.memory_space<vmem>>
    %dma_start3A_1711 = tpu.memref_squeeze %dma_start3A_1710 : memref<1x8x128xf32, #tpu.memory_space<vmem>> -> memref<8x128xf32, #tpu.memory_space<vmem>>
    %dma_start3A_1712 = tpu.memref_slice %arg2[%add3A_1703, %multiple_of3A_1706] : memref<4096x32000xf32, #tpu.memory_space<hbm>> -> memref<8x128xf32, #tpu.memory_space<hbm>>
    %dma_start3A_1713 = arith.constant 0 : i32
    %dma_start3A_1714 = arith.constant 0 : i32
    %dma_start3A_1715 = tpu.memref_slice %arg6[%dma_start3A_1707, %dma_start3A_1713, %dma_start3A_1714] : memref<64x8x128xf32, #tpu.memory_space<vmem>> -> memref<1x8x128xf32, #tpu.memory_space<vmem>>
    %dma_start3A_1716 = tpu.memref_squeeze %dma_start3A_1715 : memref<1x8x128xf32, #tpu.memory_space<vmem>> -> memref<8x128xf32, #tpu.memory_space<vmem>>
    %dma_start3A_1717 = tpu.memref_slice %arg2[%add3A_1703, %multiple_of3A_1706] : memref<4096x32000xf32, #tpu.memory_space<hbm>> -> memref<8x128xf32, #tpu.memory_space<hbm>>
    tpu.enqueue_dma source(%dma_start3A_1717 : memref<8x128xf32, #tpu.memory_space<hbm>>) target(%dma_start3A_1716 : memref<8x128xf32, #tpu.memory_space<vmem>>) target_semaphore(%arg8 : memref<!tpu.dma_semaphore, #tpu.memory_space<semaphore_mem>>)
    %add3A_1718 = arith.constant 96 : i32
    %add3A_1719 = arith.addi %mul3A_2, %add3A_1718 : i32
    %slice3A_1720 = vector.extract_strided_slice %shift_left3A_1653 {offsets = [4], sizes = [1], strides = [1]} : vector<16xi32> to vector<1xi32>
    %squeeze3A_1721 = vector.extract %slice3A_1720[0] : i32 from vector<1xi32>
    %multiple_of3A_1722 = tpu.assume_multiple %squeeze3A_1721, 128 : i32
    %dma_start3A_1723 = arith.constant 36 : i32
    %dma_start3A_1724 = arith.constant 0 : i32
    %dma_start3A_1725 = arith.constant 0 : i32
    %dma_start3A_1726 = tpu.memref_slice %arg6[%dma_start3A_1723, %dma_start3A_1724, %dma_start3A_1725] : memref<64x8x128xf32, #tpu.memory_space<vmem>> -> memref<1x8x128xf32, #tpu.memory_space<vmem>>
    %dma_start3A_1727 = tpu.memref_squeeze %dma_start3A_1726 : memref<1x8x128xf32, #tpu.memory_space<vmem>> -> memref<8x128xf32, #tpu.memory_space<vmem>>
    %dma_start3A_1728 = tpu.memref_slice %arg2[%add3A_1719, %multiple_of3A_1722] : memref<4096x32000xf32, #tpu.memory_space<hbm>> -> memref<8x128xf32, #tpu.memory_space<hbm>>
    %dma_start3A_1729 = arith.constant 0 : i32
    %dma_start3A_1730 = arith.constant 0 : i32
    %dma_start3A_1731 = tpu.memref_slice %arg6[%dma_start3A_1723, %dma_start3A_1729, %dma_start3A_1730] : memref<64x8x128xf32, #tpu.memory_space<vmem>> -> memref<1x8x128xf32, #tpu.memory_space<vmem>>
    %dma_start3A_1732 = tpu.memref_squeeze %dma_start3A_1731 : memref<1x8x128xf32, #tpu.memory_space<vmem>> -> memref<8x128xf32, #tpu.memory_space<vmem>>
    %dma_start3A_1733 = tpu.memref_slice %arg2[%add3A_1719, %multiple_of3A_1722] : memref<4096x32000xf32, #tpu.memory_space<hbm>> -> memref<8x128xf32, #tpu.memory_space<hbm>>
    tpu.enqueue_dma source(%dma_start3A_1733 : memref<8x128xf32, #tpu.memory_space<hbm>>) target(%dma_start3A_1732 : memref<8x128xf32, #tpu.memory_space<vmem>>) target_semaphore(%arg8 : memref<!tpu.dma_semaphore, #tpu.memory_space<semaphore_mem>>)
    %add3A_1734 = arith.constant 96 : i32
    %add3A_1735 = arith.addi %mul3A_2, %add3A_1734 : i32
    %slice3A_1736 = vector.extract_strided_slice %shift_left3A_1653 {offsets = [5], sizes = [1], strides = [1]} : vector<16xi32> to vector<1xi32>
    %squeeze3A_1737 = vector.extract %slice3A_1736[0] : i32 from vector<1xi32>
    %multiple_of3A_1738 = tpu.assume_multiple %squeeze3A_1737, 128 : i32
    %dma_start3A_1739 = arith.constant 37 : i32
    %dma_start3A_1740 = arith.constant 0 : i32
    %dma_start3A_1741 = arith.constant 0 : i32
    %dma_start3A_1742 = tpu.memref_slice %arg6[%dma_start3A_1739, %dma_start3A_1740, %dma_start3A_1741] : memref<64x8x128xf32, #tpu.memory_space<vmem>> -> memref<1x8x128xf32, #tpu.memory_space<vmem>>
    %dma_start3A_1743 = tpu.memref_squeeze %dma_start3A_1742 : memref<1x8x128xf32, #tpu.memory_space<vmem>> -> memref<8x128xf32, #tpu.memory_space<vmem>>
    %dma_start3A_1744 = tpu.memref_slice %arg2[%add3A_1735, %multiple_of3A_1738] : memref<4096x32000xf32, #tpu.memory_space<hbm>> -> memref<8x128xf32, #tpu.memory_space<hbm>>
    %dma_start3A_1745 = arith.constant 0 : i32
    %dma_start3A_1746 = arith.constant 0 : i32
    %dma_start3A_1747 = tpu.memref_slice %arg6[%dma_start3A_1739, %dma_start3A_1745, %dma_start3A_1746] : memref<64x8x128xf32, #tpu.memory_space<vmem>> -> memref<1x8x128xf32, #tpu.memory_space<vmem>>
    %dma_start3A_1748 = tpu.memref_squeeze %dma_start3A_1747 : memref<1x8x128xf32, #tpu.memory_space<vmem>> -> memref<8x128xf32, #tpu.memory_space<vmem>>
    %dma_start3A_1749 = tpu.memref_slice %arg2[%add3A_1735, %multiple_of3A_1738] : memref<4096x32000xf32, #tpu.memory_space<hbm>> -> memref<8x128xf32, #tpu.memory_space<hbm>>
    tpu.enqueue_dma source(%dma_start3A_1749 : memref<8x128xf32, #tpu.memory_space<hbm>>) target(%dma_start3A_1748 : memref<8x128xf32, #tpu.memory_space<vmem>>) target_semaphore(%arg8 : memref<!tpu.dma_semaphore, #tpu.memory_space<semaphore_mem>>)
    %add3A_1750 = arith.constant 96 : i32
    %add3A_1751 = arith.addi %mul3A_2, %add3A_1750 : i32
    %slice3A_1752 = vector.extract_strided_slice %shift_left3A_1653 {offsets = [6], sizes = [1], strides = [1]} : vector<16xi32> to vector<1xi32>
    %squeeze3A_1753 = vector.extract %slice3A_1752[0] : i32 from vector<1xi32>
    %multiple_of3A_1754 = tpu.assume_multiple %squeeze3A_1753, 128 : i32
    %dma_start3A_1755 = arith.constant 38 : i32
    %dma_start3A_1756 = arith.constant 0 : i32
    %dma_start3A_1757 = arith.constant 0 : i32
    %dma_start3A_1758 = tpu.memref_slice %arg6[%dma_start3A_1755, %dma_start3A_1756, %dma_start3A_1757] : memref<64x8x128xf32, #tpu.memory_space<vmem>> -> memref<1x8x128xf32, #tpu.memory_space<vmem>>
    %dma_start3A_1759 = tpu.memref_squeeze %dma_start3A_1758 : memref<1x8x128xf32, #tpu.memory_space<vmem>> -> memref<8x128xf32, #tpu.memory_space<vmem>>
    %dma_start3A_1760 = tpu.memref_slice %arg2[%add3A_1751, %multiple_of3A_1754] : memref<4096x32000xf32, #tpu.memory_space<hbm>> -> memref<8x128xf32, #tpu.memory_space<hbm>>
    %dma_start3A_1761 = arith.constant 0 : i32
    %dma_start3A_1762 = arith.constant 0 : i32
    %dma_start3A_1763 = tpu.memref_slice %arg6[%dma_start3A_1755, %dma_start3A_1761, %dma_start3A_1762] : memref<64x8x128xf32, #tpu.memory_space<vmem>> -> memref<1x8x128xf32, #tpu.memory_space<vmem>>
    %dma_start3A_1764 = tpu.memref_squeeze %dma_start3A_1763 : memref<1x8x128xf32, #tpu.memory_space<vmem>> -> memref<8x128xf32, #tpu.memory_space<vmem>>
    %dma_start3A_1765 = tpu.memref_slice %arg2[%add3A_1751, %multiple_of3A_1754] : memref<4096x32000xf32, #tpu.memory_space<hbm>> -> memref<8x128xf32, #tpu.memory_space<hbm>>
    tpu.enqueue_dma source(%dma_start3A_1765 : memref<8x128xf32, #tpu.memory_space<hbm>>) target(%dma_start3A_1764 : memref<8x128xf32, #tpu.memory_space<vmem>>) target_semaphore(%arg8 : memref<!tpu.dma_semaphore, #tpu.memory_space<semaphore_mem>>)
    %add3A_1766 = arith.constant 96 : i32
    %add3A_1767 = arith.addi %mul3A_2, %add3A_1766 : i32
    %slice3A_1768 = vector.extract_strided_slice %shift_left3A_1653 {offsets = [7], sizes = [1], strides = [1]} : vector<16xi32> to vector<1xi32>
    %squeeze3A_1769 = vector.extract %slice3A_1768[0] : i32 from vector<1xi32>
    %multiple_of3A_1770 = tpu.assume_multiple %squeeze3A_1769, 128 : i32
    %dma_start3A_1771 = arith.constant 39 : i32
    %dma_start3A_1772 = arith.constant 0 : i32
    %dma_start3A_1773 = arith.constant 0 : i32
    %dma_start3A_1774 = tpu.memref_slice %arg6[%dma_start3A_1771, %dma_start3A_1772, %dma_start3A_1773] : memref<64x8x128xf32, #tpu.memory_space<vmem>> -> memref<1x8x128xf32, #tpu.memory_space<vmem>>
    %dma_start3A_1775 = tpu.memref_squeeze %dma_start3A_1774 : memref<1x8x128xf32, #tpu.memory_space<vmem>> -> memref<8x128xf32, #tpu.memory_space<vmem>>
    %dma_start3A_1776 = tpu.memref_slice %arg2[%add3A_1767, %multiple_of3A_1770] : memref<4096x32000xf32, #tpu.memory_space<hbm>> -> memref<8x128xf32, #tpu.memory_space<hbm>>
    %dma_start3A_1777 = arith.constant 0 : i32
    %dma_start3A_1778 = arith.constant 0 : i32
    %dma_start3A_1779 = tpu.memref_slice %arg6[%dma_start3A_1771, %dma_start3A_1777, %dma_start3A_1778] : memref<64x8x128xf32, #tpu.memory_space<vmem>> -> memref<1x8x128xf32, #tpu.memory_space<vmem>>
    %dma_start3A_1780 = tpu.memref_squeeze %dma_start3A_1779 : memref<1x8x128xf32, #tpu.memory_space<vmem>> -> memref<8x128xf32, #tpu.memory_space<vmem>>
    %dma_start3A_1781 = tpu.memref_slice %arg2[%add3A_1767, %multiple_of3A_1770] : memref<4096x32000xf32, #tpu.memory_space<hbm>> -> memref<8x128xf32, #tpu.memory_space<hbm>>
    tpu.enqueue_dma source(%dma_start3A_1781 : memref<8x128xf32, #tpu.memory_space<hbm>>) target(%dma_start3A_1780 : memref<8x128xf32, #tpu.memory_space<vmem>>) target_semaphore(%arg8 : memref<!tpu.dma_semaphore, #tpu.memory_space<semaphore_mem>>)
    %add3A_1782 = arith.constant 104 : i32
    %add3A_1783 = arith.addi %mul3A_2, %add3A_1782 : i32
    %slice3A_1784 = vector.extract_strided_slice %shift_left3A_1653 {offsets = [8], sizes = [1], strides = [1]} : vector<16xi32> to vector<1xi32>
    %squeeze3A_1785 = vector.extract %slice3A_1784[0] : i32 from vector<1xi32>
    %multiple_of3A_1786 = tpu.assume_multiple %squeeze3A_1785, 128 : i32
    %dma_start3A_1787 = arith.constant 40 : i32
    %dma_start3A_1788 = arith.constant 0 : i32
    %dma_start3A_1789 = arith.constant 0 : i32
    %dma_start3A_1790 = tpu.memref_slice %arg6[%dma_start3A_1787, %dma_start3A_1788, %dma_start3A_1789] : memref<64x8x128xf32, #tpu.memory_space<vmem>> -> memref<1x8x128xf32, #tpu.memory_space<vmem>>
    %dma_start3A_1791 = tpu.memref_squeeze %dma_start3A_1790 : memref<1x8x128xf32, #tpu.memory_space<vmem>> -> memref<8x128xf32, #tpu.memory_space<vmem>>
    %dma_start3A_1792 = tpu.memref_slice %arg2[%add3A_1783, %multiple_of3A_1786] : memref<4096x32000xf32, #tpu.memory_space<hbm>> -> memref<8x128xf32, #tpu.memory_space<hbm>>
    %dma_start3A_1793 = arith.constant 0 : i32
    %dma_start3A_1794 = arith.constant 0 : i32
    %dma_start3A_1795 = tpu.memref_slice %arg6[%dma_start3A_1787, %dma_start3A_1793, %dma_start3A_1794] : memref<64x8x128xf32, #tpu.memory_space<vmem>> -> memref<1x8x128xf32, #tpu.memory_space<vmem>>
    %dma_start3A_1796 = tpu.memref_squeeze %dma_start3A_1795 : memref<1x8x128xf32, #tpu.memory_space<vmem>> -> memref<8x128xf32, #tpu.memory_space<vmem>>
    %dma_start3A_1797 = tpu.memref_slice %arg2[%add3A_1783, %multiple_of3A_1786] : memref<4096x32000xf32, #tpu.memory_space<hbm>> -> memref<8x128xf32, #tpu.memory_space<hbm>>
    tpu.enqueue_dma source(%dma_start3A_1797 : memref<8x128xf32, #tpu.memory_space<hbm>>) target(%dma_start3A_1796 : memref<8x128xf32, #tpu.memory_space<vmem>>) target_semaphore(%arg8 : memref<!tpu.dma_semaphore, #tpu.memory_space<semaphore_mem>>)
    %add3A_1798 = arith.constant 104 : i32
    %add3A_1799 = arith.addi %mul3A_2, %add3A_1798 : i32
    %slice3A_1800 = vector.extract_strided_slice %shift_left3A_1653 {offsets = [9], sizes = [1], strides = [1]} : vector<16xi32> to vector<1xi32>
    %squeeze3A_1801 = vector.extract %slice3A_1800[0] : i32 from vector<1xi32>
    %multiple_of3A_1802 = tpu.assume_multiple %squeeze3A_1801, 128 : i32
    %dma_start3A_1803 = arith.constant 41 : i32
    %dma_start3A_1804 = arith.constant 0 : i32
    %dma_start3A_1805 = arith.constant 0 : i32
    %dma_start3A_1806 = tpu.memref_slice %arg6[%dma_start3A_1803, %dma_start3A_1804, %dma_start3A_1805] : memref<64x8x128xf32, #tpu.memory_space<vmem>> -> memref<1x8x128xf32, #tpu.memory_space<vmem>>
    %dma_start3A_1807 = tpu.memref_squeeze %dma_start3A_1806 : memref<1x8x128xf32, #tpu.memory_space<vmem>> -> memref<8x128xf32, #tpu.memory_space<vmem>>
    %dma_start3A_1808 = tpu.memref_slice %arg2[%add3A_1799, %multiple_of3A_1802] : memref<4096x32000xf32, #tpu.memory_space<hbm>> -> memref<8x128xf32, #tpu.memory_space<hbm>>
    %dma_start3A_1809 = arith.constant 0 : i32
    %dma_start3A_1810 = arith.constant 0 : i32
    %dma_start3A_1811 = tpu.memref_slice %arg6[%dma_start3A_1803, %dma_start3A_1809, %dma_start3A_1810] : memref<64x8x128xf32, #tpu.memory_space<vmem>> -> memref<1x8x128xf32, #tpu.memory_space<vmem>>
    %dma_start3A_1812 = tpu.memref_squeeze %dma_start3A_1811 : memref<1x8x128xf32, #tpu.memory_space<vmem>> -> memref<8x128xf32, #tpu.memory_space<vmem>>
    %dma_start3A_1813 = tpu.memref_slice %arg2[%add3A_1799, %multiple_of3A_1802] : memref<4096x32000xf32, #tpu.memory_space<hbm>> -> memref<8x128xf32, #tpu.memory_space<hbm>>
    tpu.enqueue_dma source(%dma_start3A_1813 : memref<8x128xf32, #tpu.memory_space<hbm>>) target(%dma_start3A_1812 : memref<8x128xf32, #tpu.memory_space<vmem>>) target_semaphore(%arg8 : memref<!tpu.dma_semaphore, #tpu.memory_space<semaphore_mem>>)
    %add3A_1814 = arith.constant 104 : i32
    %add3A_1815 = arith.addi %mul3A_2, %add3A_1814 : i32
    %slice3A_1816 = vector.extract_strided_slice %shift_left3A_1653 {offsets = [10], sizes = [1], strides = [1]} : vector<16xi32> to vector<1xi32>
    %squeeze3A_1817 = vector.extract %slice3A_1816[0] : i32 from vector<1xi32>
    %multiple_of3A_1818 = tpu.assume_multiple %squeeze3A_1817, 128 : i32
    %dma_start3A_1819 = arith.constant 42 : i32
    %dma_start3A_1820 = arith.constant 0 : i32
    %dma_start3A_1821 = arith.constant 0 : i32
    %dma_start3A_1822 = tpu.memref_slice %arg6[%dma_start3A_1819, %dma_start3A_1820, %dma_start3A_1821] : memref<64x8x128xf32, #tpu.memory_space<vmem>> -> memref<1x8x128xf32, #tpu.memory_space<vmem>>
    %dma_start3A_1823 = tpu.memref_squeeze %dma_start3A_1822 : memref<1x8x128xf32, #tpu.memory_space<vmem>> -> memref<8x128xf32, #tpu.memory_space<vmem>>
    %dma_start3A_1824 = tpu.memref_slice %arg2[%add3A_1815, %multiple_of3A_1818] : memref<4096x32000xf32, #tpu.memory_space<hbm>> -> memref<8x128xf32, #tpu.memory_space<hbm>>
    %dma_start3A_1825 = arith.constant 0 : i32
    %dma_start3A_1826 = arith.constant 0 : i32
    %dma_start3A_1827 = tpu.memref_slice %arg6[%dma_start3A_1819, %dma_start3A_1825, %dma_start3A_1826] : memref<64x8x128xf32, #tpu.memory_space<vmem>> -> memref<1x8x128xf32, #tpu.memory_space<vmem>>
    %dma_start3A_1828 = tpu.memref_squeeze %dma_start3A_1827 : memref<1x8x128xf32, #tpu.memory_space<vmem>> -> memref<8x128xf32, #tpu.memory_space<vmem>>
    %dma_start3A_1829 = tpu.memref_slice %arg2[%add3A_1815, %multiple_of3A_1818] : memref<4096x32000xf32, #tpu.memory_space<hbm>> -> memref<8x128xf32, #tpu.memory_space<hbm>>
    tpu.enqueue_dma source(%dma_start3A_1829 : memref<8x128xf32, #tpu.memory_space<hbm>>) target(%dma_start3A_1828 : memref<8x128xf32, #tpu.memory_space<vmem>>) target_semaphore(%arg8 : memref<!tpu.dma_semaphore, #tpu.memory_space<semaphore_mem>>)
    %add3A_1830 = arith.constant 104 : i32
    %add3A_1831 = arith.addi %mul3A_2, %add3A_1830 : i32
    %slice3A_1832 = vector.extract_strided_slice %shift_left3A_1653 {offsets = [11], sizes = [1], strides = [1]} : vector<16xi32> to vector<1xi32>
    %squeeze3A_1833 = vector.extract %slice3A_1832[0] : i32 from vector<1xi32>
    %multiple_of3A_1834 = tpu.assume_multiple %squeeze3A_1833, 128 : i32
    %dma_start3A_1835 = arith.constant 43 : i32
    %dma_start3A_1836 = arith.constant 0 : i32
    %dma_start3A_1837 = arith.constant 0 : i32
    %dma_start3A_1838 = tpu.memref_slice %arg6[%dma_start3A_1835, %dma_start3A_1836, %dma_start3A_1837] : memref<64x8x128xf32, #tpu.memory_space<vmem>> -> memref<1x8x128xf32, #tpu.memory_space<vmem>>
    %dma_start3A_1839 = tpu.memref_squeeze %dma_start3A_1838 : memref<1x8x128xf32, #tpu.memory_space<vmem>> -> memref<8x128xf32, #tpu.memory_space<vmem>>
    %dma_start3A_1840 = tpu.memref_slice %arg2[%add3A_1831, %multiple_of3A_1834] : memref<4096x32000xf32, #tpu.memory_space<hbm>> -> memref<8x128xf32, #tpu.memory_space<hbm>>
    %dma_start3A_1841 = arith.constant 0 : i32
    %dma_start3A_1842 = arith.constant 0 : i32
    %dma_start3A_1843 = tpu.memref_slice %arg6[%dma_start3A_1835, %dma_start3A_1841, %dma_start3A_1842] : memref<64x8x128xf32, #tpu.memory_space<vmem>> -> memref<1x8x128xf32, #tpu.memory_space<vmem>>
    %dma_start3A_1844 = tpu.memref_squeeze %dma_start3A_1843 : memref<1x8x128xf32, #tpu.memory_space<vmem>> -> memref<8x128xf32, #tpu.memory_space<vmem>>
    %dma_start3A_1845 = tpu.memref_slice %arg2[%add3A_1831, %multiple_of3A_1834] : memref<4096x32000xf32, #tpu.memory_space<hbm>> -> memref<8x128xf32, #tpu.memory_space<hbm>>
    tpu.enqueue_dma source(%dma_start3A_1845 : memref<8x128xf32, #tpu.memory_space<hbm>>) target(%dma_start3A_1844 : memref<8x128xf32, #tpu.memory_space<vmem>>) target_semaphore(%arg8 : memref<!tpu.dma_semaphore, #tpu.memory_space<semaphore_mem>>)
    %add3A_1846 = arith.constant 104 : i32
    %add3A_1847 = arith.addi %mul3A_2, %add3A_1846 : i32
    %slice3A_1848 = vector.extract_strided_slice %shift_left3A_1653 {offsets = [12], sizes = [1], strides = [1]} : vector<16xi32> to vector<1xi32>
    %squeeze3A_1849 = vector.extract %slice3A_1848[0] : i32 from vector<1xi32>
    %multiple_of3A_1850 = tpu.assume_multiple %squeeze3A_1849, 128 : i32
    %dma_start3A_1851 = arith.constant 44 : i32
    %dma_start3A_1852 = arith.constant 0 : i32
    %dma_start3A_1853 = arith.constant 0 : i32
    %dma_start3A_1854 = tpu.memref_slice %arg6[%dma_start3A_1851, %dma_start3A_1852, %dma_start3A_1853] : memref<64x8x128xf32, #tpu.memory_space<vmem>> -> memref<1x8x128xf32, #tpu.memory_space<vmem>>
    %dma_start3A_1855 = tpu.memref_squeeze %dma_start3A_1854 : memref<1x8x128xf32, #tpu.memory_space<vmem>> -> memref<8x128xf32, #tpu.memory_space<vmem>>
    %dma_start3A_1856 = tpu.memref_slice %arg2[%add3A_1847, %multiple_of3A_1850] : memref<4096x32000xf32, #tpu.memory_space<hbm>> -> memref<8x128xf32, #tpu.memory_space<hbm>>
    %dma_start3A_1857 = arith.constant 0 : i32
    %dma_start3A_1858 = arith.constant 0 : i32
    %dma_start3A_1859 = tpu.memref_slice %arg6[%dma_start3A_1851, %dma_start3A_1857, %dma_start3A_1858] : memref<64x8x128xf32, #tpu.memory_space<vmem>> -> memref<1x8x128xf32, #tpu.memory_space<vmem>>
    %dma_start3A_1860 = tpu.memref_squeeze %dma_start3A_1859 : memref<1x8x128xf32, #tpu.memory_space<vmem>> -> memref<8x128xf32, #tpu.memory_space<vmem>>
    %dma_start3A_1861 = tpu.memref_slice %arg2[%add3A_1847, %multiple_of3A_1850] : memref<4096x32000xf32, #tpu.memory_space<hbm>> -> memref<8x128xf32, #tpu.memory_space<hbm>>
    tpu.enqueue_dma source(%dma_start3A_1861 : memref<8x128xf32, #tpu.memory_space<hbm>>) target(%dma_start3A_1860 : memref<8x128xf32, #tpu.memory_space<vmem>>) target_semaphore(%arg8 : memref<!tpu.dma_semaphore, #tpu.memory_space<semaphore_mem>>)
    %add3A_1862 = arith.constant 104 : i32
    %add3A_1863 = arith.addi %mul3A_2, %add3A_1862 : i32
    %slice3A_1864 = vector.extract_strided_slice %shift_left3A_1653 {offsets = [13], sizes = [1], strides = [1]} : vector<16xi32> to vector<1xi32>
    %squeeze3A_1865 = vector.extract %slice3A_1864[0] : i32 from vector<1xi32>
    %multiple_of3A_1866 = tpu.assume_multiple %squeeze3A_1865, 128 : i32
    %dma_start3A_1867 = arith.constant 45 : i32
    %dma_start3A_1868 = arith.constant 0 : i32
    %dma_start3A_1869 = arith.constant 0 : i32
    %dma_start3A_1870 = tpu.memref_slice %arg6[%dma_start3A_1867, %dma_start3A_1868, %dma_start3A_1869] : memref<64x8x128xf32, #tpu.memory_space<vmem>> -> memref<1x8x128xf32, #tpu.memory_space<vmem>>
    %dma_start3A_1871 = tpu.memref_squeeze %dma_start3A_1870 : memref<1x8x128xf32, #tpu.memory_space<vmem>> -> memref<8x128xf32, #tpu.memory_space<vmem>>
    %dma_start3A_1872 = tpu.memref_slice %arg2[%add3A_1863, %multiple_of3A_1866] : memref<4096x32000xf32, #tpu.memory_space<hbm>> -> memref<8x128xf32, #tpu.memory_space<hbm>>
    %dma_start3A_1873 = arith.constant 0 : i32
    %dma_start3A_1874 = arith.constant 0 : i32
    %dma_start3A_1875 = tpu.memref_slice %arg6[%dma_start3A_1867, %dma_start3A_1873, %dma_start3A_1874] : memref<64x8x128xf32, #tpu.memory_space<vmem>> -> memref<1x8x128xf32, #tpu.memory_space<vmem>>
    %dma_start3A_1876 = tpu.memref_squeeze %dma_start3A_1875 : memref<1x8x128xf32, #tpu.memory_space<vmem>> -> memref<8x128xf32, #tpu.memory_space<vmem>>
    %dma_start3A_1877 = tpu.memref_slice %arg2[%add3A_1863, %multiple_of3A_1866] : memref<4096x32000xf32, #tpu.memory_space<hbm>> -> memref<8x128xf32, #tpu.memory_space<hbm>>
    tpu.enqueue_dma source(%dma_start3A_1877 : memref<8x128xf32, #tpu.memory_space<hbm>>) target(%dma_start3A_1876 : memref<8x128xf32, #tpu.memory_space<vmem>>) target_semaphore(%arg8 : memref<!tpu.dma_semaphore, #tpu.memory_space<semaphore_mem>>)
    %add3A_1878 = arith.constant 104 : i32
    %add3A_1879 = arith.addi %mul3A_2, %add3A_1878 : i32
    %slice3A_1880 = vector.extract_strided_slice %shift_left3A_1653 {offsets = [14], sizes = [1], strides = [1]} : vector<16xi32> to vector<1xi32>
    %squeeze3A_1881 = vector.extract %slice3A_1880[0] : i32 from vector<1xi32>
    %multiple_of3A_1882 = tpu.assume_multiple %squeeze3A_1881, 128 : i32
    %dma_start3A_1883 = arith.constant 46 : i32
    %dma_start3A_1884 = arith.constant 0 : i32
    %dma_start3A_1885 = arith.constant 0 : i32
    %dma_start3A_1886 = tpu.memref_slice %arg6[%dma_start3A_1883, %dma_start3A_1884, %dma_start3A_1885] : memref<64x8x128xf32, #tpu.memory_space<vmem>> -> memref<1x8x128xf32, #tpu.memory_space<vmem>>
    %dma_start3A_1887 = tpu.memref_squeeze %dma_start3A_1886 : memref<1x8x128xf32, #tpu.memory_space<vmem>> -> memref<8x128xf32, #tpu.memory_space<vmem>>
    %dma_start3A_1888 = tpu.memref_slice %arg2[%add3A_1879, %multiple_of3A_1882] : memref<4096x32000xf32, #tpu.memory_space<hbm>> -> memref<8x128xf32, #tpu.memory_space<hbm>>
    %dma_start3A_1889 = arith.constant 0 : i32
    %dma_start3A_1890 = arith.constant 0 : i32
    %dma_start3A_1891 = tpu.memref_slice %arg6[%dma_start3A_1883, %dma_start3A_1889, %dma_start3A_1890] : memref<64x8x128xf32, #tpu.memory_space<vmem>> -> memref<1x8x128xf32, #tpu.memory_space<vmem>>
    %dma_start3A_1892 = tpu.memref_squeeze %dma_start3A_1891 : memref<1x8x128xf32, #tpu.memory_space<vmem>> -> memref<8x128xf32, #tpu.memory_space<vmem>>
    %dma_start3A_1893 = tpu.memref_slice %arg2[%add3A_1879, %multiple_of3A_1882] : memref<4096x32000xf32, #tpu.memory_space<hbm>> -> memref<8x128xf32, #tpu.memory_space<hbm>>
    tpu.enqueue_dma source(%dma_start3A_1893 : memref<8x128xf32, #tpu.memory_space<hbm>>) target(%dma_start3A_1892 : memref<8x128xf32, #tpu.memory_space<vmem>>) target_semaphore(%arg8 : memref<!tpu.dma_semaphore, #tpu.memory_space<semaphore_mem>>)
    %add3A_1894 = arith.constant 104 : i32
    %add3A_1895 = arith.addi %mul3A_2, %add3A_1894 : i32
    %slice3A_1896 = vector.extract_strided_slice %shift_left3A_1653 {offsets = [15], sizes = [1], strides = [1]} : vector<16xi32> to vector<1xi32>
    %squeeze3A_1897 = vector.extract %slice3A_1896[0] : i32 from vector<1xi32>
    %multiple_of3A_1898 = tpu.assume_multiple %squeeze3A_1897, 128 : i32
    %dma_start3A_1899 = arith.constant 47 : i32
    %dma_start3A_1900 = arith.constant 0 : i32
    %dma_start3A_1901 = arith.constant 0 : i32
    %dma_start3A_1902 = tpu.memref_slice %arg6[%dma_start3A_1899, %dma_start3A_1900, %dma_start3A_1901] : memref<64x8x128xf32, #tpu.memory_space<vmem>> -> memref<1x8x128xf32, #tpu.memory_space<vmem>>
    %dma_start3A_1903 = tpu.memref_squeeze %dma_start3A_1902 : memref<1x8x128xf32, #tpu.memory_space<vmem>> -> memref<8x128xf32, #tpu.memory_space<vmem>>
    %dma_start3A_1904 = tpu.memref_slice %arg2[%add3A_1895, %multiple_of3A_1898] : memref<4096x32000xf32, #tpu.memory_space<hbm>> -> memref<8x128xf32, #tpu.memory_space<hbm>>
    %dma_start3A_1905 = arith.constant 0 : i32
    %dma_start3A_1906 = arith.constant 0 : i32
    %dma_start3A_1907 = tpu.memref_slice %arg6[%dma_start3A_1899, %dma_start3A_1905, %dma_start3A_1906] : memref<64x8x128xf32, #tpu.memory_space<vmem>> -> memref<1x8x128xf32, #tpu.memory_space<vmem>>
    %dma_start3A_1908 = tpu.memref_squeeze %dma_start3A_1907 : memref<1x8x128xf32, #tpu.memory_space<vmem>> -> memref<8x128xf32, #tpu.memory_space<vmem>>
    %dma_start3A_1909 = tpu.memref_slice %arg2[%add3A_1895, %multiple_of3A_1898] : memref<4096x32000xf32, #tpu.memory_space<hbm>> -> memref<8x128xf32, #tpu.memory_space<hbm>>
    tpu.enqueue_dma source(%dma_start3A_1909 : memref<8x128xf32, #tpu.memory_space<hbm>>) target(%dma_start3A_1908 : memref<8x128xf32, #tpu.memory_space<vmem>>) target_semaphore(%arg8 : memref<!tpu.dma_semaphore, #tpu.memory_space<semaphore_mem>>)
    %get3A_1910 = arith.constant 112 : index
    %get3A_1911 = tpu.vector_load %arg5[%get3A_1910] {strides = array<i32>} : memref<128xi32, #tpu.memory_space<vmem>>, vector<16xi32>,
    %shift_right_arithmetic3A_1912 = arith.constant 7 : i32
    %shift_right_arithmetic3A_1913 = vector.broadcast %shift_right_arithmetic3A_1912 : i32 to vector<16xi32>
    %shift_right_arithmetic3A_1914 = arith.shrsi %get3A_1911, %shift_right_arithmetic3A_1913 : vector<16xi32>
    %shift_left3A_1915 = arith.constant 7 : i32
    %shift_left3A_1916 = vector.broadcast %shift_left3A_1915 : i32 to vector<16xi32>
    %shift_left3A_1917 = arith.shli %shift_right_arithmetic3A_1914, %shift_left3A_1916 : vector<16xi32>
    %add3A_1918 = arith.constant 112 : i32
    %add3A_1919 = arith.addi %mul3A_2, %add3A_1918 : i32
    %slice3A_1920 = vector.extract_strided_slice %shift_left3A_1917 {offsets = [0], sizes = [1], strides = [1]} : vector<16xi32> to vector<1xi32>
    %squeeze3A_1921 = vector.extract %slice3A_1920[0] : i32 from vector<1xi32>
    %multiple_of3A_1922 = tpu.assume_multiple %squeeze3A_1921, 128 : i32
    %dma_start3A_1923 = arith.constant 48 : i32
    %dma_start3A_1924 = arith.constant 0 : i32
    %dma_start3A_1925 = arith.constant 0 : i32
    %dma_start3A_1926 = tpu.memref_slice %arg6[%dma_start3A_1923, %dma_start3A_1924, %dma_start3A_1925] : memref<64x8x128xf32, #tpu.memory_space<vmem>> -> memref<1x8x128xf32, #tpu.memory_space<vmem>>
    %dma_start3A_1927 = tpu.memref_squeeze %dma_start3A_1926 : memref<1x8x128xf32, #tpu.memory_space<vmem>> -> memref<8x128xf32, #tpu.memory_space<vmem>>
    %dma_start3A_1928 = tpu.memref_slice %arg2[%add3A_1919, %multiple_of3A_1922] : memref<4096x32000xf32, #tpu.memory_space<hbm>> -> memref<8x128xf32, #tpu.memory_space<hbm>>
    %dma_start3A_1929 = arith.constant 0 : i32
    %dma_start3A_1930 = arith.constant 0 : i32
    %dma_start3A_1931 = tpu.memref_slice %arg6[%dma_start3A_1923, %dma_start3A_1929, %dma_start3A_1930] : memref<64x8x128xf32, #tpu.memory_space<vmem>> -> memref<1x8x128xf32, #tpu.memory_space<vmem>>
    %dma_start3A_1932 = tpu.memref_squeeze %dma_start3A_1931 : memref<1x8x128xf32, #tpu.memory_space<vmem>> -> memref<8x128xf32, #tpu.memory_space<vmem>>
    %dma_start3A_1933 = tpu.memref_slice %arg2[%add3A_1919, %multiple_of3A_1922] : memref<4096x32000xf32, #tpu.memory_space<hbm>> -> memref<8x128xf32, #tpu.memory_space<hbm>>
    tpu.enqueue_dma source(%dma_start3A_1933 : memref<8x128xf32, #tpu.memory_space<hbm>>) target(%dma_start3A_1932 : memref<8x128xf32, #tpu.memory_space<vmem>>) target_semaphore(%arg8 : memref<!tpu.dma_semaphore, #tpu.memory_space<semaphore_mem>>)
    %add3A_1934 = arith.constant 112 : i32
    %add3A_1935 = arith.addi %mul3A_2, %add3A_1934 : i32
    %slice3A_1936 = vector.extract_strided_slice %shift_left3A_1917 {offsets = [1], sizes = [1], strides = [1]} : vector<16xi32> to vector<1xi32>
    %squeeze3A_1937 = vector.extract %slice3A_1936[0] : i32 from vector<1xi32>
    %multiple_of3A_1938 = tpu.assume_multiple %squeeze3A_1937, 128 : i32
    %dma_start3A_1939 = arith.constant 49 : i32
    %dma_start3A_1940 = arith.constant 0 : i32
    %dma_start3A_1941 = arith.constant 0 : i32
    %dma_start3A_1942 = tpu.memref_slice %arg6[%dma_start3A_1939, %dma_start3A_1940, %dma_start3A_1941] : memref<64x8x128xf32, #tpu.memory_space<vmem>> -> memref<1x8x128xf32, #tpu.memory_space<vmem>>
    %dma_start3A_1943 = tpu.memref_squeeze %dma_start3A_1942 : memref<1x8x128xf32, #tpu.memory_space<vmem>> -> memref<8x128xf32, #tpu.memory_space<vmem>>
    %dma_start3A_1944 = tpu.memref_slice %arg2[%add3A_1935, %multiple_of3A_1938] : memref<4096x32000xf32, #tpu.memory_space<hbm>> -> memref<8x128xf32, #tpu.memory_space<hbm>>
    %dma_start3A_1945 = arith.constant 0 : i32
    %dma_start3A_1946 = arith.constant 0 : i32
    %dma_start3A_1947 = tpu.memref_slice %arg6[%dma_start3A_1939, %dma_start3A_1945, %dma_start3A_1946] : memref<64x8x128xf32, #tpu.memory_space<vmem>> -> memref<1x8x128xf32, #tpu.memory_space<vmem>>
    %dma_start3A_1948 = tpu.memref_squeeze %dma_start3A_1947 : memref<1x8x128xf32, #tpu.memory_space<vmem>> -> memref<8x128xf32, #tpu.memory_space<vmem>>
    %dma_start3A_1949 = tpu.memref_slice %arg2[%add3A_1935, %multiple_of3A_1938] : memref<4096x32000xf32, #tpu.memory_space<hbm>> -> memref<8x128xf32, #tpu.memory_space<hbm>>
    tpu.enqueue_dma source(%dma_start3A_1949 : memref<8x128xf32, #tpu.memory_space<hbm>>) target(%dma_start3A_1948 : memref<8x128xf32, #tpu.memory_space<vmem>>) target_semaphore(%arg8 : memref<!tpu.dma_semaphore, #tpu.memory_space<semaphore_mem>>)
    %add3A_1950 = arith.constant 112 : i32
    %add3A_1951 = arith.addi %mul3A_2, %add3A_1950 : i32
    %slice3A_1952 = vector.extract_strided_slice %shift_left3A_1917 {offsets = [2], sizes = [1], strides = [1]} : vector<16xi32> to vector<1xi32>
    %squeeze3A_1953 = vector.extract %slice3A_1952[0] : i32 from vector<1xi32>
    %multiple_of3A_1954 = tpu.assume_multiple %squeeze3A_1953, 128 : i32
    %dma_start3A_1955 = arith.constant 50 : i32
    %dma_start3A_1956 = arith.constant 0 : i32
    %dma_start3A_1957 = arith.constant 0 : i32
    %dma_start3A_1958 = tpu.memref_slice %arg6[%dma_start3A_1955, %dma_start3A_1956, %dma_start3A_1957] : memref<64x8x128xf32, #tpu.memory_space<vmem>> -> memref<1x8x128xf32, #tpu.memory_space<vmem>>
    %dma_start3A_1959 = tpu.memref_squeeze %dma_start3A_1958 : memref<1x8x128xf32, #tpu.memory_space<vmem>> -> memref<8x128xf32, #tpu.memory_space<vmem>>
    %dma_start3A_1960 = tpu.memref_slice %arg2[%add3A_1951, %multiple_of3A_1954] : memref<4096x32000xf32, #tpu.memory_space<hbm>> -> memref<8x128xf32, #tpu.memory_space<hbm>>
    %dma_start3A_1961 = arith.constant 0 : i32
    %dma_start3A_1962 = arith.constant 0 : i32
    %dma_start3A_1963 = tpu.memref_slice %arg6[%dma_start3A_1955, %dma_start3A_1961, %dma_start3A_1962] : memref<64x8x128xf32, #tpu.memory_space<vmem>> -> memref<1x8x128xf32, #tpu.memory_space<vmem>>
    %dma_start3A_1964 = tpu.memref_squeeze %dma_start3A_1963 : memref<1x8x128xf32, #tpu.memory_space<vmem>> -> memref<8x128xf32, #tpu.memory_space<vmem>>
    %dma_start3A_1965 = tpu.memref_slice %arg2[%add3A_1951, %multiple_of3A_1954] : memref<4096x32000xf32, #tpu.memory_space<hbm>> -> memref<8x128xf32, #tpu.memory_space<hbm>>
    tpu.enqueue_dma source(%dma_start3A_1965 : memref<8x128xf32, #tpu.memory_space<hbm>>) target(%dma_start3A_1964 : memref<8x128xf32, #tpu.memory_space<vmem>>) target_semaphore(%arg8 : memref<!tpu.dma_semaphore, #tpu.memory_space<semaphore_mem>>)
    %add3A_1966 = arith.constant 112 : i32
    %add3A_1967 = arith.addi %mul3A_2, %add3A_1966 : i32
    %slice3A_1968 = vector.extract_strided_slice %shift_left3A_1917 {offsets = [3], sizes = [1], strides = [1]} : vector<16xi32> to vector<1xi32>
    %squeeze3A_1969 = vector.extract %slice3A_1968[0] : i32 from vector<1xi32>
    %multiple_of3A_1970 = tpu.assume_multiple %squeeze3A_1969, 128 : i32
    %dma_start3A_1971 = arith.constant 51 : i32
    %dma_start3A_1972 = arith.constant 0 : i32
    %dma_start3A_1973 = arith.constant 0 : i32
    %dma_start3A_1974 = tpu.memref_slice %arg6[%dma_start3A_1971, %dma_start3A_1972, %dma_start3A_1973] : memref<64x8x128xf32, #tpu.memory_space<vmem>> -> memref<1x8x128xf32, #tpu.memory_space<vmem>>
    %dma_start3A_1975 = tpu.memref_squeeze %dma_start3A_1974 : memref<1x8x128xf32, #tpu.memory_space<vmem>> -> memref<8x128xf32, #tpu.memory_space<vmem>>
    %dma_start3A_1976 = tpu.memref_slice %arg2[%add3A_1967, %multiple_of3A_1970] : memref<4096x32000xf32, #tpu.memory_space<hbm>> -> memref<8x128xf32, #tpu.memory_space<hbm>>
    %dma_start3A_1977 = arith.constant 0 : i32
    %dma_start3A_1978 = arith.constant 0 : i32
    %dma_start3A_1979 = tpu.memref_slice %arg6[%dma_start3A_1971, %dma_start3A_1977, %dma_start3A_1978] : memref<64x8x128xf32, #tpu.memory_space<vmem>> -> memref<1x8x128xf32, #tpu.memory_space<vmem>>
    %dma_start3A_1980 = tpu.memref_squeeze %dma_start3A_1979 : memref<1x8x128xf32, #tpu.memory_space<vmem>> -> memref<8x128xf32, #tpu.memory_space<vmem>>
    %dma_start3A_1981 = tpu.memref_slice %arg2[%add3A_1967, %multiple_of3A_1970] : memref<4096x32000xf32, #tpu.memory_space<hbm>> -> memref<8x128xf32, #tpu.memory_space<hbm>>
    tpu.enqueue_dma source(%dma_start3A_1981 : memref<8x128xf32, #tpu.memory_space<hbm>>) target(%dma_start3A_1980 : memref<8x128xf32, #tpu.memory_space<vmem>>) target_semaphore(%arg8 : memref<!tpu.dma_semaphore, #tpu.memory_space<semaphore_mem>>)
    %add3A_1982 = arith.constant 112 : i32
    %add3A_1983 = arith.addi %mul3A_2, %add3A_1982 : i32
    %slice3A_1984 = vector.extract_strided_slice %shift_left3A_1917 {offsets = [4], sizes = [1], strides = [1]} : vector<16xi32> to vector<1xi32>
    %squeeze3A_1985 = vector.extract %slice3A_1984[0] : i32 from vector<1xi32>
    %multiple_of3A_1986 = tpu.assume_multiple %squeeze3A_1985, 128 : i32
    %dma_start3A_1987 = arith.constant 52 : i32
    %dma_start3A_1988 = arith.constant 0 : i32
    %dma_start3A_1989 = arith.constant 0 : i32
    %dma_start3A_1990 = tpu.memref_slice %arg6[%dma_start3A_1987, %dma_start3A_1988, %dma_start3A_1989] : memref<64x8x128xf32, #tpu.memory_space<vmem>> -> memref<1x8x128xf32, #tpu.memory_space<vmem>>
    %dma_start3A_1991 = tpu.memref_squeeze %dma_start3A_1990 : memref<1x8x128xf32, #tpu.memory_space<vmem>> -> memref<8x128xf32, #tpu.memory_space<vmem>>
    %dma_start3A_1992 = tpu.memref_slice %arg2[%add3A_1983, %multiple_of3A_1986] : memref<4096x32000xf32, #tpu.memory_space<hbm>> -> memref<8x128xf32, #tpu.memory_space<hbm>>
    %dma_start3A_1993 = arith.constant 0 : i32
    %dma_start3A_1994 = arith.constant 0 : i32
    %dma_start3A_1995 = tpu.memref_slice %arg6[%dma_start3A_1987, %dma_start3A_1993, %dma_start3A_1994] : memref<64x8x128xf32, #tpu.memory_space<vmem>> -> memref<1x8x128xf32, #tpu.memory_space<vmem>>
    %dma_start3A_1996 = tpu.memref_squeeze %dma_start3A_1995 : memref<1x8x128xf32, #tpu.memory_space<vmem>> -> memref<8x128xf32, #tpu.memory_space<vmem>>
    %dma_start3A_1997 = tpu.memref_slice %arg2[%add3A_1983, %multiple_of3A_1986] : memref<4096x32000xf32, #tpu.memory_space<hbm>> -> memref<8x128xf32, #tpu.memory_space<hbm>>
    tpu.enqueue_dma source(%dma_start3A_1997 : memref<8x128xf32, #tpu.memory_space<hbm>>) target(%dma_start3A_1996 : memref<8x128xf32, #tpu.memory_space<vmem>>) target_semaphore(%arg8 : memref<!tpu.dma_semaphore, #tpu.memory_space<semaphore_mem>>)
    %add3A_1998 = arith.constant 112 : i32
    %add3A_1999 = arith.addi %mul3A_2, %add3A_1998 : i32
    %slice3A_2000 = vector.extract_strided_slice %shift_left3A_1917 {offsets = [5], sizes = [1], strides = [1]} : vector<16xi32> to vector<1xi32>
    %squeeze3A_2001 = vector.extract %slice3A_2000[0] : i32 from vector<1xi32>
    %multiple_of3A_2002 = tpu.assume_multiple %squeeze3A_2001, 128 : i32
    %dma_start3A_2003 = arith.constant 53 : i32
    %dma_start3A_2004 = arith.constant 0 : i32
    %dma_start3A_2005 = arith.constant 0 : i32
    %dma_start3A_2006 = tpu.memref_slice %arg6[%dma_start3A_2003, %dma_start3A_2004, %dma_start3A_2005] : memref<64x8x128xf32, #tpu.memory_space<vmem>> -> memref<1x8x128xf32, #tpu.memory_space<vmem>>
    %dma_start3A_2007 = tpu.memref_squeeze %dma_start3A_2006 : memref<1x8x128xf32, #tpu.memory_space<vmem>> -> memref<8x128xf32, #tpu.memory_space<vmem>>
    %dma_start3A_2008 = tpu.memref_slice %arg2[%add3A_1999, %multiple_of3A_2002] : memref<4096x32000xf32, #tpu.memory_space<hbm>> -> memref<8x128xf32, #tpu.memory_space<hbm>>
    %dma_start3A_2009 = arith.constant 0 : i32
    %dma_start3A_2010 = arith.constant 0 : i32
    %dma_start3A_2011 = tpu.memref_slice %arg6[%dma_start3A_2003, %dma_start3A_2009, %dma_start3A_2010] : memref<64x8x128xf32, #tpu.memory_space<vmem>> -> memref<1x8x128xf32, #tpu.memory_space<vmem>>
    %dma_start3A_2012 = tpu.memref_squeeze %dma_start3A_2011 : memref<1x8x128xf32, #tpu.memory_space<vmem>> -> memref<8x128xf32, #tpu.memory_space<vmem>>
    %dma_start3A_2013 = tpu.memref_slice %arg2[%add3A_1999, %multiple_of3A_2002] : memref<4096x32000xf32, #tpu.memory_space<hbm>> -> memref<8x128xf32, #tpu.memory_space<hbm>>
    tpu.enqueue_dma source(%dma_start3A_2013 : memref<8x128xf32, #tpu.memory_space<hbm>>) target(%dma_start3A_2012 : memref<8x128xf32, #tpu.memory_space<vmem>>) target_semaphore(%arg8 : memref<!tpu.dma_semaphore, #tpu.memory_space<semaphore_mem>>)
    %add3A_2014 = arith.constant 112 : i32
    %add3A_2015 = arith.addi %mul3A_2, %add3A_2014 : i32
    %slice3A_2016 = vector.extract_strided_slice %shift_left3A_1917 {offsets = [6], sizes = [1], strides = [1]} : vector<16xi32> to vector<1xi32>
    %squeeze3A_2017 = vector.extract %slice3A_2016[0] : i32 from vector<1xi32>
    %multiple_of3A_2018 = tpu.assume_multiple %squeeze3A_2017, 128 : i32
    %dma_start3A_2019 = arith.constant 54 : i32
    %dma_start3A_2020 = arith.constant 0 : i32
    %dma_start3A_2021 = arith.constant 0 : i32
    %dma_start3A_2022 = tpu.memref_slice %arg6[%dma_start3A_2019, %dma_start3A_2020, %dma_start3A_2021] : memref<64x8x128xf32, #tpu.memory_space<vmem>> -> memref<1x8x128xf32, #tpu.memory_space<vmem>>
    %dma_start3A_2023 = tpu.memref_squeeze %dma_start3A_2022 : memref<1x8x128xf32, #tpu.memory_space<vmem>> -> memref<8x128xf32, #tpu.memory_space<vmem>>
    %dma_start3A_2024 = tpu.memref_slice %arg2[%add3A_2015, %multiple_of3A_2018] : memref<4096x32000xf32, #tpu.memory_space<hbm>> -> memref<8x128xf32, #tpu.memory_space<hbm>>
    %dma_start3A_2025 = arith.constant 0 : i32
    %dma_start3A_2026 = arith.constant 0 : i32
    %dma_start3A_2027 = tpu.memref_slice %arg6[%dma_start3A_2019, %dma_start3A_2025, %dma_start3A_2026] : memref<64x8x128xf32, #tpu.memory_space<vmem>> -> memref<1x8x128xf32, #tpu.memory_space<vmem>>
    %dma_start3A_2028 = tpu.memref_squeeze %dma_start3A_2027 : memref<1x8x128xf32, #tpu.memory_space<vmem>> -> memref<8x128xf32, #tpu.memory_space<vmem>>
    %dma_start3A_2029 = tpu.memref_slice %arg2[%add3A_2015, %multiple_of3A_2018] : memref<4096x32000xf32, #tpu.memory_space<hbm>> -> memref<8x128xf32, #tpu.memory_space<hbm>>
    tpu.enqueue_dma source(%dma_start3A_2029 : memref<8x128xf32, #tpu.memory_space<hbm>>) target(%dma_start3A_2028 : memref<8x128xf32, #tpu.memory_space<vmem>>) target_semaphore(%arg8 : memref<!tpu.dma_semaphore, #tpu.memory_space<semaphore_mem>>)
    %add3A_2030 = arith.constant 112 : i32
    %add3A_2031 = arith.addi %mul3A_2, %add3A_2030 : i32
    %slice3A_2032 = vector.extract_strided_slice %shift_left3A_1917 {offsets = [7], sizes = [1], strides = [1]} : vector<16xi32> to vector<1xi32>
    %squeeze3A_2033 = vector.extract %slice3A_2032[0] : i32 from vector<1xi32>
    %multiple_of3A_2034 = tpu.assume_multiple %squeeze3A_2033, 128 : i32
    %dma_start3A_2035 = arith.constant 55 : i32
    %dma_start3A_2036 = arith.constant 0 : i32
    %dma_start3A_2037 = arith.constant 0 : i32
    %dma_start3A_2038 = tpu.memref_slice %arg6[%dma_start3A_2035, %dma_start3A_2036, %dma_start3A_2037] : memref<64x8x128xf32, #tpu.memory_space<vmem>> -> memref<1x8x128xf32, #tpu.memory_space<vmem>>
    %dma_start3A_2039 = tpu.memref_squeeze %dma_start3A_2038 : memref<1x8x128xf32, #tpu.memory_space<vmem>> -> memref<8x128xf32, #tpu.memory_space<vmem>>
    %dma_start3A_2040 = tpu.memref_slice %arg2[%add3A_2031, %multiple_of3A_2034] : memref<4096x32000xf32, #tpu.memory_space<hbm>> -> memref<8x128xf32, #tpu.memory_space<hbm>>
    %dma_start3A_2041 = arith.constant 0 : i32
    %dma_start3A_2042 = arith.constant 0 : i32
    %dma_start3A_2043 = tpu.memref_slice %arg6[%dma_start3A_2035, %dma_start3A_2041, %dma_start3A_2042] : memref<64x8x128xf32, #tpu.memory_space<vmem>> -> memref<1x8x128xf32, #tpu.memory_space<vmem>>
    %dma_start3A_2044 = tpu.memref_squeeze %dma_start3A_2043 : memref<1x8x128xf32, #tpu.memory_space<vmem>> -> memref<8x128xf32, #tpu.memory_space<vmem>>
    %dma_start3A_2045 = tpu.memref_slice %arg2[%add3A_2031, %multiple_of3A_2034] : memref<4096x32000xf32, #tpu.memory_space<hbm>> -> memref<8x128xf32, #tpu.memory_space<hbm>>
    tpu.enqueue_dma source(%dma_start3A_2045 : memref<8x128xf32, #tpu.memory_space<hbm>>) target(%dma_start3A_2044 : memref<8x128xf32, #tpu.memory_space<vmem>>) target_semaphore(%arg8 : memref<!tpu.dma_semaphore, #tpu.memory_space<semaphore_mem>>)
    %add3A_2046 = arith.constant 120 : i32
    %add3A_2047 = arith.addi %mul3A_2, %add3A_2046 : i32
    %slice3A_2048 = vector.extract_strided_slice %shift_left3A_1917 {offsets = [8], sizes = [1], strides = [1]} : vector<16xi32> to vector<1xi32>
    %squeeze3A_2049 = vector.extract %slice3A_2048[0] : i32 from vector<1xi32>
    %multiple_of3A_2050 = tpu.assume_multiple %squeeze3A_2049, 128 : i32
    %dma_start3A_2051 = arith.constant 56 : i32
    %dma_start3A_2052 = arith.constant 0 : i32
    %dma_start3A_2053 = arith.constant 0 : i32
    %dma_start3A_2054 = tpu.memref_slice %arg6[%dma_start3A_2051, %dma_start3A_2052, %dma_start3A_2053] : memref<64x8x128xf32, #tpu.memory_space<vmem>> -> memref<1x8x128xf32, #tpu.memory_space<vmem>>
    %dma_start3A_2055 = tpu.memref_squeeze %dma_start3A_2054 : memref<1x8x128xf32, #tpu.memory_space<vmem>> -> memref<8x128xf32, #tpu.memory_space<vmem>>
    %dma_start3A_2056 = tpu.memref_slice %arg2[%add3A_2047, %multiple_of3A_2050] : memref<4096x32000xf32, #tpu.memory_space<hbm>> -> memref<8x128xf32, #tpu.memory_space<hbm>>
    %dma_start3A_2057 = arith.constant 0 : i32
    %dma_start3A_2058 = arith.constant 0 : i32
    %dma_start3A_2059 = tpu.memref_slice %arg6[%dma_start3A_2051, %dma_start3A_2057, %dma_start3A_2058] : memref<64x8x128xf32, #tpu.memory_space<vmem>> -> memref<1x8x128xf32, #tpu.memory_space<vmem>>
    %dma_start3A_2060 = tpu.memref_squeeze %dma_start3A_2059 : memref<1x8x128xf32, #tpu.memory_space<vmem>> -> memref<8x128xf32, #tpu.memory_space<vmem>>
    %dma_start3A_2061 = tpu.memref_slice %arg2[%add3A_2047, %multiple_of3A_2050] : memref<4096x32000xf32, #tpu.memory_space<hbm>> -> memref<8x128xf32, #tpu.memory_space<hbm>>
    tpu.enqueue_dma source(%dma_start3A_2061 : memref<8x128xf32, #tpu.memory_space<hbm>>) target(%dma_start3A_2060 : memref<8x128xf32, #tpu.memory_space<vmem>>) target_semaphore(%arg8 : memref<!tpu.dma_semaphore, #tpu.memory_space<semaphore_mem>>)
    %add3A_2062 = arith.constant 120 : i32
    %add3A_2063 = arith.addi %mul3A_2, %add3A_2062 : i32
    %slice3A_2064 = vector.extract_strided_slice %shift_left3A_1917 {offsets = [9], sizes = [1], strides = [1]} : vector<16xi32> to vector<1xi32>
    %squeeze3A_2065 = vector.extract %slice3A_2064[0] : i32 from vector<1xi32>
    %multiple_of3A_2066 = tpu.assume_multiple %squeeze3A_2065, 128 : i32
    %dma_start3A_2067 = arith.constant 57 : i32
    %dma_start3A_2068 = arith.constant 0 : i32
    %dma_start3A_2069 = arith.constant 0 : i32
    %dma_start3A_2070 = tpu.memref_slice %arg6[%dma_start3A_2067, %dma_start3A_2068, %dma_start3A_2069] : memref<64x8x128xf32, #tpu.memory_space<vmem>> -> memref<1x8x128xf32, #tpu.memory_space<vmem>>
    %dma_start3A_2071 = tpu.memref_squeeze %dma_start3A_2070 : memref<1x8x128xf32, #tpu.memory_space<vmem>> -> memref<8x128xf32, #tpu.memory_space<vmem>>
    %dma_start3A_2072 = tpu.memref_slice %arg2[%add3A_2063, %multiple_of3A_2066] : memref<4096x32000xf32, #tpu.memory_space<hbm>> -> memref<8x128xf32, #tpu.memory_space<hbm>>
    %dma_start3A_2073 = arith.constant 0 : i32
    %dma_start3A_2074 = arith.constant 0 : i32
    %dma_start3A_2075 = tpu.memref_slice %arg6[%dma_start3A_2067, %dma_start3A_2073, %dma_start3A_2074] : memref<64x8x128xf32, #tpu.memory_space<vmem>> -> memref<1x8x128xf32, #tpu.memory_space<vmem>>
    %dma_start3A_2076 = tpu.memref_squeeze %dma_start3A_2075 : memref<1x8x128xf32, #tpu.memory_space<vmem>> -> memref<8x128xf32, #tpu.memory_space<vmem>>
    %dma_start3A_2077 = tpu.memref_slice %arg2[%add3A_2063, %multiple_of3A_2066] : memref<4096x32000xf32, #tpu.memory_space<hbm>> -> memref<8x128xf32, #tpu.memory_space<hbm>>
    tpu.enqueue_dma source(%dma_start3A_2077 : memref<8x128xf32, #tpu.memory_space<hbm>>) target(%dma_start3A_2076 : memref<8x128xf32, #tpu.memory_space<vmem>>) target_semaphore(%arg8 : memref<!tpu.dma_semaphore, #tpu.memory_space<semaphore_mem>>)
    %add3A_2078 = arith.constant 120 : i32
    %add3A_2079 = arith.addi %mul3A_2, %add3A_2078 : i32
    %slice3A_2080 = vector.extract_strided_slice %shift_left3A_1917 {offsets = [10], sizes = [1], strides = [1]} : vector<16xi32> to vector<1xi32>
    %squeeze3A_2081 = vector.extract %slice3A_2080[0] : i32 from vector<1xi32>
    %multiple_of3A_2082 = tpu.assume_multiple %squeeze3A_2081, 128 : i32
    %dma_start3A_2083 = arith.constant 58 : i32
    %dma_start3A_2084 = arith.constant 0 : i32
    %dma_start3A_2085 = arith.constant 0 : i32
    %dma_start3A_2086 = tpu.memref_slice %arg6[%dma_start3A_2083, %dma_start3A_2084, %dma_start3A_2085] : memref<64x8x128xf32, #tpu.memory_space<vmem>> -> memref<1x8x128xf32, #tpu.memory_space<vmem>>
    %dma_start3A_2087 = tpu.memref_squeeze %dma_start3A_2086 : memref<1x8x128xf32, #tpu.memory_space<vmem>> -> memref<8x128xf32, #tpu.memory_space<vmem>>
    %dma_start3A_2088 = tpu.memref_slice %arg2[%add3A_2079, %multiple_of3A_2082] : memref<4096x32000xf32, #tpu.memory_space<hbm>> -> memref<8x128xf32, #tpu.memory_space<hbm>>
    %dma_start3A_2089 = arith.constant 0 : i32
    %dma_start3A_2090 = arith.constant 0 : i32
    %dma_start3A_2091 = tpu.memref_slice %arg6[%dma_start3A_2083, %dma_start3A_2089, %dma_start3A_2090] : memref<64x8x128xf32, #tpu.memory_space<vmem>> -> memref<1x8x128xf32, #tpu.memory_space<vmem>>
    %dma_start3A_2092 = tpu.memref_squeeze %dma_start3A_2091 : memref<1x8x128xf32, #tpu.memory_space<vmem>> -> memref<8x128xf32, #tpu.memory_space<vmem>>
    %dma_start3A_2093 = tpu.memref_slice %arg2[%add3A_2079, %multiple_of3A_2082] : memref<4096x32000xf32, #tpu.memory_space<hbm>> -> memref<8x128xf32, #tpu.memory_space<hbm>>
    tpu.enqueue_dma source(%dma_start3A_2093 : memref<8x128xf32, #tpu.memory_space<hbm>>) target(%dma_start3A_2092 : memref<8x128xf32, #tpu.memory_space<vmem>>) target_semaphore(%arg8 : memref<!tpu.dma_semaphore, #tpu.memory_space<semaphore_mem>>)
    %add3A_2094 = arith.constant 120 : i32
    %add3A_2095 = arith.addi %mul3A_2, %add3A_2094 : i32
    %slice3A_2096 = vector.extract_strided_slice %shift_left3A_1917 {offsets = [11], sizes = [1], strides = [1]} : vector<16xi32> to vector<1xi32>
    %squeeze3A_2097 = vector.extract %slice3A_2096[0] : i32 from vector<1xi32>
    %multiple_of3A_2098 = tpu.assume_multiple %squeeze3A_2097, 128 : i32
    %dma_start3A_2099 = arith.constant 59 : i32
    %dma_start3A_2100 = arith.constant 0 : i32
    %dma_start3A_2101 = arith.constant 0 : i32
    %dma_start3A_2102 = tpu.memref_slice %arg6[%dma_start3A_2099, %dma_start3A_2100, %dma_start3A_2101] : memref<64x8x128xf32, #tpu.memory_space<vmem>> -> memref<1x8x128xf32, #tpu.memory_space<vmem>>
    %dma_start3A_2103 = tpu.memref_squeeze %dma_start3A_2102 : memref<1x8x128xf32, #tpu.memory_space<vmem>> -> memref<8x128xf32, #tpu.memory_space<vmem>>
    %dma_start3A_2104 = tpu.memref_slice %arg2[%add3A_2095, %multiple_of3A_2098] : memref<4096x32000xf32, #tpu.memory_space<hbm>> -> memref<8x128xf32, #tpu.memory_space<hbm>>
    %dma_start3A_2105 = arith.constant 0 : i32
    %dma_start3A_2106 = arith.constant 0 : i32
    %dma_start3A_2107 = tpu.memref_slice %arg6[%dma_start3A_2099, %dma_start3A_2105, %dma_start3A_2106] : memref<64x8x128xf32, #tpu.memory_space<vmem>> -> memref<1x8x128xf32, #tpu.memory_space<vmem>>
    %dma_start3A_2108 = tpu.memref_squeeze %dma_start3A_2107 : memref<1x8x128xf32, #tpu.memory_space<vmem>> -> memref<8x128xf32, #tpu.memory_space<vmem>>
    %dma_start3A_2109 = tpu.memref_slice %arg2[%add3A_2095, %multiple_of3A_2098] : memref<4096x32000xf32, #tpu.memory_space<hbm>> -> memref<8x128xf32, #tpu.memory_space<hbm>>
    tpu.enqueue_dma source(%dma_start3A_2109 : memref<8x128xf32, #tpu.memory_space<hbm>>) target(%dma_start3A_2108 : memref<8x128xf32, #tpu.memory_space<vmem>>) target_semaphore(%arg8 : memref<!tpu.dma_semaphore, #tpu.memory_space<semaphore_mem>>)
    %add3A_2110 = arith.constant 120 : i32
    %add3A_2111 = arith.addi %mul3A_2, %add3A_2110 : i32
    %slice3A_2112 = vector.extract_strided_slice %shift_left3A_1917 {offsets = [12], sizes = [1], strides = [1]} : vector<16xi32> to vector<1xi32>
    %squeeze3A_2113 = vector.extract %slice3A_2112[0] : i32 from vector<1xi32>
    %multiple_of3A_2114 = tpu.assume_multiple %squeeze3A_2113, 128 : i32
    %dma_start3A_2115 = arith.constant 60 : i32
    %dma_start3A_2116 = arith.constant 0 : i32
    %dma_start3A_2117 = arith.constant 0 : i32
    %dma_start3A_2118 = tpu.memref_slice %arg6[%dma_start3A_2115, %dma_start3A_2116, %dma_start3A_2117] : memref<64x8x128xf32, #tpu.memory_space<vmem>> -> memref<1x8x128xf32, #tpu.memory_space<vmem>>
    %dma_start3A_2119 = tpu.memref_squeeze %dma_start3A_2118 : memref<1x8x128xf32, #tpu.memory_space<vmem>> -> memref<8x128xf32, #tpu.memory_space<vmem>>
    %dma_start3A_2120 = tpu.memref_slice %arg2[%add3A_2111, %multiple_of3A_2114] : memref<4096x32000xf32, #tpu.memory_space<hbm>> -> memref<8x128xf32, #tpu.memory_space<hbm>>
    %dma_start3A_2121 = arith.constant 0 : i32
    %dma_start3A_2122 = arith.constant 0 : i32
    %dma_start3A_2123 = tpu.memref_slice %arg6[%dma_start3A_2115, %dma_start3A_2121, %dma_start3A_2122] : memref<64x8x128xf32, #tpu.memory_space<vmem>> -> memref<1x8x128xf32, #tpu.memory_space<vmem>>
    %dma_start3A_2124 = tpu.memref_squeeze %dma_start3A_2123 : memref<1x8x128xf32, #tpu.memory_space<vmem>> -> memref<8x128xf32, #tpu.memory_space<vmem>>
    %dma_start3A_2125 = tpu.memref_slice %arg2[%add3A_2111, %multiple_of3A_2114] : memref<4096x32000xf32, #tpu.memory_space<hbm>> -> memref<8x128xf32, #tpu.memory_space<hbm>>
    tpu.enqueue_dma source(%dma_start3A_2125 : memref<8x128xf32, #tpu.memory_space<hbm>>) target(%dma_start3A_2124 : memref<8x128xf32, #tpu.memory_space<vmem>>) target_semaphore(%arg8 : memref<!tpu.dma_semaphore, #tpu.memory_space<semaphore_mem>>)
    %add3A_2126 = arith.constant 120 : i32
    %add3A_2127 = arith.addi %mul3A_2, %add3A_2126 : i32
    %slice3A_2128 = vector.extract_strided_slice %shift_left3A_1917 {offsets = [13], sizes = [1], strides = [1]} : vector<16xi32> to vector<1xi32>
    %squeeze3A_2129 = vector.extract %slice3A_2128[0] : i32 from vector<1xi32>
    %multiple_of3A_2130 = tpu.assume_multiple %squeeze3A_2129, 128 : i32
    %dma_start3A_2131 = arith.constant 61 : i32
    %dma_start3A_2132 = arith.constant 0 : i32
    %dma_start3A_2133 = arith.constant 0 : i32
    %dma_start3A_2134 = tpu.memref_slice %arg6[%dma_start3A_2131, %dma_start3A_2132, %dma_start3A_2133] : memref<64x8x128xf32, #tpu.memory_space<vmem>> -> memref<1x8x128xf32, #tpu.memory_space<vmem>>
    %dma_start3A_2135 = tpu.memref_squeeze %dma_start3A_2134 : memref<1x8x128xf32, #tpu.memory_space<vmem>> -> memref<8x128xf32, #tpu.memory_space<vmem>>
    %dma_start3A_2136 = tpu.memref_slice %arg2[%add3A_2127, %multiple_of3A_2130] : memref<4096x32000xf32, #tpu.memory_space<hbm>> -> memref<8x128xf32, #tpu.memory_space<hbm>>
    %dma_start3A_2137 = arith.constant 0 : i32
    %dma_start3A_2138 = arith.constant 0 : i32
    %dma_start3A_2139 = tpu.memref_slice %arg6[%dma_start3A_2131, %dma_start3A_2137, %dma_start3A_2138] : memref<64x8x128xf32, #tpu.memory_space<vmem>> -> memref<1x8x128xf32, #tpu.memory_space<vmem>>
    %dma_start3A_2140 = tpu.memref_squeeze %dma_start3A_2139 : memref<1x8x128xf32, #tpu.memory_space<vmem>> -> memref<8x128xf32, #tpu.memory_space<vmem>>
    %dma_start3A_2141 = tpu.memref_slice %arg2[%add3A_2127, %multiple_of3A_2130] : memref<4096x32000xf32, #tpu.memory_space<hbm>> -> memref<8x128xf32, #tpu.memory_space<hbm>>
    tpu.enqueue_dma source(%dma_start3A_2141 : memref<8x128xf32, #tpu.memory_space<hbm>>) target(%dma_start3A_2140 : memref<8x128xf32, #tpu.memory_space<vmem>>) target_semaphore(%arg8 : memref<!tpu.dma_semaphore, #tpu.memory_space<semaphore_mem>>)
    %add3A_2142 = arith.constant 120 : i32
    %add3A_2143 = arith.addi %mul3A_2, %add3A_2142 : i32
    %slice3A_2144 = vector.extract_strided_slice %shift_left3A_1917 {offsets = [14], sizes = [1], strides = [1]} : vector<16xi32> to vector<1xi32>
    %squeeze3A_2145 = vector.extract %slice3A_2144[0] : i32 from vector<1xi32>
    %multiple_of3A_2146 = tpu.assume_multiple %squeeze3A_2145, 128 : i32
    %dma_start3A_2147 = arith.constant 62 : i32
    %dma_start3A_2148 = arith.constant 0 : i32
    %dma_start3A_2149 = arith.constant 0 : i32
    %dma_start3A_2150 = tpu.memref_slice %arg6[%dma_start3A_2147, %dma_start3A_2148, %dma_start3A_2149] : memref<64x8x128xf32, #tpu.memory_space<vmem>> -> memref<1x8x128xf32, #tpu.memory_space<vmem>>
    %dma_start3A_2151 = tpu.memref_squeeze %dma_start3A_2150 : memref<1x8x128xf32, #tpu.memory_space<vmem>> -> memref<8x128xf32, #tpu.memory_space<vmem>>
    %dma_start3A_2152 = tpu.memref_slice %arg2[%add3A_2143, %multiple_of3A_2146] : memref<4096x32000xf32, #tpu.memory_space<hbm>> -> memref<8x128xf32, #tpu.memory_space<hbm>>
    %dma_start3A_2153 = arith.constant 0 : i32
    %dma_start3A_2154 = arith.constant 0 : i32
    %dma_start3A_2155 = tpu.memref_slice %arg6[%dma_start3A_2147, %dma_start3A_2153, %dma_start3A_2154] : memref<64x8x128xf32, #tpu.memory_space<vmem>> -> memref<1x8x128xf32, #tpu.memory_space<vmem>>
    %dma_start3A_2156 = tpu.memref_squeeze %dma_start3A_2155 : memref<1x8x128xf32, #tpu.memory_space<vmem>> -> memref<8x128xf32, #tpu.memory_space<vmem>>
    %dma_start3A_2157 = tpu.memref_slice %arg2[%add3A_2143, %multiple_of3A_2146] : memref<4096x32000xf32, #tpu.memory_space<hbm>> -> memref<8x128xf32, #tpu.memory_space<hbm>>
    tpu.enqueue_dma source(%dma_start3A_2157 : memref<8x128xf32, #tpu.memory_space<hbm>>) target(%dma_start3A_2156 : memref<8x128xf32, #tpu.memory_space<vmem>>) target_semaphore(%arg8 : memref<!tpu.dma_semaphore, #tpu.memory_space<semaphore_mem>>)
    %add3A_2158 = arith.constant 120 : i32
    %add3A_2159 = arith.addi %mul3A_2, %add3A_2158 : i32
    %slice3A_2160 = vector.extract_strided_slice %shift_left3A_1917 {offsets = [15], sizes = [1], strides = [1]} : vector<16xi32> to vector<1xi32>
    %squeeze3A_2161 = vector.extract %slice3A_2160[0] : i32 from vector<1xi32>
    %multiple_of3A_2162 = tpu.assume_multiple %squeeze3A_2161, 128 : i32
    %dma_start3A_2163 = arith.constant 63 : i32
    %dma_start3A_2164 = arith.constant 0 : i32
    %dma_start3A_2165 = arith.constant 0 : i32
    %dma_start3A_2166 = tpu.memref_slice %arg6[%dma_start3A_2163, %dma_start3A_2164, %dma_start3A_2165] : memref<64x8x128xf32, #tpu.memory_space<vmem>> -> memref<1x8x128xf32, #tpu.memory_space<vmem>>
    %dma_start3A_2167 = tpu.memref_squeeze %dma_start3A_2166 : memref<1x8x128xf32, #tpu.memory_space<vmem>> -> memref<8x128xf32, #tpu.memory_space<vmem>>
    %dma_start3A_2168 = tpu.memref_slice %arg2[%add3A_2159, %multiple_of3A_2162] : memref<4096x32000xf32, #tpu.memory_space<hbm>> -> memref<8x128xf32, #tpu.memory_space<hbm>>
    %dma_start3A_2169 = arith.constant 0 : i32
    %dma_start3A_2170 = arith.constant 0 : i32
    %dma_start3A_2171 = tpu.memref_slice %arg6[%dma_start3A_2163, %dma_start3A_2169, %dma_start3A_2170] : memref<64x8x128xf32, #tpu.memory_space<vmem>> -> memref<1x8x128xf32, #tpu.memory_space<vmem>>
    %dma_start3A_2172 = tpu.memref_squeeze %dma_start3A_2171 : memref<1x8x128xf32, #tpu.memory_space<vmem>> -> memref<8x128xf32, #tpu.memory_space<vmem>>
    %dma_start3A_2173 = tpu.memref_slice %arg2[%add3A_2159, %multiple_of3A_2162] : memref<4096x32000xf32, #tpu.memory_space<hbm>> -> memref<8x128xf32, #tpu.memory_space<hbm>>
    tpu.enqueue_dma source(%dma_start3A_2173 : memref<8x128xf32, #tpu.memory_space<hbm>>) target(%dma_start3A_2172 : memref<8x128xf32, #tpu.memory_space<vmem>>) target_semaphore(%arg8 : memref<!tpu.dma_semaphore, #tpu.memory_space<semaphore_mem>>)
    %scan3A_2174 = arith.constant 0 : i32
    %scan3A_2175 = arith.constant 0 : i32
    %scan3A_2176 = arith.constant 64 : i32
    %scan3A_2177 = arith.addi %scan3A_2175, %scan3A_2176 : i32
    %scan3A_2178 = arith.constant 1 : i32
    %scan3A_2179 = scf.for %scan3A_2245 = %scan3A_2175 to %scan3A_2177 step %scan3A_2178 iter_args(%scan3A_2246 = %scan3A_2174) -> (i32)  : i32 {
      %dma_wait3A = arith.constant 0 : i32
      %dma_wait3A_2247 = arith.constant 0 : i32
      %dma_wait3A_2248 = arith.constant 0 : i32
      %dma_wait3A_2249 = tpu.memref_slice %arg6[%dma_wait3A, %dma_wait3A_2247, %dma_wait3A_2248] : memref<64x8x128xf32, #tpu.memory_space<vmem>> -> memref<1x8x128xf32, #tpu.memory_space<vmem>>
      %dma_wait3A_2250 = tpu.memref_squeeze %dma_wait3A_2249 : memref<1x8x128xf32, #tpu.memory_space<vmem>> -> memref<8x128xf32, #tpu.memory_space<vmem>>
      %dma_wait3A_2251 = arith.constant 0 : i32
      %dma_wait3A_2252 = arith.constant 0 : i32
      %dma_wait3A_2253 = tpu.memref_slice %arg2[%dma_wait3A_2251, %dma_wait3A_2252] : memref<4096x32000xf32, #tpu.memory_space<hbm>> -> memref<8x128xf32, #tpu.memory_space<hbm>>
      %dma_wait3A_2254 = arith.constant 0 : i32
      %dma_wait3A_2255 = arith.constant 0 : i32
      %dma_wait3A_2256 = tpu.memref_slice %arg6[%dma_wait3A, %dma_wait3A_2254, %dma_wait3A_2255] : memref<64x8x128xf32, #tpu.memory_space<vmem>> -> memref<1x8x128xf32, #tpu.memory_space<vmem>>
      %dma_wait3A_2257 = tpu.memref_squeeze %dma_wait3A_2256 : memref<1x8x128xf32, #tpu.memory_space<vmem>> -> memref<8x128xf32, #tpu.memory_space<vmem>>
      %dma_wait3A_2258 = arith.constant 0 : i32
      %dma_wait3A_2259 = arith.constant 0 : i32
      %dma_wait3A_2260 = tpu.memref_slice %arg2[%dma_wait3A_2258, %dma_wait3A_2259] : memref<4096x32000xf32, #tpu.memory_space<hbm>> -> memref<8x128xf32, #tpu.memory_space<hbm>>
      tpu.wait_dma2 semaphore(%arg8 : memref<!tpu.dma_semaphore, #tpu.memory_space<semaphore_mem>>) src(%dma_wait3A_2260 : memref<8x128xf32, #tpu.memory_space<hbm>>) dst(%dma_wait3A_2257 : memref<8x128xf32, #tpu.memory_space<vmem>>)
      %scan3A_2261 = arith.constant 0 : i32
      scf.yield %scan3A_2261 : i32
    }
    %scan3A_2180 = arith.constant 64 : i32
    %iota3A_2181 = tpu.iota {dimensions = array<i32: 0>} : vector<16xi32>
    %add3A_2182 = arith.constant 0 : i32
    %add3A_2183 = vector.broadcast %add3A_2182 : i32 to vector<16xi32>
    %add3A_2184 = arith.addi %add3A_2183, %iota3A_2181 : vector<16xi32>
    %iota3A_2185 = tpu.iota {dimensions = array<i32: 0>} : vector<16xi32>
    %and3A_2186 = arith.constant 7 : i32
    %and3A_2187 = vector.broadcast %and3A_2186 : i32 to vector<16xi32>
    %and3A_2188 = arith.andi %iota3A_2185, %and3A_2187 : vector<16xi32>
    %get3A_2189 = arith.constant 64 : index
    %get3A_2190 = tpu.vector_load %arg5[%get3A_2189] {strides = array<i32>} : memref<128xi32, #tpu.memory_space<vmem>>, vector<16xi32>,
    %and3A_2191 = arith.constant 127 : i32
    %and3A_2192 = vector.broadcast %and3A_2191 : i32 to vector<16xi32>
    %and3A_2193 = arith.andi %get3A_2190, %and3A_2192 : vector<16xi32>
    %gather3A_2194 = tpu.vector_load_idx %arg6[%add3A_2184, %and3A_2188, %and3A_2193] : memref<64x8x128xf32, #tpu.memory_space<vmem>>[vector<16xi32>, vector<16xi32>, vector<16xi32>], vector<16xf32>,
    %swap3A_2195 = arith.constant 64 : index
    %swap3A_2196 = tpu.vector_load %arg7[%swap3A_2195] {strides = array<i32>} : memref<128xf32, #tpu.memory_space<vmem>>, vector<16xf32>,
    tpu.vector_store %arg7[%swap3A_2195], %gather3A_2194 {strides = array<i32>} : memref<128xf32, #tpu.memory_space<vmem>>, vector<16xf32>,
    %iota3A_2197 = tpu.iota {dimensions = array<i32: 0>} : vector<16xi32>
    %add3A_2198 = arith.constant 16 : i32
    %add3A_2199 = vector.broadcast %add3A_2198 : i32 to vector<16xi32>
    %add3A_2200 = arith.addi %add3A_2199, %iota3A_2197 : vector<16xi32>
    %iota3A_2201 = tpu.iota {dimensions = array<i32: 0>} : vector<16xi32>
    %and3A_2202 = arith.constant 7 : i32
    %and3A_2203 = vector.broadcast %and3A_2202 : i32 to vector<16xi32>
    %and3A_2204 = arith.andi %iota3A_2201, %and3A_2203 : vector<16xi32>
    %get3A_2205 = arith.constant 80 : index
    %get3A_2206 = tpu.vector_load %arg5[%get3A_2205] {strides = array<i32>} : memref<128xi32, #tpu.memory_space<vmem>>, vector<16xi32>,
    %and3A_2207 = arith.constant 127 : i32
    %and3A_2208 = vector.broadcast %and3A_2207 : i32 to vector<16xi32>
    %and3A_2209 = arith.andi %get3A_2206, %and3A_2208 : vector<16xi32>
    %gather3A_2210 = tpu.vector_load_idx %arg6[%add3A_2200, %and3A_2204, %and3A_2209] : memref<64x8x128xf32, #tpu.memory_space<vmem>>[vector<16xi32>, vector<16xi32>, vector<16xi32>], vector<16xf32>,
    %swap3A_2211 = arith.constant 80 : index
    %swap3A_2212 = tpu.vector_load %arg7[%swap3A_2211] {strides = array<i32>} : memref<128xf32, #tpu.memory_space<vmem>>, vector<16xf32>,
    tpu.vector_store %arg7[%swap3A_2211], %gather3A_2210 {strides = array<i32>} : memref<128xf32, #tpu.memory_space<vmem>>, vector<16xf32>,
    %iota3A_2213 = tpu.iota {dimensions = array<i32: 0>} : vector<16xi32>
    %add3A_2214 = arith.constant 32 : i32
    %add3A_2215 = vector.broadcast %add3A_2214 : i32 to vector<16xi32>
    %add3A_2216 = arith.addi %add3A_2215, %iota3A_2213 : vector<16xi32>
    %iota3A_2217 = tpu.iota {dimensions = array<i32: 0>} : vector<16xi32>
    %and3A_2218 = arith.constant 7 : i32
    %and3A_2219 = vector.broadcast %and3A_2218 : i32 to vector<16xi32>
    %and3A_2220 = arith.andi %iota3A_2217, %and3A_2219 : vector<16xi32>
    %get3A_2221 = arith.constant 96 : index
    %get3A_2222 = tpu.vector_load %arg5[%get3A_2221] {strides = array<i32>} : memref<128xi32, #tpu.memory_space<vmem>>, vector<16xi32>,
    %and3A_2223 = arith.constant 127 : i32
    %and3A_2224 = vector.broadcast %and3A_2223 : i32 to vector<16xi32>
    %and3A_2225 = arith.andi %get3A_2222, %and3A_2224 : vector<16xi32>
    %gather3A_2226 = tpu.vector_load_idx %arg6[%add3A_2216, %and3A_2220, %and3A_2225] : memref<64x8x128xf32, #tpu.memory_space<vmem>>[vector<16xi32>, vector<16xi32>, vector<16xi32>], vector<16xf32>,
    %swap3A_2227 = arith.constant 96 : index
    %swap3A_2228 = tpu.vector_load %arg7[%swap3A_2227] {strides = array<i32>} : memref<128xf32, #tpu.memory_space<vmem>>, vector<16xf32>,
    tpu.vector_store %arg7[%swap3A_2227], %gather3A_2226 {strides = array<i32>} : memref<128xf32, #tpu.memory_space<vmem>>, vector<16xf32>,
    %iota3A_2229 = tpu.iota {dimensions = array<i32: 0>} : vector<16xi32>
    %add3A_2230 = arith.constant 48 : i32
    %add3A_2231 = vector.broadcast %add3A_2230 : i32 to vector<16xi32>
    %add3A_2232 = arith.addi %add3A_2231, %iota3A_2229 : vector<16xi32>
    %iota3A_2233 = tpu.iota {dimensions = array<i32: 0>} : vector<16xi32>
    %and3A_2234 = arith.constant 7 : i32
    %and3A_2235 = vector.broadcast %and3A_2234 : i32 to vector<16xi32>
    %and3A_2236 = arith.andi %iota3A_2233, %and3A_2235 : vector<16xi32>
    %get3A_2237 = arith.constant 112 : index
    %get3A_2238 = tpu.vector_load %arg5[%get3A_2237] {strides = array<i32>} : memref<128xi32, #tpu.memory_space<vmem>>, vector<16xi32>,
    %and3A_2239 = arith.constant 127 : i32
    %and3A_2240 = vector.broadcast %and3A_2239 : i32 to vector<16xi32>
    %and3A_2241 = arith.andi %get3A_2238, %and3A_2240 : vector<16xi32>
    %gather3A_2242 = tpu.vector_load_idx %arg6[%add3A_2232, %and3A_2236, %and3A_2241] : memref<64x8x128xf32, #tpu.memory_space<vmem>>[vector<16xi32>, vector<16xi32>, vector<16xi32>], vector<16xf32>,
    %swap3A_2243 = arith.constant 112 : index
    %swap3A_2244 = tpu.vector_load %arg7[%swap3A_2243] {strides = array<i32>} : memref<128xf32, #tpu.memory_space<vmem>>, vector<16xf32>,
    tpu.vector_store %arg7[%swap3A_2243], %gather3A_2242 {strides = array<i32>} : memref<128xf32, #tpu.memory_space<vmem>>, vector<16xf32>,
    "tpu.region"() ({
      %run_scoped3A = tpu.sem_alloc : memref<!tpu.dma_semaphore, #tpu.memory_space<semaphore_mem>>
      %dma_start3A_2245 = tpu.memref_slice %arg4[%mul3A_2] : memref<4096xf32, #tpu.memory_space<hbm>> -> memref<128xf32, #tpu.memory_space<hbm>>
      %dma_start3A_2246 = tpu.memref_slice %arg4[%mul3A_2] : memref<4096xf32, #tpu.memory_space<hbm>> -> memref<128xf32, #tpu.memory_space<hbm>>
      tpu.enqueue_dma source(%arg7 : memref<128xf32, #tpu.memory_space<vmem>>) target(%dma_start3A_2246 : memref<128xf32, #tpu.memory_space<hbm>>) target_semaphore(%run_scoped3A : memref<!tpu.dma_semaphore, #tpu.memory_space<semaphore_mem>>)
      %dma_wait3A = tpu.memref_slice %arg4[%mul3A_2] : memref<4096xf32, #tpu.memory_space<hbm>> -> memref<128xf32, #tpu.memory_space<hbm>>
      %dma_wait3A_2247 = tpu.memref_slice %arg4[%mul3A_2] : memref<4096xf32, #tpu.memory_space<hbm>> -> memref<128xf32, #tpu.memory_space<hbm>>
      tpu.wait_dma2 semaphore(%run_scoped3A : memref<!tpu.dma_semaphore, #tpu.memory_space<semaphore_mem>>) src(%arg7 : memref<128xf32, #tpu.memory_space<vmem>>) dst(%dma_wait3A_2247 : memref<128xf32, #tpu.memory_space<hbm>>)
      tpu.yield
    }) : () -> ()
    return
  }
}

module attributes {stable_mosaic.version = 14 : i64} {
  func.func @_combine_body(%arg0: memref<4096x1xf32, #tpu.memory_space<vmem>>, %arg1: memref<4096x1xf32, #tpu.memory_space<vmem>>, %arg2: memref<4096x1xi32, #tpu.memory_space<vmem>>, %arg3: memref<1x1xf32, #tpu.memory_space<smem>>) attributes {dimension_semantics = [], scalar_prefetch = 0 : i64, scratch_operands = 0 : i64, tpu.core_type = #tpu.core_type<tc>} {
    %get3A = arith.constant 0 : index
    %get3A_0 = arith.constant 0 : index
    %get3A_1 = vector.load %arg0[%get3A, %get3A_0] : memref<4096x1xf32, #tpu.memory_space<vmem>>, vector<4096x1xf32>
    %get3A_2 = arith.constant 0 : index
    %get3A_3 = arith.constant 0 : index
    %get3A_4 = vector.load %arg1[%get3A_2, %get3A_3] : memref<4096x1xf32, #tpu.memory_space<vmem>>, vector<4096x1xf32>
    %get3A_5 = arith.constant 0 : index
    %get3A_6 = arith.constant 0 : index
    %get3A_7 = vector.load %arg2[%get3A_5, %get3A_6] : memref<4096x1xi32, #tpu.memory_space<vmem>>, vector<4096x1xi32>
    %ne3A = arith.constant 0 : i32
    %ne3A_8 = vector.broadcast %ne3A : i32 to vector<4096x1xi32>
    %ne3A_9 = arith.cmpi ne, %get3A_7, %ne3A_8 : vector<4096x1xi32>
    %sub3A = arith.subf %get3A_1, %get3A_4 : vector<4096x1xf32>
    %mul3A = arith.constant 3.12519524E-6 : f32
    %mul3A_10 = vector.broadcast %mul3A : f32 to vector<4096x1xf32>
    %mul3A_11 = arith.mulf %mul3A_10, %sub3A : vector<4096x1xf32>
    %sub3A_12 = arith.constant -1.3624258 : f32
    %sub3A_13 = vector.broadcast %sub3A_12 : f32 to vector<4096x1xf32>
    %sub3A_14 = arith.subf %sub3A_13, %mul3A_11 : vector<4096x1xf32>
    %mul3A_15 = arith.constant 0.899999976 : f32
    %mul3A_16 = vector.broadcast %mul3A_15 : f32 to vector<4096x1xf32>
    %mul3A_17 = arith.mulf %mul3A_16, %get3A_4 : vector<4096x1xf32>
    %sub3A_18 = arith.subf %sub3A_14, %mul3A_17 : vector<4096x1xf32>
    %jit3A = arith.constant 0.000000e+00 : f32
    %broadcast_in_dim3A = vector.broadcast %jit3A : f32 to vector<4096x1xf32>
    %select_n3A = arith.select %ne3A_9, %sub3A_18, %broadcast_in_dim3A : vector<4096x1xi1>, vector<4096x1xf32>
    %reduce_sum3A = vector.shape_cast %select_n3A : vector<4096x1xf32> to vector<1x4096x1xf32>
    %reduce_sum3A_19 = arith.constant dense<0.000000e+00> : vector<1xf32>
    %reduce_sum3A_20 = vector.multi_reduction <add>, %reduce_sum3A, %reduce_sum3A_19 [1, 2] : vector<1x4096x1xf32> to vector<1xf32>
    %reduce_sum3A_21 = vector.shape_cast %reduce_sum3A_20 : vector<1xf32> to vector<1x1x1xf32>
    %reduce_sum3A_22 = vector.extract %reduce_sum3A_21[0, 0, 0] : f32 from vector<1x1x1xf32>
    %swap3A = arith.constant 0 : index
    %swap3A_23 = arith.constant 0 : index
    %swap3A_24 = memref.load %arg3[%swap3A, %swap3A_23] : memref<1x1xf32, #tpu.memory_space<smem>>
    memref.store %reduce_sum3A_22, %arg3[%swap3A, %swap3A_23] : memref<1x1xf32, #tpu.memory_space<smem>>
    return
  }
}

module attributes {stable_mosaic.version = 14 : i64} {
  func.func @_tc_body(%arg0: i32, %arg1: memref<4096x640xf32, #tpu.memory_space<vmem>>, %arg2: memref<4096x1xf32, #tpu.memory_space<vmem>>, %arg3: memref<4096x128xf32, #tpu.memory_space<vmem>>) attributes {dimension_semantics = [#tpu.dimension_semantics<arbitrary>], iteration_bounds = array<i64: 50>, scalar_prefetch = 0 : i64, scratch_operands = 1 : i64, tpu.core_type = #tpu.core_type<tc>, window_params = [{transform_indices = @transform_0, window_bounds = array<i64: 4096, 640>}, {pipeline_mode = #tpu.pipeline_mode<synchronous>, transform_indices = @transform_1, window_bounds = array<i64: 4096, 1>}]} {
    %eq3A = arith.constant 0 : i32
    %eq3A_0 = arith.cmpi eq, %arg0, %eq3A : i32
    %convert_element_type3A = arith.extui %eq3A_0 : i1 to i32
    %cond3A = arith.constant 0 : i32
    %cond3A_1 = arith.cmpi ne, %convert_element_type3A, %cond3A : i32
    scf.if %cond3A_1 {
      %broadcast_in_dim3A_36 = arith.constant 0.000000e+00 : f32
      %broadcast_in_dim3A_37 = vector.broadcast %broadcast_in_dim3A_36 : f32 to vector<4096x128xf32>
      %swap3A_38 = arith.constant 0 : index
      %swap3A_39 = arith.constant 0 : index
      %swap3A_40 = vector.load %arg3[%swap3A_38, %swap3A_39] : memref<4096x128xf32, #tpu.memory_space<vmem>>, vector<4096x128xf32>
      tpu.vector_store %arg3[%swap3A_38, %swap3A_39], %broadcast_in_dim3A_37 {strides = array<i32>} : memref<4096x128xf32, #tpu.memory_space<vmem>>, vector<4096x128xf32>,
    } else {
    }
    %get3A = arith.constant 0 : index
    %get3A_2 = arith.constant 0 : index
    %get3A_3 = vector.load %arg3[%get3A, %get3A_2] : memref<4096x128xf32, #tpu.memory_space<vmem>>, vector<4096x128xf32>
    %get3A_4 = arith.constant 0 : index
    %get3A_5 = arith.constant 0 : index
    %get3A_6 = vector.load %arg1[%get3A_4, %get3A_5] : memref<4096x640xf32, #tpu.memory_space<vmem>>, vector<4096x128xf32>
    %iota3A = tpu.iota {dimensions = array<i32: 1>} : vector<4096x128xi32>
    %eq3A_7 = arith.constant 0 : i32
    %eq3A_8 = arith.cmpi eq, %arg0, %eq3A_7 : i32
    %eq3A_9 = arith.constant 0 : i32
    %eq3A_10 = vector.broadcast %eq3A_9 : i32 to vector<4096x128xi32>
    %eq3A_11 = arith.cmpi eq, %iota3A, %eq3A_10 : vector<4096x128xi32>
    %and3A = vector.broadcast %eq3A_8 : i1 to vector<4096x128xi1>
    %and3A_12 = arith.andi %and3A, %eq3A_11 : vector<4096x128xi1>
    %jit3A = arith.constant 0.000000e+00 : f32
    %broadcast_in_dim3A = vector.broadcast %jit3A : f32 to vector<4096x128xf32>
    %select_n3A = arith.select %and3A_12, %broadcast_in_dim3A, %get3A_6 : vector<4096x128xi1>, vector<4096x128xf32>
    %add3A = arith.addf %get3A_3, %select_n3A : vector<4096x128xf32>
    %get3A_13 = arith.constant 0 : index
    %get3A_14 = arith.constant 128 : index
    %get3A_15 = vector.load %arg1[%get3A_13, %get3A_14] : memref<4096x640xf32, #tpu.memory_space<vmem>>, vector<4096x128xf32>
    %add3A_16 = arith.addf %add3A, %get3A_15 : vector<4096x128xf32>
    %get3A_17 = arith.constant 0 : index
    %get3A_18 = arith.constant 256 : index
    %get3A_19 = vector.load %arg1[%get3A_17, %get3A_18] : memref<4096x640xf32, #tpu.memory_space<vmem>>, vector<4096x128xf32>
    %add3A_20 = arith.addf %add3A_16, %get3A_19 : vector<4096x128xf32>
    %get3A_21 = arith.constant 0 : index
    %get3A_22 = arith.constant 384 : index
    %get3A_23 = vector.load %arg1[%get3A_21, %get3A_22] : memref<4096x640xf32, #tpu.memory_space<vmem>>, vector<4096x128xf32>
    %add3A_24 = arith.addf %add3A_20, %get3A_23 : vector<4096x128xf32>
    %get3A_25 = arith.constant 0 : index
    %get3A_26 = arith.constant 512 : index
    %get3A_27 = vector.load %arg1[%get3A_25, %get3A_26] : memref<4096x640xf32, #tpu.memory_space<vmem>>, vector<4096x128xf32>
    %add3A_28 = arith.addf %add3A_24, %get3A_27 : vector<4096x128xf32>
    %swap3A = arith.constant 0 : index
    %swap3A_29 = arith.constant 0 : index
    %swap3A_30 = vector.load %arg3[%swap3A, %swap3A_29] : memref<4096x128xf32, #tpu.memory_space<vmem>>, vector<4096x128xf32>
    tpu.vector_store %arg3[%swap3A, %swap3A_29], %add3A_28 {strides = array<i32>} : memref<4096x128xf32, #tpu.memory_space<vmem>>, vector<4096x128xf32>,
    %eq3A_31 = arith.constant 49 : i32
    %eq3A_32 = arith.cmpi eq, %arg0, %eq3A_31 : i32
    %convert_element_type3A_33 = arith.extui %eq3A_32 : i1 to i32
    %cond3A_34 = arith.constant 0 : i32
    %cond3A_35 = arith.cmpi ne, %convert_element_type3A_33, %cond3A_34 : i32
    scf.if %cond3A_35 {
      %get3A_36 = arith.constant 0 : index
      %get3A_37 = arith.constant 0 : index
      %get3A_38 = vector.load %arg3[%get3A_36, %get3A_37] : memref<4096x128xf32, #tpu.memory_space<vmem>>, vector<4096x128xf32>
      %reduce_sum3A = arith.constant dense<0.000000e+00> : vector<4096xf32>
      %reduce_sum3A_39 = vector.multi_reduction <add>, %get3A_38, %reduce_sum3A [1] : vector<4096x128xf32> to vector<4096xf32>
      %broadcast_in_dim3A_40 = vector.shape_cast %reduce_sum3A_39 : vector<4096xf32> to vector<4096x1xf32>
      %swap3A_41 = arith.constant 0 : index
      %swap3A_42 = arith.constant 0 : index
      %swap3A_43 = vector.load %arg2[%swap3A_41, %swap3A_42] : memref<4096x1xf32, #tpu.memory_space<vmem>>, vector<4096x1xf32>
      tpu.vector_store %arg2[%swap3A_41, %swap3A_42], %broadcast_in_dim3A_40 {strides = array<i32>} : memref<4096x1xf32, #tpu.memory_space<vmem>>, vector<4096x1xf32>,
    } else {
    }
    return
  }
  func.func @transform_0(%arg0: i32) -> (i32, i32) {
    %c0_i32 = arith.constant 0 : i32
    %c0_i32_0 = arith.constant 0 : i32
    return %c0_i32, %arg0 : i32, i32
  }
  func.func @transform_1(%arg0: i32) -> (i32, i32) {
    %c0_i32 = arith.constant 0 : i32
    %c0_i32_0 = arith.constant 0 : i32
    %c0_i32_1 = arith.constant 0 : i32
    return %c0_i32, %c0_i32_0 : i32, i32
  }
}

</mosaic_0001>

<sc_bundles>
// kernel: kernel.5.cloned.1.call-start
scs
__scs_entry_jumppad:
0x0: {  	(pc) =	sbr.rel $0x88, $3  }
0x1: {  	(tag) =	ssettag $0x0;
	lr =	simm.s32 $0x1  }
0x2: {  	[smem:$0x3F9F] =	sst lr;
	_ =	strace $0xD0000000  }
0x3: {  	_ = 	snop  }
0x4: {  	_ = 	snop  }
0x5: {  	_ = 	snop  }
0x6: {  	_ = 	snop  }
0x7: {  	_ = 	snop  }
__scs_overlays_trampoline_lowered:
0x8: {  	[smem:$0x3FAE] =	sst s0  }
0x9: {  	[smem:$0x3FAF] =	sst s1  }
0xa: {  	[smem:$0x3FB0] =	sst s2  }
0xb: {  	[smem:$0x3FB1] =	sst s3  }
0xc: {  	[smem:$0x3FB2] =	sst s4  }
0xd: {  	[smem:$0x3FB3] =	sst s5  }
0xe: {  	[smem:$0x3FB4] =	sst s6  }
0xf: {  	[smem:$0x3FB5] =	sst s7  }
0x10: {  	[smem:$0x3FB6] =	sst s8  }
0x11: {  	[smem:$0x3FB7] =	sst s9;
	s0 =	simm.s32 @!p0 $0x0  }
0x12: {  	s1 =	sld [smem:$0x3F9D];
	s0 =	simm.s32 @p0 $0x1  }
0x13: {  	[smem:$0x3FB8] =	sst s0;
	s0 =	simm.s32 @!p1 $0x0  }
0x14: {  	s2 =	sld [smem:$0x3F9C];
	s0 =	simm.s32 @p1 $0x1  }
0x15: {  	[smem:$0x3FB9] =	sst s0;
	s0 =	simm.s32 @!p2 $0x0  }
0x16: {  	s3 =	sld [smem:$0x3FDB];
	s0 =	simm.s32 @p2 $0x1  }
0x17: {  	s4 =	simm.s32 $0x1BF5;
	[smem:$0x3FBB] =	sst s0  }
0x18: {  	s0 =	sld [smem:$0x3F9E];
	_ =	swait.ge [sflag:s4], $0x0  }
0x19: {  	s7 =	sld [smem:$0x3F9F]  }
0x1a: {  	s8 =	sadd.s32 $0xFFFFE003, lr  }
0x1b: {  	s9 =	sadd.s32 $0xFFFFFEF7, lr;
	s5 =	simm.s32 $0xFFFFFFFF;
	p2 =	slt.u32 s8, $0xFFFFF086  }
0x1c: {  	p1 =	slt.u32 s9, $0xF7A;
	s5 =	simm.s32 @!p2 $0x0  }
0x1d: {  	s5 =	simm.s32 @p1 $0x1;
	p0 =	seq.s32 s7, s2  }
0x1e: {  	s7 =	smul.u32 @!p0 $0xF7A, s2;
	p2 =	seq.s32 @!p0 s5, $0x0  }
0x1f: {  	s9 =	smul.u32 $0xF7A, s1;
	s8 =	simm.s32 @!p0 $0x1BF5;
	p2 =	por !p2, p0  }
0x20: {  	[sflag:s8] =	ssyncset.s32 @!p0 $0xFFFFF086;
	s6 =	sadd.s32 @!p0 s3, s7;
	s7 =	simm.s32 @!p0 $0x108  }
0x21: {  	s3 =	sadd.s32 s3, s9;
	s6 =	sadd.s32 @!p0 $0x88, s6;
	s7 =	simm.s32 @p2 $0x1082  }
0x22: {  	[simem:s7], [sflag:s8] =	dma.local @!p0 [hbm:s6], $0xF7A  }
0x23: {  	s9 =	sor.u32 $0xD0000000, s2;
	s6 =	simm.s32 $0x108;
	_ =	swait.ge @!p0 [sflag:s8], $0x0  }
0x24: {  	s3 =	sadd.s32 $0x88, s3;
	s6 =	simm.s32 @!p1 $0x1082;
	[sflag:s4] =	ssyncset.s32 $0xFFFFF086  }
0x25: {  	[simem:s6], [sflag:s4] =	dma.local [hbm:s3], $0xF7A  }
0x26: {  	[smem:$0x3F9F] =	sst s1;
	(tag) =	ssettag s2;
	_ =	strace s9  }
0x27: {  	s1 =	sld [smem:$0x3FAF]  }
0x28: {  	s2 =	sld [smem:$0x3FB0]  }
0x29: {  	s4 =	sld [smem:$0x3FB2]  }
0x2a: {  	p0 =	seq.s32 s5, $0x0;
	s5 =	sld [smem:$0x3FB3]  }
0x2b: {  	s6 =	sld [smem:$0x3FB4]  }
0x2c: {  	s7 =	sld [smem:$0x3FB5]  }
0x2d: {  	s3 =	simm.s32 $0x108;
	s8 =	sld [smem:$0x3FB6]  }
0x2e: {  	s3 =	simm.s32 @!p0 $0x1082;
	s9 =	sld [smem:$0x3FB7]  }
0x2f: {  	lr =	sadd.s32 s0, s3;
	s0 =	sld [smem:$0x3FAE]  }
0x30: {  	s3 =	sld [smem:$0x3FB1]  }
0x31: {  	[smem:$0x3FBA] =	sst s10  }
0x32: {  	s10 =	sld [smem:$0x3FB8];
	_ =	sdelay $0x3  }
0x33: {  	p0 =	seq.s32 s10, $0x1;
	s10 =	sld [smem:$0x3FBA];
	_ =	sdelay $0x3  }
0x34: {  	[smem:$0x3FBA] =	sst s10  }
0x35: {  	s10 =	sld [smem:$0x3FB9];
	_ =	sdelay $0x3  }
0x36: {  	p1 =	seq.s32 s10, $0x1;
	s10 =	sld [smem:$0x3FBA];
	_ =	sdelay $0x3  }
0x37: {  	[smem:$0x3FBA] =	sst s10  }
0x38: {  	s10 =	sld [smem:$0x3FBB]  }
0x39: {  	_ = 	snop;
	(pc) =	sbr.ind lr, $3  }
0x3a: {  	_ = 	snop  }
0x3b: {  	_ = 	snop  }
0x3c: {  	p2 =	seq.s32 s10, $0x1;
	s10 =	sld [smem:$0x3FBA]  }
0x3d: {  	_ =	shalt  }
0x3e: {  	_ =	shalt  }
0x3f: {  	_ =	shalt  }
0x40: {  	_ =	shalt  }
0x41: {  	_ =	shalt  }
0x42: {  	_ =	shalt  }
0x43: {  	_ =	shalt  }
0x44: {  	_ =	shalt  }
0x45: {  	_ =	shalt  }
0x46: {  	_ =	shalt  }
0x47: {  	_ =	shalt  }
0x48: {  	_ =	shalt  }
0x49: {  	_ =	shalt  }
0x4a: {  	_ =	shalt  }
0x4b: {  	_ =	shalt  }
0x4c: {  	_ =	shalt  }
0x4d: {  	_ =	shalt  }
0x4e: {  	_ =	shalt  }
0x4f: {  	_ =	shalt  }
0x50: {  	_ =	shalt  }
0x51: {  	_ =	shalt  }
0x52: {  	_ =	shalt  }
0x53: {  	_ =	shalt  }
0x54: {  	_ =	shalt  }
0x55: {  	_ =	shalt  }
0x56: {  	_ =	shalt  }
0x57: {  	_ =	shalt  }
0x58: {  	_ =	shalt  }
0x59: {  	_ =	shalt  }
0x5a: {  	_ =	shalt  }
0x5b: {  	_ =	shalt  }
0x5c: {  	_ =	shalt  }
0x5d: {  	_ =	shalt  }
0x5e: {  	_ =	shalt  }
0x5f: {  	_ =	shalt  }
0x60: {  	_ =	shalt  }
0x61: {  	_ =	shalt  }
0x62: {  	_ =	shalt  }
0x63: {  	_ =	shalt  }
0x64: {  	_ =	shalt  }
0x65: {  	_ =	shalt  }
0x66: {  	_ =	shalt  }
0x67: {  	_ =	shalt  }
0x68: {  	_ =	shalt  }
0x69: {  	_ =	shalt  }
0x6a: {  	_ =	shalt  }
0x6b: {  	_ =	shalt  }
0x6c: {  	_ =	shalt  }
0x6d: {  	_ =	shalt  }
0x6e: {  	_ =	shalt  }
0x6f: {  	_ =	shalt  }
0x70: {  	_ =	shalt  }
0x71: {  	_ =	shalt  }
0x72: {  	_ =	shalt  }
0x73: {  	_ =	shalt  }
0x74: {  	_ =	shalt  }
0x75: {  	_ =	shalt  }
0x76: {  	_ =	shalt  }
0x77: {  	_ =	shalt  }
0x78: {  	_ =	shalt  }
0x79: {  	_ =	shalt  }
0x7a: {  	_ =	shalt  }
0x7b: {  	_ =	shalt  }
0x7c: {  	_ =	shalt  }
0x7d: {  	_ =	shalt  }
0x7e: {  	_ =	shalt  }
0x7f: {  	_ =	shalt  }
0x80: {  	_ =	shalt  }
0x81: {  	_ =	shalt  }
0x82: {  	_ =	shalt  }
0x83: {  	_ =	shalt  }
0x84: {  	_ =	shalt  }
0x85: {  	_ =	shalt  }
0x86: {  	_ =	shalt  }
0x87: {  	_ =	shalt  }
.Lfunc_end0:
.L_simem_size_0:
called_computation_lowered:
.L_overlay_start_0:
0x88: {  	s2 =	sld [smem:$0x3FD9]  }
0x89: {  	s3 =	sld [smem:$0x3FFE];
	_ =	sdelay $0x1  }
0x8a: {  	s1 =	srdreg.scid  }
0x8b: {  	s0 =	sand.u32 $0x1, s1  }
0x8c: {  	s17 =	sshll.u32 s0, $0xA;
	s2 =	sadd.s32 s3, s2  }
0x8d: {  	s2 =	sadd.s32 s2, s17  }
0x8e: {  	[smem:$0x3FC6] =	sst s2  }
0x8f: {  	_ = 	snop  }
0x90: {  	s2 =	sld [smem:$0x3FC9]  }
0x91: {  	s18 =	sld [smem:$0x3FC8];
	(tm) =	ssettm $0x1  }
0x92: {  	s4 =	sld [smem:$0x3FFB];
	_ =	sdelay $0x3  }
0x93: {  	_ =	strace s4  }
0x94: {  	s4 =	sld [smem:$0x3FFC];
	_ =	sdelay $0x3  }
0x95: {  	_ =	strace s4  }
0x96: {  	s4 =	sld [smem:$0x3FFD];
	_ =	sdelay $0x3  }
0x97: {  	_ =	strace s4  }
0x98: {  	_ =	strace $0x8FFFFFFF  }
0x99: {  	s19 =	sld [smem:$0x3FDB];
	_ =	sdelay $0x1  }
0x9a: {  	s5 =	simm.s32 $_scs_section_size  }
0x9b: {  	s6 =	simm.s32 $_size__tile_overlayer_lowered;
	s7 =	simm.s32 $_tile_overlayer_lowered  }
0x9c: {  	s22 =	simm.s32 $0x1BFF;
	s21 =	sshll.u32 s7, $0x1;
	s4 =	sadd.s32 s5, s19  }
0x9d: {  	s8 =	simm.s32 $0x0;
	s20 =	sshll.u32 s6, $0x1;
	s6 =	sadd.s32 s21, s4  }
0x9e: {  	[timem:s8], [sflag:s22] =	dma.local [hbm:s6], s20  }
0x9f: {  	_ =	swait.ge [sflag:s22], s20  }
0xa0: {  	s5 =	ssub.s32 $0x0, s20;
	[sflag:s22] =	ssyncset.done $0x0  }
0xa1: {  	[sflag:s22] =	ssyncadd.s32 s5;
	_ =	sdelay $0x1  }
0xa2: {  	s23 =	simm.s32 $0x1B8B  }
0xa3: {  	_ =	swait.ge [sflag:s23], $0x1  }
0xa4: {  	[sflag:s23] =	ssyncset.done $0x0  }
0xa5: {  	s25 =	simm.s32 $0x1B8E;
	s24 =	sld [smem:$0x3FFE];
	[sflag:s23] =	ssyncadd.s32 $0xFFFFFFFF  }
0xa6: {  	s26 =	simm.s32 $execute0_lowered;
	[smem:$0x3FD2] =	sst s25  }
0xa7: {  	s6 =	sshll.u32 s26, $0x1;
	_ =	strace $0x80000046;
	[dreg:$0x1] =	wrdreg $0xFFFFFFFF  }
0xa8: {  	s28 =	simm.s32 $_size_execute0_lowered;
	s4 =	sadd.s32 s4, s6;
	[dreg:$0x0] =	wrdreg $0x0  }
0xa9: {  	s6 =	sshll.u32 s28, $0x1;
	[dreg:$0x2] =	wrdreg s4  }
0xaa: {  	[dreg:$0x3] =	wrdreg s6  }
0xab: {  	[dreg:$0x4] =	wrdreg $0xC0  }
0xac: {  	_ =	task [dreg:s8], $0x5FFFF  }
0xad: {  	[dreg:$0x1] =	wrdreg $0xFFFFFFFF  }
0xae: {  	[dreg:$0x0] =	wrdreg $0x60  }
0xaf: {  	[dreg:$0x2] =	wrdreg s2  }
0xb0: {  	[dreg:$0x3] =	wrdreg s18  }
0xb1: {  	[dreg:$0x4] =	wrdreg s24  }
0xb2: {  	[dreg:$0x5] =	wrdreg $0x9  }
0xb3: {  	_ =	task.clear_ibuf [dreg:s8], $0x6FFFF;
	_ =	strace $0x90000046  }
0xb4: {  	s29 =	simm.s32 $0x9;
	_ =	strace $0x80000048  }
0xb5: {  	_ =	swait.ge [sflag:s29], $0x1  }
0xb6: {  	[sflag:s29] =	ssyncadd.s32 $0xFFFFFFFF  }
0xb7: {  	_ =	strace $0x90000048  }
0xb8: {  	_ =	sfence  }
0xb9: {  	s30 =	sld [smem:$0x0];
	_ =	sdelay $0x2  }
0xba: {  	s31 =	sshll.u32 s1, $0xD;
	s1 =	sshrl.u32 s1, $0x2  }
0xbb: {  	s3 =	sand.u32 $0x4000, s31;
	s1 =	sadd.s32 s1, s30  }
0xbc: {  	s0 =	sor.u32 s3, s0;
	s1 =	sshll.u32 s1, $0x11  }
0xbd: {  	s0 =	sor.u32 s1, s0  }
0xbe: {  	s0 =	sadd.s32 $0x8F2B, s0  }
0xbf: {  	[sflag:s0] =	ssyncadd.remote.s32 $0x1  }
0xc0: {  	_ =	sfence.sel $0xFFFF  }
0xc1: {  	[dreg:$0x0] =	wrdreg $0xFFFFFFFF;
	(pc) =	sbr.abs _section_cstart, $3  }
0xc2: {  	[dreg:$0x1] =	wrdreg $0xFFFFFFFF  }
0xc3: {  	_ =	task.clear_ibuf [dreg:s8], $0x2FFFF;
	_ =	strace $0x9FFFFFFF  }
0xc4: {  	(tm) =	ssettm $0x7FFFFFFF  }
0xc5: {  	_ =	shalt  }
tec
execute0_lowered:
.L_overlay_start_1:
0x0: {  	(tag) =	ssettag $0x1  }
0x1: {  	s1 =	rddreg [dreg:$0x0]  }
0x2: {  	s0 =	srdreg.scid;
	s2 =	rddreg [dreg:$0x1]  }
0x3: {  	s3 =	stileid.u32;
	s4 =	rddreg [dreg:$0x2]  }
0x4: {  	s0 =	sand.u32 $0x1, s0;
	s5 =	sshll.u32 s3, $0x5;
	s3 =	simm.s32 $0x0  }
0x5: {  	v0 =	vimm.s32 $0x3F80;
	s6 =	sshll.u32 s0, $0x4;
	[smem:$0x7FF] =	sst s3;
	s0 =	ssub.s32 $0x2, s0  }
0x6: {  	vm14 =	vcmask $0x300;
	vm13 =	vcmask $0x704;
	vm12 =	vcmask $0xB08;
	s5 =	sor.u32 s6, s5;
	_ =	strace $0x80000047;
	s7 =	sshrl.u32 s0, $0x1  }
0x7: {  	vm11 =	vcmask $0xF0C;
	vm10 =	vcmask $0x1310;
	vm9 =	vcmask $0x1714;
	s6 =	smul.u32 $0x3E800, s5;
	s4 =	sadd.s32 s5, s4;
	s2 =	sadd.s32 s2, s5  }
0x8: {  	vm8 =	vcmask $0x1B18;
	vm7 =	vcmask $0x1F1C;
	vm6 =	vcmask $0x2320;
	s0 =	ssub.s32 s0, s7;
	[dreg:$0x4] =	wrdreg s2;
	s26 =	sadd.s32 $0x600, s4  }
0x9: {  	vm5 =	vcmask $0x2724;
	vm4 =	vcmask $0x2B28;
	vm3 =	vcmask $0x2F2C;
	s0 =	smax.u32 s0, $0x1;
	s6 =	sshrl.u32 s6, $0x3;
	[dreg:$0x15] =	wrdreg s26  }
0xa: {  	vm2 =	vcmask $0x3330;
	vm1 =	vcmask $0x3734;
	vm0 =	vcmask $0x3B38;
	[dreg:$0x16] =	wrdreg s0;
	s10 =	sadd.s32 s1, s6  }
0xb: {  	v1 =	vimm.s32 $0x7F80;
	v2 =	vimm.s32 $0xBF80;
	v3 =	vimm.s32 $0xFF80;
	s11 =	sadd.s32 $0x7D00, s6;
	[dreg:$0x5] =	wrdreg s10  }
0xc: {  	v0 =	vsel vm14, $0x0, v0;
	v1 =	vsel vm14, $0x4000, v1;
	v2 =	vsel vm14, $0x8000, v2;
	s12 =	sadd.s32 $0xFA00, s6;
	[dreg:$0x6] =	wrdreg s11  }
0xd: {  	v3 =	vsel vm14, $0xC000, v3;
	v0 =	vsel vm13, $0x480, v0;
	v1 =	vsel vm13, $0x4480, v1;
	s13 =	sadd.s32 $0x17700, s6;
	[dreg:$0x7] =	wrdreg s12  }
0xe: {  	v2 =	vsel vm13, $0x8480, v2;
	v3 =	vsel vm13, $0xC480, v3;
	v0 =	vsel vm12, $0x900, v0;
	s14 =	sadd.s32 $0x1F400, s6;
	[dreg:$0x8] =	wrdreg s13  }
0xf: {  	v1 =	vsel vm12, $0x4900, v1;
	v2 =	vsel vm12, $0x8900, v2;
	v3 =	vsel vm12, $0xC900, v3;
	s15 =	sadd.s32 $0x27100, s6;
	[dreg:$0x9] =	wrdreg s14  }
0x10: {  	s9 =	simm.s32 $0xA480;
	v0 =	vsel vm11, $0xD80, v0;
	v1 =	vsel vm11, $0x4D80, v1;
	v2 =	vsel vm11, $0x8D80, v2;
	s16 =	sadd.s32 $0x2EE00, s6;
	[dreg:$0xa] =	wrdreg s15  }
0x11: {  	s28 =	simm.s32 $0xD880;
	v3 =	vsel vm11, $0xCD80, v3;
	v0 =	vsel vm10, $0x1200, v0;
	v1 =	vsel vm10, $0x5200, v1;
	s17 =	sadd.s32 $0x36B00, s6;
	[dreg:$0xb] =	wrdreg s16  }
0x12: {  	s29 =	simm.s32 $0xE480;
	v2 =	vsel vm10, $0x9200, v2;
	v3 =	vsel vm10, $0xD200, v3;
	v0 =	vsel vm9, $0x1680, v0;
	s18 =	sadd.s32 $0x3E800, s6;
	[dreg:$0xc] =	wrdreg s17  }
0x13: {  	s30 =	simm.s32 $0xE880;
	v1 =	vsel vm9, $0x5680, v1;
	v2 =	vsel vm9, $0x9680, v2;
	v3 =	vsel vm9, $0xD680, v3;
	s19 =	sadd.s32 $0x46500, s6;
	[dreg:$0xd] =	wrdreg s18  }
0x14: {  	s31 =	simm.s32 $0xF080;
	s20 =	sadd.s32 $0x4E200, s6;
	v0 =	vsel vm8, $0x1B00, v0;
	v1 =	vsel vm8, $0x5B00, v1;
	v2 =	vsel vm8, $0x9B00, v2;
	[dreg:$0xe] =	wrdreg s19  }
0x15: {  	s5 =	simm.s32 $0x1;
	s21 =	sadd.s32 $0x55F00, s6;
	v3 =	vsel vm8, $0xDB00, v3;
	[dreg:$0xf] =	wrdreg s20;
	v0 =	vsel vm7, $0x1F80, v0;
	v1 =	vsel vm7, $0x5F80, v1  }
0x16: {  	s2 =	simm.s32 $0xF480;
	s22 =	sadd.s32 $0x5DC00, s6;
	[dreg:$0x10] =	wrdreg s21;
	v2 =	vsel vm7, $0x9F80, v2;
	v3 =	vsel vm7, $0xDF80, v3;
	v0 =	vsel vm6, $0x2000, v0  }
0x17: {  	s4 =	simm.s32 $0xFC80;
	s23 =	sadd.s32 $0x65900, s6;
	[dreg:$0x11] =	wrdreg s22;
	v1 =	vsel vm6, $0x6000, v1;
	v2 =	vsel vm6, $0xA000, v2;
	v3 =	vsel vm6, $0xE000, v3  }
0x18: {  	s26 =	simm.s32 $0xD080;
	s24 =	sadd.s32 $0x6D600, s6;
	[dreg:$0x12] =	wrdreg s23;
	v0 =	vsel vm5, $0x2480, v0;
	v1 =	vsel vm5, $0x6480, v1;
	v2 =	vsel vm5, $0xA480, v2  }
0x19: {  	s0 =	simm.s32 $0xF880;
	s25 =	sadd.s32 $0x75300, s6;
	[dreg:$0x13] =	wrdreg s24;
	v3 =	vsel vm5, $0xE480, v3;
	v0 =	vsel vm4, $0x2900, v0;
	v1 =	vsel vm4, $0x6900, v1  }
0x1a: {  	s6 =	simm.s32 $0x0;
	[dreg:$0x14] =	wrdreg s25;
	s23 =	simm.s32 $0x2;
	v2 =	vsel vm4, $0xA900, v2;
	v3 =	vsel vm4, $0xE900, v3;
	v0 =	vsel vm3, $0x2D80, v0  }
0x1b: {  	s24 =	simm.s32 $0x80;
	s10 =	simm.s32 $0xA880;
	s11 =	simm.s32 $0xAC80;
	v1 =	vsel vm3, $0x6D80, v1;
	v2 =	vsel vm3, $0xAD80, v2;
	v3 =	vsel vm3, $0xED80, v3  }
0x1c: {  	s12 =	simm.s32 $0xB080;
	s13 =	simm.s32 $0xB480;
	s14 =	simm.s32 $0xB880;
	v0 =	vsel vm2, $0x3200, v0;
	v1 =	vsel vm2, $0x7200, v1;
	v2 =	vsel vm2, $0xB200, v2  }
0x1d: {  	s15 =	simm.s32 $0xBC80;
	s16 =	simm.s32 $0xC080;
	s17 =	simm.s32 $0xC480;
	v3 =	vsel vm2, $0xF200, v3;
	v0 =	vsel vm1, $0x3680, v0;
	v1 =	vsel vm1, $0x7680, v1  }
0x1e: {  	s25 =	simm.s32 $0xC880;
	s18 =	simm.s32 $0xCC80;
	s19 =	simm.s32 $0xD480;
	v2 =	vsel vm1, $0xB680, v2;
	v3 =	vsel vm1, $0xF680, v3;
	v0 =	vsel vm0, $0x3B00, v0  }
0x1f: {  	s20 =	simm.s32 $0xDC80;
	s21 =	simm.s32 $0xE080;
	s22 =	simm.s32 $0xEC80;
	v1 =	vsel vm0, $0x7B00, v1;
	v2 =	vsel vm0, $0xBB00, v2;
	v3 =	vsel vm0, $0xFB00, v3  }
.LBB2_1:
0x20: {  	s7 =	rddreg [dreg:$0x4]  }
0x21: {  	[tilespmem:s3], [sflag:$0x2] =	stream.linear.gather [hbm4b:s7+s3], $0x80, $0x38;
	[tilespmem:$0x10100] =	vst v63  }
0x22: {  	_ =	swait.ge [sflag:s23], $0x80  }
0x23: {  	[sflag:s23] =	ssyncset.done $0x0  }
0x24: {  	[sflag:s23] =	ssyncadd.s32 $0xFFFFFF80  }
0x25: {  	v4 =	vld [tilespmem:$0x0];
	_ =	sdelay $0x4  }
0x26: {  	s8 =	rddreg [dreg:$0x5];
	v4 =	vand.u32 $0xFFFFFF80, v4  }
0x27: {  	v5 =	vadd.s32 s8, v4  }
0x28: {  	(v2sf) =	vpush v5, $0x0;
	_ =	sdelay $0x1  }
0x29: {  	(v2sf) =	vpush v5, $0x1;
	_ =	sdelay $0x1  }
0x2a: {  	(v2sf) =	vpush v5, $0x2;
	_ =	sdelay $0x1  }
0x2b: {  	(v2sf) =	vpush v5, $0x3;
	_ =	sdelay $0x1  }
0x2c: {  	(v2sf) =	vpush v5, $0x4;
	_ =	sdelay $0x1  }
0x2d: {  	(v2sf) =	vpush v5, $0x5;
	_ =	sdelay $0x1  }
0x2e: {  	(v2sf) =	vpush v5, $0x6;
	_ =	sdelay $0x1  }
0x2f: {  	s8 =	rddreg [dreg:$0x6];
	(v2sf) =	vpush v5, $0x7  }
0x30: {  	v4 =	vadd.s32 s8, v4;
	s7 =	spop (v2sf)  }
0x31: {  	(v2sf) =	vpush v4, $0x8;
	[tilespmem:s24], [sflag:$0x1] =	stream.linear.gather [hbm4b:s7+s3], $0x400, $0x38;
	[tilespmem:$0x10100] =	vst v63  }
0x32: {  	s8 =	simm.s32 $0x480;
	s7 =	spop (v2sf)  }
0x33: {  	[tilespmem:s8], [sflag:$0x1] =	stream.linear.gather [hbm4b:s7+s3], $0x400, $0x38;
	[tilespmem:$0x10100] =	vst v63  }
0x34: {  	s7 =	spop (v2sf);
	s8 =	simm.s32 $0x880  }
0x35: {  	(v2sf) =	vpush v4, $0x9;
	[tilespmem:s8], [sflag:$0x1] =	stream.linear.gather [hbm4b:s7+s3], $0x400, $0x38;
	[tilespmem:$0x10100] =	vst v63  }
0x36: {  	s7 =	spop (v2sf);
	s8 =	simm.s32 $0xC80  }
0x37: {  	[tilespmem:s8], [sflag:$0x1] =	stream.linear.gather [hbm4b:s7+s3], $0x400, $0x38;
	[tilespmem:$0x10100] =	vst v63  }
0x38: {  	s7 =	spop (v2sf);
	s8 =	simm.s32 $0x1080  }
0x39: {  	(v2sf) =	vpush v4, $0xA;
	[tilespmem:s8], [sflag:$0x1] =	stream.linear.gather [hbm4b:s7+s3], $0x400, $0x38;
	[tilespmem:$0x10100] =	vst v63  }
0x3a: {  	s7 =	spop (v2sf);
	s8 =	simm.s32 $0x1480  }
0x3b: {  	[tilespmem:s8], [sflag:$0x1] =	stream.linear.gather [hbm4b:s7+s3], $0x400, $0x38;
	[tilespmem:$0x10100] =	vst v63  }
0x3c: {  	s7 =	spop (v2sf);
	s8 =	simm.s32 $0x1880  }
0x3d: {  	(v2sf) =	vpush v4, $0xB;
	[tilespmem:s8], [sflag:$0x1] =	stream.linear.gather [hbm4b:s7+s3], $0x400, $0x38;
	[tilespmem:$0x10100] =	vst v63  }
0x3e: {  	s7 =	spop (v2sf);
	s8 =	simm.s32 $0x1C80  }
0x3f: {  	[tilespmem:s8], [sflag:$0x1] =	stream.linear.gather [hbm4b:s7+s3], $0x400, $0x38;
	[tilespmem:$0x10100] =	vst v63  }
0x40: {  	s8 =	spop (v2sf)  }
0x41: {  	(v2sf) =	vpush v4, $0xC;
	s7 =	sand.u32 $0x1FFFFF80, s8  }
0x42: {  	s8 =	simm.s32 $0x2080;
	s7 =	sadd.s32 s1, s7  }
0x43: {  	[tilespmem:s8], [sflag:$0x1] =	stream.linear.gather [hbm4b:s7+s3], $0x400, $0x38;
	[tilespmem:$0x10100] =	vst v63  }
0x44: {  	s8 =	spop (v2sf)  }
0x45: {  	(v2sf) =	vpush v4, $0xD;
	s7 =	sand.u32 $0x1FFFFF80, s8  }
0x46: {  	s8 =	simm.s32 $0x2480;
	s7 =	sadd.s32 s1, s7  }
0x47: {  	[tilespmem:s8], [sflag:$0x1] =	stream.linear.gather [hbm4b:s7+s3], $0x400, $0x38;
	[tilespmem:$0x10100] =	vst v63  }
0x48: {  	s8 =	spop (v2sf)  }
0x49: {  	(v2sf) =	vpush v4, $0xE;
	s7 =	sand.u32 $0x1FFFFF80, s8  }
0x4a: {  	s8 =	simm.s32 $0x2880;
	s7 =	sadd.s32 s1, s7  }
0x4b: {  	[tilespmem:s8], [sflag:$0x1] =	stream.linear.gather [hbm4b:s7+s3], $0x400, $0x38;
	[tilespmem:$0x10100] =	vst v63  }
0x4c: {  	s8 =	spop (v2sf)  }
0x4d: {  	(v2sf) =	vpush v4, $0xF;
	s7 =	sand.u32 $0x1FFFFF80, s8  }
0x4e: {  	s8 =	simm.s32 $0x2C80;
	s7 =	sadd.s32 s1, s7  }
0x4f: {  	[tilespmem:s8], [sflag:$0x1] =	stream.linear.gather [hbm4b:s7+s3], $0x400, $0x38;
	[tilespmem:$0x10100] =	vst v63  }
0x50: {  	s8 =	spop (v2sf)  }
0x51: {  	s7 =	sand.u32 $0x1FFFFF80, s8  }
0x52: {  	s8 =	simm.s32 $0x3080;
	s7 =	sadd.s32 s1, s7  }
0x53: {  	[tilespmem:s8], [sflag:$0x1] =	stream.linear.gather [hbm4b:s7+s3], $0x400, $0x38;
	[tilespmem:$0x10100] =	vst v63  }
0x54: {  	s8 =	spop (v2sf)  }
0x55: {  	s7 =	sand.u32 $0x1FFFFF80, s8  }
0x56: {  	s8 =	simm.s32 $0x3480;
	s7 =	sadd.s32 s1, s7  }
0x57: {  	[tilespmem:s8], [sflag:$0x1] =	stream.linear.gather [hbm4b:s7+s3], $0x400, $0x38;
	[tilespmem:$0x10100] =	vst v63  }
0x58: {  	s8 =	spop (v2sf)  }
0x59: {  	s7 =	sand.u32 $0x1FFFFF80, s8  }
0x5a: {  	s8 =	simm.s32 $0x3880;
	s7 =	sadd.s32 s1, s7  }
0x5b: {  	[tilespmem:s8], [sflag:$0x1] =	stream.linear.gather [hbm4b:s7+s3], $0x400, $0x38;
	[tilespmem:$0x10100] =	vst v63  }
0x5c: {  	s8 =	spop (v2sf)  }
0x5d: {  	s7 =	sand.u32 $0x1FFFFF80, s8  }
0x5e: {  	s8 =	simm.s32 $0x3C80;
	s7 =	sadd.s32 s1, s7  }
0x5f: {  	[tilespmem:s8], [sflag:$0x1] =	stream.linear.gather [hbm4b:s7+s3], $0x400, $0x38;
	[tilespmem:$0x10100] =	vst v63  }
0x60: {  	v4 =	vld [tilespmem:$0x10];
	_ =	sdelay $0x4  }
0x61: {  	s8 =	rddreg [dreg:$0x7];
	v4 =	vand.u32 $0xFFFFFF80, v4  }
0x62: {  	v5 =	vadd.s32 s8, v4  }
0x63: {  	(v2sf) =	vpush v5, $0x0;
	_ =	sdelay $0x3  }
0x64: {  	(v2sf) =	vpush v5, $0x1;
	_ =	sdelay $0x3  }
0x65: {  	(v2sf) =	vpush v5, $0x2;
	_ =	sdelay $0x3  }
0x66: {  	(v2sf) =	vpush v5, $0x3;
	_ =	sdelay $0x2  }
0x67: {  	s8 =	spop (v2sf)  }
0x68: {  	s7 =	sand.u32 $0x1FFFFF80, s8  }
0x69: {  	(v2sf) =	vpush v5, $0x4;
	s8 =	simm.s32 $0x4080;
	s7 =	sadd.s32 s1, s7  }
0x6a: {  	[tilespmem:s8], [sflag:$0x1] =	stream.linear.gather [hbm4b:s7+s3], $0x400, $0x38;
	[tilespmem:$0x10100] =	vst v63  }
0x6b: {  	s8 =	spop (v2sf)  }
0x6c: {  	s7 =	sand.u32 $0x1FFFFF80, s8  }
0x6d: {  	(v2sf) =	vpush v5, $0x5;
	s8 =	simm.s32 $0x4480;
	s7 =	sadd.s32 s1, s7  }
0x6e: {  	[tilespmem:s8], [sflag:$0x1] =	stream.linear.gather [hbm4b:s7+s3], $0x400, $0x38;
	[tilespmem:$0x10100] =	vst v63  }
0x6f: {  	s8 =	spop (v2sf)  }
0x70: {  	s7 =	sand.u32 $0x1FFFFF80, s8  }
0x71: {  	(v2sf) =	vpush v5, $0x6;
	s8 =	simm.s32 $0x4880;
	s7 =	sadd.s32 s1, s7  }
0x72: {  	[tilespmem:s8], [sflag:$0x1] =	stream.linear.gather [hbm4b:s7+s3], $0x400, $0x38;
	[tilespmem:$0x10100] =	vst v63  }
0x73: {  	s8 =	spop (v2sf)  }
0x74: {  	s7 =	sand.u32 $0x1FFFFF80, s8  }
0x75: {  	(v2sf) =	vpush v5, $0x7;
	s8 =	simm.s32 $0x4C80;
	s7 =	sadd.s32 s1, s7  }
0x76: {  	[tilespmem:s8], [sflag:$0x1] =	stream.linear.gather [hbm4b:s7+s3], $0x400, $0x38;
	[tilespmem:$0x10100] =	vst v63  }
0x77: {  	s8 =	rddreg [dreg:$0x8]  }
0x78: {  	v4 =	vadd.s32 s8, v4;
	s7 =	spop (v2sf)  }
0x79: {  	(v2sf) =	vpush v4, $0x8;
	s7 =	sand.u32 $0x1FFFFF80, s7  }
0x7a: {  	s8 =	simm.s32 $0x5080;
	s7 =	sadd.s32 s1, s7  }
0x7b: {  	[tilespmem:s8], [sflag:$0x1] =	stream.linear.gather [hbm4b:s7+s3], $0x400, $0x38;
	[tilespmem:$0x10100] =	vst v63  }
0x7c: {  	s8 =	spop (v2sf)  }
0x7d: {  	(v2sf) =	vpush v4, $0x9;
	s7 =	sand.u32 $0x1FFFFF80, s8  }
0x7e: {  	s8 =	simm.s32 $0x5480;
	s7 =	sadd.s32 s1, s7  }
0x7f: {  	[tilespmem:s8], [sflag:$0x1] =	stream.linear.gather [hbm4b:s7+s3], $0x400, $0x38;
	[tilespmem:$0x10100] =	vst v63  }
0x80: {  	s8 =	spop (v2sf)  }
0x81: {  	(v2sf) =	vpush v4, $0xA;
	s7 =	sand.u32 $0x1FFFFF80, s8  }
0x82: {  	s8 =	simm.s32 $0x5880;
	s7 =	sadd.s32 s1, s7  }
0x83: {  	[tilespmem:s8], [sflag:$0x1] =	stream.linear.gather [hbm4b:s7+s3], $0x400, $0x38;
	[tilespmem:$0x10100] =	vst v63  }
0x84: {  	s8 =	spop (v2sf)  }
0x85: {  	(v2sf) =	vpush v4, $0xB;
	s7 =	sand.u32 $0x1FFFFF80, s8  }
0x86: {  	s8 =	simm.s32 $0x5C80;
	s7 =	sadd.s32 s1, s7  }
0x87: {  	[tilespmem:s8], [sflag:$0x1] =	stream.linear.gather [hbm4b:s7+s3], $0x400, $0x38;
	[tilespmem:$0x10100] =	vst v63  }
0x88: {  	s8 =	spop (v2sf)  }
0x89: {  	(v2sf) =	vpush v4, $0xC;
	s7 =	sand.u32 $0x1FFFFF80, s8  }
0x8a: {  	s8 =	simm.s32 $0x6080;
	s7 =	sadd.s32 s1, s7  }
0x8b: {  	[tilespmem:s8], [sflag:$0x1] =	stream.linear.gather [hbm4b:s7+s3], $0x400, $0x38;
	[tilespmem:$0x10100] =	vst v63  }
0x8c: {  	s8 =	spop (v2sf)  }
0x8d: {  	(v2sf) =	vpush v4, $0xD;
	s7 =	sand.u32 $0x1FFFFF80, s8  }
0x8e: {  	s8 =	simm.s32 $0x6480;
	s7 =	sadd.s32 s1, s7  }
0x8f: {  	[tilespmem:s8], [sflag:$0x1] =	stream.linear.gather [hbm4b:s7+s3], $0x400, $0x38;
	[tilespmem:$0x10100] =	vst v63  }
0x90: {  	s8 =	spop (v2sf)  }
0x91: {  	(v2sf) =	vpush v4, $0xE;
	s7 =	sand.u32 $0x1FFFFF80, s8  }
0x92: {  	s8 =	simm.s32 $0x6880;
	s7 =	sadd.s32 s1, s7  }
0x93: {  	[tilespmem:s8], [sflag:$0x1] =	stream.linear.gather [hbm4b:s7+s3], $0x400, $0x38;
	[tilespmem:$0x10100] =	vst v63  }
0x94: {  	s8 =	spop (v2sf)  }
0x95: {  	(v2sf) =	vpush v4, $0xF;
	s7 =	sand.u32 $0x1FFFFF80, s8  }
0x96: {  	s8 =	simm.s32 $0x6C80;
	s7 =	sadd.s32 s1, s7  }
0x97: {  	[tilespmem:s8], [sflag:$0x1] =	stream.linear.gather [hbm4b:s7+s3], $0x400, $0x38;
	[tilespmem:$0x10100] =	vst v63  }
0x98: {  	s8 =	spop (v2sf)  }
0x99: {  	s7 =	sand.u32 $0x1FFFFF80, s8  }
0x9a: {  	s8 =	simm.s32 $0x7080;
	s7 =	sadd.s32 s1, s7  }
0x9b: {  	[tilespmem:s8], [sflag:$0x1] =	stream.linear.gather [hbm4b:s7+s3], $0x400, $0x38;
	[tilespmem:$0x10100] =	vst v63  }
0x9c: {  	s8 =	spop (v2sf)  }
0x9d: {  	s7 =	sand.u32 $0x1FFFFF80, s8  }
0x9e: {  	s8 =	simm.s32 $0x7480;
	s7 =	sadd.s32 s1, s7  }
0x9f: {  	[tilespmem:s8], [sflag:$0x1] =	stream.linear.gather [hbm4b:s7+s3], $0x400, $0x38;
	[tilespmem:$0x10100] =	vst v63  }
0xa0: {  	s8 =	spop (v2sf)  }
0xa1: {  	s7 =	sand.u32 $0x1FFFFF80, s8  }
0xa2: {  	s8 =	simm.s32 $0x7880;
	s7 =	sadd.s32 s1, s7  }
0xa3: {  	[tilespmem:s8], [sflag:$0x1] =	stream.linear.gather [hbm4b:s7+s3], $0x400, $0x38;
	[tilespmem:$0x10100] =	vst v63  }
0xa4: {  	s8 =	spop (v2sf)  }
0xa5: {  	s7 =	sand.u32 $0x1FFFFF80, s8  }
0xa6: {  	s8 =	simm.s32 $0x7C80;
	s7 =	sadd.s32 s1, s7  }
0xa7: {  	[tilespmem:s8], [sflag:$0x1] =	stream.linear.gather [hbm4b:s7+s3], $0x400, $0x38;
	[tilespmem:$0x10100] =	vst v63  }
0xa8: {  	v4 =	vld [tilespmem:$0x20];
	_ =	sdelay $0x4  }
0xa9: {  	s8 =	rddreg [dreg:$0x9];
	v4 =	vand.u32 $0xFFFFFF80, v4  }
0xaa: {  	v5 =	vadd.s32 s8, v4  }
0xab: {  	(v2sf) =	vpush v5, $0x0;
	_ =	sdelay $0x3  }
0xac: {  	(v2sf) =	vpush v5, $0x1;
	_ =	sdelay $0x3  }
0xad: {  	(v2sf) =	vpush v5, $0x2;
	_ =	sdelay $0x3  }
0xae: {  	(v2sf) =	vpush v5, $0x3;
	_ =	sdelay $0x2  }
0xaf: {  	s8 =	spop (v2sf)  }
0xb0: {  	s7 =	sand.u32 $0x1FFFFF80, s8  }
0xb1: {  	(v2sf) =	vpush v5, $0x4;
	s8 =	simm.s32 $0x8080;
	s7 =	sadd.s32 s1, s7  }
0xb2: {  	[tilespmem:s8], [sflag:$0x1] =	stream.linear.gather [hbm4b:s7+s3], $0x400, $0x38;
	[tilespmem:$0x10100] =	vst v63  }
0xb3: {  	s8 =	spop (v2sf)  }
0xb4: {  	s7 =	sand.u32 $0x1FFFFF80, s8  }
0xb5: {  	(v2sf) =	vpush v5, $0x5;
	s8 =	simm.s32 $0x8480;
	s7 =	sadd.s32 s1, s7  }
0xb6: {  	[tilespmem:s8], [sflag:$0x1] =	stream.linear.gather [hbm4b:s7+s3], $0x400, $0x38;
	[tilespmem:$0x10100] =	vst v63  }
0xb7: {  	s8 =	spop (v2sf)  }
0xb8: {  	s7 =	sand.u32 $0x1FFFFF80, s8  }
0xb9: {  	(v2sf) =	vpush v5, $0x6;
	s8 =	simm.s32 $0x8880;
	s7 =	sadd.s32 s1, s7  }
0xba: {  	[tilespmem:s8], [sflag:$0x1] =	stream.linear.gather [hbm4b:s7+s3], $0x400, $0x38;
	[tilespmem:$0x10100] =	vst v63  }
0xbb: {  	s8 =	spop (v2sf)  }
0xbc: {  	s7 =	sand.u32 $0x1FFFFF80, s8  }
0xbd: {  	(v2sf) =	vpush v5, $0x7;
	s8 =	simm.s32 $0x8C80;
	s7 =	sadd.s32 s1, s7  }
0xbe: {  	[tilespmem:s8], [sflag:$0x1] =	stream.linear.gather [hbm4b:s7+s3], $0x400, $0x38;
	[tilespmem:$0x10100] =	vst v63  }
0xbf: {  	s8 =	rddreg [dreg:$0xa]  }
0xc0: {  	v4 =	vadd.s32 s8, v4;
	s7 =	spop (v2sf)  }
0xc1: {  	(v2sf) =	vpush v4, $0x8;
	s7 =	sand.u32 $0x1FFFFF80, s7  }
0xc2: {  	s8 =	simm.s32 $0x9080;
	s7 =	sadd.s32 s1, s7  }
0xc3: {  	[tilespmem:s8], [sflag:$0x1] =	stream.linear.gather [hbm4b:s7+s3], $0x400, $0x38;
	[tilespmem:$0x10100] =	vst v63  }
0xc4: {  	s8 =	spop (v2sf)  }
0xc5: {  	(v2sf) =	vpush v4, $0x9;
	s7 =	sand.u32 $0x1FFFFF80, s8  }
0xc6: {  	s8 =	simm.s32 $0x9480;
	s7 =	sadd.s32 s1, s7  }
0xc7: {  	[tilespmem:s8], [sflag:$0x1] =	stream.linear.gather [hbm4b:s7+s3], $0x400, $0x38;
	[tilespmem:$0x10100] =	vst v63  }
0xc8: {  	s8 =	spop (v2sf)  }
0xc9: {  	(v2sf) =	vpush v4, $0xA;
	s7 =	sand.u32 $0x1FFFFF80, s8  }
0xca: {  	s8 =	simm.s32 $0x9880;
	s7 =	sadd.s32 s1, s7  }
0xcb: {  	[tilespmem:s8], [sflag:$0x1] =	stream.linear.gather [hbm4b:s7+s3], $0x400, $0x38;
	[tilespmem:$0x10100] =	vst v63  }
0xcc: {  	s8 =	spop (v2sf)  }
0xcd: {  	(v2sf) =	vpush v4, $0xB;
	s7 =	sand.u32 $0x1FFFFF80, s8  }
0xce: {  	s8 =	simm.s32 $0x9C80;
	s7 =	sadd.s32 s1, s7  }
0xcf: {  	[tilespmem:s8], [sflag:$0x1] =	stream.linear.gather [hbm4b:s7+s3], $0x400, $0x38;
	[tilespmem:$0x10100] =	vst v63  }
0xd0: {  	s8 =	spop (v2sf)  }
0xd1: {  	(v2sf) =	vpush v4, $0xC;
	s7 =	sand.u32 $0x1FFFFF80, s8  }
0xd2: {  	s8 =	simm.s32 $0xA080;
	s7 =	sadd.s32 s1, s7  }
0xd3: {  	[tilespmem:s8], [sflag:$0x1] =	stream.linear.gather [hbm4b:s7+s3], $0x400, $0x38;
	[tilespmem:$0x10100] =	vst v63  }
0xd4: {  	s8 =	spop (v2sf)  }
0xd5: {  	(v2sf) =	vpush v4, $0xD;
	s7 =	sand.u32 $0x1FFFFF80, s8  }
0xd6: {  	s7 =	sadd.s32 s1, s7  }
0xd7: {  	[tilespmem:s9], [sflag:$0x1] =	stream.linear.gather [hbm4b:s7+s3], $0x400, $0x38;
	[tilespmem:$0x10100] =	vst v63  }
0xd8: {  	s8 =	spop (v2sf)  }
0xd9: {  	(v2sf) =	vpush v4, $0xE;
	s7 =	sand.u32 $0x1FFFFF80, s8  }
0xda: {  	s7 =	sadd.s32 s1, s7  }
0xdb: {  	[tilespmem:s10], [sflag:$0x1] =	stream.linear.gather [hbm4b:s7+s3], $0x400, $0x38;
	[tilespmem:$0x10100] =	vst v63  }
0xdc: {  	s8 =	spop (v2sf)  }
0xdd: {  	(v2sf) =	vpush v4, $0xF;
	s7 =	sand.u32 $0x1FFFFF80, s8  }
0xde: {  	s7 =	sadd.s32 s1, s7  }
0xdf: {  	[tilespmem:s11], [sflag:$0x1] =	stream.linear.gather [hbm4b:s7+s3], $0x400, $0x38;
	[tilespmem:$0x10100] =	vst v63  }
0xe0: {  	s8 =	spop (v2sf)  }
0xe1: {  	s7 =	sand.u32 $0x1FFFFF80, s8  }
0xe2: {  	s7 =	sadd.s32 s1, s7  }
0xe3: {  	[tilespmem:s12], [sflag:$0x1] =	stream.linear.gather [hbm4b:s7+s3], $0x400, $0x38;
	[tilespmem:$0x10100] =	vst v63  }
0xe4: {  	s8 =	spop (v2sf)  }
0xe5: {  	s7 =	sand.u32 $0x1FFFFF80, s8  }
0xe6: {  	s7 =	sadd.s32 s1, s7  }
0xe7: {  	[tilespmem:s13], [sflag:$0x1] =	stream.linear.gather [hbm4b:s7+s3], $0x400, $0x38;
	[tilespmem:$0x10100] =	vst v63  }
0xe8: {  	s8 =	spop (v2sf)  }
0xe9: {  	s7 =	sand.u32 $0x1FFFFF80, s8  }
0xea: {  	s7 =	sadd.s32 s1, s7  }
0xeb: {  	[tilespmem:s14], [sflag:$0x1] =	stream.linear.gather [hbm4b:s7+s3], $0x400, $0x38;
	[tilespmem:$0x10100] =	vst v63  }
0xec: {  	s8 =	spop (v2sf)  }
0xed: {  	s7 =	sand.u32 $0x1FFFFF80, s8  }
0xee: {  	s7 =	sadd.s32 s1, s7  }
0xef: {  	[tilespmem:s15], [sflag:$0x1] =	stream.linear.gather [hbm4b:s7+s3], $0x400, $0x38;
	[tilespmem:$0x10100] =	vst v63  }
0xf0: {  	v4 =	vld [tilespmem:$0x30];
	_ =	sdelay $0x4  }
0xf1: {  	s8 =	rddreg [dreg:$0xb];
	v4 =	vand.u32 $0xFFFFFF80, v4  }
0xf2: {  	v5 =	vadd.s32 s8, v4  }
0xf3: {  	(v2sf) =	vpush v5, $0x0;
	_ =	sdelay $0x1  }
0xf4: {  	(v2sf) =	vpush v5, $0x1;
	_ =	sdelay $0x2  }
0xf5: {  	(v2sf) =	vpush v5, $0x2;
	_ =	sdelay $0x2  }
0xf6: {  	(v2sf) =	vpush v5, $0x3;
	_ =	sdelay $0x6  }
0xf7: {  	s8 =	spop (v2sf);
	(v2sf) =	vpush v5, $0x4;
	_ =	sdelay $0x1  }
0xf8: {  	s7 =	sand.u32 $0x1FFFFF80, s8;
	s8 =	spop (v2sf);
	(v2sf) =	vpush v5, $0x5  }
0xf9: {  	s7 =	sadd.s32 s1, s7  }
0xfa: {  	[tilespmem:s16], [sflag:$0x1] =	stream.linear.gather [hbm4b:s7+s3], $0x400, $0x38;
	[tilespmem:$0x10100] =	vst v63  }
0xfb: {  	s7 =	sand.u32 $0x1FFFFF80, s8;
	s8 =	spop (v2sf);
	(v2sf) =	vpush v5, $0x6  }
0xfc: {  	s7 =	sadd.s32 s1, s7  }
0xfd: {  	[tilespmem:s17], [sflag:$0x1] =	stream.linear.gather [hbm4b:s7+s3], $0x400, $0x38;
	[tilespmem:$0x10100] =	vst v63  }
0xfe: {  	s7 =	sand.u32 $0x1FFFFF80, s8;
	s8 =	spop (v2sf);
	(v2sf) =	vpush v5, $0x7;
	_ =	sdelay $0x1  }
0xff: {  	s7 =	sadd.s32 s1, s7  }
0x100: {  	[tilespmem:s25], [sflag:$0x1] =	stream.linear.gather [hbm4b:s7+s3], $0x400, $0x38;
	[tilespmem:$0x10100] =	vst v63  }
0x101: {  	s7 =	sand.u32 $0x1FFFFF80, s8  }
0x102: {  	s8 =	rddreg [dreg:$0xc];
	s7 =	sadd.s32 s1, s7  }
0x103: {  	v4 =	vadd.s32 s8, v4;
	[tilespmem:s18], [sflag:$0x1] =	stream.linear.gather [hbm4b:s7+s3], $0x400, $0x38;
	[tilespmem:$0x10100] =	vst v63  }
0x104: {  	s7 =	spop (v2sf);
	(v2sf) =	vpush v4, $0x8;
	_ =	sdelay $0x1  }
0x105: {  	s7 =	sand.u32 $0x1FFFFF80, s7;
	s8 =	spop (v2sf);
	(v2sf) =	vpush v4, $0x9  }
0x106: {  	s7 =	sadd.s32 s1, s7  }
0x107: {  	[tilespmem:s26], [sflag:$0x1] =	stream.linear.gather [hbm4b:s7+s3], $0x400, $0x38;
	[tilespmem:$0x10100] =	vst v63  }
0x108: {  	s7 =	sand.u32 $0x1FFFFF80, s8;
	s8 =	spop (v2sf);
	(v2sf) =	vpush v4, $0xA  }
0x109: {  	s7 =	sadd.s32 s1, s7  }
0x10a: {  	[tilespmem:s19], [sflag:$0x1] =	stream.linear.gather [hbm4b:s7+s3], $0x400, $0x38;
	[tilespmem:$0x10100] =	vst v63  }
0x10b: {  	s7 =	sand.u32 $0x1FFFFF80, s8;
	s8 =	spop (v2sf);
	(v2sf) =	vpush v4, $0xB;
	_ =	sdelay $0x3  }
0x10c: {  	s7 =	sadd.s32 s1, s7  }
0x10d: {  	[tilespmem:s28], [sflag:$0x1] =	stream.linear.gather [hbm4b:s7+s3], $0x400, $0x38;
	[tilespmem:$0x10100] =	vst v63  }
0x10e: {  	s7 =	sand.u32 $0x1FFFFF80, s8  }
0x10f: {  	s7 =	sadd.s32 s1, s7;
	s8 =	spop (v2sf);
	(v2sf) =	vpush v4, $0xC  }
0x110: {  	[tilespmem:s20], [sflag:$0x1] =	stream.linear.gather [hbm4b:s7+s3], $0x400, $0x38;
	[tilespmem:$0x10100] =	vst v63  }
0x111: {  	s7 =	sand.u32 $0x1FFFFF80, s8;
	s8 =	spop (v2sf);
	(v2sf) =	vpush v4, $0xD  }
0x112: {  	s7 =	sadd.s32 s1, s7  }
0x113: {  	[tilespmem:s21], [sflag:$0x1] =	stream.linear.gather [hbm4b:s7+s3], $0x400, $0x38;
	[tilespmem:$0x10100] =	vst v63  }
0x114: {  	s7 =	sand.u32 $0x1FFFFF80, s8;
	s8 =	spop (v2sf);
	(v2sf) =	vpush v4, $0xE  }
0x115: {  	s7 =	sadd.s32 s1, s7  }
0x116: {  	[tilespmem:s29], [sflag:$0x1] =	stream.linear.gather [hbm4b:s7+s3], $0x400, $0x38;
	[tilespmem:$0x10100] =	vst v63  }
0x117: {  	s7 =	sand.u32 $0x1FFFFF80, s8;
	s8 =	spop (v2sf);
	(v2sf) =	vpush v4, $0xF;
	_ =	sdelay $0x1  }
0x118: {  	s7 =	sadd.s32 s1, s7  }
0x119: {  	[tilespmem:s30], [sflag:$0x1] =	stream.linear.gather [hbm4b:s7+s3], $0x400, $0x38;
	[tilespmem:$0x10100] =	vst v63  }
0x11a: {  	s7 =	sand.u32 $0x1FFFFF80, s8  }
0x11b: {  	s7 =	sadd.s32 s1, s7  }
0x11c: {  	[tilespmem:s22], [sflag:$0x1] =	stream.linear.gather [hbm4b:s7+s3], $0x400, $0x38;
	[tilespmem:$0x10100] =	vst v63  }
0x11d: {  	s8 =	spop (v2sf)  }
0x11e: {  	s7 =	sand.u32 $0x1FFFFF80, s8  }
0x11f: {  	s8 =	spop (v2sf);
	s7 =	sadd.s32 s1, s7  }
0x120: {  	[tilespmem:s31], [sflag:$0x1] =	stream.linear.gather [hbm4b:s7+s3], $0x400, $0x38;
	[tilespmem:$0x10100] =	vst v63  }
0x121: {  	s7 =	sand.u32 $0x1FFFFF80, s8  }
0x122: {  	s8 =	spop (v2sf);
	s7 =	sadd.s32 s1, s7  }
0x123: {  	[tilespmem:s2], [sflag:$0x1] =	stream.linear.gather [hbm4b:s7+s3], $0x400, $0x38;
	[tilespmem:$0x10100] =	vst v63  }
0x124: {  	s7 =	sand.u32 $0x1FFFFF80, s8  }
0x125: {  	s8 =	spop (v2sf);
	s7 =	sadd.s32 s1, s7  }
0x126: {  	[tilespmem:s0], [sflag:$0x1] =	stream.linear.gather [hbm4b:s7+s3], $0x400, $0x38;
	[tilespmem:$0x10100] =	vst v63  }
0x127: {  	s7 =	sand.u32 $0x1FFFFF80, s8  }
0x128: {  	s7 =	sadd.s32 s1, s7  }
0x129: {  	[tilespmem:s4], [sflag:$0x1] =	stream.linear.gather [hbm4b:s7+s3], $0x400, $0x38;
	[tilespmem:$0x10100] =	vst v63  }
0x12a: {  	_ =	swait.ge [sflag:s5], $0x400  }
0x12b: {  	s7 =	simm.s32 $0x3F;
	[sflag:s5] =	ssyncset.done $0x0  }
.LBB2_2:
0x12c: {  	p0 =	sne.s32 s7, $0x1;
	s7 =	sadd.s32 $0xFFFFFFFF, s7;
	[sflag:s5] =	ssyncadd.s32 $0xFFFFFC00  }
.Ltmp0:
0x12d: {  	(pc) =	sbr.rel @p0 .LBB2_2-.Ltmp0, $3  }
0x12e: {  	_ =	sdelay $0x1  }
0x12f: {  	_ =	swait.ge [sflag:s5], $0x400  }
0x130: {  	[sflag:s5] =	ssyncset.done $0x0  }
0x131: {  	[sflag:s5] =	ssyncadd.s32 $0xFFFFFC00  }
0x132: {  	v4 =	vld [tilespmem:$0x0];
	_ =	sdelay $0x4  }
0x133: {  	v4 =	vand.u32 $0x7F, v4  }
0x134: {  	v5 =	vld [tilespmem:$0x10];
	v4 =	vor.u32 v0, v4;
	_ =	sdelay $0x3  }
0x135: {  	v6 =	vld [tilespmem:$0x40]  }
0x136: {  	v5 =	vand.u32 $0x7F, v5;
	v4 =	vld.idx.msk [tilespmem:v4+s24+$0x0], $0xffff  }
0x137: {  	v7 =	vld [tilespmem:$0x20];
	v5 =	vor.u32 v1, v5;
	_ =	sdelay $0x2  }
0x138: {  	s7 =	rddreg [dreg:$0xd];
	v6 =	vand.u32 $0xFFFFFF80, v6  }
0x139: {  	[tilespmem:$0x10080] =	vst v4;
	v4 =	vadd.s32 s7, v6  }
0x13a: {  	v7 =	vand.u32 $0x7F, v7;
	v5 =	vld.idx.msk [tilespmem:v5+s24+$0x0], $0xffff;
	(v2sf) =	vpush v4, $0x0  }
0x13b: {  	v8 =	vld [tilespmem:$0x30];
	v7 =	vor.u32 v2, v7  }
0x13c: {  	(v2sf) =	vpush v4, $0x1;
	_ =	sdelay $0x2  }
0x13d: {  	[tilespmem:$0x10090] =	vst v5  }
0x13e: {  	v63 =	vand.u32 $0x7F, v8;
	v5 =	vld.idx.msk [tilespmem:v7+s24+$0x0], $0xffff  }
0x13f: {  	(v2sf) =	vpush v4, $0x2;
	v7 =	vor.u32 v3, v63;
	_ =	sdelay $0x3  }
0x140: {  	(v2sf) =	vpush v4, $0x3;
	[tilespmem:$0x100A0] =	vst v5  }
0x141: {  	v5 =	vld.idx.msk [tilespmem:v7+s24+$0x0], $0xffff;
	_ =	sdelay $0x2  }
0x142: {  	s8 =	spop (v2sf)  }
0x143: {  	(v2sf) =	vpush v4, $0x4;
	s7 =	sand.u32 $0x1FFFFF80, s8  }
0x144: {  	s8 =	spop (v2sf);
	[tilespmem:$0x100B0] =	vst v5;
	s7 =	sadd.s32 s1, s7  }
0x145: {  	[tilespmem:s24], [sflag:$0x1] =	stream.linear.gather [hbm4b:s7+s3], $0x400, $0x38;
	[tilespmem:$0x10100] =	vst v63  }
0x146: {  	s7 =	sand.u32 $0x1FFFFF80, s8  }
0x147: {  	(v2sf) =	vpush v4, $0x5;
	s8 =	simm.s32 $0x480;
	s7 =	sadd.s32 s1, s7  }
0x148: {  	[tilespmem:s8], [sflag:$0x1] =	stream.linear.gather [hbm4b:s7+s3], $0x400, $0x38;
	[tilespmem:$0x10100] =	vst v63  }
0x149: {  	s8 =	spop (v2sf)  }
0x14a: {  	s7 =	sand.u32 $0x1FFFFF80, s8  }
0x14b: {  	(v2sf) =	vpush v4, $0x6;
	s8 =	simm.s32 $0x880;
	s7 =	sadd.s32 s1, s7  }
0x14c: {  	[tilespmem:s8], [sflag:$0x1] =	stream.linear.gather [hbm4b:s7+s3], $0x400, $0x38;
	[tilespmem:$0x10100] =	vst v63  }
0x14d: {  	s8 =	spop (v2sf)  }
0x14e: {  	s7 =	sand.u32 $0x1FFFFF80, s8  }
0x14f: {  	(v2sf) =	vpush v4, $0x7;
	s8 =	simm.s32 $0xC80;
	s7 =	sadd.s32 s1, s7  }
0x150: {  	[tilespmem:s8], [sflag:$0x1] =	stream.linear.gather [hbm4b:s7+s3], $0x400, $0x38;
	[tilespmem:$0x10100] =	vst v63  }
0x151: {  	s8 =	rddreg [dreg:$0xe]  }
0x152: {  	v4 =	vadd.s32 s8, v6;
	s7 =	spop (v2sf)  }
0x153: {  	(v2sf) =	vpush v4, $0x8;
	s7 =	sand.u32 $0x1FFFFF80, s7  }
0x154: {  	s8 =	simm.s32 $0x1080;
	s7 =	sadd.s32 s1, s7  }
0x155: {  	[tilespmem:s8], [sflag:$0x1] =	stream.linear.gather [hbm4b:s7+s3], $0x400, $0x38;
	[tilespmem:$0x10100] =	vst v63  }
0x156: {  	s8 =	spop (v2sf)  }
0x157: {  	(v2sf) =	vpush v4, $0x9;
	s7 =	sand.u32 $0x1FFFFF80, s8  }
0x158: {  	s8 =	simm.s32 $0x1480;
	s7 =	sadd.s32 s1, s7  }
0x159: {  	[tilespmem:s8], [sflag:$0x1] =	stream.linear.gather [hbm4b:s7+s3], $0x400, $0x38;
	[tilespmem:$0x10100] =	vst v63  }
0x15a: {  	s8 =	spop (v2sf)  }
0x15b: {  	(v2sf) =	vpush v4, $0xA;
	s7 =	sand.u32 $0x1FFFFF80, s8  }
0x15c: {  	s8 =	simm.s32 $0x1880;
	s7 =	sadd.s32 s1, s7  }
0x15d: {  	[tilespmem:s8], [sflag:$0x1] =	stream.linear.gather [hbm4b:s7+s3], $0x400, $0x38;
	[tilespmem:$0x10100] =	vst v63  }
0x15e: {  	s8 =	spop (v2sf)  }
0x15f: {  	(v2sf) =	vpush v4, $0xB;
	s7 =	sand.u32 $0x1FFFFF80, s8  }
0x160: {  	s8 =	simm.s32 $0x1C80;
	s7 =	sadd.s32 s1, s7  }
0x161: {  	[tilespmem:s8], [sflag:$0x1] =	stream.linear.gather [hbm4b:s7+s3], $0x400, $0x38;
	[tilespmem:$0x10100] =	vst v63  }
0x162: {  	s8 =	spop (v2sf)  }
0x163: {  	(v2sf) =	vpush v4, $0xC;
	s7 =	sand.u32 $0x1FFFFF80, s8  }
0x164: {  	s8 =	simm.s32 $0x2080;
	s7 =	sadd.s32 s1, s7  }
0x165: {  	[tilespmem:s8], [sflag:$0x1] =	stream.linear.gather [hbm4b:s7+s3], $0x400, $0x38;
	[tilespmem:$0x10100] =	vst v63  }
0x166: {  	s8 =	spop (v2sf)  }
0x167: {  	(v2sf) =	vpush v4, $0xD;
	s7 =	sand.u32 $0x1FFFFF80, s8  }
0x168: {  	s8 =	simm.s32 $0x2480;
	s7 =	sadd.s32 s1, s7  }
0x169: {  	[tilespmem:s8], [sflag:$0x1] =	stream.linear.gather [hbm4b:s7+s3], $0x400, $0x38;
	[tilespmem:$0x10100] =	vst v63  }
0x16a: {  	s8 =	spop (v2sf)  }
0x16b: {  	(v2sf) =	vpush v4, $0xE;
	s7 =	sand.u32 $0x1FFFFF80, s8  }
0x16c: {  	s8 =	simm.s32 $0x2880;
	s7 =	sadd.s32 s1, s7  }
0x16d: {  	[tilespmem:s8], [sflag:$0x1] =	stream.linear.gather [hbm4b:s7+s3], $0x400, $0x38;
	[tilespmem:$0x10100] =	vst v63  }
0x16e: {  	s8 =	spop (v2sf)  }
0x16f: {  	(v2sf) =	vpush v4, $0xF;
	s7 =	sand.u32 $0x1FFFFF80, s8  }
0x170: {  	s8 =	simm.s32 $0x2C80;
	s7 =	sadd.s32 s1, s7  }
0x171: {  	[tilespmem:s8], [sflag:$0x1] =	stream.linear.gather [hbm4b:s7+s3], $0x400, $0x38;
	[tilespmem:$0x10100] =	vst v63  }
0x172: {  	s8 =	spop (v2sf)  }
0x173: {  	s7 =	sand.u32 $0x1FFFFF80, s8  }
0x174: {  	s8 =	simm.s32 $0x3080;
	s7 =	sadd.s32 s1, s7  }
0x175: {  	[tilespmem:s8], [sflag:$0x1] =	stream.linear.gather [hbm4b:s7+s3], $0x400, $0x38;
	[tilespmem:$0x10100] =	vst v63  }
0x176: {  	s8 =	spop (v2sf)  }
0x177: {  	s7 =	sand.u32 $0x1FFFFF80, s8  }
0x178: {  	s8 =	simm.s32 $0x3480;
	s7 =	sadd.s32 s1, s7  }
0x179: {  	[tilespmem:s8], [sflag:$0x1] =	stream.linear.gather [hbm4b:s7+s3], $0x400, $0x38;
	[tilespmem:$0x10100] =	vst v63  }
0x17a: {  	s8 =	spop (v2sf)  }
0x17b: {  	s7 =	sand.u32 $0x1FFFFF80, s8  }
0x17c: {  	s8 =	simm.s32 $0x3880;
	s7 =	sadd.s32 s1, s7  }
0x17d: {  	[tilespmem:s8], [sflag:$0x1] =	stream.linear.gather [hbm4b:s7+s3], $0x400, $0x38;
	[tilespmem:$0x10100] =	vst v63  }
0x17e: {  	s8 =	spop (v2sf)  }
0x17f: {  	s7 =	sand.u32 $0x1FFFFF80, s8  }
0x180: {  	s8 =	simm.s32 $0x3C80;
	s7 =	sadd.s32 s1, s7  }
0x181: {  	[tilespmem:s8], [sflag:$0x1] =	stream.linear.gather [hbm4b:s7+s3], $0x400, $0x38;
	[tilespmem:$0x10100] =	vst v63  }
0x182: {  	v4 =	vld [tilespmem:$0x50];
	_ =	sdelay $0x4  }
0x183: {  	s8 =	rddreg [dreg:$0xf];
	v4 =	vand.u32 $0xFFFFFF80, v4  }
0x184: {  	v5 =	vadd.s32 s8, v4  }
0x185: {  	(v2sf) =	vpush v5, $0x0;
	_ =	sdelay $0x3  }
0x186: {  	(v2sf) =	vpush v5, $0x1;
	_ =	sdelay $0x3  }
0x187: {  	(v2sf) =	vpush v5, $0x2;
	_ =	sdelay $0x3  }
0x188: {  	(v2sf) =	vpush v5, $0x3;
	_ =	sdelay $0x2  }
0x189: {  	s8 =	spop (v2sf)  }
0x18a: {  	s7 =	sand.u32 $0x1FFFFF80, s8  }
0x18b: {  	(v2sf) =	vpush v5, $0x4;
	s8 =	simm.s32 $0x4080;
	s7 =	sadd.s32 s1, s7  }
0x18c: {  	[tilespmem:s8], [sflag:$0x1] =	stream.linear.gather [hbm4b:s7+s3], $0x400, $0x38;
	[tilespmem:$0x10100] =	vst v63  }
0x18d: {  	s8 =	spop (v2sf)  }
0x18e: {  	s7 =	sand.u32 $0x1FFFFF80, s8  }
0x18f: {  	(v2sf) =	vpush v5, $0x5;
	s8 =	simm.s32 $0x4480;
	s7 =	sadd.s32 s1, s7  }
0x190: {  	[tilespmem:s8], [sflag:$0x1] =	stream.linear.gather [hbm4b:s7+s3], $0x400, $0x38;
	[tilespmem:$0x10100] =	vst v63  }
0x191: {  	s8 =	spop (v2sf)  }
0x192: {  	s7 =	sand.u32 $0x1FFFFF80, s8  }
0x193: {  	(v2sf) =	vpush v5, $0x6;
	s8 =	simm.s32 $0x4880;
	s7 =	sadd.s32 s1, s7  }
0x194: {  	[tilespmem:s8], [sflag:$0x1] =	stream.linear.gather [hbm4b:s7+s3], $0x400, $0x38;
	[tilespmem:$0x10100] =	vst v63  }
0x195: {  	s8 =	spop (v2sf)  }
0x196: {  	s7 =	sand.u32 $0x1FFFFF80, s8  }
0x197: {  	(v2sf) =	vpush v5, $0x7;
	s8 =	simm.s32 $0x4C80;
	s7 =	sadd.s32 s1, s7  }
0x198: {  	[tilespmem:s8], [sflag:$0x1] =	stream.linear.gather [hbm4b:s7+s3], $0x400, $0x38;
	[tilespmem:$0x10100] =	vst v63  }
0x199: {  	s8 =	rddreg [dreg:$0x10]  }
0x19a: {  	v4 =	vadd.s32 s8, v4;
	s7 =	spop (v2sf)  }
0x19b: {  	(v2sf) =	vpush v4, $0x8;
	s7 =	sand.u32 $0x1FFFFF80, s7  }
0x19c: {  	s8 =	simm.s32 $0x5080;
	s7 =	sadd.s32 s1, s7  }
0x19d: {  	[tilespmem:s8], [sflag:$0x1] =	stream.linear.gather [hbm4b:s7+s3], $0x400, $0x38;
	[tilespmem:$0x10100] =	vst v63  }
0x19e: {  	s8 =	spop (v2sf)  }
0x19f: {  	(v2sf) =	vpush v4, $0x9;
	s7 =	sand.u32 $0x1FFFFF80, s8  }
0x1a0: {  	s8 =	simm.s32 $0x5480;
	s7 =	sadd.s32 s1, s7  }
0x1a1: {  	[tilespmem:s8], [sflag:$0x1] =	stream.linear.gather [hbm4b:s7+s3], $0x400, $0x38;
	[tilespmem:$0x10100] =	vst v63  }
0x1a2: {  	s8 =	spop (v2sf)  }
0x1a3: {  	(v2sf) =	vpush v4, $0xA;
	s7 =	sand.u32 $0x1FFFFF80, s8  }
0x1a4: {  	s8 =	simm.s32 $0x5880;
	s7 =	sadd.s32 s1, s7  }
0x1a5: {  	[tilespmem:s8], [sflag:$0x1] =	stream.linear.gather [hbm4b:s7+s3], $0x400, $0x38;
	[tilespmem:$0x10100] =	vst v63  }
0x1a6: {  	s8 =	spop (v2sf)  }
0x1a7: {  	(v2sf) =	vpush v4, $0xB;
	s7 =	sand.u32 $0x1FFFFF80, s8  }
0x1a8: {  	s8 =	simm.s32 $0x5C80;
	s7 =	sadd.s32 s1, s7  }
0x1a9: {  	[tilespmem:s8], [sflag:$0x1] =	stream.linear.gather [hbm4b:s7+s3], $0x400, $0x38;
	[tilespmem:$0x10100] =	vst v63  }
0x1aa: {  	s8 =	spop (v2sf)  }
0x1ab: {  	(v2sf) =	vpush v4, $0xC;
	s7 =	sand.u32 $0x1FFFFF80, s8  }
0x1ac: {  	s8 =	simm.s32 $0x6080;
	s7 =	sadd.s32 s1, s7  }
0x1ad: {  	[tilespmem:s8], [sflag:$0x1] =	stream.linear.gather [hbm4b:s7+s3], $0x400, $0x38;
	[tilespmem:$0x10100] =	vst v63  }
0x1ae: {  	s8 =	spop (v2sf)  }
0x1af: {  	(v2sf) =	vpush v4, $0xD;
	s7 =	sand.u32 $0x1FFFFF80, s8  }
0x1b0: {  	s8 =	simm.s32 $0x6480;
	s7 =	sadd.s32 s1, s7  }
0x1b1: {  	[tilespmem:s8], [sflag:$0x1] =	stream.linear.gather [hbm4b:s7+s3], $0x400, $0x38;
	[tilespmem:$0x10100] =	vst v63  }
0x1b2: {  	s8 =	spop (v2sf)  }
0x1b3: {  	(v2sf) =	vpush v4, $0xE;
	s7 =	sand.u32 $0x1FFFFF80, s8  }
0x1b4: {  	s8 =	simm.s32 $0x6880;
	s7 =	sadd.s32 s1, s7  }
0x1b5: {  	[tilespmem:s8], [sflag:$0x1] =	stream.linear.gather [hbm4b:s7+s3], $0x400, $0x38;
	[tilespmem:$0x10100] =	vst v63  }
0x1b6: {  	s8 =	spop (v2sf)  }
0x1b7: {  	(v2sf) =	vpush v4, $0xF;
	s7 =	sand.u32 $0x1FFFFF80, s8  }
0x1b8: {  	s8 =	simm.s32 $0x6C80;
	s7 =	sadd.s32 s1, s7  }
0x1b9: {  	[tilespmem:s8], [sflag:$0x1] =	stream.linear.gather [hbm4b:s7+s3], $0x400, $0x38;
	[tilespmem:$0x10100] =	vst v63  }
0x1ba: {  	s8 =	spop (v2sf)  }
0x1bb: {  	s7 =	sand.u32 $0x1FFFFF80, s8  }
0x1bc: {  	s8 =	simm.s32 $0x7080;
	s7 =	sadd.s32 s1, s7  }
0x1bd: {  	[tilespmem:s8], [sflag:$0x1] =	stream.linear.gather [hbm4b:s7+s3], $0x400, $0x38;
	[tilespmem:$0x10100] =	vst v63  }
0x1be: {  	s8 =	spop (v2sf)  }
0x1bf: {  	s7 =	sand.u32 $0x1FFFFF80, s8  }
0x1c0: {  	s8 =	simm.s32 $0x7480;
	s7 =	sadd.s32 s1, s7  }
0x1c1: {  	[tilespmem:s8], [sflag:$0x1] =	stream.linear.gather [hbm4b:s7+s3], $0x400, $0x38;
	[tilespmem:$0x10100] =	vst v63  }
0x1c2: {  	s8 =	spop (v2sf)  }
0x1c3: {  	s7 =	sand.u32 $0x1FFFFF80, s8  }
0x1c4: {  	s8 =	simm.s32 $0x7880;
	s7 =	sadd.s32 s1, s7  }
0x1c5: {  	[tilespmem:s8], [sflag:$0x1] =	stream.linear.gather [hbm4b:s7+s3], $0x400, $0x38;
	[tilespmem:$0x10100] =	vst v63  }
0x1c6: {  	s8 =	spop (v2sf)  }
0x1c7: {  	s7 =	sand.u32 $0x1FFFFF80, s8  }
0x1c8: {  	s8 =	simm.s32 $0x7C80;
	s7 =	sadd.s32 s1, s7  }
0x1c9: {  	[tilespmem:s8], [sflag:$0x1] =	stream.linear.gather [hbm4b:s7+s3], $0x400, $0x38;
	[tilespmem:$0x10100] =	vst v63  }
0x1ca: {  	v4 =	vld [tilespmem:$0x60];
	_ =	sdelay $0x4  }
0x1cb: {  	s8 =	rddreg [dreg:$0x11];
	v4 =	vand.u32 $0xFFFFFF80, v4  }
0x1cc: {  	v5 =	vadd.s32 s8, v4  }
0x1cd: {  	(v2sf) =	vpush v5, $0x0;
	_ =	sdelay $0x3  }
0x1ce: {  	(v2sf) =	vpush v5, $0x1;
	_ =	sdelay $0x3  }
0x1cf: {  	(v2sf) =	vpush v5, $0x2;
	_ =	sdelay $0x3  }
0x1d0: {  	(v2sf) =	vpush v5, $0x3;
	_ =	sdelay $0x2  }
0x1d1: {  	s8 =	spop (v2sf)  }
0x1d2: {  	s7 =	sand.u32 $0x1FFFFF80, s8  }
0x1d3: {  	(v2sf) =	vpush v5, $0x4;
	s8 =	simm.s32 $0x8080;
	s7 =	sadd.s32 s1, s7  }
0x1d4: {  	[tilespmem:s8], [sflag:$0x1] =	stream.linear.gather [hbm4b:s7+s3], $0x400, $0x38;
	[tilespmem:$0x10100] =	vst v63  }
0x1d5: {  	s8 =	spop (v2sf)  }
0x1d6: {  	s7 =	sand.u32 $0x1FFFFF80, s8  }
0x1d7: {  	(v2sf) =	vpush v5, $0x5;
	s8 =	simm.s32 $0x8480;
	s7 =	sadd.s32 s1, s7  }
0x1d8: {  	[tilespmem:s8], [sflag:$0x1] =	stream.linear.gather [hbm4b:s7+s3], $0x400, $0x38;
	[tilespmem:$0x10100] =	vst v63  }
0x1d9: {  	s8 =	spop (v2sf)  }
0x1da: {  	s7 =	sand.u32 $0x1FFFFF80, s8  }
0x1db: {  	(v2sf) =	vpush v5, $0x6;
	s8 =	simm.s32 $0x8880;
	s7 =	sadd.s32 s1, s7  }
0x1dc: {  	[tilespmem:s8], [sflag:$0x1] =	stream.linear.gather [hbm4b:s7+s3], $0x400, $0x38;
	[tilespmem:$0x10100] =	vst v63  }
0x1dd: {  	s8 =	spop (v2sf)  }
0x1de: {  	s7 =	sand.u32 $0x1FFFFF80, s8  }
0x1df: {  	(v2sf) =	vpush v5, $0x7;
	s8 =	simm.s32 $0x8C80;
	s7 =	sadd.s32 s1, s7  }
0x1e0: {  	[tilespmem:s8], [sflag:$0x1] =	stream.linear.gather [hbm4b:s7+s3], $0x400, $0x38;
	[tilespmem:$0x10100] =	vst v63  }
0x1e1: {  	s8 =	rddreg [dreg:$0x12]  }
0x1e2: {  	v4 =	vadd.s32 s8, v4;
	s7 =	spop (v2sf)  }
0x1e3: {  	(v2sf) =	vpush v4, $0x8;
	s7 =	sand.u32 $0x1FFFFF80, s7  }
0x1e4: {  	s8 =	simm.s32 $0x9080;
	s7 =	sadd.s32 s1, s7  }
0x1e5: {  	[tilespmem:s8], [sflag:$0x1] =	stream.linear.gather [hbm4b:s7+s3], $0x400, $0x38;
	[tilespmem:$0x10100] =	vst v63  }
0x1e6: {  	s8 =	spop (v2sf)  }
0x1e7: {  	(v2sf) =	vpush v4, $0x9;
	s7 =	sand.u32 $0x1FFFFF80, s8  }
0x1e8: {  	s8 =	simm.s32 $0x9480;
	s7 =	sadd.s32 s1, s7  }
0x1e9: {  	[tilespmem:s8], [sflag:$0x1] =	stream.linear.gather [hbm4b:s7+s3], $0x400, $0x38;
	[tilespmem:$0x10100] =	vst v63  }
0x1ea: {  	s8 =	spop (v2sf)  }
0x1eb: {  	(v2sf) =	vpush v4, $0xA;
	s7 =	sand.u32 $0x1FFFFF80, s8  }
0x1ec: {  	s8 =	simm.s32 $0x9880;
	s7 =	sadd.s32 s1, s7  }
0x1ed: {  	[tilespmem:s8], [sflag:$0x1] =	stream.linear.gather [hbm4b:s7+s3], $0x400, $0x38;
	[tilespmem:$0x10100] =	vst v63  }
0x1ee: {  	s8 =	spop (v2sf)  }
0x1ef: {  	(v2sf) =	vpush v4, $0xB;
	s7 =	sand.u32 $0x1FFFFF80, s8  }
0x1f0: {  	s8 =	simm.s32 $0x9C80;
	s7 =	sadd.s32 s1, s7  }
0x1f1: {  	[tilespmem:s8], [sflag:$0x1] =	stream.linear.gather [hbm4b:s7+s3], $0x400, $0x38;
	[tilespmem:$0x10100] =	vst v63  }
0x1f2: {  	s8 =	spop (v2sf)  }
0x1f3: {  	(v2sf) =	vpush v4, $0xC;
	s7 =	sand.u32 $0x1FFFFF80, s8  }
0x1f4: {  	s8 =	simm.s32 $0xA080;
	s7 =	sadd.s32 s1, s7  }
0x1f5: {  	[tilespmem:s8], [sflag:$0x1] =	stream.linear.gather [hbm4b:s7+s3], $0x400, $0x38;
	[tilespmem:$0x10100] =	vst v63  }
0x1f6: {  	s8 =	spop (v2sf)  }
0x1f7: {  	(v2sf) =	vpush v4, $0xD;
	s7 =	sand.u32 $0x1FFFFF80, s8  }
0x1f8: {  	s7 =	sadd.s32 s1, s7  }
0x1f9: {  	[tilespmem:s9], [sflag:$0x1] =	stream.linear.gather [hbm4b:s7+s3], $0x400, $0x38;
	[tilespmem:$0x10100] =	vst v63  }
0x1fa: {  	s8 =	spop (v2sf)  }
0x1fb: {  	(v2sf) =	vpush v4, $0xE;
	s7 =	sand.u32 $0x1FFFFF80, s8  }
0x1fc: {  	s7 =	sadd.s32 s1, s7  }
0x1fd: {  	[tilespmem:s10], [sflag:$0x1] =	stream.linear.gather [hbm4b:s7+s3], $0x400, $0x38;
	[tilespmem:$0x10100] =	vst v63  }
0x1fe: {  	s8 =	spop (v2sf)  }
0x1ff: {  	(v2sf) =	vpush v4, $0xF;
	s7 =	sand.u32 $0x1FFFFF80, s8  }
0x200: {  	s7 =	sadd.s32 s1, s7  }
0x201: {  	[tilespmem:s11], [sflag:$0x1] =	stream.linear.gather [hbm4b:s7+s3], $0x400, $0x38;
	[tilespmem:$0x10100] =	vst v63  }
0x202: {  	s8 =	spop (v2sf)  }
0x203: {  	s7 =	sand.u32 $0x1FFFFF80, s8  }
0x204: {  	s7 =	sadd.s32 s1, s7  }
0x205: {  	[tilespmem:s12], [sflag:$0x1] =	stream.linear.gather [hbm4b:s7+s3], $0x400, $0x38;
	[tilespmem:$0x10100] =	vst v63  }
0x206: {  	s8 =	spop (v2sf)  }
0x207: {  	s7 =	sand.u32 $0x1FFFFF80, s8  }
0x208: {  	s7 =	sadd.s32 s1, s7  }
0x209: {  	[tilespmem:s13], [sflag:$0x1] =	stream.linear.gather [hbm4b:s7+s3], $0x400, $0x38;
	[tilespmem:$0x10100] =	vst v63  }
0x20a: {  	s8 =	spop (v2sf)  }
0x20b: {  	s7 =	sand.u32 $0x1FFFFF80, s8  }
0x20c: {  	s7 =	sadd.s32 s1, s7  }
0x20d: {  	[tilespmem:s14], [sflag:$0x1] =	stream.linear.gather [hbm4b:s7+s3], $0x400, $0x38;
	[tilespmem:$0x10100] =	vst v63  }
0x20e: {  	s8 =	spop (v2sf)  }
0x20f: {  	s7 =	sand.u32 $0x1FFFFF80, s8  }
0x210: {  	s7 =	sadd.s32 s1, s7  }
0x211: {  	[tilespmem:s15], [sflag:$0x1] =	stream.linear.gather [hbm4b:s7+s3], $0x400, $0x38;
	[tilespmem:$0x10100] =	vst v63  }
0x212: {  	v4 =	vld [tilespmem:$0x70];
	_ =	sdelay $0x4  }
0x213: {  	s8 =	rddreg [dreg:$0x13];
	v4 =	vand.u32 $0xFFFFFF80, v4  }
0x214: {  	v5 =	vadd.s32 s8, v4  }
0x215: {  	(v2sf) =	vpush v5, $0x0;
	_ =	sdelay $0x1  }
0x216: {  	(v2sf) =	vpush v5, $0x1;
	_ =	sdelay $0x2  }
0x217: {  	(v2sf) =	vpush v5, $0x2;
	_ =	sdelay $0x2  }
0x218: {  	(v2sf) =	vpush v5, $0x3;
	_ =	sdelay $0x6  }
0x219: {  	s8 =	spop (v2sf);
	(v2sf) =	vpush v5, $0x4;
	_ =	sdelay $0x1  }
0x21a: {  	s7 =	sand.u32 $0x1FFFFF80, s8;
	s8 =	spop (v2sf);
	(v2sf) =	vpush v5, $0x5  }
0x21b: {  	s7 =	sadd.s32 s1, s7  }
0x21c: {  	[tilespmem:s16], [sflag:$0x1] =	stream.linear.gather [hbm4b:s7+s3], $0x400, $0x38;
	[tilespmem:$0x10100] =	vst v63  }
0x21d: {  	s7 =	sand.u32 $0x1FFFFF80, s8;
	s8 =	spop (v2sf);
	(v2sf) =	vpush v5, $0x6  }
0x21e: {  	s7 =	sadd.s32 s1, s7  }
0x21f: {  	[tilespmem:s17], [sflag:$0x1] =	stream.linear.gather [hbm4b:s7+s3], $0x400, $0x38;
	[tilespmem:$0x10100] =	vst v63  }
0x220: {  	s7 =	sand.u32 $0x1FFFFF80, s8;
	s8 =	spop (v2sf);
	(v2sf) =	vpush v5, $0x7;
	_ =	sdelay $0x1  }
0x221: {  	s7 =	sadd.s32 s1, s7  }
0x222: {  	[tilespmem:s25], [sflag:$0x1] =	stream.linear.gather [hbm4b:s7+s3], $0x400, $0x38;
	[tilespmem:$0x10100] =	vst v63  }
0x223: {  	s7 =	sand.u32 $0x1FFFFF80, s8  }
0x224: {  	s8 =	rddreg [dreg:$0x14];
	s7 =	sadd.s32 s1, s7  }
0x225: {  	v4 =	vadd.s32 s8, v4;
	[tilespmem:s18], [sflag:$0x1] =	stream.linear.gather [hbm4b:s7+s3], $0x400, $0x38;
	[tilespmem:$0x10100] =	vst v63  }
0x226: {  	s7 =	spop (v2sf);
	(v2sf) =	vpush v4, $0x8;
	_ =	sdelay $0x1  }
0x227: {  	s7 =	sand.u32 $0x1FFFFF80, s7;
	s8 =	spop (v2sf);
	(v2sf) =	vpush v4, $0x9  }
0x228: {  	s7 =	sadd.s32 s1, s7  }
0x229: {  	[tilespmem:s26], [sflag:$0x1] =	stream.linear.gather [hbm4b:s7+s3], $0x400, $0x38;
	[tilespmem:$0x10100] =	vst v63  }
0x22a: {  	s7 =	sand.u32 $0x1FFFFF80, s8;
	s8 =	spop (v2sf);
	(v2sf) =	vpush v4, $0xA  }
0x22b: {  	s7 =	sadd.s32 s1, s7  }
0x22c: {  	[tilespmem:s19], [sflag:$0x1] =	stream.linear.gather [hbm4b:s7+s3], $0x400, $0x38;
	[tilespmem:$0x10100] =	vst v63  }
0x22d: {  	s7 =	sand.u32 $0x1FFFFF80, s8;
	s8 =	spop (v2sf);
	(v2sf) =	vpush v4, $0xB;
	_ =	sdelay $0x3  }
0x22e: {  	s7 =	sadd.s32 s1, s7  }
0x22f: {  	[tilespmem:s28], [sflag:$0x1] =	stream.linear.gather [hbm4b:s7+s3], $0x400, $0x38;
	[tilespmem:$0x10100] =	vst v63  }
0x230: {  	s7 =	sand.u32 $0x1FFFFF80, s8  }
0x231: {  	s7 =	sadd.s32 s1, s7;
	s8 =	spop (v2sf);
	(v2sf) =	vpush v4, $0xC  }
0x232: {  	[tilespmem:s20], [sflag:$0x1] =	stream.linear.gather [hbm4b:s7+s3], $0x400, $0x38;
	[tilespmem:$0x10100] =	vst v63  }
0x233: {  	s7 =	sand.u32 $0x1FFFFF80, s8;
	s8 =	spop (v2sf);
	(v2sf) =	vpush v4, $0xD  }
0x234: {  	s7 =	sadd.s32 s1, s7  }
0x235: {  	[tilespmem:s21], [sflag:$0x1] =	stream.linear.gather [hbm4b:s7+s3], $0x400, $0x38;
	[tilespmem:$0x10100] =	vst v63  }
0x236: {  	s7 =	sand.u32 $0x1FFFFF80, s8;
	s8 =	spop (v2sf);
	(v2sf) =	vpush v4, $0xE  }
0x237: {  	s7 =	sadd.s32 s1, s7  }
0x238: {  	[tilespmem:s29], [sflag:$0x1] =	stream.linear.gather [hbm4b:s7+s3], $0x400, $0x38;
	[tilespmem:$0x10100] =	vst v63  }
0x239: {  	s7 =	sand.u32 $0x1FFFFF80, s8;
	s8 =	spop (v2sf);
	(v2sf) =	vpush v4, $0xF;
	_ =	sdelay $0x1  }
0x23a: {  	s7 =	sadd.s32 s1, s7  }
0x23b: {  	[tilespmem:s30], [sflag:$0x1] =	stream.linear.gather [hbm4b:s7+s3], $0x400, $0x38;
	[tilespmem:$0x10100] =	vst v63  }
0x23c: {  	s7 =	sand.u32 $0x1FFFFF80, s8  }
0x23d: {  	s7 =	sadd.s32 s1, s7  }
0x23e: {  	[tilespmem:s22], [sflag:$0x1] =	stream.linear.gather [hbm4b:s7+s3], $0x400, $0x38;
	[tilespmem:$0x10100] =	vst v63  }
0x23f: {  	s8 =	spop (v2sf)  }
0x240: {  	s7 =	sand.u32 $0x1FFFFF80, s8  }
0x241: {  	s8 =	spop (v2sf);
	s7 =	sadd.s32 s1, s7  }
0x242: {  	[tilespmem:s31], [sflag:$0x1] =	stream.linear.gather [hbm4b:s7+s3], $0x400, $0x38;
	[tilespmem:$0x10100] =	vst v63  }
0x243: {  	s7 =	sand.u32 $0x1FFFFF80, s8  }
0x244: {  	s8 =	spop (v2sf);
	s7 =	sadd.s32 s1, s7  }
0x245: {  	[tilespmem:s2], [sflag:$0x1] =	stream.linear.gather [hbm4b:s7+s3], $0x400, $0x38;
	[tilespmem:$0x10100] =	vst v63  }
0x246: {  	s7 =	sand.u32 $0x1FFFFF80, s8  }
0x247: {  	s8 =	spop (v2sf);
	s7 =	sadd.s32 s1, s7  }
0x248: {  	[tilespmem:s0], [sflag:$0x1] =	stream.linear.gather [hbm4b:s7+s3], $0x400, $0x38;
	[tilespmem:$0x10100] =	vst v63  }
0x249: {  	s7 =	sand.u32 $0x1FFFFF80, s8  }
0x24a: {  	s7 =	sadd.s32 s1, s7  }
0x24b: {  	[tilespmem:s4], [sflag:$0x1] =	stream.linear.gather [hbm4b:s7+s3], $0x400, $0x38;
	[tilespmem:$0x10100] =	vst v63  }
0x24c: {  	_ =	swait.ge [sflag:s5], $0x400  }
0x24d: {  	s7 =	simm.s32 $0x3F;
	[sflag:s5] =	ssyncset.done $0x0  }
.LBB2_4:
0x24e: {  	p0 =	sne.s32 s7, $0x1;
	s7 =	sadd.s32 $0xFFFFFFFF, s7;
	[sflag:s5] =	ssyncadd.s32 $0xFFFFFC00  }
.Ltmp1:
0x24f: {  	(pc) =	sbr.rel @p0 .LBB2_4-.Ltmp1, $3  }
0x250: {  	_ =	sdelay $0x1  }
0x251: {  	_ =	swait.ge [sflag:s5], $0x400  }
0x252: {  	[sflag:s5] =	ssyncset.done $0x0  }
0x253: {  	[sflag:s5] =	ssyncadd.s32 $0xFFFFFC00  }
0x254: {  	v4 =	vld [tilespmem:$0x40];
	_ =	sdelay $0x4  }
0x255: {  	v4 =	vand.u32 $0x7F, v4  }
0x256: {  	v5 =	vld [tilespmem:$0x50];
	v4 =	vor.u32 v0, v4;
	_ =	sdelay $0x4  }
0x257: {  	v5 =	vand.u32 $0x7F, v5;
	v4 =	vld.idx.msk [tilespmem:v4+s24+$0x0], $0xffff  }
0x258: {  	v6 =	vld [tilespmem:$0x60];
	v5 =	vor.u32 v1, v5;
	_ =	sdelay $0x3  }
0x259: {  	[tilespmem:$0x100C0] =	vst v4  }
0x25a: {  	v4 =	vld.idx.msk [tilespmem:v5+s24+$0x0], $0xffff;
	v5 =	vand.u32 $0x7F, v6  }
0x25b: {  	v63 =	vld [tilespmem:$0x70];
	v5 =	vor.u32 v2, v5;
	_ =	sdelay $0x3  }
0x25c: {  	[tilespmem:$0x100D0] =	vst v4  }
0x25d: {  	v4 =	vld.idx.msk [tilespmem:v5+s24+$0x0], $0xffff;
	v5 =	vand.u32 $0x7F, v63  }
0x25e: {  	v5 =	vor.u32 v3, v5;
	_ =	sdelay $0x3  }
0x25f: {  	[tilespmem:$0x100E0] =	vst v4  }
0x260: {  	v4 =	vld.idx.msk [tilespmem:v5+s24+$0x0], $0xffff;
	_ =	sdelay $0x4  }
0x261: {  	s7 =	rddreg [dreg:$0x15];
	s8 =	simm.s32 $0x10080;
	[tilespmem:$0x100F0] =	vst v4  }
0x262: {  	[hbm4b:s7+s3] =	stream.linear.scatter [tilespmem:s8], [sflag:$0x2], $0x80, $0x38;
	[tilespmem:$0x10100] =	vst v63  }
0x263: {  	_ =	swait.ge [sflag:s23], $0x80  }
0x264: {  	s6 =	sadd.s32 $0x1, s6;
	s8 =	rddreg [dreg:$0x16]  }
0x265: {  	p0 =	sne.s32 s6, s8  }
.Ltmp2:
0x266: {  	_ = 	snop;
	(pc) =	sbr.rel @p0 .LBB2_1-.Ltmp2, $3  }
0x267: {  	_ =	sdelay $0x1  }
0x268: {  	[sflag:s23] =	ssyncset.done $0x0  }
0x269: {  	[sflag:s23] =	ssyncadd.s32 $0xFFFFFF80  }
0x26a: {  	_ =	sfence.sel $0x180000  }
0x26b: {  	[bflag:$0x0] =	sbarrier.arrive $0xFFFF  }
0x26c: {  	_ =	strace $0x90000047  }
0x26d: {  	s0 =	stileid.u32;
	[bflag:$0x2] =	sbarrier.arrive $0xFFFF  }
0x26e: {  	p0 =	sne.s32 s0, $0x0;
	s0 =	rddreg [dreg:$0x3]  }
0x26f: {  	s0 =	sadd.s32 @!p0 $0x100000, s0  }
0x270: {  	[sflag:s0] =	ssyncadd.tile.s32 @!p0 $0x1;
	_ =	shalt  }
.Lfunc_end2:
_tile_overlayer_lowered:
.L_overlay_start_2:
0x271: {  	(tag) =	ssettag $0x2  }
0x272: {  	s0 =	rddreg [dreg:$0x0];
	s2 =	stileid.u32  }
0x273: {  	s1 =	rddreg [dreg:$0x1];
	p0 =	sne.s32 s2, $0x0  }
0x274: {  	s3 =	rddreg [dreg:$0x2];
	[bflag:$0x3] =	sbarrier.arrive $0xFFFF;
	s2 =	simm.s32 @!p0 $0x1C02  }
0x275: {  	[timem:s3], [sflag:s2] =	dma.local @!p0 [hbm:s0], s1  }
0x276: {  	s0 =	simm.s32 @!p0 $0x2  }
0x277: {  	_ =	swait.ge @!p0 [sflag:s0], s1  }
0x278: {  	s1 =	ssub.s32 @!p0 $0x0, s1;
	[sflag:s0] =	ssyncset.done @!p0 $0x0  }
0x279: {  	[sflag:s0] =	ssyncadd.s32 @!p0 s1  }
0x27a: {  	[bflag:$0x3] =	sbarrier.arrive $0xFFFF  }
0x27b: {  	_ =	shalt  }

</sc_bundles>
